<compile_context>
chip_gen: v7x
topology: tpu7x:2x2x1
jax: 0.10.2.dev20260603
libtpu: 0.0.44.dev20260713+nightly
codegen_flags: <defaults>
</compile_context>

<pallas_src>
import jax
import jax.numpy as jnp
from jax import lax
from jax.experimental import pallas as pl
from jax.experimental.pallas import tpu as pltpu
from jax.experimental.pallas import tpu_sc as plsc

L = 3
E = 320000
N = 10000
B = 32
N_ENT = 10000
D = 20
DH = 10
H = 30
N_EMB = 402
NC = 2
NS = 16
NW = NC * NS
EPT = E // NW
SUP = 2000
NSUP = EPT // SUP
NCH = SUP // 80
GROUPS = 5



def _prep_tables_body(re_ref, qr_ref, w1_ref, w2_ref,
                      tb_ref, tcq_ref, ct0_ref):
    re = re_ref[...]
    w1 = w1_ref[...]
    w2 = w2_ref[...]
    tb = re @ w1[:, D:2 * D].T
    tb_ref[...] = tb
    qoh = (lax.broadcasted_iota(jnp.int32, (B, N_EMB), 1)
           == qr_ref[...][:, None]).astype(jnp.float32)
    qemb = qoh @ re
    tcq = qemb @ w1[:, 2 * D:].T
    tcq_ref[...] = tcq
    a = (tb[:, None, :] + tcq[None, :, :]).reshape(N_EMB * B, H)
    ct0_ref[...] = jax.nn.sigmoid(jnp.maximum(a, 0.0) @ w2.T)


_prep_tables = pl.pallas_call(
    _prep_tables_body,
    out_shape=(
        jax.ShapeDtypeStruct((N_EMB, H), jnp.float32),
        jax.ShapeDtypeStruct((B, H), jnp.float32),
        jax.ShapeDtypeStruct((N_EMB * B, 1), jnp.float32),
    ),
)


def _merge_body(p_ref, h_ref):
    acc = p_ref[0]
    for w in range(1, NW):
        acc = acc + p_ref[w]
    h_ref[...] = acc


_merge = pl.pallas_call(
    _merge_body,
    out_shape=jax.ShapeDtypeStruct((N * DH,), jnp.float32),
)


def _finalize_body(h_ref, wcp_ref, bc_ref, r_ref):
    r_ref[...] = h_ref[...] @ wcp_ref[...] + bc_ref[0]


_finalize = pl.pallas_call(
    _finalize_body,
    in_specs=[
        pl.BlockSpec(memory_space=pltpu.VMEM),
        pl.BlockSpec(memory_space=pltpu.VMEM),
        pl.BlockSpec(memory_space=pltpu.SMEM),
    ],
    out_shape=jax.ShapeDtypeStruct((N, 8), jnp.float32),
)



_SC_MESH = plsc.VectorSubcoreMesh(core_axis_name="c", subcore_axis_name="s")


def _sc_layer0_body(rel_hbm, b_hbm, dst_hbm, ct0f_hbm, rfh_hbm, z_hbm,
                    out_hbm, rel_v, b_v, dst_v, ct0f_v, rfh_v, accum):
    cid = lax.axis_index("c")
    sid = lax.axis_index("s")
    wid = cid * NS + sid
    ebase = wid * EPT
    pltpu.sync_copy(ct0f_hbm, ct0f_v)
    pltpu.sync_copy(rfh_hbm, rfh_v)
    pltpu.sync_copy(z_hbm, accum)

    def sup_body(sc, carry):
        sb = pl.multiple_of(sc * SUP, SUP)
        pltpu.sync_copy(rel_hbm.at[pl.ds(ebase + sb, SUP)], rel_v)
        pltpu.sync_copy(b_hbm.at[pl.ds(ebase + sb, SUP)], b_v)
        pltpu.sync_copy(dst_hbm.at[pl.ds(ebase + sb, SUP)], dst_v)

        def chunk_body(c, carry2):
            cb = pl.multiple_of(c * 80, 80)
            for g in range(GROUPS):
                sl = pl.ds(cb + g * 16, 16)
                relv = rel_v[sl]
                bv = b_v[sl]
                dstv = dst_v[sl]
                s = plsc.load_gather(ct0f_v, [relv * B + bv])
                rb = relv * DH
                db = dstv * DH
                for d in range(DH):
                    rcol = plsc.load_gather(rfh_v, [rb])
                    plsc.addupdate_scatter(accum, [db], s * rcol)
                    rb = rb + 1
                    db = db + 1
            return carry2

        lax.fori_loop(0, NCH, chunk_body, 0)
        return carry

    lax.fori_loop(0, NSUP, sup_body, 0)
    pltpu.sync_copy(accum, out_hbm.at[wid])


_sc_layer0 = pl.kernel(
    _sc_layer0_body,
    out_type=jax.ShapeDtypeStruct((NW, N * DH), jnp.float32),
    mesh=_SC_MESH,
    compiler_params=pltpu.CompilerParams(needs_layout_passes=False,
                                         use_tc_tiling_on_sc=False),
    scratch_types=[
        pltpu.VMEM((SUP,), jnp.int32),
        pltpu.VMEM((SUP,), jnp.int32),
        pltpu.VMEM((SUP,), jnp.int32),
        pltpu.VMEM((N_EMB * B,), jnp.float32),
        pltpu.VMEM((N_EMB * DH,), jnp.float32),
        pltpu.VMEM((N * DH,), jnp.float32),
    ],
)


def kernel(edge_src, edge_dst, edge_rel, edge_batch, query_rel, node_batch,
           node_ent, rela_embed, W1, W2, Wc, bc):
    f32 = jnp.float32
    tb, tcq, ct0 = _prep_tables(rela_embed, query_rel, W1, W2)
    ct0f = ct0.reshape(-1)
    zvec = jnp.zeros((N * DH,), f32)

    halves = []
    for p in range(2):
        rfh = rela_embed[:, p * DH:(p + 1) * DH].reshape(-1)
        part = _sc_layer0(edge_rel[0], edge_batch[0], edge_dst[0], ct0f,
                          rfh, zvec)
        halves.append(_merge(part).reshape(N, DH))
    hidden = jnp.concatenate(halves, axis=1)

    w1a = W1[:, :D]
    w2v = W2[0]
    for i in range(1, L):
        h1 = hidden @ w1a.T
        g = h1[edge_src[i]] + tb[edge_rel[i]] + tcq[edge_batch[i]]
        s = jax.nn.sigmoid(jnp.maximum(g, 0.0) @ w2v)[:, None]
        contrib = s * (hidden[edge_src[i]] + rela_embed[edge_rel[i]])
        hidden = jnp.zeros((N, D), f32).at[edge_dst[i]].add(contrib)

    wcp = jnp.zeros((D, 8), f32).at[:, 0].set(Wc[0])
    res = _finalize(hidden, wcp, bc)
    score_all = jnp.zeros((B, N_ENT), f32).at[node_batch, node_ent].set(
        res[:, 0])
    return score_all

# --- scband reference (transcript-rebuilt; emitter-appended) ---
"""Pipeline reference for scband-t-red-gnn-v2-20993800142933 (READ-ONLY COPY).

The authoritative reference and input builder live on the scoring server;
editing this copy changes nothing except your own understanding.
"""

import jax, jax.numpy as jnp
import numpy as np

L = 3
E = 320000
N = 10000
B = 32
N_ENT = 10000
N_REL = 200
D = 20
N_EMB = 2 * N_REL + 2


def setup_inputs(seed: int = 0) -> dict:
    key = jax.random.key(seed)
    ks = jax.random.split(key, 12)
    edge_src = jax.random.randint(ks[0], (L, E), 0, N, dtype=jnp.int32)
    edge_dst = jax.random.randint(ks[1], (L, E), 0, N, dtype=jnp.int32)
    edge_rel = jax.random.randint(ks[2], (L, E), 0, N_EMB, dtype=jnp.int32)
    edge_batch = jax.random.randint(ks[3], (L, E), 0, B, dtype=jnp.int32)
    query_rel = jax.random.randint(ks[4], (B,), 0, N_EMB, dtype=jnp.int32)
    node_batch = jax.random.randint(ks[5], (N,), 0, B, dtype=jnp.int32)
    node_ent = jax.random.randint(ks[6], (N,), 0, N_ENT, dtype=jnp.int32)
    rela_embed = jax.random.normal(ks[7], (N_EMB, D), dtype=jnp.float32)
    W1 = jax.random.normal(ks[8], (30, 60), dtype=jnp.float32) * 0.1
    W2 = jax.random.normal(ks[9], (1, 30), dtype=jnp.float32) * 0.1
    Wc = jax.random.normal(ks[10], (1, D), dtype=jnp.float32) * 0.1
    bc = jnp.zeros((1,), dtype=jnp.float32)
    return {
        'edge_src': edge_src, 'edge_dst': edge_dst, 'edge_rel': edge_rel,
        'edge_batch': edge_batch, 'query_rel': query_rel,
        'node_batch': node_batch, 'node_ent': node_ent,
        'rela_embed': rela_embed, 'W1': W1, 'W2': W2, 'Wc': Wc, 'bc': bc,
    }


def reference(edge_src, edge_dst, edge_rel, edge_batch, query_rel,
              node_batch, node_ent, rela_embed, W1, W2, Wc, bc):
    # Faithful jax translation of T_RED_GNN_v2.forward with the data-dependent
    # temporal sampling (sample_data / coo_matrix bookkeeping) materialized as
    # per-layer edge tuples (batch_idx, src_node, rel, dst_node).
    hidden = jnp.zeros((N, D), dtype=jnp.float32)
    for i in range(L):
        src = edge_src[i]
        dst = edge_dst[i]
        rel = edge_rel[i]
        bidx = edge_batch[i]
        # gather previous-layer hidden state of source node (node_new_index lookup)
        h_src = jnp.take(hidden, src, axis=0)
        # relation embedding lookup
        r_emb = jnp.take(rela_embed, rel, axis=0)
        # query-relation embedding lookup per edge
        q_emb = jnp.take(rela_embed, jnp.take(query_rel, bidx), axis=0)
        embed_rel = h_src + r_emb
        attn_in = jnp.concatenate([h_src, r_emb, q_emb], axis=1)  # [E, 60]
        attention_score = jax.nn.sigmoid(jax.nn.relu(attn_in @ W1.T) @ W2.T)  # [E, 1]
        # torch.sparse.mm(sparse attention matrix, embed_rel) == scatter-add over dst
        hidden = jnp.zeros((N, D), dtype=jnp.float32).at[dst].add(attention_score * embed_rel)
    result = (hidden @ Wc.T + bc).reshape(-1)  # [N]
    score_all = jnp.zeros((B, N_ENT), dtype=jnp.float32).at[node_batch, node_ent].set(result)
    return score_all

if __name__ == "__main__":
    import jax
    _d = setup_inputs()
    print(jax.jit(kernel)(*tuple(_d.values())))

</pallas_src>

<mosaic_0001>
#map = affine_map<(d0, d1) -> (0)>
#map1 = affine_map<(d0, d1) -> (0, 0)>
module attributes {stable_mosaic.version = 14 : i64} {
  func.func @_sc_layer0_body(%arg0: i32, %arg1: i32, %arg2: memref<320000xi32, #tpu.memory_space<hbm>>, %arg3: memref<320000xi32, #tpu.memory_space<hbm>>, %arg4: memref<320000xi32, #tpu.memory_space<hbm>>, %arg5: memref<12864xf32, #tpu.memory_space<hbm>>, %arg6: memref<4020xf32, #tpu.memory_space<hbm>>, %arg7: memref<100000xf32, #tpu.memory_space<hbm>>, %arg8: memref<32x100000xf32, #tpu.memory_space<hbm>>, %arg9: memref<2000xi32, #tpu.memory_space<vmem>>, %arg10: memref<2000xi32, #tpu.memory_space<vmem>>, %arg11: memref<2000xi32, #tpu.memory_space<vmem>>, %arg12: memref<12864xf32, #tpu.memory_space<vmem>>, %arg13: memref<4020xf32, #tpu.memory_space<vmem>>, %arg14: memref<100000xf32, #tpu.memory_space<vmem>>) attributes {dimension_semantics = [#tpu.dimension_semantics<core_parallel>, #tpu.dimension_semantics<subcore_parallel>], iteration_bounds = array<i64: 2, 16>, scalar_prefetch = 0 : i64, scratch_operands = 6 : i64, tpu.core_type = #tpu.core_type<sc_vector_subcore>, window_params = [{transform_indices = #map}, {transform_indices = #map}, {transform_indices = #map}, {transform_indices = #map}, {transform_indices = #map}, {transform_indices = #map}, {transform_indices = #map1}]} {
    %mul3A = arith.constant 16 : i32
    %mul3A_0 = arith.muli %arg0, %mul3A : i32
    %add3A = arith.addi %mul3A_0, %arg1 : i32
    %mul3A_1 = arith.constant 10000 : i32
    %mul3A_2 = arith.muli %add3A, %mul3A_1 : i32
    "tpu.region"() ({
      %run_scoped3A = tpu.sem_alloc : memref<!tpu.dma_semaphore, #tpu.memory_space<semaphore_mem>>
      tpu.enqueue_dma source(%arg5 : memref<12864xf32, #tpu.memory_space<hbm>>) target(%arg12 : memref<12864xf32, #tpu.memory_space<vmem>>) target_semaphore(%run_scoped3A : memref<!tpu.dma_semaphore, #tpu.memory_space<semaphore_mem>>)
      tpu.wait_dma2 semaphore(%run_scoped3A : memref<!tpu.dma_semaphore, #tpu.memory_space<semaphore_mem>>) src(%arg5 : memref<12864xf32, #tpu.memory_space<hbm>>) dst(%arg12 : memref<12864xf32, #tpu.memory_space<vmem>>)
      tpu.yield
    }) : () -> ()
    "tpu.region"() ({
      %run_scoped3A = tpu.sem_alloc : memref<!tpu.dma_semaphore, #tpu.memory_space<semaphore_mem>>
      tpu.enqueue_dma source(%arg6 : memref<4020xf32, #tpu.memory_space<hbm>>) target(%arg13 : memref<4020xf32, #tpu.memory_space<vmem>>) target_semaphore(%run_scoped3A : memref<!tpu.dma_semaphore, #tpu.memory_space<semaphore_mem>>)
      tpu.wait_dma2 semaphore(%run_scoped3A : memref<!tpu.dma_semaphore, #tpu.memory_space<semaphore_mem>>) src(%arg6 : memref<4020xf32, #tpu.memory_space<hbm>>) dst(%arg13 : memref<4020xf32, #tpu.memory_space<vmem>>)
      tpu.yield
    }) : () -> ()
    "tpu.region"() ({
      %run_scoped3A = tpu.sem_alloc : memref<!tpu.dma_semaphore, #tpu.memory_space<semaphore_mem>>
      tpu.enqueue_dma source(%arg7 : memref<100000xf32, #tpu.memory_space<hbm>>) target(%arg14 : memref<100000xf32, #tpu.memory_space<vmem>>) target_semaphore(%run_scoped3A : memref<!tpu.dma_semaphore, #tpu.memory_space<semaphore_mem>>)
      tpu.wait_dma2 semaphore(%run_scoped3A : memref<!tpu.dma_semaphore, #tpu.memory_space<semaphore_mem>>) src(%arg7 : memref<100000xf32, #tpu.memory_space<hbm>>) dst(%arg14 : memref<100000xf32, #tpu.memory_space<vmem>>)
      tpu.yield
    }) : () -> ()
    %scan3A = arith.constant 0 : i32
    %scan3A_3 = arith.constant 0 : i32
    %scan3A_4 = arith.constant 5 : i32
    %scan3A_5 = arith.addi %scan3A_3, %scan3A_4 : i32
    %scan3A_6 = arith.constant 1 : i32
    scf.for %scan3A_8 = %scan3A_3 to %scan3A_5 step %scan3A_6  : i32 {
      %mul3A_9 = arith.constant 2000 : i32
      %mul3A_10 = arith.muli %scan3A_8, %mul3A_9 : i32
      %multiple_of3A = tpu.assume_multiple %mul3A_10, 2000 : i32
      %add3A_11 = arith.addi %mul3A_2, %multiple_of3A : i32
      "tpu.region"() ({
        %run_scoped3A = tpu.sem_alloc : memref<!tpu.dma_semaphore, #tpu.memory_space<semaphore_mem>>
        %dma_start3A = tpu.memref_slice %arg2[%add3A_11] : memref<320000xi32, #tpu.memory_space<hbm>> -> memref<2000xi32, #tpu.memory_space<hbm>>
        %dma_start3A_20 = tpu.memref_slice %arg2[%add3A_11] : memref<320000xi32, #tpu.memory_space<hbm>> -> memref<2000xi32, #tpu.memory_space<hbm>>
        tpu.enqueue_dma source(%dma_start3A_20 : memref<2000xi32, #tpu.memory_space<hbm>>) target(%arg9 : memref<2000xi32, #tpu.memory_space<vmem>>) target_semaphore(%run_scoped3A : memref<!tpu.dma_semaphore, #tpu.memory_space<semaphore_mem>>)
        %dma_wait3A = tpu.memref_slice %arg2[%add3A_11] : memref<320000xi32, #tpu.memory_space<hbm>> -> memref<2000xi32, #tpu.memory_space<hbm>>
        %dma_wait3A_21 = tpu.memref_slice %arg2[%add3A_11] : memref<320000xi32, #tpu.memory_space<hbm>> -> memref<2000xi32, #tpu.memory_space<hbm>>
        tpu.wait_dma2 semaphore(%run_scoped3A : memref<!tpu.dma_semaphore, #tpu.memory_space<semaphore_mem>>) src(%dma_wait3A_21 : memref<2000xi32, #tpu.memory_space<hbm>>) dst(%arg9 : memref<2000xi32, #tpu.memory_space<vmem>>)
        tpu.yield
      }) : () -> ()
      %add3A_12 = arith.addi %mul3A_2, %multiple_of3A : i32
      "tpu.region"() ({
        %run_scoped3A = tpu.sem_alloc : memref<!tpu.dma_semaphore, #tpu.memory_space<semaphore_mem>>
        %dma_start3A = tpu.memref_slice %arg3[%add3A_12] : memref<320000xi32, #tpu.memory_space<hbm>> -> memref<2000xi32, #tpu.memory_space<hbm>>
        %dma_start3A_20 = tpu.memref_slice %arg3[%add3A_12] : memref<320000xi32, #tpu.memory_space<hbm>> -> memref<2000xi32, #tpu.memory_space<hbm>>
        tpu.enqueue_dma source(%dma_start3A_20 : memref<2000xi32, #tpu.memory_space<hbm>>) target(%arg10 : memref<2000xi32, #tpu.memory_space<vmem>>) target_semaphore(%run_scoped3A : memref<!tpu.dma_semaphore, #tpu.memory_space<semaphore_mem>>)
        %dma_wait3A = tpu.memref_slice %arg3[%add3A_12] : memref<320000xi32, #tpu.memory_space<hbm>> -> memref<2000xi32, #tpu.memory_space<hbm>>
        %dma_wait3A_21 = tpu.memref_slice %arg3[%add3A_12] : memref<320000xi32, #tpu.memory_space<hbm>> -> memref<2000xi32, #tpu.memory_space<hbm>>
        tpu.wait_dma2 semaphore(%run_scoped3A : memref<!tpu.dma_semaphore, #tpu.memory_space<semaphore_mem>>) src(%dma_wait3A_21 : memref<2000xi32, #tpu.memory_space<hbm>>) dst(%arg10 : memref<2000xi32, #tpu.memory_space<vmem>>)
        tpu.yield
      }) : () -> ()
      %add3A_13 = arith.addi %mul3A_2, %multiple_of3A : i32
      "tpu.region"() ({
        %run_scoped3A = tpu.sem_alloc : memref<!tpu.dma_semaphore, #tpu.memory_space<semaphore_mem>>
        %dma_start3A = tpu.memref_slice %arg4[%add3A_13] : memref<320000xi32, #tpu.memory_space<hbm>> -> memref<2000xi32, #tpu.memory_space<hbm>>
        %dma_start3A_20 = tpu.memref_slice %arg4[%add3A_13] : memref<320000xi32, #tpu.memory_space<hbm>> -> memref<2000xi32, #tpu.memory_space<hbm>>
        tpu.enqueue_dma source(%dma_start3A_20 : memref<2000xi32, #tpu.memory_space<hbm>>) target(%arg11 : memref<2000xi32, #tpu.memory_space<vmem>>) target_semaphore(%run_scoped3A : memref<!tpu.dma_semaphore, #tpu.memory_space<semaphore_mem>>)
        %dma_wait3A = tpu.memref_slice %arg4[%add3A_13] : memref<320000xi32, #tpu.memory_space<hbm>> -> memref<2000xi32, #tpu.memory_space<hbm>>
        %dma_wait3A_21 = tpu.memref_slice %arg4[%add3A_13] : memref<320000xi32, #tpu.memory_space<hbm>> -> memref<2000xi32, #tpu.memory_space<hbm>>
        tpu.wait_dma2 semaphore(%run_scoped3A : memref<!tpu.dma_semaphore, #tpu.memory_space<semaphore_mem>>) src(%dma_wait3A_21 : memref<2000xi32, #tpu.memory_space<hbm>>) dst(%arg11 : memref<2000xi32, #tpu.memory_space<vmem>>)
        tpu.yield
      }) : () -> ()
      %scan3A_14 = arith.constant 0 : i32
      %scan3A_15 = arith.constant 0 : i32
      %scan3A_16 = arith.constant 25 : i32
      %scan3A_17 = arith.addi %scan3A_15, %scan3A_16 : i32
      %scan3A_18 = arith.constant 1 : i32
      scf.for %scan3A_20 = %scan3A_15 to %scan3A_17 step %scan3A_18  : i32 {
        %mul3A_21 = arith.constant 80 : i32
        %mul3A_22 = arith.muli %scan3A_20, %mul3A_21 : i32
        %multiple_of3A_23 = tpu.assume_multiple %mul3A_22, 80 : i32
        %add3A_24 = arith.constant 0 : i32
        %add3A_25 = arith.addi %multiple_of3A_23, %add3A_24 : i32
        %get3A = arith.index_cast %add3A_25 : i32 to index
        %get3A_26 = tpu.vector_load %arg9[%get3A] {strides = array<i32>} : memref<2000xi32, #tpu.memory_space<vmem>>, vector<16xi32>,
        %get3A_27 = arith.index_cast %add3A_25 : i32 to index
        %get3A_28 = tpu.vector_load %arg10[%get3A_27] {strides = array<i32>} : memref<2000xi32, #tpu.memory_space<vmem>>, vector<16xi32>,
        %get3A_29 = arith.index_cast %add3A_25 : i32 to index
        %get3A_30 = tpu.vector_load %arg11[%get3A_29] {strides = array<i32>} : memref<2000xi32, #tpu.memory_space<vmem>>, vector<16xi32>,
        %mul3A_31 = arith.constant 32 : i32
        %mul3A_32 = vector.broadcast %mul3A_31 : i32 to vector<16xi32>
        %mul3A_33 = arith.muli %get3A_26, %mul3A_32 : vector<16xi32>
        %add3A_34 = arith.addi %mul3A_33, %get3A_28 : vector<16xi32>
        %gather3A = tpu.vector_load_idx %arg12[%add3A_34] : memref<12864xf32, #tpu.memory_space<vmem>>[vector<16xi32>], vector<16xf32>,
        %mul3A_35 = arith.constant 10 : i32
        %mul3A_36 = vector.broadcast %mul3A_35 : i32 to vector<16xi32>
        %mul3A_37 = arith.muli %get3A_26, %mul3A_36 : vector<16xi32>
        %mul3A_38 = arith.constant 10 : i32
        %mul3A_39 = vector.broadcast %mul3A_38 : i32 to vector<16xi32>
        %mul3A_40 = arith.muli %get3A_30, %mul3A_39 : vector<16xi32>
        %gather3A_41 = tpu.vector_load_idx %arg13[%mul3A_37] : memref<4020xf32, #tpu.memory_space<vmem>>[vector<16xi32>], vector<16xf32>,
        %mul3A_42 = arith.mulf %gather3A, %gather3A_41 : vector<16xf32>
        tpu.vector_store_idx %arg14[%mul3A_40], %mul3A_42 {add = true} : memref<100000xf32, #tpu.memory_space<vmem>>[vector<16xi32>], vector<16xf32>,
        %add3A_43 = arith.constant 1 : i32
        %add3A_44 = vector.broadcast %add3A_43 : i32 to vector<16xi32>
        %add3A_45 = arith.addi %mul3A_37, %add3A_44 : vector<16xi32>
        %add3A_46 = arith.constant 1 : i32
        %add3A_47 = vector.broadcast %add3A_46 : i32 to vector<16xi32>
        %add3A_48 = arith.addi %mul3A_40, %add3A_47 : vector<16xi32>
        %gather3A_49 = tpu.vector_load_idx %arg13[%add3A_45] : memref<4020xf32, #tpu.memory_space<vmem>>[vector<16xi32>], vector<16xf32>,
        %mul3A_50 = arith.mulf %gather3A, %gather3A_49 : vector<16xf32>
        tpu.vector_store_idx %arg14[%add3A_48], %mul3A_50 {add = true} : memref<100000xf32, #tpu.memory_space<vmem>>[vector<16xi32>], vector<16xf32>,
        %add3A_51 = arith.constant 1 : i32
        %add3A_52 = vector.broadcast %add3A_51 : i32 to vector<16xi32>
        %add3A_53 = arith.addi %add3A_45, %add3A_52 : vector<16xi32>
        %add3A_54 = arith.constant 1 : i32
        %add3A_55 = vector.broadcast %add3A_54 : i32 to vector<16xi32>
        %add3A_56 = arith.addi %add3A_48, %add3A_55 : vector<16xi32>
        %gather3A_57 = tpu.vector_load_idx %arg13[%add3A_53] : memref<4020xf32, #tpu.memory_space<vmem>>[vector<16xi32>], vector<16xf32>,
        %mul3A_58 = arith.mulf %gather3A, %gather3A_57 : vector<16xf32>
        tpu.vector_store_idx %arg14[%add3A_56], %mul3A_58 {add = true} : memref<100000xf32, #tpu.memory_space<vmem>>[vector<16xi32>], vector<16xf32>,
        %add3A_59 = arith.constant 1 : i32
        %add3A_60 = vector.broadcast %add3A_59 : i32 to vector<16xi32>
        %add3A_61 = arith.addi %add3A_53, %add3A_60 : vector<16xi32>
        %add3A_62 = arith.constant 1 : i32
        %add3A_63 = vector.broadcast %add3A_62 : i32 to vector<16xi32>
        %add3A_64 = arith.addi %add3A_56, %add3A_63 : vector<16xi32>
        %gather3A_65 = tpu.vector_load_idx %arg13[%add3A_61] : memref<4020xf32, #tpu.memory_space<vmem>>[vector<16xi32>], vector<16xf32>,
        %mul3A_66 = arith.mulf %gather3A, %gather3A_65 : vector<16xf32>
        tpu.vector_store_idx %arg14[%add3A_64], %mul3A_66 {add = true} : memref<100000xf32, #tpu.memory_space<vmem>>[vector<16xi32>], vector<16xf32>,
        %add3A_67 = arith.constant 1 : i32
        %add3A_68 = vector.broadcast %add3A_67 : i32 to vector<16xi32>
        %add3A_69 = arith.addi %add3A_61, %add3A_68 : vector<16xi32>
        %add3A_70 = arith.constant 1 : i32
        %add3A_71 = vector.broadcast %add3A_70 : i32 to vector<16xi32>
        %add3A_72 = arith.addi %add3A_64, %add3A_71 : vector<16xi32>
        %gather3A_73 = tpu.vector_load_idx %arg13[%add3A_69] : memref<4020xf32, #tpu.memory_space<vmem>>[vector<16xi32>], vector<16xf32>,
        %mul3A_74 = arith.mulf %gather3A, %gather3A_73 : vector<16xf32>
        tpu.vector_store_idx %arg14[%add3A_72], %mul3A_74 {add = true} : memref<100000xf32, #tpu.memory_space<vmem>>[vector<16xi32>], vector<16xf32>,
        %add3A_75 = arith.constant 1 : i32
        %add3A_76 = vector.broadcast %add3A_75 : i32 to vector<16xi32>
        %add3A_77 = arith.addi %add3A_69, %add3A_76 : vector<16xi32>
        %add3A_78 = arith.constant 1 : i32
        %add3A_79 = vector.broadcast %add3A_78 : i32 to vector<16xi32>
        %add3A_80 = arith.addi %add3A_72, %add3A_79 : vector<16xi32>
        %gather3A_81 = tpu.vector_load_idx %arg13[%add3A_77] : memref<4020xf32, #tpu.memory_space<vmem>>[vector<16xi32>], vector<16xf32>,
        %mul3A_82 = arith.mulf %gather3A, %gather3A_81 : vector<16xf32>
        tpu.vector_store_idx %arg14[%add3A_80], %mul3A_82 {add = true} : memref<100000xf32, #tpu.memory_space<vmem>>[vector<16xi32>], vector<16xf32>,
        %add3A_83 = arith.constant 1 : i32
        %add3A_84 = vector.broadcast %add3A_83 : i32 to vector<16xi32>
        %add3A_85 = arith.addi %add3A_77, %add3A_84 : vector<16xi32>
        %add3A_86 = arith.constant 1 : i32
        %add3A_87 = vector.broadcast %add3A_86 : i32 to vector<16xi32>
        %add3A_88 = arith.addi %add3A_80, %add3A_87 : vector<16xi32>
        %gather3A_89 = tpu.vector_load_idx %arg13[%add3A_85] : memref<4020xf32, #tpu.memory_space<vmem>>[vector<16xi32>], vector<16xf32>,
        %mul3A_90 = arith.mulf %gather3A, %gather3A_89 : vector<16xf32>
        tpu.vector_store_idx %arg14[%add3A_88], %mul3A_90 {add = true} : memref<100000xf32, #tpu.memory_space<vmem>>[vector<16xi32>], vector<16xf32>,
        %add3A_91 = arith.constant 1 : i32
        %add3A_92 = vector.broadcast %add3A_91 : i32 to vector<16xi32>
        %add3A_93 = arith.addi %add3A_85, %add3A_92 : vector<16xi32>
        %add3A_94 = arith.constant 1 : i32
        %add3A_95 = vector.broadcast %add3A_94 : i32 to vector<16xi32>
        %add3A_96 = arith.addi %add3A_88, %add3A_95 : vector<16xi32>
        %gather3A_97 = tpu.vector_load_idx %arg13[%add3A_93] : memref<4020xf32, #tpu.memory_space<vmem>>[vector<16xi32>], vector<16xf32>,
        %mul3A_98 = arith.mulf %gather3A, %gather3A_97 : vector<16xf32>
        tpu.vector_store_idx %arg14[%add3A_96], %mul3A_98 {add = true} : memref<100000xf32, #tpu.memory_space<vmem>>[vector<16xi32>], vector<16xf32>,
        %add3A_99 = arith.constant 1 : i32
        %add3A_100 = vector.broadcast %add3A_99 : i32 to vector<16xi32>
        %add3A_101 = arith.addi %add3A_93, %add3A_100 : vector<16xi32>
        %add3A_102 = arith.constant 1 : i32
        %add3A_103 = vector.broadcast %add3A_102 : i32 to vector<16xi32>
        %add3A_104 = arith.addi %add3A_96, %add3A_103 : vector<16xi32>
        %gather3A_105 = tpu.vector_load_idx %arg13[%add3A_101] : memref<4020xf32, #tpu.memory_space<vmem>>[vector<16xi32>], vector<16xf32>,
        %mul3A_106 = arith.mulf %gather3A, %gather3A_105 : vector<16xf32>
        tpu.vector_store_idx %arg14[%add3A_104], %mul3A_106 {add = true} : memref<100000xf32, #tpu.memory_space<vmem>>[vector<16xi32>], vector<16xf32>,
        %add3A_107 = arith.constant 1 : i32
        %add3A_108 = vector.broadcast %add3A_107 : i32 to vector<16xi32>
        %add3A_109 = arith.addi %add3A_101, %add3A_108 : vector<16xi32>
        %add3A_110 = arith.constant 1 : i32
        %add3A_111 = vector.broadcast %add3A_110 : i32 to vector<16xi32>
        %add3A_112 = arith.addi %add3A_104, %add3A_111 : vector<16xi32>
        %gather3A_113 = tpu.vector_load_idx %arg13[%add3A_109] : memref<4020xf32, #tpu.memory_space<vmem>>[vector<16xi32>], vector<16xf32>,
        %mul3A_114 = arith.mulf %gather3A, %gather3A_113 : vector<16xf32>
        tpu.vector_store_idx %arg14[%add3A_112], %mul3A_114 {add = true} : memref<100000xf32, #tpu.memory_space<vmem>>[vector<16xi32>], vector<16xf32>,
        %add3A_115 = arith.constant 1 : i32
        %add3A_116 = vector.broadcast %add3A_115 : i32 to vector<16xi32>
        %add3A_117 = arith.addi %add3A_109, %add3A_116 : vector<16xi32>
        %add3A_118 = arith.constant 1 : i32
        %add3A_119 = vector.broadcast %add3A_118 : i32 to vector<16xi32>
        %add3A_120 = arith.addi %add3A_112, %add3A_119 : vector<16xi32>
        %add3A_121 = arith.constant 16 : i32
        %add3A_122 = arith.addi %multiple_of3A_23, %add3A_121 : i32
        %get3A_123 = arith.index_cast %add3A_122 : i32 to index
        %get3A_124 = tpu.vector_load %arg9[%get3A_123] {strides = array<i32>} : memref<2000xi32, #tpu.memory_space<vmem>>, vector<16xi32>,
        %get3A_125 = arith.index_cast %add3A_122 : i32 to index
        %get3A_126 = tpu.vector_load %arg10[%get3A_125] {strides = array<i32>} : memref<2000xi32, #tpu.memory_space<vmem>>, vector<16xi32>,
        %get3A_127 = arith.index_cast %add3A_122 : i32 to index
        %get3A_128 = tpu.vector_load %arg11[%get3A_127] {strides = array<i32>} : memref<2000xi32, #tpu.memory_space<vmem>>, vector<16xi32>,
        %mul3A_129 = arith.constant 32 : i32
        %mul3A_130 = vector.broadcast %mul3A_129 : i32 to vector<16xi32>
        %mul3A_131 = arith.muli %get3A_124, %mul3A_130 : vector<16xi32>
        %add3A_132 = arith.addi %mul3A_131, %get3A_126 : vector<16xi32>
        %gather3A_133 = tpu.vector_load_idx %arg12[%add3A_132] : memref<12864xf32, #tpu.memory_space<vmem>>[vector<16xi32>], vector<16xf32>,
        %mul3A_134 = arith.constant 10 : i32
        %mul3A_135 = vector.broadcast %mul3A_134 : i32 to vector<16xi32>
        %mul3A_136 = arith.muli %get3A_124, %mul3A_135 : vector<16xi32>
        %mul3A_137 = arith.constant 10 : i32
        %mul3A_138 = vector.broadcast %mul3A_137 : i32 to vector<16xi32>
        %mul3A_139 = arith.muli %get3A_128, %mul3A_138 : vector<16xi32>
        %gather3A_140 = tpu.vector_load_idx %arg13[%mul3A_136] : memref<4020xf32, #tpu.memory_space<vmem>>[vector<16xi32>], vector<16xf32>,
        %mul3A_141 = arith.mulf %gather3A_133, %gather3A_140 : vector<16xf32>
        tpu.vector_store_idx %arg14[%mul3A_139], %mul3A_141 {add = true} : memref<100000xf32, #tpu.memory_space<vmem>>[vector<16xi32>], vector<16xf32>,
        %add3A_142 = arith.constant 1 : i32
        %add3A_143 = vector.broadcast %add3A_142 : i32 to vector<16xi32>
        %add3A_144 = arith.addi %mul3A_136, %add3A_143 : vector<16xi32>
        %add3A_145 = arith.constant 1 : i32
        %add3A_146 = vector.broadcast %add3A_145 : i32 to vector<16xi32>
        %add3A_147 = arith.addi %mul3A_139, %add3A_146 : vector<16xi32>
        %gather3A_148 = tpu.vector_load_idx %arg13[%add3A_144] : memref<4020xf32, #tpu.memory_space<vmem>>[vector<16xi32>], vector<16xf32>,
        %mul3A_149 = arith.mulf %gather3A_133, %gather3A_148 : vector<16xf32>
        tpu.vector_store_idx %arg14[%add3A_147], %mul3A_149 {add = true} : memref<100000xf32, #tpu.memory_space<vmem>>[vector<16xi32>], vector<16xf32>,
        %add3A_150 = arith.constant 1 : i32
        %add3A_151 = vector.broadcast %add3A_150 : i32 to vector<16xi32>
        %add3A_152 = arith.addi %add3A_144, %add3A_151 : vector<16xi32>
        %add3A_153 = arith.constant 1 : i32
        %add3A_154 = vector.broadcast %add3A_153 : i32 to vector<16xi32>
        %add3A_155 = arith.addi %add3A_147, %add3A_154 : vector<16xi32>
        %gather3A_156 = tpu.vector_load_idx %arg13[%add3A_152] : memref<4020xf32, #tpu.memory_space<vmem>>[vector<16xi32>], vector<16xf32>,
        %mul3A_157 = arith.mulf %gather3A_133, %gather3A_156 : vector<16xf32>
        tpu.vector_store_idx %arg14[%add3A_155], %mul3A_157 {add = true} : memref<100000xf32, #tpu.memory_space<vmem>>[vector<16xi32>], vector<16xf32>,
        %add3A_158 = arith.constant 1 : i32
        %add3A_159 = vector.broadcast %add3A_158 : i32 to vector<16xi32>
        %add3A_160 = arith.addi %add3A_152, %add3A_159 : vector<16xi32>
        %add3A_161 = arith.constant 1 : i32
        %add3A_162 = vector.broadcast %add3A_161 : i32 to vector<16xi32>
        %add3A_163 = arith.addi %add3A_155, %add3A_162 : vector<16xi32>
        %gather3A_164 = tpu.vector_load_idx %arg13[%add3A_160] : memref<4020xf32, #tpu.memory_space<vmem>>[vector<16xi32>], vector<16xf32>,
        %mul3A_165 = arith.mulf %gather3A_133, %gather3A_164 : vector<16xf32>
        tpu.vector_store_idx %arg14[%add3A_163], %mul3A_165 {add = true} : memref<100000xf32, #tpu.memory_space<vmem>>[vector<16xi32>], vector<16xf32>,
        %add3A_166 = arith.constant 1 : i32
        %add3A_167 = vector.broadcast %add3A_166 : i32 to vector<16xi32>
        %add3A_168 = arith.addi %add3A_160, %add3A_167 : vector<16xi32>
        %add3A_169 = arith.constant 1 : i32
        %add3A_170 = vector.broadcast %add3A_169 : i32 to vector<16xi32>
        %add3A_171 = arith.addi %add3A_163, %add3A_170 : vector<16xi32>
        %gather3A_172 = tpu.vector_load_idx %arg13[%add3A_168] : memref<4020xf32, #tpu.memory_space<vmem>>[vector<16xi32>], vector<16xf32>,
        %mul3A_173 = arith.mulf %gather3A_133, %gather3A_172 : vector<16xf32>
        tpu.vector_store_idx %arg14[%add3A_171], %mul3A_173 {add = true} : memref<100000xf32, #tpu.memory_space<vmem>>[vector<16xi32>], vector<16xf32>,
        %add3A_174 = arith.constant 1 : i32
        %add3A_175 = vector.broadcast %add3A_174 : i32 to vector<16xi32>
        %add3A_176 = arith.addi %add3A_168, %add3A_175 : vector<16xi32>
        %add3A_177 = arith.constant 1 : i32
        %add3A_178 = vector.broadcast %add3A_177 : i32 to vector<16xi32>
        %add3A_179 = arith.addi %add3A_171, %add3A_178 : vector<16xi32>
        %gather3A_180 = tpu.vector_load_idx %arg13[%add3A_176] : memref<4020xf32, #tpu.memory_space<vmem>>[vector<16xi32>], vector<16xf32>,
        %mul3A_181 = arith.mulf %gather3A_133, %gather3A_180 : vector<16xf32>
        tpu.vector_store_idx %arg14[%add3A_179], %mul3A_181 {add = true} : memref<100000xf32, #tpu.memory_space<vmem>>[vector<16xi32>], vector<16xf32>,
        %add3A_182 = arith.constant 1 : i32
        %add3A_183 = vector.broadcast %add3A_182 : i32 to vector<16xi32>
        %add3A_184 = arith.addi %add3A_176, %add3A_183 : vector<16xi32>
        %add3A_185 = arith.constant 1 : i32
        %add3A_186 = vector.broadcast %add3A_185 : i32 to vector<16xi32>
        %add3A_187 = arith.addi %add3A_179, %add3A_186 : vector<16xi32>
        %gather3A_188 = tpu.vector_load_idx %arg13[%add3A_184] : memref<4020xf32, #tpu.memory_space<vmem>>[vector<16xi32>], vector<16xf32>,
        %mul3A_189 = arith.mulf %gather3A_133, %gather3A_188 : vector<16xf32>
        tpu.vector_store_idx %arg14[%add3A_187], %mul3A_189 {add = true} : memref<100000xf32, #tpu.memory_space<vmem>>[vector<16xi32>], vector<16xf32>,
        %add3A_190 = arith.constant 1 : i32
        %add3A_191 = vector.broadcast %add3A_190 : i32 to vector<16xi32>
        %add3A_192 = arith.addi %add3A_184, %add3A_191 : vector<16xi32>
        %add3A_193 = arith.constant 1 : i32
        %add3A_194 = vector.broadcast %add3A_193 : i32 to vector<16xi32>
        %add3A_195 = arith.addi %add3A_187, %add3A_194 : vector<16xi32>
        %gather3A_196 = tpu.vector_load_idx %arg13[%add3A_192] : memref<4020xf32, #tpu.memory_space<vmem>>[vector<16xi32>], vector<16xf32>,
        %mul3A_197 = arith.mulf %gather3A_133, %gather3A_196 : vector<16xf32>
        tpu.vector_store_idx %arg14[%add3A_195], %mul3A_197 {add = true} : memref<100000xf32, #tpu.memory_space<vmem>>[vector<16xi32>], vector<16xf32>,
        %add3A_198 = arith.constant 1 : i32
        %add3A_199 = vector.broadcast %add3A_198 : i32 to vector<16xi32>
        %add3A_200 = arith.addi %add3A_192, %add3A_199 : vector<16xi32>
        %add3A_201 = arith.constant 1 : i32
        %add3A_202 = vector.broadcast %add3A_201 : i32 to vector<16xi32>
        %add3A_203 = arith.addi %add3A_195, %add3A_202 : vector<16xi32>
        %gather3A_204 = tpu.vector_load_idx %arg13[%add3A_200] : memref<4020xf32, #tpu.memory_space<vmem>>[vector<16xi32>], vector<16xf32>,
        %mul3A_205 = arith.mulf %gather3A_133, %gather3A_204 : vector<16xf32>
        tpu.vector_store_idx %arg14[%add3A_203], %mul3A_205 {add = true} : memref<100000xf32, #tpu.memory_space<vmem>>[vector<16xi32>], vector<16xf32>,
        %add3A_206 = arith.constant 1 : i32
        %add3A_207 = vector.broadcast %add3A_206 : i32 to vector<16xi32>
        %add3A_208 = arith.addi %add3A_200, %add3A_207 : vector<16xi32>
        %add3A_209 = arith.constant 1 : i32
        %add3A_210 = vector.broadcast %add3A_209 : i32 to vector<16xi32>
        %add3A_211 = arith.addi %add3A_203, %add3A_210 : vector<16xi32>
        %gather3A_212 = tpu.vector_load_idx %arg13[%add3A_208] : memref<4020xf32, #tpu.memory_space<vmem>>[vector<16xi32>], vector<16xf32>,
        %mul3A_213 = arith.mulf %gather3A_133, %gather3A_212 : vector<16xf32>
        tpu.vector_store_idx %arg14[%add3A_211], %mul3A_213 {add = true} : memref<100000xf32, #tpu.memory_space<vmem>>[vector<16xi32>], vector<16xf32>,
        %add3A_214 = arith.constant 1 : i32
        %add3A_215 = vector.broadcast %add3A_214 : i32 to vector<16xi32>
        %add3A_216 = arith.addi %add3A_208, %add3A_215 : vector<16xi32>
        %add3A_217 = arith.constant 1 : i32
        %add3A_218 = vector.broadcast %add3A_217 : i32 to vector<16xi32>
        %add3A_219 = arith.addi %add3A_211, %add3A_218 : vector<16xi32>
        %add3A_220 = arith.constant 32 : i32
        %add3A_221 = arith.addi %multiple_of3A_23, %add3A_220 : i32
        %get3A_222 = arith.index_cast %add3A_221 : i32 to index
        %get3A_223 = tpu.vector_load %arg9[%get3A_222] {strides = array<i32>} : memref<2000xi32, #tpu.memory_space<vmem>>, vector<16xi32>,
        %get3A_224 = arith.index_cast %add3A_221 : i32 to index
        %get3A_225 = tpu.vector_load %arg10[%get3A_224] {strides = array<i32>} : memref<2000xi32, #tpu.memory_space<vmem>>, vector<16xi32>,
        %get3A_226 = arith.index_cast %add3A_221 : i32 to index
        %get3A_227 = tpu.vector_load %arg11[%get3A_226] {strides = array<i32>} : memref<2000xi32, #tpu.memory_space<vmem>>, vector<16xi32>,
        %mul3A_228 = arith.constant 32 : i32
        %mul3A_229 = vector.broadcast %mul3A_228 : i32 to vector<16xi32>
        %mul3A_230 = arith.muli %get3A_223, %mul3A_229 : vector<16xi32>
        %add3A_231 = arith.addi %mul3A_230, %get3A_225 : vector<16xi32>
        %gather3A_232 = tpu.vector_load_idx %arg12[%add3A_231] : memref<12864xf32, #tpu.memory_space<vmem>>[vector<16xi32>], vector<16xf32>,
        %mul3A_233 = arith.constant 10 : i32
        %mul3A_234 = vector.broadcast %mul3A_233 : i32 to vector<16xi32>
        %mul3A_235 = arith.muli %get3A_223, %mul3A_234 : vector<16xi32>
        %mul3A_236 = arith.constant 10 : i32
        %mul3A_237 = vector.broadcast %mul3A_236 : i32 to vector<16xi32>
        %mul3A_238 = arith.muli %get3A_227, %mul3A_237 : vector<16xi32>
        %gather3A_239 = tpu.vector_load_idx %arg13[%mul3A_235] : memref<4020xf32, #tpu.memory_space<vmem>>[vector<16xi32>], vector<16xf32>,
        %mul3A_240 = arith.mulf %gather3A_232, %gather3A_239 : vector<16xf32>
        tpu.vector_store_idx %arg14[%mul3A_238], %mul3A_240 {add = true} : memref<100000xf32, #tpu.memory_space<vmem>>[vector<16xi32>], vector<16xf32>,
        %add3A_241 = arith.constant 1 : i32
        %add3A_242 = vector.broadcast %add3A_241 : i32 to vector<16xi32>
        %add3A_243 = arith.addi %mul3A_235, %add3A_242 : vector<16xi32>
        %add3A_244 = arith.constant 1 : i32
        %add3A_245 = vector.broadcast %add3A_244 : i32 to vector<16xi32>
        %add3A_246 = arith.addi %mul3A_238, %add3A_245 : vector<16xi32>
        %gather3A_247 = tpu.vector_load_idx %arg13[%add3A_243] : memref<4020xf32, #tpu.memory_space<vmem>>[vector<16xi32>], vector<16xf32>,
        %mul3A_248 = arith.mulf %gather3A_232, %gather3A_247 : vector<16xf32>
        tpu.vector_store_idx %arg14[%add3A_246], %mul3A_248 {add = true} : memref<100000xf32, #tpu.memory_space<vmem>>[vector<16xi32>], vector<16xf32>,
        %add3A_249 = arith.constant 1 : i32
        %add3A_250 = vector.broadcast %add3A_249 : i32 to vector<16xi32>
        %add3A_251 = arith.addi %add3A_243, %add3A_250 : vector<16xi32>
        %add3A_252 = arith.constant 1 : i32
        %add3A_253 = vector.broadcast %add3A_252 : i32 to vector<16xi32>
        %add3A_254 = arith.addi %add3A_246, %add3A_253 : vector<16xi32>
        %gather3A_255 = tpu.vector_load_idx %arg13[%add3A_251] : memref<4020xf32, #tpu.memory_space<vmem>>[vector<16xi32>], vector<16xf32>,
        %mul3A_256 = arith.mulf %gather3A_232, %gather3A_255 : vector<16xf32>
        tpu.vector_store_idx %arg14[%add3A_254], %mul3A_256 {add = true} : memref<100000xf32, #tpu.memory_space<vmem>>[vector<16xi32>], vector<16xf32>,
        %add3A_257 = arith.constant 1 : i32
        %add3A_258 = vector.broadcast %add3A_257 : i32 to vector<16xi32>
        %add3A_259 = arith.addi %add3A_251, %add3A_258 : vector<16xi32>
        %add3A_260 = arith.constant 1 : i32
        %add3A_261 = vector.broadcast %add3A_260 : i32 to vector<16xi32>
        %add3A_262 = arith.addi %add3A_254, %add3A_261 : vector<16xi32>
        %gather3A_263 = tpu.vector_load_idx %arg13[%add3A_259] : memref<4020xf32, #tpu.memory_space<vmem>>[vector<16xi32>], vector<16xf32>,
        %mul3A_264 = arith.mulf %gather3A_232, %gather3A_263 : vector<16xf32>
        tpu.vector_store_idx %arg14[%add3A_262], %mul3A_264 {add = true} : memref<100000xf32, #tpu.memory_space<vmem>>[vector<16xi32>], vector<16xf32>,
        %add3A_265 = arith.constant 1 : i32
        %add3A_266 = vector.broadcast %add3A_265 : i32 to vector<16xi32>
        %add3A_267 = arith.addi %add3A_259, %add3A_266 : vector<16xi32>
        %add3A_268 = arith.constant 1 : i32
        %add3A_269 = vector.broadcast %add3A_268 : i32 to vector<16xi32>
        %add3A_270 = arith.addi %add3A_262, %add3A_269 : vector<16xi32>
        %gather3A_271 = tpu.vector_load_idx %arg13[%add3A_267] : memref<4020xf32, #tpu.memory_space<vmem>>[vector<16xi32>], vector<16xf32>,
        %mul3A_272 = arith.mulf %gather3A_232, %gather3A_271 : vector<16xf32>
        tpu.vector_store_idx %arg14[%add3A_270], %mul3A_272 {add = true} : memref<100000xf32, #tpu.memory_space<vmem>>[vector<16xi32>], vector<16xf32>,
        %add3A_273 = arith.constant 1 : i32
        %add3A_274 = vector.broadcast %add3A_273 : i32 to vector<16xi32>
        %add3A_275 = arith.addi %add3A_267, %add3A_274 : vector<16xi32>
        %add3A_276 = arith.constant 1 : i32
        %add3A_277 = vector.broadcast %add3A_276 : i32 to vector<16xi32>
        %add3A_278 = arith.addi %add3A_270, %add3A_277 : vector<16xi32>
        %gather3A_279 = tpu.vector_load_idx %arg13[%add3A_275] : memref<4020xf32, #tpu.memory_space<vmem>>[vector<16xi32>], vector<16xf32>,
        %mul3A_280 = arith.mulf %gather3A_232, %gather3A_279 : vector<16xf32>
        tpu.vector_store_idx %arg14[%add3A_278], %mul3A_280 {add = true} : memref<100000xf32, #tpu.memory_space<vmem>>[vector<16xi32>], vector<16xf32>,
        %add3A_281 = arith.constant 1 : i32
        %add3A_282 = vector.broadcast %add3A_281 : i32 to vector<16xi32>
        %add3A_283 = arith.addi %add3A_275, %add3A_282 : vector<16xi32>
        %add3A_284 = arith.constant 1 : i32
        %add3A_285 = vector.broadcast %add3A_284 : i32 to vector<16xi32>
        %add3A_286 = arith.addi %add3A_278, %add3A_285 : vector<16xi32>
        %gather3A_287 = tpu.vector_load_idx %arg13[%add3A_283] : memref<4020xf32, #tpu.memory_space<vmem>>[vector<16xi32>], vector<16xf32>,
        %mul3A_288 = arith.mulf %gather3A_232, %gather3A_287 : vector<16xf32>
        tpu.vector_store_idx %arg14[%add3A_286], %mul3A_288 {add = true} : memref<100000xf32, #tpu.memory_space<vmem>>[vector<16xi32>], vector<16xf32>,
        %add3A_289 = arith.constant 1 : i32
        %add3A_290 = vector.broadcast %add3A_289 : i32 to vector<16xi32>
        %add3A_291 = arith.addi %add3A_283, %add3A_290 : vector<16xi32>
        %add3A_292 = arith.constant 1 : i32
        %add3A_293 = vector.broadcast %add3A_292 : i32 to vector<16xi32>
        %add3A_294 = arith.addi %add3A_286, %add3A_293 : vector<16xi32>
        %gather3A_295 = tpu.vector_load_idx %arg13[%add3A_291] : memref<4020xf32, #tpu.memory_space<vmem>>[vector<16xi32>], vector<16xf32>,
        %mul3A_296 = arith.mulf %gather3A_232, %gather3A_295 : vector<16xf32>
        tpu.vector_store_idx %arg14[%add3A_294], %mul3A_296 {add = true} : memref<100000xf32, #tpu.memory_space<vmem>>[vector<16xi32>], vector<16xf32>,
        %add3A_297 = arith.constant 1 : i32
        %add3A_298 = vector.broadcast %add3A_297 : i32 to vector<16xi32>
        %add3A_299 = arith.addi %add3A_291, %add3A_298 : vector<16xi32>
        %add3A_300 = arith.constant 1 : i32
        %add3A_301 = vector.broadcast %add3A_300 : i32 to vector<16xi32>
        %add3A_302 = arith.addi %add3A_294, %add3A_301 : vector<16xi32>
        %gather3A_303 = tpu.vector_load_idx %arg13[%add3A_299] : memref<4020xf32, #tpu.memory_space<vmem>>[vector<16xi32>], vector<16xf32>,
        %mul3A_304 = arith.mulf %gather3A_232, %gather3A_303 : vector<16xf32>
        tpu.vector_store_idx %arg14[%add3A_302], %mul3A_304 {add = true} : memref<100000xf32, #tpu.memory_space<vmem>>[vector<16xi32>], vector<16xf32>,
        %add3A_305 = arith.constant 1 : i32
        %add3A_306 = vector.broadcast %add3A_305 : i32 to vector<16xi32>
        %add3A_307 = arith.addi %add3A_299, %add3A_306 : vector<16xi32>
        %add3A_308 = arith.constant 1 : i32
        %add3A_309 = vector.broadcast %add3A_308 : i32 to vector<16xi32>
        %add3A_310 = arith.addi %add3A_302, %add3A_309 : vector<16xi32>
        %gather3A_311 = tpu.vector_load_idx %arg13[%add3A_307] : memref<4020xf32, #tpu.memory_space<vmem>>[vector<16xi32>], vector<16xf32>,
        %mul3A_312 = arith.mulf %gather3A_232, %gather3A_311 : vector<16xf32>
        tpu.vector_store_idx %arg14[%add3A_310], %mul3A_312 {add = true} : memref<100000xf32, #tpu.memory_space<vmem>>[vector<16xi32>], vector<16xf32>,
        %add3A_313 = arith.constant 1 : i32
        %add3A_314 = vector.broadcast %add3A_313 : i32 to vector<16xi32>
        %add3A_315 = arith.addi %add3A_307, %add3A_314 : vector<16xi32>
        %add3A_316 = arith.constant 1 : i32
        %add3A_317 = vector.broadcast %add3A_316 : i32 to vector<16xi32>
        %add3A_318 = arith.addi %add3A_310, %add3A_317 : vector<16xi32>
        %add3A_319 = arith.constant 48 : i32
        %add3A_320 = arith.addi %multiple_of3A_23, %add3A_319 : i32
        %get3A_321 = arith.index_cast %add3A_320 : i32 to index
        %get3A_322 = tpu.vector_load %arg9[%get3A_321] {strides = array<i32>} : memref<2000xi32, #tpu.memory_space<vmem>>, vector<16xi32>,
        %get3A_323 = arith.index_cast %add3A_320 : i32 to index
        %get3A_324 = tpu.vector_load %arg10[%get3A_323] {strides = array<i32>} : memref<2000xi32, #tpu.memory_space<vmem>>, vector<16xi32>,
        %get3A_325 = arith.index_cast %add3A_320 : i32 to index
        %get3A_326 = tpu.vector_load %arg11[%get3A_325] {strides = array<i32>} : memref<2000xi32, #tpu.memory_space<vmem>>, vector<16xi32>,
        %mul3A_327 = arith.constant 32 : i32
        %mul3A_328 = vector.broadcast %mul3A_327 : i32 to vector<16xi32>
        %mul3A_329 = arith.muli %get3A_322, %mul3A_328 : vector<16xi32>
        %add3A_330 = arith.addi %mul3A_329, %get3A_324 : vector<16xi32>
        %gather3A_331 = tpu.vector_load_idx %arg12[%add3A_330] : memref<12864xf32, #tpu.memory_space<vmem>>[vector<16xi32>], vector<16xf32>,
        %mul3A_332 = arith.constant 10 : i32
        %mul3A_333 = vector.broadcast %mul3A_332 : i32 to vector<16xi32>
        %mul3A_334 = arith.muli %get3A_322, %mul3A_333 : vector<16xi32>
        %mul3A_335 = arith.constant 10 : i32
        %mul3A_336 = vector.broadcast %mul3A_335 : i32 to vector<16xi32>
        %mul3A_337 = arith.muli %get3A_326, %mul3A_336 : vector<16xi32>
        %gather3A_338 = tpu.vector_load_idx %arg13[%mul3A_334] : memref<4020xf32, #tpu.memory_space<vmem>>[vector<16xi32>], vector<16xf32>,
        %mul3A_339 = arith.mulf %gather3A_331, %gather3A_338 : vector<16xf32>
        tpu.vector_store_idx %arg14[%mul3A_337], %mul3A_339 {add = true} : memref<100000xf32, #tpu.memory_space<vmem>>[vector<16xi32>], vector<16xf32>,
        %add3A_340 = arith.constant 1 : i32
        %add3A_341 = vector.broadcast %add3A_340 : i32 to vector<16xi32>
        %add3A_342 = arith.addi %mul3A_334, %add3A_341 : vector<16xi32>
        %add3A_343 = arith.constant 1 : i32
        %add3A_344 = vector.broadcast %add3A_343 : i32 to vector<16xi32>
        %add3A_345 = arith.addi %mul3A_337, %add3A_344 : vector<16xi32>
        %gather3A_346 = tpu.vector_load_idx %arg13[%add3A_342] : memref<4020xf32, #tpu.memory_space<vmem>>[vector<16xi32>], vector<16xf32>,
        %mul3A_347 = arith.mulf %gather3A_331, %gather3A_346 : vector<16xf32>
        tpu.vector_store_idx %arg14[%add3A_345], %mul3A_347 {add = true} : memref<100000xf32, #tpu.memory_space<vmem>>[vector<16xi32>], vector<16xf32>,
        %add3A_348 = arith.constant 1 : i32
        %add3A_349 = vector.broadcast %add3A_348 : i32 to vector<16xi32>
        %add3A_350 = arith.addi %add3A_342, %add3A_349 : vector<16xi32>
        %add3A_351 = arith.constant 1 : i32
        %add3A_352 = vector.broadcast %add3A_351 : i32 to vector<16xi32>
        %add3A_353 = arith.addi %add3A_345, %add3A_352 : vector<16xi32>
        %gather3A_354 = tpu.vector_load_idx %arg13[%add3A_350] : memref<4020xf32, #tpu.memory_space<vmem>>[vector<16xi32>], vector<16xf32>,
        %mul3A_355 = arith.mulf %gather3A_331, %gather3A_354 : vector<16xf32>
        tpu.vector_store_idx %arg14[%add3A_353], %mul3A_355 {add = true} : memref<100000xf32, #tpu.memory_space<vmem>>[vector<16xi32>], vector<16xf32>,
        %add3A_356 = arith.constant 1 : i32
        %add3A_357 = vector.broadcast %add3A_356 : i32 to vector<16xi32>
        %add3A_358 = arith.addi %add3A_350, %add3A_357 : vector<16xi32>
        %add3A_359 = arith.constant 1 : i32
        %add3A_360 = vector.broadcast %add3A_359 : i32 to vector<16xi32>
        %add3A_361 = arith.addi %add3A_353, %add3A_360 : vector<16xi32>
        %gather3A_362 = tpu.vector_load_idx %arg13[%add3A_358] : memref<4020xf32, #tpu.memory_space<vmem>>[vector<16xi32>], vector<16xf32>,
        %mul3A_363 = arith.mulf %gather3A_331, %gather3A_362 : vector<16xf32>
        tpu.vector_store_idx %arg14[%add3A_361], %mul3A_363 {add = true} : memref<100000xf32, #tpu.memory_space<vmem>>[vector<16xi32>], vector<16xf32>,
        %add3A_364 = arith.constant 1 : i32
        %add3A_365 = vector.broadcast %add3A_364 : i32 to vector<16xi32>
        %add3A_366 = arith.addi %add3A_358, %add3A_365 : vector<16xi32>
        %add3A_367 = arith.constant 1 : i32
        %add3A_368 = vector.broadcast %add3A_367 : i32 to vector<16xi32>
        %add3A_369 = arith.addi %add3A_361, %add3A_368 : vector<16xi32>
        %gather3A_370 = tpu.vector_load_idx %arg13[%add3A_366] : memref<4020xf32, #tpu.memory_space<vmem>>[vector<16xi32>], vector<16xf32>,
        %mul3A_371 = arith.mulf %gather3A_331, %gather3A_370 : vector<16xf32>
        tpu.vector_store_idx %arg14[%add3A_369], %mul3A_371 {add = true} : memref<100000xf32, #tpu.memory_space<vmem>>[vector<16xi32>], vector<16xf32>,
        %add3A_372 = arith.constant 1 : i32
        %add3A_373 = vector.broadcast %add3A_372 : i32 to vector<16xi32>
        %add3A_374 = arith.addi %add3A_366, %add3A_373 : vector<16xi32>
        %add3A_375 = arith.constant 1 : i32
        %add3A_376 = vector.broadcast %add3A_375 : i32 to vector<16xi32>
        %add3A_377 = arith.addi %add3A_369, %add3A_376 : vector<16xi32>
        %gather3A_378 = tpu.vector_load_idx %arg13[%add3A_374] : memref<4020xf32, #tpu.memory_space<vmem>>[vector<16xi32>], vector<16xf32>,
        %mul3A_379 = arith.mulf %gather3A_331, %gather3A_378 : vector<16xf32>
        tpu.vector_store_idx %arg14[%add3A_377], %mul3A_379 {add = true} : memref<100000xf32, #tpu.memory_space<vmem>>[vector<16xi32>], vector<16xf32>,
        %add3A_380 = arith.constant 1 : i32
        %add3A_381 = vector.broadcast %add3A_380 : i32 to vector<16xi32>
        %add3A_382 = arith.addi %add3A_374, %add3A_381 : vector<16xi32>
        %add3A_383 = arith.constant 1 : i32
        %add3A_384 = vector.broadcast %add3A_383 : i32 to vector<16xi32>
        %add3A_385 = arith.addi %add3A_377, %add3A_384 : vector<16xi32>
        %gather3A_386 = tpu.vector_load_idx %arg13[%add3A_382] : memref<4020xf32, #tpu.memory_space<vmem>>[vector<16xi32>], vector<16xf32>,
        %mul3A_387 = arith.mulf %gather3A_331, %gather3A_386 : vector<16xf32>
        tpu.vector_store_idx %arg14[%add3A_385], %mul3A_387 {add = true} : memref<100000xf32, #tpu.memory_space<vmem>>[vector<16xi32>], vector<16xf32>,
        %add3A_388 = arith.constant 1 : i32
        %add3A_389 = vector.broadcast %add3A_388 : i32 to vector<16xi32>
        %add3A_390 = arith.addi %add3A_382, %add3A_389 : vector<16xi32>
        %add3A_391 = arith.constant 1 : i32
        %add3A_392 = vector.broadcast %add3A_391 : i32 to vector<16xi32>
        %add3A_393 = arith.addi %add3A_385, %add3A_392 : vector<16xi32>
        %gather3A_394 = tpu.vector_load_idx %arg13[%add3A_390] : memref<4020xf32, #tpu.memory_space<vmem>>[vector<16xi32>], vector<16xf32>,
        %mul3A_395 = arith.mulf %gather3A_331, %gather3A_394 : vector<16xf32>
        tpu.vector_store_idx %arg14[%add3A_393], %mul3A_395 {add = true} : memref<100000xf32, #tpu.memory_space<vmem>>[vector<16xi32>], vector<16xf32>,
        %add3A_396 = arith.constant 1 : i32
        %add3A_397 = vector.broadcast %add3A_396 : i32 to vector<16xi32>
        %add3A_398 = arith.addi %add3A_390, %add3A_397 : vector<16xi32>
        %add3A_399 = arith.constant 1 : i32
        %add3A_400 = vector.broadcast %add3A_399 : i32 to vector<16xi32>
        %add3A_401 = arith.addi %add3A_393, %add3A_400 : vector<16xi32>
        %gather3A_402 = tpu.vector_load_idx %arg13[%add3A_398] : memref<4020xf32, #tpu.memory_space<vmem>>[vector<16xi32>], vector<16xf32>,
        %mul3A_403 = arith.mulf %gather3A_331, %gather3A_402 : vector<16xf32>
        tpu.vector_store_idx %arg14[%add3A_401], %mul3A_403 {add = true} : memref<100000xf32, #tpu.memory_space<vmem>>[vector<16xi32>], vector<16xf32>,
        %add3A_404 = arith.constant 1 : i32
        %add3A_405 = vector.broadcast %add3A_404 : i32 to vector<16xi32>
        %add3A_406 = arith.addi %add3A_398, %add3A_405 : vector<16xi32>
        %add3A_407 = arith.constant 1 : i32
        %add3A_408 = vector.broadcast %add3A_407 : i32 to vector<16xi32>
        %add3A_409 = arith.addi %add3A_401, %add3A_408 : vector<16xi32>
        %gather3A_410 = tpu.vector_load_idx %arg13[%add3A_406] : memref<4020xf32, #tpu.memory_space<vmem>>[vector<16xi32>], vector<16xf32>,
        %mul3A_411 = arith.mulf %gather3A_331, %gather3A_410 : vector<16xf32>
        tpu.vector_store_idx %arg14[%add3A_409], %mul3A_411 {add = true} : memref<100000xf32, #tpu.memory_space<vmem>>[vector<16xi32>], vector<16xf32>,
        %add3A_412 = arith.constant 1 : i32
        %add3A_413 = vector.broadcast %add3A_412 : i32 to vector<16xi32>
        %add3A_414 = arith.addi %add3A_406, %add3A_413 : vector<16xi32>
        %add3A_415 = arith.constant 1 : i32
        %add3A_416 = vector.broadcast %add3A_415 : i32 to vector<16xi32>
        %add3A_417 = arith.addi %add3A_409, %add3A_416 : vector<16xi32>
        %add3A_418 = arith.constant 64 : i32
        %add3A_419 = arith.addi %multiple_of3A_23, %add3A_418 : i32
        %get3A_420 = arith.index_cast %add3A_419 : i32 to index
        %get3A_421 = tpu.vector_load %arg9[%get3A_420] {strides = array<i32>} : memref<2000xi32, #tpu.memory_space<vmem>>, vector<16xi32>,
        %get3A_422 = arith.index_cast %add3A_419 : i32 to index
        %get3A_423 = tpu.vector_load %arg10[%get3A_422] {strides = array<i32>} : memref<2000xi32, #tpu.memory_space<vmem>>, vector<16xi32>,
        %get3A_424 = arith.index_cast %add3A_419 : i32 to index
        %get3A_425 = tpu.vector_load %arg11[%get3A_424] {strides = array<i32>} : memref<2000xi32, #tpu.memory_space<vmem>>, vector<16xi32>,
        %mul3A_426 = arith.constant 32 : i32
        %mul3A_427 = vector.broadcast %mul3A_426 : i32 to vector<16xi32>
        %mul3A_428 = arith.muli %get3A_421, %mul3A_427 : vector<16xi32>
        %add3A_429 = arith.addi %mul3A_428, %get3A_423 : vector<16xi32>
        %gather3A_430 = tpu.vector_load_idx %arg12[%add3A_429] : memref<12864xf32, #tpu.memory_space<vmem>>[vector<16xi32>], vector<16xf32>,
        %mul3A_431 = arith.constant 10 : i32
        %mul3A_432 = vector.broadcast %mul3A_431 : i32 to vector<16xi32>
        %mul3A_433 = arith.muli %get3A_421, %mul3A_432 : vector<16xi32>
        %mul3A_434 = arith.constant 10 : i32
        %mul3A_435 = vector.broadcast %mul3A_434 : i32 to vector<16xi32>
        %mul3A_436 = arith.muli %get3A_425, %mul3A_435 : vector<16xi32>
        %gather3A_437 = tpu.vector_load_idx %arg13[%mul3A_433] : memref<4020xf32, #tpu.memory_space<vmem>>[vector<16xi32>], vector<16xf32>,
        %mul3A_438 = arith.mulf %gather3A_430, %gather3A_437 : vector<16xf32>
        tpu.vector_store_idx %arg14[%mul3A_436], %mul3A_438 {add = true} : memref<100000xf32, #tpu.memory_space<vmem>>[vector<16xi32>], vector<16xf32>,
        %add3A_439 = arith.constant 1 : i32
        %add3A_440 = vector.broadcast %add3A_439 : i32 to vector<16xi32>
        %add3A_441 = arith.addi %mul3A_433, %add3A_440 : vector<16xi32>
        %add3A_442 = arith.constant 1 : i32
        %add3A_443 = vector.broadcast %add3A_442 : i32 to vector<16xi32>
        %add3A_444 = arith.addi %mul3A_436, %add3A_443 : vector<16xi32>
        %gather3A_445 = tpu.vector_load_idx %arg13[%add3A_441] : memref<4020xf32, #tpu.memory_space<vmem>>[vector<16xi32>], vector<16xf32>,
        %mul3A_446 = arith.mulf %gather3A_430, %gather3A_445 : vector<16xf32>
        tpu.vector_store_idx %arg14[%add3A_444], %mul3A_446 {add = true} : memref<100000xf32, #tpu.memory_space<vmem>>[vector<16xi32>], vector<16xf32>,
        %add3A_447 = arith.constant 1 : i32
        %add3A_448 = vector.broadcast %add3A_447 : i32 to vector<16xi32>
        %add3A_449 = arith.addi %add3A_441, %add3A_448 : vector<16xi32>
        %add3A_450 = arith.constant 1 : i32
        %add3A_451 = vector.broadcast %add3A_450 : i32 to vector<16xi32>
        %add3A_452 = arith.addi %add3A_444, %add3A_451 : vector<16xi32>
        %gather3A_453 = tpu.vector_load_idx %arg13[%add3A_449] : memref<4020xf32, #tpu.memory_space<vmem>>[vector<16xi32>], vector<16xf32>,
        %mul3A_454 = arith.mulf %gather3A_430, %gather3A_453 : vector<16xf32>
        tpu.vector_store_idx %arg14[%add3A_452], %mul3A_454 {add = true} : memref<100000xf32, #tpu.memory_space<vmem>>[vector<16xi32>], vector<16xf32>,
        %add3A_455 = arith.constant 1 : i32
        %add3A_456 = vector.broadcast %add3A_455 : i32 to vector<16xi32>
        %add3A_457 = arith.addi %add3A_449, %add3A_456 : vector<16xi32>
        %add3A_458 = arith.constant 1 : i32
        %add3A_459 = vector.broadcast %add3A_458 : i32 to vector<16xi32>
        %add3A_460 = arith.addi %add3A_452, %add3A_459 : vector<16xi32>
        %gather3A_461 = tpu.vector_load_idx %arg13[%add3A_457] : memref<4020xf32, #tpu.memory_space<vmem>>[vector<16xi32>], vector<16xf32>,
        %mul3A_462 = arith.mulf %gather3A_430, %gather3A_461 : vector<16xf32>
        tpu.vector_store_idx %arg14[%add3A_460], %mul3A_462 {add = true} : memref<100000xf32, #tpu.memory_space<vmem>>[vector<16xi32>], vector<16xf32>,
        %add3A_463 = arith.constant 1 : i32
        %add3A_464 = vector.broadcast %add3A_463 : i32 to vector<16xi32>
        %add3A_465 = arith.addi %add3A_457, %add3A_464 : vector<16xi32>
        %add3A_466 = arith.constant 1 : i32
        %add3A_467 = vector.broadcast %add3A_466 : i32 to vector<16xi32>
        %add3A_468 = arith.addi %add3A_460, %add3A_467 : vector<16xi32>
        %gather3A_469 = tpu.vector_load_idx %arg13[%add3A_465] : memref<4020xf32, #tpu.memory_space<vmem>>[vector<16xi32>], vector<16xf32>,
        %mul3A_470 = arith.mulf %gather3A_430, %gather3A_469 : vector<16xf32>
        tpu.vector_store_idx %arg14[%add3A_468], %mul3A_470 {add = true} : memref<100000xf32, #tpu.memory_space<vmem>>[vector<16xi32>], vector<16xf32>,
        %add3A_471 = arith.constant 1 : i32
        %add3A_472 = vector.broadcast %add3A_471 : i32 to vector<16xi32>
        %add3A_473 = arith.addi %add3A_465, %add3A_472 : vector<16xi32>
        %add3A_474 = arith.constant 1 : i32
        %add3A_475 = vector.broadcast %add3A_474 : i32 to vector<16xi32>
        %add3A_476 = arith.addi %add3A_468, %add3A_475 : vector<16xi32>
        %gather3A_477 = tpu.vector_load_idx %arg13[%add3A_473] : memref<4020xf32, #tpu.memory_space<vmem>>[vector<16xi32>], vector<16xf32>,
        %mul3A_478 = arith.mulf %gather3A_430, %gather3A_477 : vector<16xf32>
        tpu.vector_store_idx %arg14[%add3A_476], %mul3A_478 {add = true} : memref<100000xf32, #tpu.memory_space<vmem>>[vector<16xi32>], vector<16xf32>,
        %add3A_479 = arith.constant 1 : i32
        %add3A_480 = vector.broadcast %add3A_479 : i32 to vector<16xi32>
        %add3A_481 = arith.addi %add3A_473, %add3A_480 : vector<16xi32>
        %add3A_482 = arith.constant 1 : i32
        %add3A_483 = vector.broadcast %add3A_482 : i32 to vector<16xi32>
        %add3A_484 = arith.addi %add3A_476, %add3A_483 : vector<16xi32>
        %gather3A_485 = tpu.vector_load_idx %arg13[%add3A_481] : memref<4020xf32, #tpu.memory_space<vmem>>[vector<16xi32>], vector<16xf32>,
        %mul3A_486 = arith.mulf %gather3A_430, %gather3A_485 : vector<16xf32>
        tpu.vector_store_idx %arg14[%add3A_484], %mul3A_486 {add = true} : memref<100000xf32, #tpu.memory_space<vmem>>[vector<16xi32>], vector<16xf32>,
        %add3A_487 = arith.constant 1 : i32
        %add3A_488 = vector.broadcast %add3A_487 : i32 to vector<16xi32>
        %add3A_489 = arith.addi %add3A_481, %add3A_488 : vector<16xi32>
        %add3A_490 = arith.constant 1 : i32
        %add3A_491 = vector.broadcast %add3A_490 : i32 to vector<16xi32>
        %add3A_492 = arith.addi %add3A_484, %add3A_491 : vector<16xi32>
        %gather3A_493 = tpu.vector_load_idx %arg13[%add3A_489] : memref<4020xf32, #tpu.memory_space<vmem>>[vector<16xi32>], vector<16xf32>,
        %mul3A_494 = arith.mulf %gather3A_430, %gather3A_493 : vector<16xf32>
        tpu.vector_store_idx %arg14[%add3A_492], %mul3A_494 {add = true} : memref<100000xf32, #tpu.memory_space<vmem>>[vector<16xi32>], vector<16xf32>,
        %add3A_495 = arith.constant 1 : i32
        %add3A_496 = vector.broadcast %add3A_495 : i32 to vector<16xi32>
        %add3A_497 = arith.addi %add3A_489, %add3A_496 : vector<16xi32>
        %add3A_498 = arith.constant 1 : i32
        %add3A_499 = vector.broadcast %add3A_498 : i32 to vector<16xi32>
        %add3A_500 = arith.addi %add3A_492, %add3A_499 : vector<16xi32>
        %gather3A_501 = tpu.vector_load_idx %arg13[%add3A_497] : memref<4020xf32, #tpu.memory_space<vmem>>[vector<16xi32>], vector<16xf32>,
        %mul3A_502 = arith.mulf %gather3A_430, %gather3A_501 : vector<16xf32>
        tpu.vector_store_idx %arg14[%add3A_500], %mul3A_502 {add = true} : memref<100000xf32, #tpu.memory_space<vmem>>[vector<16xi32>], vector<16xf32>,
        %add3A_503 = arith.constant 1 : i32
        %add3A_504 = vector.broadcast %add3A_503 : i32 to vector<16xi32>
        %add3A_505 = arith.addi %add3A_497, %add3A_504 : vector<16xi32>
        %add3A_506 = arith.constant 1 : i32
        %add3A_507 = vector.broadcast %add3A_506 : i32 to vector<16xi32>
        %add3A_508 = arith.addi %add3A_500, %add3A_507 : vector<16xi32>
        %gather3A_509 = tpu.vector_load_idx %arg13[%add3A_505] : memref<4020xf32, #tpu.memory_space<vmem>>[vector<16xi32>], vector<16xf32>,
        %mul3A_510 = arith.mulf %gather3A_430, %gather3A_509 : vector<16xf32>
        tpu.vector_store_idx %arg14[%add3A_508], %mul3A_510 {add = true} : memref<100000xf32, #tpu.memory_space<vmem>>[vector<16xi32>], vector<16xf32>,
        %add3A_511 = arith.constant 1 : i32
        %add3A_512 = vector.broadcast %add3A_511 : i32 to vector<16xi32>
        %add3A_513 = arith.addi %add3A_505, %add3A_512 : vector<16xi32>
        %add3A_514 = arith.constant 1 : i32
        %add3A_515 = vector.broadcast %add3A_514 : i32 to vector<16xi32>
        %add3A_516 = arith.addi %add3A_508, %add3A_515 : vector<16xi32>
      }
      %scan3A_19 = arith.constant 25 : i32
    }
    %scan3A_7 = arith.constant 5 : i32
    "tpu.region"() ({
      %run_scoped3A = tpu.sem_alloc : memref<!tpu.dma_semaphore, #tpu.memory_space<semaphore_mem>>
      %dma_start3A = arith.constant 0 : i32
      %dma_start3A_8 = tpu.memref_slice %arg8[%add3A, %dma_start3A] : memref<32x100000xf32, #tpu.memory_space<hbm>> -> memref<1x100000xf32, #tpu.memory_space<hbm>>
      %dma_start3A_9 = tpu.memref_squeeze %dma_start3A_8 : memref<1x100000xf32, #tpu.memory_space<hbm>> -> memref<100000xf32, #tpu.memory_space<hbm>>
      %dma_start3A_10 = arith.constant 0 : i32
      %dma_start3A_11 = tpu.memref_slice %arg8[%add3A, %dma_start3A_10] : memref<32x100000xf32, #tpu.memory_space<hbm>> -> memref<1x100000xf32, #tpu.memory_space<hbm>>
      %dma_start3A_12 = tpu.memref_squeeze %dma_start3A_11 : memref<1x100000xf32, #tpu.memory_space<hbm>> -> memref<100000xf32, #tpu.memory_space<hbm>>
      tpu.enqueue_dma source(%arg14 : memref<100000xf32, #tpu.memory_space<vmem>>) target(%dma_start3A_12 : memref<100000xf32, #tpu.memory_space<hbm>>) target_semaphore(%run_scoped3A : memref<!tpu.dma_semaphore, #tpu.memory_space<semaphore_mem>>)
      %dma_wait3A = arith.constant 0 : i32
      %dma_wait3A_13 = tpu.memref_slice %arg8[%add3A, %dma_wait3A] : memref<32x100000xf32, #tpu.memory_space<hbm>> -> memref<1x100000xf32, #tpu.memory_space<hbm>>
      %dma_wait3A_14 = tpu.memref_squeeze %dma_wait3A_13 : memref<1x100000xf32, #tpu.memory_space<hbm>> -> memref<100000xf32, #tpu.memory_space<hbm>>
      %dma_wait3A_15 = arith.constant 0 : i32
      %dma_wait3A_16 = tpu.memref_slice %arg8[%add3A, %dma_wait3A_15] : memref<32x100000xf32, #tpu.memory_space<hbm>> -> memref<1x100000xf32, #tpu.memory_space<hbm>>
      %dma_wait3A_17 = tpu.memref_squeeze %dma_wait3A_16 : memref<1x100000xf32, #tpu.memory_space<hbm>> -> memref<100000xf32, #tpu.memory_space<hbm>>
      tpu.wait_dma2 semaphore(%run_scoped3A : memref<!tpu.dma_semaphore, #tpu.memory_space<semaphore_mem>>) src(%arg14 : memref<100000xf32, #tpu.memory_space<vmem>>) dst(%dma_wait3A_17 : memref<100000xf32, #tpu.memory_space<hbm>>)
      tpu.yield
    }) : () -> ()
    return
  }
}

#map = affine_map<(d0, d1) -> (0)>
#map1 = affine_map<(d0, d1) -> (0, 0)>
module attributes {stable_mosaic.version = 14 : i64} {
  func.func @_sc_layer0_body(%arg0: i32, %arg1: i32, %arg2: memref<320000xi32, #tpu.memory_space<hbm>>, %arg3: memref<320000xi32, #tpu.memory_space<hbm>>, %arg4: memref<320000xi32, #tpu.memory_space<hbm>>, %arg5: memref<12864xf32, #tpu.memory_space<hbm>>, %arg6: memref<4020xf32, #tpu.memory_space<hbm>>, %arg7: memref<100000xf32, #tpu.memory_space<hbm>>, %arg8: memref<32x100000xf32, #tpu.memory_space<hbm>>, %arg9: memref<2000xi32, #tpu.memory_space<vmem>>, %arg10: memref<2000xi32, #tpu.memory_space<vmem>>, %arg11: memref<2000xi32, #tpu.memory_space<vmem>>, %arg12: memref<12864xf32, #tpu.memory_space<vmem>>, %arg13: memref<4020xf32, #tpu.memory_space<vmem>>, %arg14: memref<100000xf32, #tpu.memory_space<vmem>>) attributes {dimension_semantics = [#tpu.dimension_semantics<core_parallel>, #tpu.dimension_semantics<subcore_parallel>], iteration_bounds = array<i64: 2, 16>, scalar_prefetch = 0 : i64, scratch_operands = 6 : i64, tpu.core_type = #tpu.core_type<sc_vector_subcore>, window_params = [{transform_indices = #map}, {transform_indices = #map}, {transform_indices = #map}, {transform_indices = #map}, {transform_indices = #map}, {transform_indices = #map}, {transform_indices = #map1}]} {
    %mul3A = arith.constant 16 : i32
    %mul3A_0 = arith.muli %arg0, %mul3A : i32
    %add3A = arith.addi %mul3A_0, %arg1 : i32
    %mul3A_1 = arith.constant 10000 : i32
    %mul3A_2 = arith.muli %add3A, %mul3A_1 : i32
    "tpu.region"() ({
      %run_scoped3A = tpu.sem_alloc : memref<!tpu.dma_semaphore, #tpu.memory_space<semaphore_mem>>
      tpu.enqueue_dma source(%arg5 : memref<12864xf32, #tpu.memory_space<hbm>>) target(%arg12 : memref<12864xf32, #tpu.memory_space<vmem>>) target_semaphore(%run_scoped3A : memref<!tpu.dma_semaphore, #tpu.memory_space<semaphore_mem>>)
      tpu.wait_dma2 semaphore(%run_scoped3A : memref<!tpu.dma_semaphore, #tpu.memory_space<semaphore_mem>>) src(%arg5 : memref<12864xf32, #tpu.memory_space<hbm>>) dst(%arg12 : memref<12864xf32, #tpu.memory_space<vmem>>)
      tpu.yield
    }) : () -> ()
    "tpu.region"() ({
      %run_scoped3A = tpu.sem_alloc : memref<!tpu.dma_semaphore, #tpu.memory_space<semaphore_mem>>
      tpu.enqueue_dma source(%arg6 : memref<4020xf32, #tpu.memory_space<hbm>>) target(%arg13 : memref<4020xf32, #tpu.memory_space<vmem>>) target_semaphore(%run_scoped3A : memref<!tpu.dma_semaphore, #tpu.memory_space<semaphore_mem>>)
      tpu.wait_dma2 semaphore(%run_scoped3A : memref<!tpu.dma_semaphore, #tpu.memory_space<semaphore_mem>>) src(%arg6 : memref<4020xf32, #tpu.memory_space<hbm>>) dst(%arg13 : memref<4020xf32, #tpu.memory_space<vmem>>)
      tpu.yield
    }) : () -> ()
    "tpu.region"() ({
      %run_scoped3A = tpu.sem_alloc : memref<!tpu.dma_semaphore, #tpu.memory_space<semaphore_mem>>
      tpu.enqueue_dma source(%arg7 : memref<100000xf32, #tpu.memory_space<hbm>>) target(%arg14 : memref<100000xf32, #tpu.memory_space<vmem>>) target_semaphore(%run_scoped3A : memref<!tpu.dma_semaphore, #tpu.memory_space<semaphore_mem>>)
      tpu.wait_dma2 semaphore(%run_scoped3A : memref<!tpu.dma_semaphore, #tpu.memory_space<semaphore_mem>>) src(%arg7 : memref<100000xf32, #tpu.memory_space<hbm>>) dst(%arg14 : memref<100000xf32, #tpu.memory_space<vmem>>)
      tpu.yield
    }) : () -> ()
    %scan3A = arith.constant 0 : i32
    %scan3A_3 = arith.constant 0 : i32
    %scan3A_4 = arith.constant 5 : i32
    %scan3A_5 = arith.addi %scan3A_3, %scan3A_4 : i32
    %scan3A_6 = arith.constant 1 : i32
    scf.for %scan3A_8 = %scan3A_3 to %scan3A_5 step %scan3A_6  : i32 {
      %mul3A_9 = arith.constant 2000 : i32
      %mul3A_10 = arith.muli %scan3A_8, %mul3A_9 : i32
      %multiple_of3A = tpu.assume_multiple %mul3A_10, 2000 : i32
      %add3A_11 = arith.addi %mul3A_2, %multiple_of3A : i32
      "tpu.region"() ({
        %run_scoped3A = tpu.sem_alloc : memref<!tpu.dma_semaphore, #tpu.memory_space<semaphore_mem>>
        %dma_start3A = tpu.memref_slice %arg2[%add3A_11] : memref<320000xi32, #tpu.memory_space<hbm>> -> memref<2000xi32, #tpu.memory_space<hbm>>
        %dma_start3A_20 = tpu.memref_slice %arg2[%add3A_11] : memref<320000xi32, #tpu.memory_space<hbm>> -> memref<2000xi32, #tpu.memory_space<hbm>>
        tpu.enqueue_dma source(%dma_start3A_20 : memref<2000xi32, #tpu.memory_space<hbm>>) target(%arg9 : memref<2000xi32, #tpu.memory_space<vmem>>) target_semaphore(%run_scoped3A : memref<!tpu.dma_semaphore, #tpu.memory_space<semaphore_mem>>)
        %dma_wait3A = tpu.memref_slice %arg2[%add3A_11] : memref<320000xi32, #tpu.memory_space<hbm>> -> memref<2000xi32, #tpu.memory_space<hbm>>
        %dma_wait3A_21 = tpu.memref_slice %arg2[%add3A_11] : memref<320000xi32, #tpu.memory_space<hbm>> -> memref<2000xi32, #tpu.memory_space<hbm>>
        tpu.wait_dma2 semaphore(%run_scoped3A : memref<!tpu.dma_semaphore, #tpu.memory_space<semaphore_mem>>) src(%dma_wait3A_21 : memref<2000xi32, #tpu.memory_space<hbm>>) dst(%arg9 : memref<2000xi32, #tpu.memory_space<vmem>>)
        tpu.yield
      }) : () -> ()
      %add3A_12 = arith.addi %mul3A_2, %multiple_of3A : i32
      "tpu.region"() ({
        %run_scoped3A = tpu.sem_alloc : memref<!tpu.dma_semaphore, #tpu.memory_space<semaphore_mem>>
        %dma_start3A = tpu.memref_slice %arg3[%add3A_12] : memref<320000xi32, #tpu.memory_space<hbm>> -> memref<2000xi32, #tpu.memory_space<hbm>>
        %dma_start3A_20 = tpu.memref_slice %arg3[%add3A_12] : memref<320000xi32, #tpu.memory_space<hbm>> -> memref<2000xi32, #tpu.memory_space<hbm>>
        tpu.enqueue_dma source(%dma_start3A_20 : memref<2000xi32, #tpu.memory_space<hbm>>) target(%arg10 : memref<2000xi32, #tpu.memory_space<vmem>>) target_semaphore(%run_scoped3A : memref<!tpu.dma_semaphore, #tpu.memory_space<semaphore_mem>>)
        %dma_wait3A = tpu.memref_slice %arg3[%add3A_12] : memref<320000xi32, #tpu.memory_space<hbm>> -> memref<2000xi32, #tpu.memory_space<hbm>>
        %dma_wait3A_21 = tpu.memref_slice %arg3[%add3A_12] : memref<320000xi32, #tpu.memory_space<hbm>> -> memref<2000xi32, #tpu.memory_space<hbm>>
        tpu.wait_dma2 semaphore(%run_scoped3A : memref<!tpu.dma_semaphore, #tpu.memory_space<semaphore_mem>>) src(%dma_wait3A_21 : memref<2000xi32, #tpu.memory_space<hbm>>) dst(%arg10 : memref<2000xi32, #tpu.memory_space<vmem>>)
        tpu.yield
      }) : () -> ()
      %add3A_13 = arith.addi %mul3A_2, %multiple_of3A : i32
      "tpu.region"() ({
        %run_scoped3A = tpu.sem_alloc : memref<!tpu.dma_semaphore, #tpu.memory_space<semaphore_mem>>
        %dma_start3A = tpu.memref_slice %arg4[%add3A_13] : memref<320000xi32, #tpu.memory_space<hbm>> -> memref<2000xi32, #tpu.memory_space<hbm>>
        %dma_start3A_20 = tpu.memref_slice %arg4[%add3A_13] : memref<320000xi32, #tpu.memory_space<hbm>> -> memref<2000xi32, #tpu.memory_space<hbm>>
        tpu.enqueue_dma source(%dma_start3A_20 : memref<2000xi32, #tpu.memory_space<hbm>>) target(%arg11 : memref<2000xi32, #tpu.memory_space<vmem>>) target_semaphore(%run_scoped3A : memref<!tpu.dma_semaphore, #tpu.memory_space<semaphore_mem>>)
        %dma_wait3A = tpu.memref_slice %arg4[%add3A_13] : memref<320000xi32, #tpu.memory_space<hbm>> -> memref<2000xi32, #tpu.memory_space<hbm>>
        %dma_wait3A_21 = tpu.memref_slice %arg4[%add3A_13] : memref<320000xi32, #tpu.memory_space<hbm>> -> memref<2000xi32, #tpu.memory_space<hbm>>
        tpu.wait_dma2 semaphore(%run_scoped3A : memref<!tpu.dma_semaphore, #tpu.memory_space<semaphore_mem>>) src(%dma_wait3A_21 : memref<2000xi32, #tpu.memory_space<hbm>>) dst(%arg11 : memref<2000xi32, #tpu.memory_space<vmem>>)
        tpu.yield
      }) : () -> ()
      %scan3A_14 = arith.constant 0 : i32
      %scan3A_15 = arith.constant 0 : i32
      %scan3A_16 = arith.constant 25 : i32
      %scan3A_17 = arith.addi %scan3A_15, %scan3A_16 : i32
      %scan3A_18 = arith.constant 1 : i32
      scf.for %scan3A_20 = %scan3A_15 to %scan3A_17 step %scan3A_18  : i32 {
        %mul3A_21 = arith.constant 80 : i32
        %mul3A_22 = arith.muli %scan3A_20, %mul3A_21 : i32
        %multiple_of3A_23 = tpu.assume_multiple %mul3A_22, 80 : i32
        %add3A_24 = arith.constant 0 : i32
        %add3A_25 = arith.addi %multiple_of3A_23, %add3A_24 : i32
        %get3A = arith.index_cast %add3A_25 : i32 to index
        %get3A_26 = tpu.vector_load %arg9[%get3A] {strides = array<i32>} : memref<2000xi32, #tpu.memory_space<vmem>>, vector<16xi32>,
        %get3A_27 = arith.index_cast %add3A_25 : i32 to index
        %get3A_28 = tpu.vector_load %arg10[%get3A_27] {strides = array<i32>} : memref<2000xi32, #tpu.memory_space<vmem>>, vector<16xi32>,
        %get3A_29 = arith.index_cast %add3A_25 : i32 to index
        %get3A_30 = tpu.vector_load %arg11[%get3A_29] {strides = array<i32>} : memref<2000xi32, #tpu.memory_space<vmem>>, vector<16xi32>,
        %mul3A_31 = arith.constant 32 : i32
        %mul3A_32 = vector.broadcast %mul3A_31 : i32 to vector<16xi32>
        %mul3A_33 = arith.muli %get3A_26, %mul3A_32 : vector<16xi32>
        %add3A_34 = arith.addi %mul3A_33, %get3A_28 : vector<16xi32>
        %gather3A = tpu.vector_load_idx %arg12[%add3A_34] : memref<12864xf32, #tpu.memory_space<vmem>>[vector<16xi32>], vector<16xf32>,
        %mul3A_35 = arith.constant 10 : i32
        %mul3A_36 = vector.broadcast %mul3A_35 : i32 to vector<16xi32>
        %mul3A_37 = arith.muli %get3A_26, %mul3A_36 : vector<16xi32>
        %mul3A_38 = arith.constant 10 : i32
        %mul3A_39 = vector.broadcast %mul3A_38 : i32 to vector<16xi32>
        %mul3A_40 = arith.muli %get3A_30, %mul3A_39 : vector<16xi32>
        %gather3A_41 = tpu.vector_load_idx %arg13[%mul3A_37] : memref<4020xf32, #tpu.memory_space<vmem>>[vector<16xi32>], vector<16xf32>,
        %mul3A_42 = arith.mulf %gather3A, %gather3A_41 : vector<16xf32>
        tpu.vector_store_idx %arg14[%mul3A_40], %mul3A_42 {add = true} : memref<100000xf32, #tpu.memory_space<vmem>>[vector<16xi32>], vector<16xf32>,
        %add3A_43 = arith.constant 1 : i32
        %add3A_44 = vector.broadcast %add3A_43 : i32 to vector<16xi32>
        %add3A_45 = arith.addi %mul3A_37, %add3A_44 : vector<16xi32>
        %add3A_46 = arith.constant 1 : i32
        %add3A_47 = vector.broadcast %add3A_46 : i32 to vector<16xi32>
        %add3A_48 = arith.addi %mul3A_40, %add3A_47 : vector<16xi32>
        %gather3A_49 = tpu.vector_load_idx %arg13[%add3A_45] : memref<4020xf32, #tpu.memory_space<vmem>>[vector<16xi32>], vector<16xf32>,
        %mul3A_50 = arith.mulf %gather3A, %gather3A_49 : vector<16xf32>
        tpu.vector_store_idx %arg14[%add3A_48], %mul3A_50 {add = true} : memref<100000xf32, #tpu.memory_space<vmem>>[vector<16xi32>], vector<16xf32>,
        %add3A_51 = arith.constant 1 : i32
        %add3A_52 = vector.broadcast %add3A_51 : i32 to vector<16xi32>
        %add3A_53 = arith.addi %add3A_45, %add3A_52 : vector<16xi32>
        %add3A_54 = arith.constant 1 : i32
        %add3A_55 = vector.broadcast %add3A_54 : i32 to vector<16xi32>
        %add3A_56 = arith.addi %add3A_48, %add3A_55 : vector<16xi32>
        %gather3A_57 = tpu.vector_load_idx %arg13[%add3A_53] : memref<4020xf32, #tpu.memory_space<vmem>>[vector<16xi32>], vector<16xf32>,
        %mul3A_58 = arith.mulf %gather3A, %gather3A_57 : vector<16xf32>
        tpu.vector_store_idx %arg14[%add3A_56], %mul3A_58 {add = true} : memref<100000xf32, #tpu.memory_space<vmem>>[vector<16xi32>], vector<16xf32>,
        %add3A_59 = arith.constant 1 : i32
        %add3A_60 = vector.broadcast %add3A_59 : i32 to vector<16xi32>
        %add3A_61 = arith.addi %add3A_53, %add3A_60 : vector<16xi32>
        %add3A_62 = arith.constant 1 : i32
        %add3A_63 = vector.broadcast %add3A_62 : i32 to vector<16xi32>
        %add3A_64 = arith.addi %add3A_56, %add3A_63 : vector<16xi32>
        %gather3A_65 = tpu.vector_load_idx %arg13[%add3A_61] : memref<4020xf32, #tpu.memory_space<vmem>>[vector<16xi32>], vector<16xf32>,
        %mul3A_66 = arith.mulf %gather3A, %gather3A_65 : vector<16xf32>
        tpu.vector_store_idx %arg14[%add3A_64], %mul3A_66 {add = true} : memref<100000xf32, #tpu.memory_space<vmem>>[vector<16xi32>], vector<16xf32>,
        %add3A_67 = arith.constant 1 : i32
        %add3A_68 = vector.broadcast %add3A_67 : i32 to vector<16xi32>
        %add3A_69 = arith.addi %add3A_61, %add3A_68 : vector<16xi32>
        %add3A_70 = arith.constant 1 : i32
        %add3A_71 = vector.broadcast %add3A_70 : i32 to vector<16xi32>
        %add3A_72 = arith.addi %add3A_64, %add3A_71 : vector<16xi32>
        %gather3A_73 = tpu.vector_load_idx %arg13[%add3A_69] : memref<4020xf32, #tpu.memory_space<vmem>>[vector<16xi32>], vector<16xf32>,
        %mul3A_74 = arith.mulf %gather3A, %gather3A_73 : vector<16xf32>
        tpu.vector_store_idx %arg14[%add3A_72], %mul3A_74 {add = true} : memref<100000xf32, #tpu.memory_space<vmem>>[vector<16xi32>], vector<16xf32>,
        %add3A_75 = arith.constant 1 : i32
        %add3A_76 = vector.broadcast %add3A_75 : i32 to vector<16xi32>
        %add3A_77 = arith.addi %add3A_69, %add3A_76 : vector<16xi32>
        %add3A_78 = arith.constant 1 : i32
        %add3A_79 = vector.broadcast %add3A_78 : i32 to vector<16xi32>
        %add3A_80 = arith.addi %add3A_72, %add3A_79 : vector<16xi32>
        %gather3A_81 = tpu.vector_load_idx %arg13[%add3A_77] : memref<4020xf32, #tpu.memory_space<vmem>>[vector<16xi32>], vector<16xf32>,
        %mul3A_82 = arith.mulf %gather3A, %gather3A_81 : vector<16xf32>
        tpu.vector_store_idx %arg14[%add3A_80], %mul3A_82 {add = true} : memref<100000xf32, #tpu.memory_space<vmem>>[vector<16xi32>], vector<16xf32>,
        %add3A_83 = arith.constant 1 : i32
        %add3A_84 = vector.broadcast %add3A_83 : i32 to vector<16xi32>
        %add3A_85 = arith.addi %add3A_77, %add3A_84 : vector<16xi32>
        %add3A_86 = arith.constant 1 : i32
        %add3A_87 = vector.broadcast %add3A_86 : i32 to vector<16xi32>
        %add3A_88 = arith.addi %add3A_80, %add3A_87 : vector<16xi32>
        %gather3A_89 = tpu.vector_load_idx %arg13[%add3A_85] : memref<4020xf32, #tpu.memory_space<vmem>>[vector<16xi32>], vector<16xf32>,
        %mul3A_90 = arith.mulf %gather3A, %gather3A_89 : vector<16xf32>
        tpu.vector_store_idx %arg14[%add3A_88], %mul3A_90 {add = true} : memref<100000xf32, #tpu.memory_space<vmem>>[vector<16xi32>], vector<16xf32>,
        %add3A_91 = arith.constant 1 : i32
        %add3A_92 = vector.broadcast %add3A_91 : i32 to vector<16xi32>
        %add3A_93 = arith.addi %add3A_85, %add3A_92 : vector<16xi32>
        %add3A_94 = arith.constant 1 : i32
        %add3A_95 = vector.broadcast %add3A_94 : i32 to vector<16xi32>
        %add3A_96 = arith.addi %add3A_88, %add3A_95 : vector<16xi32>
        %gather3A_97 = tpu.vector_load_idx %arg13[%add3A_93] : memref<4020xf32, #tpu.memory_space<vmem>>[vector<16xi32>], vector<16xf32>,
        %mul3A_98 = arith.mulf %gather3A, %gather3A_97 : vector<16xf32>
        tpu.vector_store_idx %arg14[%add3A_96], %mul3A_98 {add = true} : memref<100000xf32, #tpu.memory_space<vmem>>[vector<16xi32>], vector<16xf32>,
        %add3A_99 = arith.constant 1 : i32
        %add3A_100 = vector.broadcast %add3A_99 : i32 to vector<16xi32>
        %add3A_101 = arith.addi %add3A_93, %add3A_100 : vector<16xi32>
        %add3A_102 = arith.constant 1 : i32
        %add3A_103 = vector.broadcast %add3A_102 : i32 to vector<16xi32>
        %add3A_104 = arith.addi %add3A_96, %add3A_103 : vector<16xi32>
        %gather3A_105 = tpu.vector_load_idx %arg13[%add3A_101] : memref<4020xf32, #tpu.memory_space<vmem>>[vector<16xi32>], vector<16xf32>,
        %mul3A_106 = arith.mulf %gather3A, %gather3A_105 : vector<16xf32>
        tpu.vector_store_idx %arg14[%add3A_104], %mul3A_106 {add = true} : memref<100000xf32, #tpu.memory_space<vmem>>[vector<16xi32>], vector<16xf32>,
        %add3A_107 = arith.constant 1 : i32
        %add3A_108 = vector.broadcast %add3A_107 : i32 to vector<16xi32>
        %add3A_109 = arith.addi %add3A_101, %add3A_108 : vector<16xi32>
        %add3A_110 = arith.constant 1 : i32
        %add3A_111 = vector.broadcast %add3A_110 : i32 to vector<16xi32>
        %add3A_112 = arith.addi %add3A_104, %add3A_111 : vector<16xi32>
        %gather3A_113 = tpu.vector_load_idx %arg13[%add3A_109] : memref<4020xf32, #tpu.memory_space<vmem>>[vector<16xi32>], vector<16xf32>,
        %mul3A_114 = arith.mulf %gather3A, %gather3A_113 : vector<16xf32>
        tpu.vector_store_idx %arg14[%add3A_112], %mul3A_114 {add = true} : memref<100000xf32, #tpu.memory_space<vmem>>[vector<16xi32>], vector<16xf32>,
        %add3A_115 = arith.constant 1 : i32
        %add3A_116 = vector.broadcast %add3A_115 : i32 to vector<16xi32>
        %add3A_117 = arith.addi %add3A_109, %add3A_116 : vector<16xi32>
        %add3A_118 = arith.constant 1 : i32
        %add3A_119 = vector.broadcast %add3A_118 : i32 to vector<16xi32>
        %add3A_120 = arith.addi %add3A_112, %add3A_119 : vector<16xi32>
        %add3A_121 = arith.constant 16 : i32
        %add3A_122 = arith.addi %multiple_of3A_23, %add3A_121 : i32
        %get3A_123 = arith.index_cast %add3A_122 : i32 to index
        %get3A_124 = tpu.vector_load %arg9[%get3A_123] {strides = array<i32>} : memref<2000xi32, #tpu.memory_space<vmem>>, vector<16xi32>,
        %get3A_125 = arith.index_cast %add3A_122 : i32 to index
        %get3A_126 = tpu.vector_load %arg10[%get3A_125] {strides = array<i32>} : memref<2000xi32, #tpu.memory_space<vmem>>, vector<16xi32>,
        %get3A_127 = arith.index_cast %add3A_122 : i32 to index
        %get3A_128 = tpu.vector_load %arg11[%get3A_127] {strides = array<i32>} : memref<2000xi32, #tpu.memory_space<vmem>>, vector<16xi32>,
        %mul3A_129 = arith.constant 32 : i32
        %mul3A_130 = vector.broadcast %mul3A_129 : i32 to vector<16xi32>
        %mul3A_131 = arith.muli %get3A_124, %mul3A_130 : vector<16xi32>
        %add3A_132 = arith.addi %mul3A_131, %get3A_126 : vector<16xi32>
        %gather3A_133 = tpu.vector_load_idx %arg12[%add3A_132] : memref<12864xf32, #tpu.memory_space<vmem>>[vector<16xi32>], vector<16xf32>,
        %mul3A_134 = arith.constant 10 : i32
        %mul3A_135 = vector.broadcast %mul3A_134 : i32 to vector<16xi32>
        %mul3A_136 = arith.muli %get3A_124, %mul3A_135 : vector<16xi32>
        %mul3A_137 = arith.constant 10 : i32
        %mul3A_138 = vector.broadcast %mul3A_137 : i32 to vector<16xi32>
        %mul3A_139 = arith.muli %get3A_128, %mul3A_138 : vector<16xi32>
        %gather3A_140 = tpu.vector_load_idx %arg13[%mul3A_136] : memref<4020xf32, #tpu.memory_space<vmem>>[vector<16xi32>], vector<16xf32>,
        %mul3A_141 = arith.mulf %gather3A_133, %gather3A_140 : vector<16xf32>
        tpu.vector_store_idx %arg14[%mul3A_139], %mul3A_141 {add = true} : memref<100000xf32, #tpu.memory_space<vmem>>[vector<16xi32>], vector<16xf32>,
        %add3A_142 = arith.constant 1 : i32
        %add3A_143 = vector.broadcast %add3A_142 : i32 to vector<16xi32>
        %add3A_144 = arith.addi %mul3A_136, %add3A_143 : vector<16xi32>
        %add3A_145 = arith.constant 1 : i32
        %add3A_146 = vector.broadcast %add3A_145 : i32 to vector<16xi32>
        %add3A_147 = arith.addi %mul3A_139, %add3A_146 : vector<16xi32>
        %gather3A_148 = tpu.vector_load_idx %arg13[%add3A_144] : memref<4020xf32, #tpu.memory_space<vmem>>[vector<16xi32>], vector<16xf32>,
        %mul3A_149 = arith.mulf %gather3A_133, %gather3A_148 : vector<16xf32>
        tpu.vector_store_idx %arg14[%add3A_147], %mul3A_149 {add = true} : memref<100000xf32, #tpu.memory_space<vmem>>[vector<16xi32>], vector<16xf32>,
        %add3A_150 = arith.constant 1 : i32
        %add3A_151 = vector.broadcast %add3A_150 : i32 to vector<16xi32>
        %add3A_152 = arith.addi %add3A_144, %add3A_151 : vector<16xi32>
        %add3A_153 = arith.constant 1 : i32
        %add3A_154 = vector.broadcast %add3A_153 : i32 to vector<16xi32>
        %add3A_155 = arith.addi %add3A_147, %add3A_154 : vector<16xi32>
        %gather3A_156 = tpu.vector_load_idx %arg13[%add3A_152] : memref<4020xf32, #tpu.memory_space<vmem>>[vector<16xi32>], vector<16xf32>,
        %mul3A_157 = arith.mulf %gather3A_133, %gather3A_156 : vector<16xf32>
        tpu.vector_store_idx %arg14[%add3A_155], %mul3A_157 {add = true} : memref<100000xf32, #tpu.memory_space<vmem>>[vector<16xi32>], vector<16xf32>,
        %add3A_158 = arith.constant 1 : i32
        %add3A_159 = vector.broadcast %add3A_158 : i32 to vector<16xi32>
        %add3A_160 = arith.addi %add3A_152, %add3A_159 : vector<16xi32>
        %add3A_161 = arith.constant 1 : i32
        %add3A_162 = vector.broadcast %add3A_161 : i32 to vector<16xi32>
        %add3A_163 = arith.addi %add3A_155, %add3A_162 : vector<16xi32>
        %gather3A_164 = tpu.vector_load_idx %arg13[%add3A_160] : memref<4020xf32, #tpu.memory_space<vmem>>[vector<16xi32>], vector<16xf32>,
        %mul3A_165 = arith.mulf %gather3A_133, %gather3A_164 : vector<16xf32>
        tpu.vector_store_idx %arg14[%add3A_163], %mul3A_165 {add = true} : memref<100000xf32, #tpu.memory_space<vmem>>[vector<16xi32>], vector<16xf32>,
        %add3A_166 = arith.constant 1 : i32
        %add3A_167 = vector.broadcast %add3A_166 : i32 to vector<16xi32>
        %add3A_168 = arith.addi %add3A_160, %add3A_167 : vector<16xi32>
        %add3A_169 = arith.constant 1 : i32
        %add3A_170 = vector.broadcast %add3A_169 : i32 to vector<16xi32>
        %add3A_171 = arith.addi %add3A_163, %add3A_170 : vector<16xi32>
        %gather3A_172 = tpu.vector_load_idx %arg13[%add3A_168] : memref<4020xf32, #tpu.memory_space<vmem>>[vector<16xi32>], vector<16xf32>,
        %mul3A_173 = arith.mulf %gather3A_133, %gather3A_172 : vector<16xf32>
        tpu.vector_store_idx %arg14[%add3A_171], %mul3A_173 {add = true} : memref<100000xf32, #tpu.memory_space<vmem>>[vector<16xi32>], vector<16xf32>,
        %add3A_174 = arith.constant 1 : i32
        %add3A_175 = vector.broadcast %add3A_174 : i32 to vector<16xi32>
        %add3A_176 = arith.addi %add3A_168, %add3A_175 : vector<16xi32>
        %add3A_177 = arith.constant 1 : i32
        %add3A_178 = vector.broadcast %add3A_177 : i32 to vector<16xi32>
        %add3A_179 = arith.addi %add3A_171, %add3A_178 : vector<16xi32>
        %gather3A_180 = tpu.vector_load_idx %arg13[%add3A_176] : memref<4020xf32, #tpu.memory_space<vmem>>[vector<16xi32>], vector<16xf32>,
        %mul3A_181 = arith.mulf %gather3A_133, %gather3A_180 : vector<16xf32>
        tpu.vector_store_idx %arg14[%add3A_179], %mul3A_181 {add = true} : memref<100000xf32, #tpu.memory_space<vmem>>[vector<16xi32>], vector<16xf32>,
        %add3A_182 = arith.constant 1 : i32
        %add3A_183 = vector.broadcast %add3A_182 : i32 to vector<16xi32>
        %add3A_184 = arith.addi %add3A_176, %add3A_183 : vector<16xi32>
        %add3A_185 = arith.constant 1 : i32
        %add3A_186 = vector.broadcast %add3A_185 : i32 to vector<16xi32>
        %add3A_187 = arith.addi %add3A_179, %add3A_186 : vector<16xi32>
        %gather3A_188 = tpu.vector_load_idx %arg13[%add3A_184] : memref<4020xf32, #tpu.memory_space<vmem>>[vector<16xi32>], vector<16xf32>,
        %mul3A_189 = arith.mulf %gather3A_133, %gather3A_188 : vector<16xf32>
        tpu.vector_store_idx %arg14[%add3A_187], %mul3A_189 {add = true} : memref<100000xf32, #tpu.memory_space<vmem>>[vector<16xi32>], vector<16xf32>,
        %add3A_190 = arith.constant 1 : i32
        %add3A_191 = vector.broadcast %add3A_190 : i32 to vector<16xi32>
        %add3A_192 = arith.addi %add3A_184, %add3A_191 : vector<16xi32>
        %add3A_193 = arith.constant 1 : i32
        %add3A_194 = vector.broadcast %add3A_193 : i32 to vector<16xi32>
        %add3A_195 = arith.addi %add3A_187, %add3A_194 : vector<16xi32>
        %gather3A_196 = tpu.vector_load_idx %arg13[%add3A_192] : memref<4020xf32, #tpu.memory_space<vmem>>[vector<16xi32>], vector<16xf32>,
        %mul3A_197 = arith.mulf %gather3A_133, %gather3A_196 : vector<16xf32>
        tpu.vector_store_idx %arg14[%add3A_195], %mul3A_197 {add = true} : memref<100000xf32, #tpu.memory_space<vmem>>[vector<16xi32>], vector<16xf32>,
        %add3A_198 = arith.constant 1 : i32
        %add3A_199 = vector.broadcast %add3A_198 : i32 to vector<16xi32>
        %add3A_200 = arith.addi %add3A_192, %add3A_199 : vector<16xi32>
        %add3A_201 = arith.constant 1 : i32
        %add3A_202 = vector.broadcast %add3A_201 : i32 to vector<16xi32>
        %add3A_203 = arith.addi %add3A_195, %add3A_202 : vector<16xi32>
        %gather3A_204 = tpu.vector_load_idx %arg13[%add3A_200] : memref<4020xf32, #tpu.memory_space<vmem>>[vector<16xi32>], vector<16xf32>,
        %mul3A_205 = arith.mulf %gather3A_133, %gather3A_204 : vector<16xf32>
        tpu.vector_store_idx %arg14[%add3A_203], %mul3A_205 {add = true} : memref<100000xf32, #tpu.memory_space<vmem>>[vector<16xi32>], vector<16xf32>,
        %add3A_206 = arith.constant 1 : i32
        %add3A_207 = vector.broadcast %add3A_206 : i32 to vector<16xi32>
        %add3A_208 = arith.addi %add3A_200, %add3A_207 : vector<16xi32>
        %add3A_209 = arith.constant 1 : i32
        %add3A_210 = vector.broadcast %add3A_209 : i32 to vector<16xi32>
        %add3A_211 = arith.addi %add3A_203, %add3A_210 : vector<16xi32>
        %gather3A_212 = tpu.vector_load_idx %arg13[%add3A_208] : memref<4020xf32, #tpu.memory_space<vmem>>[vector<16xi32>], vector<16xf32>,
        %mul3A_213 = arith.mulf %gather3A_133, %gather3A_212 : vector<16xf32>
        tpu.vector_store_idx %arg14[%add3A_211], %mul3A_213 {add = true} : memref<100000xf32, #tpu.memory_space<vmem>>[vector<16xi32>], vector<16xf32>,
        %add3A_214 = arith.constant 1 : i32
        %add3A_215 = vector.broadcast %add3A_214 : i32 to vector<16xi32>
        %add3A_216 = arith.addi %add3A_208, %add3A_215 : vector<16xi32>
        %add3A_217 = arith.constant 1 : i32
        %add3A_218 = vector.broadcast %add3A_217 : i32 to vector<16xi32>
        %add3A_219 = arith.addi %add3A_211, %add3A_218 : vector<16xi32>
        %add3A_220 = arith.constant 32 : i32
        %add3A_221 = arith.addi %multiple_of3A_23, %add3A_220 : i32
        %get3A_222 = arith.index_cast %add3A_221 : i32 to index
        %get3A_223 = tpu.vector_load %arg9[%get3A_222] {strides = array<i32>} : memref<2000xi32, #tpu.memory_space<vmem>>, vector<16xi32>,
        %get3A_224 = arith.index_cast %add3A_221 : i32 to index
        %get3A_225 = tpu.vector_load %arg10[%get3A_224] {strides = array<i32>} : memref<2000xi32, #tpu.memory_space<vmem>>, vector<16xi32>,
        %get3A_226 = arith.index_cast %add3A_221 : i32 to index
        %get3A_227 = tpu.vector_load %arg11[%get3A_226] {strides = array<i32>} : memref<2000xi32, #tpu.memory_space<vmem>>, vector<16xi32>,
        %mul3A_228 = arith.constant 32 : i32
        %mul3A_229 = vector.broadcast %mul3A_228 : i32 to vector<16xi32>
        %mul3A_230 = arith.muli %get3A_223, %mul3A_229 : vector<16xi32>
        %add3A_231 = arith.addi %mul3A_230, %get3A_225 : vector<16xi32>
        %gather3A_232 = tpu.vector_load_idx %arg12[%add3A_231] : memref<12864xf32, #tpu.memory_space<vmem>>[vector<16xi32>], vector<16xf32>,
        %mul3A_233 = arith.constant 10 : i32
        %mul3A_234 = vector.broadcast %mul3A_233 : i32 to vector<16xi32>
        %mul3A_235 = arith.muli %get3A_223, %mul3A_234 : vector<16xi32>
        %mul3A_236 = arith.constant 10 : i32
        %mul3A_237 = vector.broadcast %mul3A_236 : i32 to vector<16xi32>
        %mul3A_238 = arith.muli %get3A_227, %mul3A_237 : vector<16xi32>
        %gather3A_239 = tpu.vector_load_idx %arg13[%mul3A_235] : memref<4020xf32, #tpu.memory_space<vmem>>[vector<16xi32>], vector<16xf32>,
        %mul3A_240 = arith.mulf %gather3A_232, %gather3A_239 : vector<16xf32>
        tpu.vector_store_idx %arg14[%mul3A_238], %mul3A_240 {add = true} : memref<100000xf32, #tpu.memory_space<vmem>>[vector<16xi32>], vector<16xf32>,
        %add3A_241 = arith.constant 1 : i32
        %add3A_242 = vector.broadcast %add3A_241 : i32 to vector<16xi32>
        %add3A_243 = arith.addi %mul3A_235, %add3A_242 : vector<16xi32>
        %add3A_244 = arith.constant 1 : i32
        %add3A_245 = vector.broadcast %add3A_244 : i32 to vector<16xi32>
        %add3A_246 = arith.addi %mul3A_238, %add3A_245 : vector<16xi32>
        %gather3A_247 = tpu.vector_load_idx %arg13[%add3A_243] : memref<4020xf32, #tpu.memory_space<vmem>>[vector<16xi32>], vector<16xf32>,
        %mul3A_248 = arith.mulf %gather3A_232, %gather3A_247 : vector<16xf32>
        tpu.vector_store_idx %arg14[%add3A_246], %mul3A_248 {add = true} : memref<100000xf32, #tpu.memory_space<vmem>>[vector<16xi32>], vector<16xf32>,
        %add3A_249 = arith.constant 1 : i32
        %add3A_250 = vector.broadcast %add3A_249 : i32 to vector<16xi32>
        %add3A_251 = arith.addi %add3A_243, %add3A_250 : vector<16xi32>
        %add3A_252 = arith.constant 1 : i32
        %add3A_253 = vector.broadcast %add3A_252 : i32 to vector<16xi32>
        %add3A_254 = arith.addi %add3A_246, %add3A_253 : vector<16xi32>
        %gather3A_255 = tpu.vector_load_idx %arg13[%add3A_251] : memref<4020xf32, #tpu.memory_space<vmem>>[vector<16xi32>], vector<16xf32>,
        %mul3A_256 = arith.mulf %gather3A_232, %gather3A_255 : vector<16xf32>
        tpu.vector_store_idx %arg14[%add3A_254], %mul3A_256 {add = true} : memref<100000xf32, #tpu.memory_space<vmem>>[vector<16xi32>], vector<16xf32>,
        %add3A_257 = arith.constant 1 : i32
        %add3A_258 = vector.broadcast %add3A_257 : i32 to vector<16xi32>
        %add3A_259 = arith.addi %add3A_251, %add3A_258 : vector<16xi32>
        %add3A_260 = arith.constant 1 : i32
        %add3A_261 = vector.broadcast %add3A_260 : i32 to vector<16xi32>
        %add3A_262 = arith.addi %add3A_254, %add3A_261 : vector<16xi32>
        %gather3A_263 = tpu.vector_load_idx %arg13[%add3A_259] : memref<4020xf32, #tpu.memory_space<vmem>>[vector<16xi32>], vector<16xf32>,
        %mul3A_264 = arith.mulf %gather3A_232, %gather3A_263 : vector<16xf32>
        tpu.vector_store_idx %arg14[%add3A_262], %mul3A_264 {add = true} : memref<100000xf32, #tpu.memory_space<vmem>>[vector<16xi32>], vector<16xf32>,
        %add3A_265 = arith.constant 1 : i32
        %add3A_266 = vector.broadcast %add3A_265 : i32 to vector<16xi32>
        %add3A_267 = arith.addi %add3A_259, %add3A_266 : vector<16xi32>
        %add3A_268 = arith.constant 1 : i32
        %add3A_269 = vector.broadcast %add3A_268 : i32 to vector<16xi32>
        %add3A_270 = arith.addi %add3A_262, %add3A_269 : vector<16xi32>
        %gather3A_271 = tpu.vector_load_idx %arg13[%add3A_267] : memref<4020xf32, #tpu.memory_space<vmem>>[vector<16xi32>], vector<16xf32>,
        %mul3A_272 = arith.mulf %gather3A_232, %gather3A_271 : vector<16xf32>
        tpu.vector_store_idx %arg14[%add3A_270], %mul3A_272 {add = true} : memref<100000xf32, #tpu.memory_space<vmem>>[vector<16xi32>], vector<16xf32>,
        %add3A_273 = arith.constant 1 : i32
        %add3A_274 = vector.broadcast %add3A_273 : i32 to vector<16xi32>
        %add3A_275 = arith.addi %add3A_267, %add3A_274 : vector<16xi32>
        %add3A_276 = arith.constant 1 : i32
        %add3A_277 = vector.broadcast %add3A_276 : i32 to vector<16xi32>
        %add3A_278 = arith.addi %add3A_270, %add3A_277 : vector<16xi32>
        %gather3A_279 = tpu.vector_load_idx %arg13[%add3A_275] : memref<4020xf32, #tpu.memory_space<vmem>>[vector<16xi32>], vector<16xf32>,
        %mul3A_280 = arith.mulf %gather3A_232, %gather3A_279 : vector<16xf32>
        tpu.vector_store_idx %arg14[%add3A_278], %mul3A_280 {add = true} : memref<100000xf32, #tpu.memory_space<vmem>>[vector<16xi32>], vector<16xf32>,
        %add3A_281 = arith.constant 1 : i32
        %add3A_282 = vector.broadcast %add3A_281 : i32 to vector<16xi32>
        %add3A_283 = arith.addi %add3A_275, %add3A_282 : vector<16xi32>
        %add3A_284 = arith.constant 1 : i32
        %add3A_285 = vector.broadcast %add3A_284 : i32 to vector<16xi32>
        %add3A_286 = arith.addi %add3A_278, %add3A_285 : vector<16xi32>
        %gather3A_287 = tpu.vector_load_idx %arg13[%add3A_283] : memref<4020xf32, #tpu.memory_space<vmem>>[vector<16xi32>], vector<16xf32>,
        %mul3A_288 = arith.mulf %gather3A_232, %gather3A_287 : vector<16xf32>
        tpu.vector_store_idx %arg14[%add3A_286], %mul3A_288 {add = true} : memref<100000xf32, #tpu.memory_space<vmem>>[vector<16xi32>], vector<16xf32>,
        %add3A_289 = arith.constant 1 : i32
        %add3A_290 = vector.broadcast %add3A_289 : i32 to vector<16xi32>
        %add3A_291 = arith.addi %add3A_283, %add3A_290 : vector<16xi32>
        %add3A_292 = arith.constant 1 : i32
        %add3A_293 = vector.broadcast %add3A_292 : i32 to vector<16xi32>
        %add3A_294 = arith.addi %add3A_286, %add3A_293 : vector<16xi32>
        %gather3A_295 = tpu.vector_load_idx %arg13[%add3A_291] : memref<4020xf32, #tpu.memory_space<vmem>>[vector<16xi32>], vector<16xf32>,
        %mul3A_296 = arith.mulf %gather3A_232, %gather3A_295 : vector<16xf32>
        tpu.vector_store_idx %arg14[%add3A_294], %mul3A_296 {add = true} : memref<100000xf32, #tpu.memory_space<vmem>>[vector<16xi32>], vector<16xf32>,
        %add3A_297 = arith.constant 1 : i32
        %add3A_298 = vector.broadcast %add3A_297 : i32 to vector<16xi32>
        %add3A_299 = arith.addi %add3A_291, %add3A_298 : vector<16xi32>
        %add3A_300 = arith.constant 1 : i32
        %add3A_301 = vector.broadcast %add3A_300 : i32 to vector<16xi32>
        %add3A_302 = arith.addi %add3A_294, %add3A_301 : vector<16xi32>
        %gather3A_303 = tpu.vector_load_idx %arg13[%add3A_299] : memref<4020xf32, #tpu.memory_space<vmem>>[vector<16xi32>], vector<16xf32>,
        %mul3A_304 = arith.mulf %gather3A_232, %gather3A_303 : vector<16xf32>
        tpu.vector_store_idx %arg14[%add3A_302], %mul3A_304 {add = true} : memref<100000xf32, #tpu.memory_space<vmem>>[vector<16xi32>], vector<16xf32>,
        %add3A_305 = arith.constant 1 : i32
        %add3A_306 = vector.broadcast %add3A_305 : i32 to vector<16xi32>
        %add3A_307 = arith.addi %add3A_299, %add3A_306 : vector<16xi32>
        %add3A_308 = arith.constant 1 : i32
        %add3A_309 = vector.broadcast %add3A_308 : i32 to vector<16xi32>
        %add3A_310 = arith.addi %add3A_302, %add3A_309 : vector<16xi32>
        %gather3A_311 = tpu.vector_load_idx %arg13[%add3A_307] : memref<4020xf32, #tpu.memory_space<vmem>>[vector<16xi32>], vector<16xf32>,
        %mul3A_312 = arith.mulf %gather3A_232, %gather3A_311 : vector<16xf32>
        tpu.vector_store_idx %arg14[%add3A_310], %mul3A_312 {add = true} : memref<100000xf32, #tpu.memory_space<vmem>>[vector<16xi32>], vector<16xf32>,
        %add3A_313 = arith.constant 1 : i32
        %add3A_314 = vector.broadcast %add3A_313 : i32 to vector<16xi32>
        %add3A_315 = arith.addi %add3A_307, %add3A_314 : vector<16xi32>
        %add3A_316 = arith.constant 1 : i32
        %add3A_317 = vector.broadcast %add3A_316 : i32 to vector<16xi32>
        %add3A_318 = arith.addi %add3A_310, %add3A_317 : vector<16xi32>
        %add3A_319 = arith.constant 48 : i32
        %add3A_320 = arith.addi %multiple_of3A_23, %add3A_319 : i32
        %get3A_321 = arith.index_cast %add3A_320 : i32 to index
        %get3A_322 = tpu.vector_load %arg9[%get3A_321] {strides = array<i32>} : memref<2000xi32, #tpu.memory_space<vmem>>, vector<16xi32>,
        %get3A_323 = arith.index_cast %add3A_320 : i32 to index
        %get3A_324 = tpu.vector_load %arg10[%get3A_323] {strides = array<i32>} : memref<2000xi32, #tpu.memory_space<vmem>>, vector<16xi32>,
        %get3A_325 = arith.index_cast %add3A_320 : i32 to index
        %get3A_326 = tpu.vector_load %arg11[%get3A_325] {strides = array<i32>} : memref<2000xi32, #tpu.memory_space<vmem>>, vector<16xi32>,
        %mul3A_327 = arith.constant 32 : i32
        %mul3A_328 = vector.broadcast %mul3A_327 : i32 to vector<16xi32>
        %mul3A_329 = arith.muli %get3A_322, %mul3A_328 : vector<16xi32>
        %add3A_330 = arith.addi %mul3A_329, %get3A_324 : vector<16xi32>
        %gather3A_331 = tpu.vector_load_idx %arg12[%add3A_330] : memref<12864xf32, #tpu.memory_space<vmem>>[vector<16xi32>], vector<16xf32>,
        %mul3A_332 = arith.constant 10 : i32
        %mul3A_333 = vector.broadcast %mul3A_332 : i32 to vector<16xi32>
        %mul3A_334 = arith.muli %get3A_322, %mul3A_333 : vector<16xi32>
        %mul3A_335 = arith.constant 10 : i32
        %mul3A_336 = vector.broadcast %mul3A_335 : i32 to vector<16xi32>
        %mul3A_337 = arith.muli %get3A_326, %mul3A_336 : vector<16xi32>
        %gather3A_338 = tpu.vector_load_idx %arg13[%mul3A_334] : memref<4020xf32, #tpu.memory_space<vmem>>[vector<16xi32>], vector<16xf32>,
        %mul3A_339 = arith.mulf %gather3A_331, %gather3A_338 : vector<16xf32>
        tpu.vector_store_idx %arg14[%mul3A_337], %mul3A_339 {add = true} : memref<100000xf32, #tpu.memory_space<vmem>>[vector<16xi32>], vector<16xf32>,
        %add3A_340 = arith.constant 1 : i32
        %add3A_341 = vector.broadcast %add3A_340 : i32 to vector<16xi32>
        %add3A_342 = arith.addi %mul3A_334, %add3A_341 : vector<16xi32>
        %add3A_343 = arith.constant 1 : i32
        %add3A_344 = vector.broadcast %add3A_343 : i32 to vector<16xi32>
        %add3A_345 = arith.addi %mul3A_337, %add3A_344 : vector<16xi32>
        %gather3A_346 = tpu.vector_load_idx %arg13[%add3A_342] : memref<4020xf32, #tpu.memory_space<vmem>>[vector<16xi32>], vector<16xf32>,
        %mul3A_347 = arith.mulf %gather3A_331, %gather3A_346 : vector<16xf32>
        tpu.vector_store_idx %arg14[%add3A_345], %mul3A_347 {add = true} : memref<100000xf32, #tpu.memory_space<vmem>>[vector<16xi32>], vector<16xf32>,
        %add3A_348 = arith.constant 1 : i32
        %add3A_349 = vector.broadcast %add3A_348 : i32 to vector<16xi32>
        %add3A_350 = arith.addi %add3A_342, %add3A_349 : vector<16xi32>
        %add3A_351 = arith.constant 1 : i32
        %add3A_352 = vector.broadcast %add3A_351 : i32 to vector<16xi32>
        %add3A_353 = arith.addi %add3A_345, %add3A_352 : vector<16xi32>
        %gather3A_354 = tpu.vector_load_idx %arg13[%add3A_350] : memref<4020xf32, #tpu.memory_space<vmem>>[vector<16xi32>], vector<16xf32>,
        %mul3A_355 = arith.mulf %gather3A_331, %gather3A_354 : vector<16xf32>
        tpu.vector_store_idx %arg14[%add3A_353], %mul3A_355 {add = true} : memref<100000xf32, #tpu.memory_space<vmem>>[vector<16xi32>], vector<16xf32>,
        %add3A_356 = arith.constant 1 : i32
        %add3A_357 = vector.broadcast %add3A_356 : i32 to vector<16xi32>
        %add3A_358 = arith.addi %add3A_350, %add3A_357 : vector<16xi32>
        %add3A_359 = arith.constant 1 : i32
        %add3A_360 = vector.broadcast %add3A_359 : i32 to vector<16xi32>
        %add3A_361 = arith.addi %add3A_353, %add3A_360 : vector<16xi32>
        %gather3A_362 = tpu.vector_load_idx %arg13[%add3A_358] : memref<4020xf32, #tpu.memory_space<vmem>>[vector<16xi32>], vector<16xf32>,
        %mul3A_363 = arith.mulf %gather3A_331, %gather3A_362 : vector<16xf32>
        tpu.vector_store_idx %arg14[%add3A_361], %mul3A_363 {add = true} : memref<100000xf32, #tpu.memory_space<vmem>>[vector<16xi32>], vector<16xf32>,
        %add3A_364 = arith.constant 1 : i32
        %add3A_365 = vector.broadcast %add3A_364 : i32 to vector<16xi32>
        %add3A_366 = arith.addi %add3A_358, %add3A_365 : vector<16xi32>
        %add3A_367 = arith.constant 1 : i32
        %add3A_368 = vector.broadcast %add3A_367 : i32 to vector<16xi32>
        %add3A_369 = arith.addi %add3A_361, %add3A_368 : vector<16xi32>
        %gather3A_370 = tpu.vector_load_idx %arg13[%add3A_366] : memref<4020xf32, #tpu.memory_space<vmem>>[vector<16xi32>], vector<16xf32>,
        %mul3A_371 = arith.mulf %gather3A_331, %gather3A_370 : vector<16xf32>
        tpu.vector_store_idx %arg14[%add3A_369], %mul3A_371 {add = true} : memref<100000xf32, #tpu.memory_space<vmem>>[vector<16xi32>], vector<16xf32>,
        %add3A_372 = arith.constant 1 : i32
        %add3A_373 = vector.broadcast %add3A_372 : i32 to vector<16xi32>
        %add3A_374 = arith.addi %add3A_366, %add3A_373 : vector<16xi32>
        %add3A_375 = arith.constant 1 : i32
        %add3A_376 = vector.broadcast %add3A_375 : i32 to vector<16xi32>
        %add3A_377 = arith.addi %add3A_369, %add3A_376 : vector<16xi32>
        %gather3A_378 = tpu.vector_load_idx %arg13[%add3A_374] : memref<4020xf32, #tpu.memory_space<vmem>>[vector<16xi32>], vector<16xf32>,
        %mul3A_379 = arith.mulf %gather3A_331, %gather3A_378 : vector<16xf32>
        tpu.vector_store_idx %arg14[%add3A_377], %mul3A_379 {add = true} : memref<100000xf32, #tpu.memory_space<vmem>>[vector<16xi32>], vector<16xf32>,
        %add3A_380 = arith.constant 1 : i32
        %add3A_381 = vector.broadcast %add3A_380 : i32 to vector<16xi32>
        %add3A_382 = arith.addi %add3A_374, %add3A_381 : vector<16xi32>
        %add3A_383 = arith.constant 1 : i32
        %add3A_384 = vector.broadcast %add3A_383 : i32 to vector<16xi32>
        %add3A_385 = arith.addi %add3A_377, %add3A_384 : vector<16xi32>
        %gather3A_386 = tpu.vector_load_idx %arg13[%add3A_382] : memref<4020xf32, #tpu.memory_space<vmem>>[vector<16xi32>], vector<16xf32>,
        %mul3A_387 = arith.mulf %gather3A_331, %gather3A_386 : vector<16xf32>
        tpu.vector_store_idx %arg14[%add3A_385], %mul3A_387 {add = true} : memref<100000xf32, #tpu.memory_space<vmem>>[vector<16xi32>], vector<16xf32>,
        %add3A_388 = arith.constant 1 : i32
        %add3A_389 = vector.broadcast %add3A_388 : i32 to vector<16xi32>
        %add3A_390 = arith.addi %add3A_382, %add3A_389 : vector<16xi32>
        %add3A_391 = arith.constant 1 : i32
        %add3A_392 = vector.broadcast %add3A_391 : i32 to vector<16xi32>
        %add3A_393 = arith.addi %add3A_385, %add3A_392 : vector<16xi32>
        %gather3A_394 = tpu.vector_load_idx %arg13[%add3A_390] : memref<4020xf32, #tpu.memory_space<vmem>>[vector<16xi32>], vector<16xf32>,
        %mul3A_395 = arith.mulf %gather3A_331, %gather3A_394 : vector<16xf32>
        tpu.vector_store_idx %arg14[%add3A_393], %mul3A_395 {add = true} : memref<100000xf32, #tpu.memory_space<vmem>>[vector<16xi32>], vector<16xf32>,
        %add3A_396 = arith.constant 1 : i32
        %add3A_397 = vector.broadcast %add3A_396 : i32 to vector<16xi32>
        %add3A_398 = arith.addi %add3A_390, %add3A_397 : vector<16xi32>
        %add3A_399 = arith.constant 1 : i32
        %add3A_400 = vector.broadcast %add3A_399 : i32 to vector<16xi32>
        %add3A_401 = arith.addi %add3A_393, %add3A_400 : vector<16xi32>
        %gather3A_402 = tpu.vector_load_idx %arg13[%add3A_398] : memref<4020xf32, #tpu.memory_space<vmem>>[vector<16xi32>], vector<16xf32>,
        %mul3A_403 = arith.mulf %gather3A_331, %gather3A_402 : vector<16xf32>
        tpu.vector_store_idx %arg14[%add3A_401], %mul3A_403 {add = true} : memref<100000xf32, #tpu.memory_space<vmem>>[vector<16xi32>], vector<16xf32>,
        %add3A_404 = arith.constant 1 : i32
        %add3A_405 = vector.broadcast %add3A_404 : i32 to vector<16xi32>
        %add3A_406 = arith.addi %add3A_398, %add3A_405 : vector<16xi32>
        %add3A_407 = arith.constant 1 : i32
        %add3A_408 = vector.broadcast %add3A_407 : i32 to vector<16xi32>
        %add3A_409 = arith.addi %add3A_401, %add3A_408 : vector<16xi32>
        %gather3A_410 = tpu.vector_load_idx %arg13[%add3A_406] : memref<4020xf32, #tpu.memory_space<vmem>>[vector<16xi32>], vector<16xf32>,
        %mul3A_411 = arith.mulf %gather3A_331, %gather3A_410 : vector<16xf32>
        tpu.vector_store_idx %arg14[%add3A_409], %mul3A_411 {add = true} : memref<100000xf32, #tpu.memory_space<vmem>>[vector<16xi32>], vector<16xf32>,
        %add3A_412 = arith.constant 1 : i32
        %add3A_413 = vector.broadcast %add3A_412 : i32 to vector<16xi32>
        %add3A_414 = arith.addi %add3A_406, %add3A_413 : vector<16xi32>
        %add3A_415 = arith.constant 1 : i32
        %add3A_416 = vector.broadcast %add3A_415 : i32 to vector<16xi32>
        %add3A_417 = arith.addi %add3A_409, %add3A_416 : vector<16xi32>
        %add3A_418 = arith.constant 64 : i32
        %add3A_419 = arith.addi %multiple_of3A_23, %add3A_418 : i32
        %get3A_420 = arith.index_cast %add3A_419 : i32 to index
        %get3A_421 = tpu.vector_load %arg9[%get3A_420] {strides = array<i32>} : memref<2000xi32, #tpu.memory_space<vmem>>, vector<16xi32>,
        %get3A_422 = arith.index_cast %add3A_419 : i32 to index
        %get3A_423 = tpu.vector_load %arg10[%get3A_422] {strides = array<i32>} : memref<2000xi32, #tpu.memory_space<vmem>>, vector<16xi32>,
        %get3A_424 = arith.index_cast %add3A_419 : i32 to index
        %get3A_425 = tpu.vector_load %arg11[%get3A_424] {strides = array<i32>} : memref<2000xi32, #tpu.memory_space<vmem>>, vector<16xi32>,
        %mul3A_426 = arith.constant 32 : i32
        %mul3A_427 = vector.broadcast %mul3A_426 : i32 to vector<16xi32>
        %mul3A_428 = arith.muli %get3A_421, %mul3A_427 : vector<16xi32>
        %add3A_429 = arith.addi %mul3A_428, %get3A_423 : vector<16xi32>
        %gather3A_430 = tpu.vector_load_idx %arg12[%add3A_429] : memref<12864xf32, #tpu.memory_space<vmem>>[vector<16xi32>], vector<16xf32>,
        %mul3A_431 = arith.constant 10 : i32
        %mul3A_432 = vector.broadcast %mul3A_431 : i32 to vector<16xi32>
        %mul3A_433 = arith.muli %get3A_421, %mul3A_432 : vector<16xi32>
        %mul3A_434 = arith.constant 10 : i32
        %mul3A_435 = vector.broadcast %mul3A_434 : i32 to vector<16xi32>
        %mul3A_436 = arith.muli %get3A_425, %mul3A_435 : vector<16xi32>
        %gather3A_437 = tpu.vector_load_idx %arg13[%mul3A_433] : memref<4020xf32, #tpu.memory_space<vmem>>[vector<16xi32>], vector<16xf32>,
        %mul3A_438 = arith.mulf %gather3A_430, %gather3A_437 : vector<16xf32>
        tpu.vector_store_idx %arg14[%mul3A_436], %mul3A_438 {add = true} : memref<100000xf32, #tpu.memory_space<vmem>>[vector<16xi32>], vector<16xf32>,
        %add3A_439 = arith.constant 1 : i32
        %add3A_440 = vector.broadcast %add3A_439 : i32 to vector<16xi32>
        %add3A_441 = arith.addi %mul3A_433, %add3A_440 : vector<16xi32>
        %add3A_442 = arith.constant 1 : i32
        %add3A_443 = vector.broadcast %add3A_442 : i32 to vector<16xi32>
        %add3A_444 = arith.addi %mul3A_436, %add3A_443 : vector<16xi32>
        %gather3A_445 = tpu.vector_load_idx %arg13[%add3A_441] : memref<4020xf32, #tpu.memory_space<vmem>>[vector<16xi32>], vector<16xf32>,
        %mul3A_446 = arith.mulf %gather3A_430, %gather3A_445 : vector<16xf32>
        tpu.vector_store_idx %arg14[%add3A_444], %mul3A_446 {add = true} : memref<100000xf32, #tpu.memory_space<vmem>>[vector<16xi32>], vector<16xf32>,
        %add3A_447 = arith.constant 1 : i32
        %add3A_448 = vector.broadcast %add3A_447 : i32 to vector<16xi32>
        %add3A_449 = arith.addi %add3A_441, %add3A_448 : vector<16xi32>
        %add3A_450 = arith.constant 1 : i32
        %add3A_451 = vector.broadcast %add3A_450 : i32 to vector<16xi32>
        %add3A_452 = arith.addi %add3A_444, %add3A_451 : vector<16xi32>
        %gather3A_453 = tpu.vector_load_idx %arg13[%add3A_449] : memref<4020xf32, #tpu.memory_space<vmem>>[vector<16xi32>], vector<16xf32>,
        %mul3A_454 = arith.mulf %gather3A_430, %gather3A_453 : vector<16xf32>
        tpu.vector_store_idx %arg14[%add3A_452], %mul3A_454 {add = true} : memref<100000xf32, #tpu.memory_space<vmem>>[vector<16xi32>], vector<16xf32>,
        %add3A_455 = arith.constant 1 : i32
        %add3A_456 = vector.broadcast %add3A_455 : i32 to vector<16xi32>
        %add3A_457 = arith.addi %add3A_449, %add3A_456 : vector<16xi32>
        %add3A_458 = arith.constant 1 : i32
        %add3A_459 = vector.broadcast %add3A_458 : i32 to vector<16xi32>
        %add3A_460 = arith.addi %add3A_452, %add3A_459 : vector<16xi32>
        %gather3A_461 = tpu.vector_load_idx %arg13[%add3A_457] : memref<4020xf32, #tpu.memory_space<vmem>>[vector<16xi32>], vector<16xf32>,
        %mul3A_462 = arith.mulf %gather3A_430, %gather3A_461 : vector<16xf32>
        tpu.vector_store_idx %arg14[%add3A_460], %mul3A_462 {add = true} : memref<100000xf32, #tpu.memory_space<vmem>>[vector<16xi32>], vector<16xf32>,
        %add3A_463 = arith.constant 1 : i32
        %add3A_464 = vector.broadcast %add3A_463 : i32 to vector<16xi32>
        %add3A_465 = arith.addi %add3A_457, %add3A_464 : vector<16xi32>
        %add3A_466 = arith.constant 1 : i32
        %add3A_467 = vector.broadcast %add3A_466 : i32 to vector<16xi32>
        %add3A_468 = arith.addi %add3A_460, %add3A_467 : vector<16xi32>
        %gather3A_469 = tpu.vector_load_idx %arg13[%add3A_465] : memref<4020xf32, #tpu.memory_space<vmem>>[vector<16xi32>], vector<16xf32>,
        %mul3A_470 = arith.mulf %gather3A_430, %gather3A_469 : vector<16xf32>
        tpu.vector_store_idx %arg14[%add3A_468], %mul3A_470 {add = true} : memref<100000xf32, #tpu.memory_space<vmem>>[vector<16xi32>], vector<16xf32>,
        %add3A_471 = arith.constant 1 : i32
        %add3A_472 = vector.broadcast %add3A_471 : i32 to vector<16xi32>
        %add3A_473 = arith.addi %add3A_465, %add3A_472 : vector<16xi32>
        %add3A_474 = arith.constant 1 : i32
        %add3A_475 = vector.broadcast %add3A_474 : i32 to vector<16xi32>
        %add3A_476 = arith.addi %add3A_468, %add3A_475 : vector<16xi32>
        %gather3A_477 = tpu.vector_load_idx %arg13[%add3A_473] : memref<4020xf32, #tpu.memory_space<vmem>>[vector<16xi32>], vector<16xf32>,
        %mul3A_478 = arith.mulf %gather3A_430, %gather3A_477 : vector<16xf32>
        tpu.vector_store_idx %arg14[%add3A_476], %mul3A_478 {add = true} : memref<100000xf32, #tpu.memory_space<vmem>>[vector<16xi32>], vector<16xf32>,
        %add3A_479 = arith.constant 1 : i32
        %add3A_480 = vector.broadcast %add3A_479 : i32 to vector<16xi32>
        %add3A_481 = arith.addi %add3A_473, %add3A_480 : vector<16xi32>
        %add3A_482 = arith.constant 1 : i32
        %add3A_483 = vector.broadcast %add3A_482 : i32 to vector<16xi32>
        %add3A_484 = arith.addi %add3A_476, %add3A_483 : vector<16xi32>
        %gather3A_485 = tpu.vector_load_idx %arg13[%add3A_481] : memref<4020xf32, #tpu.memory_space<vmem>>[vector<16xi32>], vector<16xf32>,
        %mul3A_486 = arith.mulf %gather3A_430, %gather3A_485 : vector<16xf32>
        tpu.vector_store_idx %arg14[%add3A_484], %mul3A_486 {add = true} : memref<100000xf32, #tpu.memory_space<vmem>>[vector<16xi32>], vector<16xf32>,
        %add3A_487 = arith.constant 1 : i32
        %add3A_488 = vector.broadcast %add3A_487 : i32 to vector<16xi32>
        %add3A_489 = arith.addi %add3A_481, %add3A_488 : vector<16xi32>
        %add3A_490 = arith.constant 1 : i32
        %add3A_491 = vector.broadcast %add3A_490 : i32 to vector<16xi32>
        %add3A_492 = arith.addi %add3A_484, %add3A_491 : vector<16xi32>
        %gather3A_493 = tpu.vector_load_idx %arg13[%add3A_489] : memref<4020xf32, #tpu.memory_space<vmem>>[vector<16xi32>], vector<16xf32>,
        %mul3A_494 = arith.mulf %gather3A_430, %gather3A_493 : vector<16xf32>
        tpu.vector_store_idx %arg14[%add3A_492], %mul3A_494 {add = true} : memref<100000xf32, #tpu.memory_space<vmem>>[vector<16xi32>], vector<16xf32>,
        %add3A_495 = arith.constant 1 : i32
        %add3A_496 = vector.broadcast %add3A_495 : i32 to vector<16xi32>
        %add3A_497 = arith.addi %add3A_489, %add3A_496 : vector<16xi32>
        %add3A_498 = arith.constant 1 : i32
        %add3A_499 = vector.broadcast %add3A_498 : i32 to vector<16xi32>
        %add3A_500 = arith.addi %add3A_492, %add3A_499 : vector<16xi32>
        %gather3A_501 = tpu.vector_load_idx %arg13[%add3A_497] : memref<4020xf32, #tpu.memory_space<vmem>>[vector<16xi32>], vector<16xf32>,
        %mul3A_502 = arith.mulf %gather3A_430, %gather3A_501 : vector<16xf32>
        tpu.vector_store_idx %arg14[%add3A_500], %mul3A_502 {add = true} : memref<100000xf32, #tpu.memory_space<vmem>>[vector<16xi32>], vector<16xf32>,
        %add3A_503 = arith.constant 1 : i32
        %add3A_504 = vector.broadcast %add3A_503 : i32 to vector<16xi32>
        %add3A_505 = arith.addi %add3A_497, %add3A_504 : vector<16xi32>
        %add3A_506 = arith.constant 1 : i32
        %add3A_507 = vector.broadcast %add3A_506 : i32 to vector<16xi32>
        %add3A_508 = arith.addi %add3A_500, %add3A_507 : vector<16xi32>
        %gather3A_509 = tpu.vector_load_idx %arg13[%add3A_505] : memref<4020xf32, #tpu.memory_space<vmem>>[vector<16xi32>], vector<16xf32>,
        %mul3A_510 = arith.mulf %gather3A_430, %gather3A_509 : vector<16xf32>
        tpu.vector_store_idx %arg14[%add3A_508], %mul3A_510 {add = true} : memref<100000xf32, #tpu.memory_space<vmem>>[vector<16xi32>], vector<16xf32>,
        %add3A_511 = arith.constant 1 : i32
        %add3A_512 = vector.broadcast %add3A_511 : i32 to vector<16xi32>
        %add3A_513 = arith.addi %add3A_505, %add3A_512 : vector<16xi32>
        %add3A_514 = arith.constant 1 : i32
        %add3A_515 = vector.broadcast %add3A_514 : i32 to vector<16xi32>
        %add3A_516 = arith.addi %add3A_508, %add3A_515 : vector<16xi32>
      }
      %scan3A_19 = arith.constant 25 : i32
    }
    %scan3A_7 = arith.constant 5 : i32
    "tpu.region"() ({
      %run_scoped3A = tpu.sem_alloc : memref<!tpu.dma_semaphore, #tpu.memory_space<semaphore_mem>>
      %dma_start3A = arith.constant 0 : i32
      %dma_start3A_8 = tpu.memref_slice %arg8[%add3A, %dma_start3A] : memref<32x100000xf32, #tpu.memory_space<hbm>> -> memref<1x100000xf32, #tpu.memory_space<hbm>>
      %dma_start3A_9 = tpu.memref_squeeze %dma_start3A_8 : memref<1x100000xf32, #tpu.memory_space<hbm>> -> memref<100000xf32, #tpu.memory_space<hbm>>
      %dma_start3A_10 = arith.constant 0 : i32
      %dma_start3A_11 = tpu.memref_slice %arg8[%add3A, %dma_start3A_10] : memref<32x100000xf32, #tpu.memory_space<hbm>> -> memref<1x100000xf32, #tpu.memory_space<hbm>>
      %dma_start3A_12 = tpu.memref_squeeze %dma_start3A_11 : memref<1x100000xf32, #tpu.memory_space<hbm>> -> memref<100000xf32, #tpu.memory_space<hbm>>
      tpu.enqueue_dma source(%arg14 : memref<100000xf32, #tpu.memory_space<vmem>>) target(%dma_start3A_12 : memref<100000xf32, #tpu.memory_space<hbm>>) target_semaphore(%run_scoped3A : memref<!tpu.dma_semaphore, #tpu.memory_space<semaphore_mem>>)
      %dma_wait3A = arith.constant 0 : i32
      %dma_wait3A_13 = tpu.memref_slice %arg8[%add3A, %dma_wait3A] : memref<32x100000xf32, #tpu.memory_space<hbm>> -> memref<1x100000xf32, #tpu.memory_space<hbm>>
      %dma_wait3A_14 = tpu.memref_squeeze %dma_wait3A_13 : memref<1x100000xf32, #tpu.memory_space<hbm>> -> memref<100000xf32, #tpu.memory_space<hbm>>
      %dma_wait3A_15 = arith.constant 0 : i32
      %dma_wait3A_16 = tpu.memref_slice %arg8[%add3A, %dma_wait3A_15] : memref<32x100000xf32, #tpu.memory_space<hbm>> -> memref<1x100000xf32, #tpu.memory_space<hbm>>
      %dma_wait3A_17 = tpu.memref_squeeze %dma_wait3A_16 : memref<1x100000xf32, #tpu.memory_space<hbm>> -> memref<100000xf32, #tpu.memory_space<hbm>>
      tpu.wait_dma2 semaphore(%run_scoped3A : memref<!tpu.dma_semaphore, #tpu.memory_space<semaphore_mem>>) src(%arg14 : memref<100000xf32, #tpu.memory_space<vmem>>) dst(%dma_wait3A_17 : memref<100000xf32, #tpu.memory_space<hbm>>)
      tpu.yield
    }) : () -> ()
    return
  }
}

module attributes {stable_mosaic.version = 14 : i64} {
  func.func @_prep_tables_body(%arg0: memref<402x20xf32, #tpu.memory_space<vmem>>, %arg1: memref<32xi32, #tpu.memory_space<vmem>>, %arg2: memref<30x60xf32, #tpu.memory_space<vmem>>, %arg3: memref<1x30xf32, #tpu.memory_space<vmem>>, %arg4: memref<402x30xf32, #tpu.memory_space<vmem>>, %arg5: memref<32x30xf32, #tpu.memory_space<vmem>>, %arg6: memref<12864x1xf32, #tpu.memory_space<vmem>>) attributes {dimension_semantics = [], scalar_prefetch = 0 : i64, scratch_operands = 0 : i64, tpu.core_type = #tpu.core_type<tc>} {
    %get3A = arith.constant 0 : index
    %get3A_0 = arith.constant 0 : index
    %get3A_1 = vector.load %arg0[%get3A, %get3A_0] : memref<402x20xf32, #tpu.memory_space<vmem>>, vector<402x20xf32>
    %get3A_2 = arith.constant 0 : index
    %get3A_3 = arith.constant 0 : index
    %get3A_4 = vector.load %arg2[%get3A_2, %get3A_3] : memref<30x60xf32, #tpu.memory_space<vmem>>, vector<30x60xf32>
    %get3A_5 = arith.constant 0 : index
    %get3A_6 = arith.constant 0 : index
    %get3A_7 = vector.load %arg3[%get3A_5, %get3A_6] : memref<1x30xf32, #tpu.memory_space<vmem>>, vector<1x30xf32>
    %slice3A = vector.extract_strided_slice %get3A_4 {offsets = [0, 20], sizes = [30, 20], strides = [1, 1]} : vector<30x60xf32> to vector<30x20xf32>
    %transpose3A = tpu.transpose %slice3A, [1, 0] : vector<30x20xf32> -> vector<20x30xf32>
    %dot_general3A = arith.constant dense<0.000000e+00> : vector<402x30xf32>
    %dot_general3A_8 = tpu.matmul %get3A_1, %transpose3A, %dot_general3A {dimension_numbers = #tpu.dot_dimension_numbers<[1], [0], [0], [1], [0, 0, 1, 1], [], []>, transpose_lhs_hint = false} : vector<402x20xf32>, vector<20x30xf32>, vector<402x30xf32> -> vector<402x30xf32>
    %swap3A = arith.constant 0 : index
    %swap3A_9 = arith.constant 0 : index
    %swap3A_10 = vector.load %arg4[%swap3A, %swap3A_9] : memref<402x30xf32, #tpu.memory_space<vmem>>, vector<402x30xf32>
    tpu.vector_store %arg4[%swap3A, %swap3A_9], %dot_general3A_8 {strides = array<i32>} : memref<402x30xf32, #tpu.memory_space<vmem>>, vector<402x30xf32>,
    %iota3A = tpu.iota {dimensions = array<i32: 1>} : vector<32x402xi32>
    %get3A_11 = arith.constant 0 : index
    %get3A_12 = vector.load %arg1[%get3A_11] : memref<32xi32, #tpu.memory_space<vmem>>, vector<32xi32>
    %broadcast_in_dim3A = vector.shape_cast %get3A_12 : vector<32xi32> to vector<32x1xi32>
    %eq3A = vector.broadcast %broadcast_in_dim3A : vector<32x1xi32> to vector<32x402xi32>
    %eq3A_13 = arith.cmpi eq, %iota3A, %eq3A : vector<32x402xi32>
    %convert_element_type3A = arith.extui %eq3A_13 : vector<32x402xi1> to vector<32x402xi32>
    %convert_element_type3A_14 = arith.sitofp %convert_element_type3A : vector<32x402xi32> to vector<32x402xf32>
    %dot_general3A_15 = arith.constant dense<0.000000e+00> : vector<32x20xf32>
    %dot_general3A_16 = tpu.matmul %convert_element_type3A_14, %get3A_1, %dot_general3A_15 {dimension_numbers = #tpu.dot_dimension_numbers<[1], [0], [0], [1], [0, 0, 1, 1], [], []>, transpose_lhs_hint = false} : vector<32x402xf32>, vector<402x20xf32>, vector<32x20xf32> -> vector<32x20xf32>
    %slice3A_17 = vector.extract_strided_slice %get3A_4 {offsets = [0, 40], sizes = [30, 20], strides = [1, 1]} : vector<30x60xf32> to vector<30x20xf32>
    %transpose3A_18 = tpu.transpose %slice3A_17, [1, 0] : vector<30x20xf32> -> vector<20x30xf32>
    %dot_general3A_19 = arith.constant dense<0.000000e+00> : vector<32x30xf32>
    %dot_general3A_20 = tpu.matmul %dot_general3A_16, %transpose3A_18, %dot_general3A_19 {dimension_numbers = #tpu.dot_dimension_numbers<[1], [0], [0], [1], [0, 0, 1, 1], [], []>, transpose_lhs_hint = false} : vector<32x20xf32>, vector<20x30xf32>, vector<32x30xf32> -> vector<32x30xf32>
    %swap3A_21 = arith.constant 0 : index
    %swap3A_22 = arith.constant 0 : index
    %swap3A_23 = vector.load %arg5[%swap3A_21, %swap3A_22] : memref<32x30xf32, #tpu.memory_space<vmem>>, vector<32x30xf32>
    tpu.vector_store %arg5[%swap3A_21, %swap3A_22], %dot_general3A_20 {strides = array<i32>} : memref<32x30xf32, #tpu.memory_space<vmem>>, vector<32x30xf32>,
    %broadcast_in_dim3A_24 = vector.shape_cast %dot_general3A_8 : vector<402x30xf32> to vector<402x1x30xf32>
    %broadcast_in_dim3A_25 = vector.shape_cast %dot_general3A_20 : vector<32x30xf32> to vector<1x32x30xf32>
    %add3A = vector.broadcast %broadcast_in_dim3A_24 : vector<402x1x30xf32> to vector<402x32x30xf32>
    %add3A_26 = vector.broadcast %broadcast_in_dim3A_25 : vector<1x32x30xf32> to vector<402x32x30xf32>
    %add3A_27 = arith.addf %add3A, %add3A_26 : vector<402x32x30xf32>
    %reshape3A = vector.shape_cast %add3A_27 : vector<402x32x30xf32> to vector<12864x30xf32>
    %max3A = arith.constant 0.000000e+00 : f32
    %max3A_28 = vector.broadcast %max3A : f32 to vector<12864x30xf32>
    %max3A_29 = arith.maximumf %reshape3A, %max3A_28 : vector<12864x30xf32>
    %transpose3A_30 = tpu.transpose %get3A_7, [1, 0] : vector<1x30xf32> -> vector<30x1xf32>
    %dot_general3A_31 = arith.constant dense<0.000000e+00> : vector<12864x1xf32>
    %dot_general3A_32 = tpu.matmul %max3A_29, %transpose3A_30, %dot_general3A_31 {dimension_numbers = #tpu.dot_dimension_numbers<[1], [0], [0], [1], [0, 0, 1, 1], [], []>, transpose_lhs_hint = false} : vector<12864x30xf32>, vector<30x1xf32>, vector<12864x1xf32> -> vector<12864x1xf32>
    %logistic3A = arith.negf %dot_general3A_32 : vector<12864x1xf32>
    %logistic3A_33 = math.exp %logistic3A : vector<12864x1xf32>
    %logistic3A_34 = arith.constant 1.000000e+00 : f32
    %logistic3A_35 = vector.broadcast %logistic3A_34 : f32 to vector<12864x1xf32>
    %logistic3A_36 = arith.addf %logistic3A_35, %logistic3A_33 : vector<12864x1xf32>
    %logistic3A_37 = arith.divf %logistic3A_35, %logistic3A_36 : vector<12864x1xf32>
    %swap3A_38 = arith.constant 0 : index
    %swap3A_39 = arith.constant 0 : index
    %swap3A_40 = vector.load %arg6[%swap3A_38, %swap3A_39] : memref<12864x1xf32, #tpu.memory_space<vmem>>, vector<12864x1xf32>
    tpu.vector_store %arg6[%swap3A_38, %swap3A_39], %logistic3A_37 {strides = array<i32>} : memref<12864x1xf32, #tpu.memory_space<vmem>>, vector<12864x1xf32>,
    return
  }
}

module attributes {stable_mosaic.version = 14 : i64} {
  func.func @_merge_body(%arg0: memref<32x100000xf32, #tpu.memory_space<vmem>>, %arg1: memref<100000xf32, #tpu.memory_space<vmem>>) attributes {dimension_semantics = [], scalar_prefetch = 0 : i64, scratch_operands = 0 : i64, tpu.core_type = #tpu.core_type<tc>} {
    %get3A = arith.constant 0 : index
    %get3A_0 = arith.constant 0 : index
    %get3A_1 = vector.load %arg0[%get3A, %get3A_0] : memref<32x100000xf32, #tpu.memory_space<vmem>>, vector<1x100000xf32>
    %get3A_2 = vector.shape_cast %get3A_1 : vector<1x100000xf32> to vector<100000xf32>
    %get3A_3 = arith.constant 1 : index
    %get3A_4 = arith.constant 0 : index
    %get3A_5 = vector.load %arg0[%get3A_3, %get3A_4] : memref<32x100000xf32, #tpu.memory_space<vmem>>, vector<1x100000xf32>
    %get3A_6 = vector.shape_cast %get3A_5 : vector<1x100000xf32> to vector<100000xf32>
    %add3A = arith.addf %get3A_2, %get3A_6 : vector<100000xf32>
    %get3A_7 = arith.constant 2 : index
    %get3A_8 = arith.constant 0 : index
    %get3A_9 = vector.load %arg0[%get3A_7, %get3A_8] : memref<32x100000xf32, #tpu.memory_space<vmem>>, vector<1x100000xf32>
    %get3A_10 = vector.shape_cast %get3A_9 : vector<1x100000xf32> to vector<100000xf32>
    %add3A_11 = arith.addf %add3A, %get3A_10 : vector<100000xf32>
    %get3A_12 = arith.constant 3 : index
    %get3A_13 = arith.constant 0 : index
    %get3A_14 = vector.load %arg0[%get3A_12, %get3A_13] : memref<32x100000xf32, #tpu.memory_space<vmem>>, vector<1x100000xf32>
    %get3A_15 = vector.shape_cast %get3A_14 : vector<1x100000xf32> to vector<100000xf32>
    %add3A_16 = arith.addf %add3A_11, %get3A_15 : vector<100000xf32>
    %get3A_17 = arith.constant 4 : index
    %get3A_18 = arith.constant 0 : index
    %get3A_19 = vector.load %arg0[%get3A_17, %get3A_18] : memref<32x100000xf32, #tpu.memory_space<vmem>>, vector<1x100000xf32>
    %get3A_20 = vector.shape_cast %get3A_19 : vector<1x100000xf32> to vector<100000xf32>
    %add3A_21 = arith.addf %add3A_16, %get3A_20 : vector<100000xf32>
    %get3A_22 = arith.constant 5 : index
    %get3A_23 = arith.constant 0 : index
    %get3A_24 = vector.load %arg0[%get3A_22, %get3A_23] : memref<32x100000xf32, #tpu.memory_space<vmem>>, vector<1x100000xf32>
    %get3A_25 = vector.shape_cast %get3A_24 : vector<1x100000xf32> to vector<100000xf32>
    %add3A_26 = arith.addf %add3A_21, %get3A_25 : vector<100000xf32>
    %get3A_27 = arith.constant 6 : index
    %get3A_28 = arith.constant 0 : index
    %get3A_29 = vector.load %arg0[%get3A_27, %get3A_28] : memref<32x100000xf32, #tpu.memory_space<vmem>>, vector<1x100000xf32>
    %get3A_30 = vector.shape_cast %get3A_29 : vector<1x100000xf32> to vector<100000xf32>
    %add3A_31 = arith.addf %add3A_26, %get3A_30 : vector<100000xf32>
    %get3A_32 = arith.constant 7 : index
    %get3A_33 = arith.constant 0 : index
    %get3A_34 = vector.load %arg0[%get3A_32, %get3A_33] : memref<32x100000xf32, #tpu.memory_space<vmem>>, vector<1x100000xf32>
    %get3A_35 = vector.shape_cast %get3A_34 : vector<1x100000xf32> to vector<100000xf32>
    %add3A_36 = arith.addf %add3A_31, %get3A_35 : vector<100000xf32>
    %get3A_37 = arith.constant 8 : index
    %get3A_38 = arith.constant 0 : index
    %get3A_39 = vector.load %arg0[%get3A_37, %get3A_38] : memref<32x100000xf32, #tpu.memory_space<vmem>>, vector<1x100000xf32>
    %get3A_40 = vector.shape_cast %get3A_39 : vector<1x100000xf32> to vector<100000xf32>
    %add3A_41 = arith.addf %add3A_36, %get3A_40 : vector<100000xf32>
    %get3A_42 = arith.constant 9 : index
    %get3A_43 = arith.constant 0 : index
    %get3A_44 = vector.load %arg0[%get3A_42, %get3A_43] : memref<32x100000xf32, #tpu.memory_space<vmem>>, vector<1x100000xf32>
    %get3A_45 = vector.shape_cast %get3A_44 : vector<1x100000xf32> to vector<100000xf32>
    %add3A_46 = arith.addf %add3A_41, %get3A_45 : vector<100000xf32>
    %get3A_47 = arith.constant 10 : index
    %get3A_48 = arith.constant 0 : index
    %get3A_49 = vector.load %arg0[%get3A_47, %get3A_48] : memref<32x100000xf32, #tpu.memory_space<vmem>>, vector<1x100000xf32>
    %get3A_50 = vector.shape_cast %get3A_49 : vector<1x100000xf32> to vector<100000xf32>
    %add3A_51 = arith.addf %add3A_46, %get3A_50 : vector<100000xf32>
    %get3A_52 = arith.constant 11 : index
    %get3A_53 = arith.constant 0 : index
    %get3A_54 = vector.load %arg0[%get3A_52, %get3A_53] : memref<32x100000xf32, #tpu.memory_space<vmem>>, vector<1x100000xf32>
    %get3A_55 = vector.shape_cast %get3A_54 : vector<1x100000xf32> to vector<100000xf32>
    %add3A_56 = arith.addf %add3A_51, %get3A_55 : vector<100000xf32>
    %get3A_57 = arith.constant 12 : index
    %get3A_58 = arith.constant 0 : index
    %get3A_59 = vector.load %arg0[%get3A_57, %get3A_58] : memref<32x100000xf32, #tpu.memory_space<vmem>>, vector<1x100000xf32>
    %get3A_60 = vector.shape_cast %get3A_59 : vector<1x100000xf32> to vector<100000xf32>
    %add3A_61 = arith.addf %add3A_56, %get3A_60 : vector<100000xf32>
    %get3A_62 = arith.constant 13 : index
    %get3A_63 = arith.constant 0 : index
    %get3A_64 = vector.load %arg0[%get3A_62, %get3A_63] : memref<32x100000xf32, #tpu.memory_space<vmem>>, vector<1x100000xf32>
    %get3A_65 = vector.shape_cast %get3A_64 : vector<1x100000xf32> to vector<100000xf32>
    %add3A_66 = arith.addf %add3A_61, %get3A_65 : vector<100000xf32>
    %get3A_67 = arith.constant 14 : index
    %get3A_68 = arith.constant 0 : index
    %get3A_69 = vector.load %arg0[%get3A_67, %get3A_68] : memref<32x100000xf32, #tpu.memory_space<vmem>>, vector<1x100000xf32>
    %get3A_70 = vector.shape_cast %get3A_69 : vector<1x100000xf32> to vector<100000xf32>
    %add3A_71 = arith.addf %add3A_66, %get3A_70 : vector<100000xf32>
    %get3A_72 = arith.constant 15 : index
    %get3A_73 = arith.constant 0 : index
    %get3A_74 = vector.load %arg0[%get3A_72, %get3A_73] : memref<32x100000xf32, #tpu.memory_space<vmem>>, vector<1x100000xf32>
    %get3A_75 = vector.shape_cast %get3A_74 : vector<1x100000xf32> to vector<100000xf32>
    %add3A_76 = arith.addf %add3A_71, %get3A_75 : vector<100000xf32>
    %get3A_77 = arith.constant 16 : index
    %get3A_78 = arith.constant 0 : index
    %get3A_79 = vector.load %arg0[%get3A_77, %get3A_78] : memref<32x100000xf32, #tpu.memory_space<vmem>>, vector<1x100000xf32>
    %get3A_80 = vector.shape_cast %get3A_79 : vector<1x100000xf32> to vector<100000xf32>
    %add3A_81 = arith.addf %add3A_76, %get3A_80 : vector<100000xf32>
    %get3A_82 = arith.constant 17 : index
    %get3A_83 = arith.constant 0 : index
    %get3A_84 = vector.load %arg0[%get3A_82, %get3A_83] : memref<32x100000xf32, #tpu.memory_space<vmem>>, vector<1x100000xf32>
    %get3A_85 = vector.shape_cast %get3A_84 : vector<1x100000xf32> to vector<100000xf32>
    %add3A_86 = arith.addf %add3A_81, %get3A_85 : vector<100000xf32>
    %get3A_87 = arith.constant 18 : index
    %get3A_88 = arith.constant 0 : index
    %get3A_89 = vector.load %arg0[%get3A_87, %get3A_88] : memref<32x100000xf32, #tpu.memory_space<vmem>>, vector<1x100000xf32>
    %get3A_90 = vector.shape_cast %get3A_89 : vector<1x100000xf32> to vector<100000xf32>
    %add3A_91 = arith.addf %add3A_86, %get3A_90 : vector<100000xf32>
    %get3A_92 = arith.constant 19 : index
    %get3A_93 = arith.constant 0 : index
    %get3A_94 = vector.load %arg0[%get3A_92, %get3A_93] : memref<32x100000xf32, #tpu.memory_space<vmem>>, vector<1x100000xf32>
    %get3A_95 = vector.shape_cast %get3A_94 : vector<1x100000xf32> to vector<100000xf32>
    %add3A_96 = arith.addf %add3A_91, %get3A_95 : vector<100000xf32>
    %get3A_97 = arith.constant 20 : index
    %get3A_98 = arith.constant 0 : index
    %get3A_99 = vector.load %arg0[%get3A_97, %get3A_98] : memref<32x100000xf32, #tpu.memory_space<vmem>>, vector<1x100000xf32>
    %get3A_100 = vector.shape_cast %get3A_99 : vector<1x100000xf32> to vector<100000xf32>
    %add3A_101 = arith.addf %add3A_96, %get3A_100 : vector<100000xf32>
    %get3A_102 = arith.constant 21 : index
    %get3A_103 = arith.constant 0 : index
    %get3A_104 = vector.load %arg0[%get3A_102, %get3A_103] : memref<32x100000xf32, #tpu.memory_space<vmem>>, vector<1x100000xf32>
    %get3A_105 = vector.shape_cast %get3A_104 : vector<1x100000xf32> to vector<100000xf32>
    %add3A_106 = arith.addf %add3A_101, %get3A_105 : vector<100000xf32>
    %get3A_107 = arith.constant 22 : index
    %get3A_108 = arith.constant 0 : index
    %get3A_109 = vector.load %arg0[%get3A_107, %get3A_108] : memref<32x100000xf32, #tpu.memory_space<vmem>>, vector<1x100000xf32>
    %get3A_110 = vector.shape_cast %get3A_109 : vector<1x100000xf32> to vector<100000xf32>
    %add3A_111 = arith.addf %add3A_106, %get3A_110 : vector<100000xf32>
    %get3A_112 = arith.constant 23 : index
    %get3A_113 = arith.constant 0 : index
    %get3A_114 = vector.load %arg0[%get3A_112, %get3A_113] : memref<32x100000xf32, #tpu.memory_space<vmem>>, vector<1x100000xf32>
    %get3A_115 = vector.shape_cast %get3A_114 : vector<1x100000xf32> to vector<100000xf32>
    %add3A_116 = arith.addf %add3A_111, %get3A_115 : vector<100000xf32>
    %get3A_117 = arith.constant 24 : index
    %get3A_118 = arith.constant 0 : index
    %get3A_119 = vector.load %arg0[%get3A_117, %get3A_118] : memref<32x100000xf32, #tpu.memory_space<vmem>>, vector<1x100000xf32>
    %get3A_120 = vector.shape_cast %get3A_119 : vector<1x100000xf32> to vector<100000xf32>
    %add3A_121 = arith.addf %add3A_116, %get3A_120 : vector<100000xf32>
    %get3A_122 = arith.constant 25 : index
    %get3A_123 = arith.constant 0 : index
    %get3A_124 = vector.load %arg0[%get3A_122, %get3A_123] : memref<32x100000xf32, #tpu.memory_space<vmem>>, vector<1x100000xf32>
    %get3A_125 = vector.shape_cast %get3A_124 : vector<1x100000xf32> to vector<100000xf32>
    %add3A_126 = arith.addf %add3A_121, %get3A_125 : vector<100000xf32>
    %get3A_127 = arith.constant 26 : index
    %get3A_128 = arith.constant 0 : index
    %get3A_129 = vector.load %arg0[%get3A_127, %get3A_128] : memref<32x100000xf32, #tpu.memory_space<vmem>>, vector<1x100000xf32>
    %get3A_130 = vector.shape_cast %get3A_129 : vector<1x100000xf32> to vector<100000xf32>
    %add3A_131 = arith.addf %add3A_126, %get3A_130 : vector<100000xf32>
    %get3A_132 = arith.constant 27 : index
    %get3A_133 = arith.constant 0 : index
    %get3A_134 = vector.load %arg0[%get3A_132, %get3A_133] : memref<32x100000xf32, #tpu.memory_space<vmem>>, vector<1x100000xf32>
    %get3A_135 = vector.shape_cast %get3A_134 : vector<1x100000xf32> to vector<100000xf32>
    %add3A_136 = arith.addf %add3A_131, %get3A_135 : vector<100000xf32>
    %get3A_137 = arith.constant 28 : index
    %get3A_138 = arith.constant 0 : index
    %get3A_139 = vector.load %arg0[%get3A_137, %get3A_138] : memref<32x100000xf32, #tpu.memory_space<vmem>>, vector<1x100000xf32>
    %get3A_140 = vector.shape_cast %get3A_139 : vector<1x100000xf32> to vector<100000xf32>
    %add3A_141 = arith.addf %add3A_136, %get3A_140 : vector<100000xf32>
    %get3A_142 = arith.constant 29 : index
    %get3A_143 = arith.constant 0 : index
    %get3A_144 = vector.load %arg0[%get3A_142, %get3A_143] : memref<32x100000xf32, #tpu.memory_space<vmem>>, vector<1x100000xf32>
    %get3A_145 = vector.shape_cast %get3A_144 : vector<1x100000xf32> to vector<100000xf32>
    %add3A_146 = arith.addf %add3A_141, %get3A_145 : vector<100000xf32>
    %get3A_147 = arith.constant 30 : index
    %get3A_148 = arith.constant 0 : index
    %get3A_149 = vector.load %arg0[%get3A_147, %get3A_148] : memref<32x100000xf32, #tpu.memory_space<vmem>>, vector<1x100000xf32>
    %get3A_150 = vector.shape_cast %get3A_149 : vector<1x100000xf32> to vector<100000xf32>
    %add3A_151 = arith.addf %add3A_146, %get3A_150 : vector<100000xf32>
    %get3A_152 = arith.constant 31 : index
    %get3A_153 = arith.constant 0 : index
    %get3A_154 = vector.load %arg0[%get3A_152, %get3A_153] : memref<32x100000xf32, #tpu.memory_space<vmem>>, vector<1x100000xf32>
    %get3A_155 = vector.shape_cast %get3A_154 : vector<1x100000xf32> to vector<100000xf32>
    %add3A_156 = arith.addf %add3A_151, %get3A_155 : vector<100000xf32>
    %swap3A = arith.constant 0 : index
    %swap3A_157 = vector.load %arg1[%swap3A] : memref<100000xf32, #tpu.memory_space<vmem>>, vector<100000xf32>
    tpu.vector_store %arg1[%swap3A], %add3A_156 {strides = array<i32>} : memref<100000xf32, #tpu.memory_space<vmem>>, vector<100000xf32>,
    return
  }
}

module attributes {stable_mosaic.version = 14 : i64} {
  func.func @_finalize_body(%arg0: memref<10000x20xf32, #tpu.memory_space<vmem>>, %arg1: memref<20x8xf32, #tpu.memory_space<vmem>>, %arg2: memref<1xf32, #tpu.memory_space<smem>>, %arg3: memref<10000x8xf32, #tpu.memory_space<vmem>>) attributes {dimension_semantics = [], scalar_prefetch = 0 : i64, scratch_operands = 0 : i64, tpu.core_type = #tpu.core_type<tc>} {
    %get3A = arith.constant 0 : index
    %get3A_0 = arith.constant 0 : index
    %get3A_1 = vector.load %arg0[%get3A, %get3A_0] : memref<10000x20xf32, #tpu.memory_space<vmem>>, vector<10000x20xf32>
    %get3A_2 = arith.constant 0 : index
    %get3A_3 = arith.constant 0 : index
    %get3A_4 = vector.load %arg1[%get3A_2, %get3A_3] : memref<20x8xf32, #tpu.memory_space<vmem>>, vector<20x8xf32>
    %dot_general3A = arith.constant dense<0.000000e+00> : vector<10000x8xf32>
    %dot_general3A_5 = tpu.matmul %get3A_1, %get3A_4, %dot_general3A {dimension_numbers = #tpu.dot_dimension_numbers<[1], [0], [0], [1], [0, 0, 1, 1], [], []>, transpose_lhs_hint = false} : vector<10000x20xf32>, vector<20x8xf32>, vector<10000x8xf32> -> vector<10000x8xf32>
    %get3A_6 = arith.constant 0 : index
    %get3A_7 = memref.load %arg2[%get3A_6] : memref<1xf32, #tpu.memory_space<smem>>
    %add3A = vector.broadcast %get3A_7 : f32 to vector<10000x8xf32>
    %add3A_8 = arith.addf %dot_general3A_5, %add3A : vector<10000x8xf32>
    %swap3A = arith.constant 0 : index
    %swap3A_9 = arith.constant 0 : index
    %swap3A_10 = vector.load %arg3[%swap3A, %swap3A_9] : memref<10000x8xf32, #tpu.memory_space<vmem>>, vector<10000x8xf32>
    tpu.vector_store %arg3[%swap3A, %swap3A_9], %add3A_8 {strides = array<i32>} : memref<10000x8xf32, #tpu.memory_space<vmem>>, vector<10000x8xf32>,
    return
  }
}

</mosaic_0001>

<sc_bundles>
// kernel: kernel.11.cloned.1.call-start
scs
__scs_entry_jumppad:
0x0: {  	(pc) =	sbr.rel $0x88, $3  }
0x1: {  	(tag) =	ssettag $0x0;
	lr =	simm.s32 $0x1  }
0x2: {  	[smem:$0x3F95] =	sst lr;
	_ =	strace $0xD0000000  }
0x3: {  	_ = 	snop  }
0x4: {  	_ = 	snop  }
0x5: {  	_ = 	snop  }
0x6: {  	_ = 	snop  }
0x7: {  	_ = 	snop  }
__scs_overlays_trampoline_lowered:
0x8: {  	[smem:$0x3FA4] =	sst s0  }
0x9: {  	[smem:$0x3FA5] =	sst s1  }
0xa: {  	[smem:$0x3FA6] =	sst s2  }
0xb: {  	[smem:$0x3FA7] =	sst s3  }
0xc: {  	[smem:$0x3FA8] =	sst s4  }
0xd: {  	[smem:$0x3FA9] =	sst s5  }
0xe: {  	[smem:$0x3FAA] =	sst s6  }
0xf: {  	[smem:$0x3FAB] =	sst s7  }
0x10: {  	[smem:$0x3FAC] =	sst s8  }
0x11: {  	[smem:$0x3FAD] =	sst s9;
	s0 =	simm.s32 @!p0 $0x0  }
0x12: {  	s1 =	sld [smem:$0x3F93];
	s0 =	simm.s32 @p0 $0x1  }
0x13: {  	[smem:$0x3FAE] =	sst s0;
	s0 =	simm.s32 @!p1 $0x0  }
0x14: {  	s2 =	sld [smem:$0x3F92];
	s0 =	simm.s32 @p1 $0x1  }
0x15: {  	[smem:$0x3FAF] =	sst s0;
	s0 =	simm.s32 @!p2 $0x0  }
0x16: {  	s3 =	sld [smem:$0x3FDB];
	s0 =	simm.s32 @p2 $0x1  }
0x17: {  	s4 =	simm.s32 $0x1BF5;
	[smem:$0x3FB1] =	sst s0  }
0x18: {  	s0 =	sld [smem:$0x3F94];
	_ =	swait.ge [sflag:s4], $0x0  }
0x19: {  	s7 =	sld [smem:$0x3F95]  }
0x1a: {  	s8 =	sadd.s32 $0xFFFFE003, lr  }
0x1b: {  	s9 =	sadd.s32 $0xFFFFFEF7, lr;
	s5 =	simm.s32 $0xFFFFFFFF;
	p2 =	slt.u32 s8, $0xFFFFF086  }
0x1c: {  	p1 =	slt.u32 s9, $0xF7A;
	s5 =	simm.s32 @!p2 $0x0  }
0x1d: {  	s5 =	simm.s32 @p1 $0x1;
	p0 =	seq.s32 s7, s2  }
0x1e: {  	s7 =	smul.u32 @!p0 $0xF7A, s2;
	p2 =	seq.s32 @!p0 s5, $0x0  }
0x1f: {  	s9 =	smul.u32 $0xF7A, s1;
	s8 =	simm.s32 @!p0 $0x1BF5;
	p2 =	por !p2, p0  }
0x20: {  	[sflag:s8] =	ssyncset.s32 @!p0 $0xFFFFF086;
	s6 =	sadd.s32 @!p0 s3, s7;
	s7 =	simm.s32 @!p0 $0x108  }
0x21: {  	s3 =	sadd.s32 s3, s9;
	s6 =	sadd.s32 @!p0 $0x88, s6;
	s7 =	simm.s32 @p2 $0x1082  }
0x22: {  	[simem:s7], [sflag:s8] =	dma.local @!p0 [hbm:s6], $0xF7A  }
0x23: {  	s9 =	sor.u32 $0xD0000000, s2;
	s6 =	simm.s32 $0x108;
	_ =	swait.ge @!p0 [sflag:s8], $0x0  }
0x24: {  	s3 =	sadd.s32 $0x88, s3;
	s6 =	simm.s32 @!p1 $0x1082;
	[sflag:s4] =	ssyncset.s32 $0xFFFFF086  }
0x25: {  	[simem:s6], [sflag:s4] =	dma.local [hbm:s3], $0xF7A  }
0x26: {  	[smem:$0x3F95] =	sst s1;
	(tag) =	ssettag s2;
	_ =	strace s9  }
0x27: {  	s1 =	sld [smem:$0x3FA5]  }
0x28: {  	s2 =	sld [smem:$0x3FA6]  }
0x29: {  	s4 =	sld [smem:$0x3FA8]  }
0x2a: {  	p0 =	seq.s32 s5, $0x0;
	s5 =	sld [smem:$0x3FA9]  }
0x2b: {  	s6 =	sld [smem:$0x3FAA]  }
0x2c: {  	s7 =	sld [smem:$0x3FAB]  }
0x2d: {  	s3 =	simm.s32 $0x108;
	s8 =	sld [smem:$0x3FAC]  }
0x2e: {  	s3 =	simm.s32 @!p0 $0x1082;
	s9 =	sld [smem:$0x3FAD]  }
0x2f: {  	lr =	sadd.s32 s0, s3;
	s0 =	sld [smem:$0x3FA4]  }
0x30: {  	s3 =	sld [smem:$0x3FA7]  }
0x31: {  	[smem:$0x3FB0] =	sst s10  }
0x32: {  	s10 =	sld [smem:$0x3FAE];
	_ =	sdelay $0x3  }
0x33: {  	p0 =	seq.s32 s10, $0x1;
	s10 =	sld [smem:$0x3FB0];
	_ =	sdelay $0x3  }
0x34: {  	[smem:$0x3FB0] =	sst s10  }
0x35: {  	s10 =	sld [smem:$0x3FAF];
	_ =	sdelay $0x3  }
0x36: {  	p1 =	seq.s32 s10, $0x1;
	s10 =	sld [smem:$0x3FB0];
	_ =	sdelay $0x3  }
0x37: {  	[smem:$0x3FB0] =	sst s10  }
0x38: {  	s10 =	sld [smem:$0x3FB1]  }
0x39: {  	_ = 	snop;
	(pc) =	sbr.ind lr, $3  }
0x3a: {  	_ = 	snop  }
0x3b: {  	_ = 	snop  }
0x3c: {  	p2 =	seq.s32 s10, $0x1;
	s10 =	sld [smem:$0x3FB0]  }
0x3d: {  	_ =	shalt  }
0x3e: {  	_ =	shalt  }
0x3f: {  	_ =	shalt  }
0x40: {  	_ =	shalt  }
0x41: {  	_ =	shalt  }
0x42: {  	_ =	shalt  }
0x43: {  	_ =	shalt  }
0x44: {  	_ =	shalt  }
0x45: {  	_ =	shalt  }
0x46: {  	_ =	shalt  }
0x47: {  	_ =	shalt  }
0x48: {  	_ =	shalt  }
0x49: {  	_ =	shalt  }
0x4a: {  	_ =	shalt  }
0x4b: {  	_ =	shalt  }
0x4c: {  	_ =	shalt  }
0x4d: {  	_ =	shalt  }
0x4e: {  	_ =	shalt  }
0x4f: {  	_ =	shalt  }
0x50: {  	_ =	shalt  }
0x51: {  	_ =	shalt  }
0x52: {  	_ =	shalt  }
0x53: {  	_ =	shalt  }
0x54: {  	_ =	shalt  }
0x55: {  	_ =	shalt  }
0x56: {  	_ =	shalt  }
0x57: {  	_ =	shalt  }
0x58: {  	_ =	shalt  }
0x59: {  	_ =	shalt  }
0x5a: {  	_ =	shalt  }
0x5b: {  	_ =	shalt  }
0x5c: {  	_ =	shalt  }
0x5d: {  	_ =	shalt  }
0x5e: {  	_ =	shalt  }
0x5f: {  	_ =	shalt  }
0x60: {  	_ =	shalt  }
0x61: {  	_ =	shalt  }
0x62: {  	_ =	shalt  }
0x63: {  	_ =	shalt  }
0x64: {  	_ =	shalt  }
0x65: {  	_ =	shalt  }
0x66: {  	_ =	shalt  }
0x67: {  	_ =	shalt  }
0x68: {  	_ =	shalt  }
0x69: {  	_ =	shalt  }
0x6a: {  	_ =	shalt  }
0x6b: {  	_ =	shalt  }
0x6c: {  	_ =	shalt  }
0x6d: {  	_ =	shalt  }
0x6e: {  	_ =	shalt  }
0x6f: {  	_ =	shalt  }
0x70: {  	_ =	shalt  }
0x71: {  	_ =	shalt  }
0x72: {  	_ =	shalt  }
0x73: {  	_ =	shalt  }
0x74: {  	_ =	shalt  }
0x75: {  	_ =	shalt  }
0x76: {  	_ =	shalt  }
0x77: {  	_ =	shalt  }
0x78: {  	_ =	shalt  }
0x79: {  	_ =	shalt  }
0x7a: {  	_ =	shalt  }
0x7b: {  	_ =	shalt  }
0x7c: {  	_ =	shalt  }
0x7d: {  	_ =	shalt  }
0x7e: {  	_ =	shalt  }
0x7f: {  	_ =	shalt  }
0x80: {  	_ =	shalt  }
0x81: {  	_ =	shalt  }
0x82: {  	_ =	shalt  }
0x83: {  	_ =	shalt  }
0x84: {  	_ =	shalt  }
0x85: {  	_ =	shalt  }
0x86: {  	_ =	shalt  }
0x87: {  	_ =	shalt  }
.Lfunc_end0:
.L_simem_size_0:
called_computation.3_lowered:
.L_overlay_start_0:
0x88: {  	s2 =	sld [smem:$0x3FD9]  }
0x89: {  	s3 =	sld [smem:$0x3FFE];
	_ =	sdelay $0x1  }
0x8a: {  	s1 =	srdreg.scid  }
0x8b: {  	s0 =	sand.u32 $0x1, s1  }
0x8c: {  	s17 =	sshll.u32 s0, $0xA;
	s2 =	sadd.s32 s3, s2  }
0x8d: {  	s2 =	sadd.s32 s2, s17  }
0x8e: {  	[smem:$0x3FBC] =	sst s2  }
0x8f: {  	_ = 	snop  }
0x90: {  	(tm) =	ssettm $0x1  }
0x91: {  	s18 =	sld [smem:$0x3FFB];
	_ =	sdelay $0x3  }
0x92: {  	_ =	strace s18  }
0x93: {  	s2 =	sld [smem:$0x3FFC];
	_ =	sdelay $0x3  }
0x94: {  	_ =	strace s2  }
0x95: {  	s2 =	sld [smem:$0x3FFD];
	_ =	sdelay $0x3  }
0x96: {  	_ =	strace s2  }
0x97: {  	_ =	strace $0x8FFFFFFF  }
0x98: {  	s19 =	sld [smem:$0x3FDB];
	_ =	sdelay $0x1  }
0x99: {  	s20 =	simm.s32 $_scs_section_size  }
0x9a: {  	s4 =	simm.s32 $_size__tile_overlayer_lowered;
	s5 =	simm.s32 $_tile_overlayer_lowered  }
0x9b: {  	s6 =	simm.s32 $0x1BFF;
	s21 =	sshll.u32 s5, $0x1;
	s3 =	sadd.s32 s20, s19  }
0x9c: {  	s22 =	simm.s32 $0x0;
	s4 =	sshll.u32 s4, $0x1;
	s5 =	sadd.s32 s21, s3  }
0x9d: {  	[timem:s22], [sflag:s6] =	dma.local [hbm:s5], s4  }
0x9e: {  	_ =	swait.ge [sflag:s6], s4  }
0x9f: {  	s4 =	ssub.s32 $0x0, s4;
	[sflag:s6] =	ssyncset.done $0x0  }
0xa0: {  	[sflag:s6] =	ssyncadd.s32 s4;
	_ =	sdelay $0x1  }
0xa1: {  	s23 =	simm.s32 $0x1B8B  }
0xa2: {  	_ =	swait.ge [sflag:s23], $0x1  }
0xa3: {  	[sflag:s23] =	ssyncset.done $0x0  }
0xa4: {  	[sflag:s23] =	ssyncadd.s32 $0xFFFFFFFF  }
0xa5: {  	s4 =	sld [smem:$0x0]  }
0xa6: {  	s5 =	sand.u32 $0xFFFFFFFE, s1  }
0xa7: {  	p0 =	sne.s32 s1, s5  }
0xa8: {  	s5 =	sshll.u32 @p0 s5, $0xE  }
0xa9: {  	s5 =	sadd.s32 @p0 $0x11B8D, s5;
	s6 =	sshll.u32 @p0 s4, $0x11  }
0xaa: {  	s5 =	sor.u32 @p0 s6, s5  }
0xab: {  	[sflag:s5] =	ssyncadd.remote.s32 @p0 $0x1;
	_ =	sdelay $0x1  }
0xac: {  	s5 =	simm.s32 @p0 $0x1B8D  }
0xad: {  	_ =	swait.eq @p0 [sflag:s5], $0x1  }
0xae: {  	[sflag:s5] =	ssyncadd.s32 @p0 $0xFFFFFFFF  }
0xaf: {  	s6 =	sshll.u32 @!p0 s1, $0xE  }
0xb0: {  	s6 =	sor.u32 @!p0 $0x4000, s6;
	s5 =	simm.s32 @!p0 $0x1B8D  }
0xb1: {  	s4 =	sshll.u32 @!p0 s4, $0x11;
	s6 =	sadd.s32 @!p0 $0x11B8D, s6;
	_ =	swait.eq @!p0 [sflag:s5], $0x1  }
0xb2: {  	s4 =	sor.u32 @!p0 s4, s6;
	[sflag:s5] =	ssyncadd.s32 @!p0 $0xFFFFFFFF  }
0xb3: {  	s25 =	simm.s32 $0x1B8E;
	s24 =	sld [smem:$0x3FFE];
	[sflag:s4] =	ssyncadd.remote.s32 @!p0 $0x1  }
0xb4: {  	s26 =	simm.s32 $execute0_lowered;
	[smem:$0x3FD2] =	sst s25  }
0xb5: {  	s5 =	sshll.u32 s26, $0x1;
	_ =	strace $0x80000049;
	[dreg:$0x1] =	wrdreg $0xFFFFFFFF  }
0xb6: {  	s28 =	simm.s32 $_size_execute0_lowered;
	s3 =	sadd.s32 s3, s5;
	[dreg:$0x0] =	wrdreg $0x0  }
0xb7: {  	s5 =	sshll.u32 s28, $0x1;
	[dreg:$0x2] =	wrdreg s3  }
0xb8: {  	[dreg:$0x3] =	wrdreg s5  }
0xb9: {  	[dreg:$0x4] =	wrdreg $0xC0  }
0xba: {  	_ =	task [dreg:s22], $0x5FFFF  }
0xbb: {  	[dreg:$0x1] =	wrdreg $0xFFFFFFFF  }
0xbc: {  	[dreg:$0x0] =	wrdreg $0x60  }
0xbd: {  	[dreg:$0x2] =	wrdreg s24  }
0xbe: {  	[dreg:$0x3] =	wrdreg $0xA  }
0xbf: {  	_ =	task.clear_ibuf [dreg:s22], $0x4FFFF;
	_ =	strace $0x90000049  }
0xc0: {  	s29 =	simm.s32 $0xA;
	_ =	strace $0x8000004B  }
0xc1: {  	_ =	swait.ge [sflag:s29], $0x1  }
0xc2: {  	[sflag:s29] =	ssyncadd.s32 $0xFFFFFFFF  }
0xc3: {  	_ =	strace $0x9000004B  }
0xc4: {  	_ =	sfence  }
0xc5: {  	s30 =	sld [smem:$0x0];
	_ =	sdelay $0x2  }
0xc6: {  	s31 =	sshll.u32 s1, $0xD;
	s1 =	sshrl.u32 s1, $0x2  }
0xc7: {  	s4 =	sand.u32 $0x4000, s31;
	s1 =	sadd.s32 s1, s30  }
0xc8: {  	s0 =	sor.u32 s4, s0;
	s1 =	sshll.u32 s1, $0x11  }
0xc9: {  	s0 =	sor.u32 s1, s0  }
0xca: {  	s0 =	sadd.s32 $0x8F2B, s0  }
0xcb: {  	[sflag:s0] =	ssyncadd.remote.s32 $0x1  }
0xcc: {  	_ =	sfence.sel $0xFFFF  }
0xcd: {  	[dreg:$0x0] =	wrdreg $0xFFFFFFFF;
	(pc) =	sbr.abs _section_cstart, $3  }
0xce: {  	[dreg:$0x1] =	wrdreg $0xFFFFFFFF  }
0xcf: {  	_ =	task.clear_ibuf [dreg:s22], $0x2FFFF;
	_ =	strace $0x9FFFFFFF  }
0xd0: {  	(tm) =	ssettm $0x7FFFFFFF  }
0xd1: {  	_ =	shalt  }
tec
execute0_lowered:
.L_overlay_start_1:
0x0: {  	(tag) =	ssettag $0x1  }
0x1: {  	s9 =	rddreg [dreg:$0x0]  }
0x2: {  	s0 =	rddreg [dreg:$0x1];
	s1 =	simm.s32 $0x0;
	s2 =	srdreg.scid  }
0x3: {  	s14 =	simm.s32 $0x49B0;
	s15 =	simm.s32 $0x5968;
	s16 =	simm.s32 $0x7D0  }
0x4: {  	s17 =	simm.s32 $0xFA0;
	s18 =	simm.s32 $0x0;
	[smem:$0x7FF] =	sst s1  }
0x5: {  	s7 =	sand.u32 $0x1, s2;
	s3 =	sadd.s32 $0x15600, s9;
	s2 =	stileid.u32  }
0x6: {  	s4 =	sadd.s32 $0xB800, s9;
	s5 =	sadd.s32 $0x1A00, s9;
	s6 =	sshll.u32 s7, $0x4  }
0x7: {  	s8 =	sadd.s32 $0x21A00, s9;
	s12 =	ssub.s32 $0x2, s7;
	s10 =	sor.u32 s2, s6  }
0x8: {  	_ =	strace $0x8000004A;
	s13 =	sshrl.u32 s12, $0x1;
	s11 =	smul.u32 $0x30D4, s10  }
0x9: {  	s7 =	sadd.s32 $0x86800, s9;
	s6 =	sadd.s32 $0x21200, s9;
	s12 =	ssub.s32 s12, s13  }
0xa: {  	s13 =	simm.s32 $0x1;
	s11 =	sadd.s32 s11, s9;
	s9 =	smul.u32 $0x2710, s10  }
0xb: {  	s10 =	sadd.s32 $0x86A00, s11;
	s11 =	smax.u32 s12, $0x1;
	s12 =	simm.s32 $0x1770  }
.LBB2_1:
0xc: {  	[tilespmem:s12], [sflag:$0x1] =	stream.linear.gather [hbm4b:s6+s1], $0x3240, $0x38;
	[tilespmem:$0x1E008] =	vst v63  }
0xd: {  	_ =	swait.ge [sflag:s13], $0x3240  }
0xe: {  	[sflag:s13] =	ssyncset.done $0x0  }
0xf: {  	[sflag:s13] =	ssyncadd.s32 $0xFFFFCDC0  }
0x10: {  	[tilespmem:s14], [sflag:$0x1] =	stream.linear.gather [hbm4b:s7+s1], $0xFB8, $0x38;
	[tilespmem:$0x1E008] =	vst v63  }
0x11: {  	_ =	swait.ge [sflag:s13], $0xFB8  }
0x12: {  	[sflag:s13] =	ssyncset.done $0x0  }
0x13: {  	[sflag:s13] =	ssyncadd.s32 $0xFFFFF048  }
0x14: {  	[tilespmem:s15], [sflag:$0x1] =	stream.linear.gather [hbm4b:s8+s1], $0x186A0, $0x38;
	[tilespmem:$0x1E008] =	vst v63  }
0x15: {  	_ =	swait.ge [sflag:s13], $0x186A0  }
0x16: {  	[sflag:s13] =	ssyncset.done $0x0  }
0x17: {  	s19 =	simm.s32 $0x0;
	[sflag:s13] =	ssyncadd.s32 $0xFFFE7960  }
.LBB2_2:
0x18: {  	s20 =	smul.u32 $0x7D0, s19;
	_ =	sdelay $0x1  }
0x19: {  	s20 =	sadd.s32 s9, s20  }
0x1a: {  	s21 =	sshrl.u32 s20, $0x3  }
0x1b: {  	s20 =	simm.s32 $0x0;
	s22 =	sadd.s32 s3, s21  }
0x1c: {  	[tilespmem:s20], [sflag:$0x1] =	stream.linear.gather [hbm4b:s22+s20], $0x7D0, $0x38;
	[tilespmem:$0x1E008] =	vst v63  }
0x1d: {  	_ =	swait.ge [sflag:s13], $0x7D0  }
0x1e: {  	[sflag:s13] =	ssyncset.done $0x0  }
0x1f: {  	s31 =	sadd.s32 s4, s21;
	[sflag:s13] =	ssyncadd.s32 $0xFFFFF830  }
0x20: {  	[tilespmem:s16], [sflag:$0x1] =	stream.linear.gather [hbm4b:s31+s20], $0x7D0, $0x38;
	[tilespmem:$0x1E008] =	vst v63  }
0x21: {  	_ =	swait.ge [sflag:s13], $0x7D0  }
0x22: {  	[sflag:s13] =	ssyncset.done $0x0  }
0x23: {  	s21 =	sadd.s32 s5, s21;
	[sflag:s13] =	ssyncadd.s32 $0xFFFFF830  }
0x24: {  	[tilespmem:s17], [sflag:$0x1] =	stream.linear.gather [hbm4b:s21+s20], $0x7D0, $0x38;
	[tilespmem:$0x1E008] =	vst v63  }
0x25: {  	_ =	swait.ge [sflag:s13], $0x7D0  }
0x26: {  	[sflag:s13] =	ssyncset.done $0x0  }
0x27: {  	[sflag:s13] =	ssyncadd.s32 $0xFFFFF830  }
.LBB2_3:
0x28: {  	s21 =	sshra.s32 s20, $0x2  }
0x29: {  	v0 =	vld [tilespmem:s21+$0x0]  }
0x2a: {  	v1 =	vld [tilespmem:s21+$0x7D0];
	_ =	sdelay $0x3  }
0x2b: {  	v2 =	vshll.u32 v0, $0x5  }
0x2c: {  	v0 =	vmul.u32 $0xA, v0;
	v1 =	vadd.s32 v1, v2;
	_ =	sdelay $0x1  }
0x2d: {  	v30 =	vld [tilespmem:s21+$0xFA0];
	_ =	sdelay $0x2  }
0x2e: {  	v1 =	vld.idx.msk [tilespmem:v1+s12+$0x0], $0xffff  }
0x2f: {  	v3 =	vld.idx.msk [tilespmem:v0+s14+$0x0], $0xffff  }
0x30: {  	v2 =	vmul.u32 $0xA, v30;
	_ =	sdelay $0x1  }
0x31: {  	v4 =	vor.u32 $0x1, v0;
	_ =	sdelay $0x1  }
0x32: {  	v3 =	vmul.f32 v3, v1;
	_ =	sdelay $0x1  }
0x33: {  	[tilespmem:v2+s15+$0x0] =	vst.idx.add.f32.msk $0xffff, v3  }
0x34: {  	v3 =	vld.idx.msk [tilespmem:v4+s14+$0x0], $0xffff;
	_ =	sdelay $0x1  }
0x35: {  	v31 =	vor.u32 $0x1, v2  }
0x36: {  	v5 =	vadd.s32 $0x2, v0;
	_ =	sdelay $0x1  }
0x37: {  	v3 =	vmul.f32 v3, v1;
	_ =	sdelay $0x1  }
0x38: {  	[tilespmem:v31+s15+$0x0] =	vst.idx.add.f32.msk $0xffff, v3  }
0x39: {  	v3 =	vld.idx.msk [tilespmem:v5+s14+$0x0], $0xffff;
	_ =	sdelay $0x1  }
0x3a: {  	v32 =	vadd.s32 $0x2, v2  }
0x3b: {  	v33 =	vadd.s32 $0x3, v0;
	_ =	sdelay $0x1  }
0x3c: {  	v3 =	vmul.f32 v3, v1;
	_ =	sdelay $0x1  }
0x3d: {  	[tilespmem:v32+s15+$0x0] =	vst.idx.add.f32.msk $0xffff, v3  }
0x3e: {  	v3 =	vld.idx.msk [tilespmem:v33+s14+$0x0], $0xffff;
	_ =	sdelay $0x1  }
0x3f: {  	v34 =	vadd.s32 $0x3, v2  }
0x40: {  	v35 =	vadd.s32 $0x4, v0;
	_ =	sdelay $0x1  }
0x41: {  	v3 =	vmul.f32 v3, v1;
	_ =	sdelay $0x1  }
0x42: {  	[tilespmem:v34+s15+$0x0] =	vst.idx.add.f32.msk $0xffff, v3  }
0x43: {  	v3 =	vld.idx.msk [tilespmem:v35+s14+$0x0], $0xffff;
	_ =	sdelay $0x1  }
0x44: {  	v36 =	vadd.s32 $0x4, v2  }
0x45: {  	v37 =	vadd.s32 $0x5, v0;
	_ =	sdelay $0x1  }
0x46: {  	v3 =	vmul.f32 v3, v1;
	_ =	sdelay $0x1  }
0x47: {  	[tilespmem:v36+s15+$0x0] =	vst.idx.add.f32.msk $0xffff, v3  }
0x48: {  	v3 =	vld.idx.msk [tilespmem:v37+s14+$0x0], $0xffff;
	_ =	sdelay $0x1  }
0x49: {  	v38 =	vadd.s32 $0x5, v2  }
0x4a: {  	v39 =	vadd.s32 $0x6, v0;
	_ =	sdelay $0x1  }
0x4b: {  	v3 =	vmul.f32 v3, v1;
	_ =	sdelay $0x1  }
0x4c: {  	[tilespmem:v38+s15+$0x0] =	vst.idx.add.f32.msk $0xffff, v3  }
0x4d: {  	v3 =	vld.idx.msk [tilespmem:v39+s14+$0x0], $0xffff;
	_ =	sdelay $0x1  }
0x4e: {  	v40 =	vadd.s32 $0x6, v2  }
0x4f: {  	v41 =	vadd.s32 $0x7, v0;
	_ =	sdelay $0x1  }
0x50: {  	v3 =	vmul.f32 v3, v1;
	_ =	sdelay $0x1  }
0x51: {  	[tilespmem:v40+s15+$0x0] =	vst.idx.add.f32.msk $0xffff, v3  }
0x52: {  	v3 =	vld.idx.msk [tilespmem:v41+s14+$0x0], $0xffff;
	_ =	sdelay $0x1  }
0x53: {  	v42 =	vadd.s32 $0x7, v2  }
0x54: {  	v43 =	vadd.s32 $0x8, v0;
	_ =	sdelay $0x1  }
0x55: {  	v3 =	vmul.f32 v3, v1;
	_ =	sdelay $0x1  }
0x56: {  	[tilespmem:v42+s15+$0x0] =	vst.idx.add.f32.msk $0xffff, v3  }
0x57: {  	v3 =	vld.idx.msk [tilespmem:v43+s14+$0x0], $0xffff;
	_ =	sdelay $0x1  }
0x58: {  	v44 =	vadd.s32 $0x8, v2  }
0x59: {  	v0 =	vadd.s32 $0x9, v0;
	_ =	sdelay $0x1  }
0x5a: {  	v3 =	vmul.f32 v3, v1;
	_ =	sdelay $0x1  }
0x5b: {  	[tilespmem:v44+s15+$0x0] =	vst.idx.add.f32.msk $0xffff, v3  }
0x5c: {  	v0 =	vld.idx.msk [tilespmem:v0+s14+$0x0], $0xffff;
	_ =	sdelay $0x1  }
0x5d: {  	v2 =	vadd.s32 $0x9, v2;
	_ =	sdelay $0x2  }
0x5e: {  	v0 =	vmul.f32 v0, v1;
	_ =	sdelay $0x1  }
0x5f: {  	[tilespmem:v2+s15+$0x0] =	vst.idx.add.f32.msk $0xffff, v0  }
0x60: {  	v0 =	vld [tilespmem:s21+$0x10]  }
0x61: {  	v45 =	vld [tilespmem:s21+$0x7E0];
	_ =	sdelay $0x3  }
0x62: {  	v46 =	vshll.u32 v0, $0x5  }
0x63: {  	v0 =	vmul.u32 $0xA, v0;
	v1 =	vadd.s32 v45, v46;
	_ =	sdelay $0x1  }
0x64: {  	v47 =	vld [tilespmem:s21+$0xFB0];
	_ =	sdelay $0x2  }
0x65: {  	v1 =	vld.idx.msk [tilespmem:v1+s12+$0x0], $0xffff  }
0x66: {  	v3 =	vld.idx.msk [tilespmem:v0+s14+$0x0], $0xffff  }
0x67: {  	v2 =	vmul.u32 $0xA, v47;
	_ =	sdelay $0x1  }
0x68: {  	v48 =	vor.u32 $0x1, v0;
	_ =	sdelay $0x1  }
0x69: {  	v3 =	vmul.f32 v3, v1;
	_ =	sdelay $0x1  }
0x6a: {  	[tilespmem:v2+s15+$0x0] =	vst.idx.add.f32.msk $0xffff, v3  }
0x6b: {  	v3 =	vld.idx.msk [tilespmem:v48+s14+$0x0], $0xffff;
	_ =	sdelay $0x1  }
0x6c: {  	v49 =	vor.u32 $0x1, v2  }
0x6d: {  	v50 =	vadd.s32 $0x2, v0;
	_ =	sdelay $0x1  }
0x6e: {  	v3 =	vmul.f32 v3, v1;
	_ =	sdelay $0x1  }
0x6f: {  	[tilespmem:v49+s15+$0x0] =	vst.idx.add.f32.msk $0xffff, v3  }
0x70: {  	v3 =	vld.idx.msk [tilespmem:v50+s14+$0x0], $0xffff;
	_ =	sdelay $0x1  }
0x71: {  	v51 =	vadd.s32 $0x2, v2  }
0x72: {  	v52 =	vadd.s32 $0x3, v0;
	_ =	sdelay $0x1  }
0x73: {  	v3 =	vmul.f32 v3, v1;
	_ =	sdelay $0x1  }
0x74: {  	[tilespmem:v51+s15+$0x0] =	vst.idx.add.f32.msk $0xffff, v3  }
0x75: {  	v3 =	vld.idx.msk [tilespmem:v52+s14+$0x0], $0xffff;
	_ =	sdelay $0x1  }
0x76: {  	v53 =	vadd.s32 $0x3, v2  }
0x77: {  	v54 =	vadd.s32 $0x4, v0;
	_ =	sdelay $0x1  }
0x78: {  	v3 =	vmul.f32 v3, v1;
	_ =	sdelay $0x1  }
0x79: {  	[tilespmem:v53+s15+$0x0] =	vst.idx.add.f32.msk $0xffff, v3  }
0x7a: {  	v3 =	vld.idx.msk [tilespmem:v54+s14+$0x0], $0xffff;
	_ =	sdelay $0x1  }
0x7b: {  	v55 =	vadd.s32 $0x4, v2  }
0x7c: {  	v56 =	vadd.s32 $0x5, v0;
	_ =	sdelay $0x1  }
0x7d: {  	v3 =	vmul.f32 v3, v1;
	_ =	sdelay $0x1  }
0x7e: {  	[tilespmem:v55+s15+$0x0] =	vst.idx.add.f32.msk $0xffff, v3  }
0x7f: {  	v3 =	vld.idx.msk [tilespmem:v56+s14+$0x0], $0xffff;
	_ =	sdelay $0x1  }
0x80: {  	v57 =	vadd.s32 $0x5, v2  }
0x81: {  	v58 =	vadd.s32 $0x6, v0;
	_ =	sdelay $0x1  }
0x82: {  	v3 =	vmul.f32 v3, v1;
	_ =	sdelay $0x1  }
0x83: {  	[tilespmem:v57+s15+$0x0] =	vst.idx.add.f32.msk $0xffff, v3  }
0x84: {  	v3 =	vld.idx.msk [tilespmem:v58+s14+$0x0], $0xffff;
	_ =	sdelay $0x1  }
0x85: {  	v59 =	vadd.s32 $0x6, v2  }
0x86: {  	v60 =	vadd.s32 $0x7, v0;
	_ =	sdelay $0x1  }
0x87: {  	v3 =	vmul.f32 v3, v1;
	_ =	sdelay $0x1  }
0x88: {  	[tilespmem:v59+s15+$0x0] =	vst.idx.add.f32.msk $0xffff, v3  }
0x89: {  	v3 =	vld.idx.msk [tilespmem:v60+s14+$0x0], $0xffff;
	_ =	sdelay $0x1  }
0x8a: {  	v61 =	vadd.s32 $0x7, v2  }
0x8b: {  	v62 =	vadd.s32 $0x8, v0;
	_ =	sdelay $0x1  }
0x8c: {  	v3 =	vmul.f32 v3, v1;
	_ =	sdelay $0x1  }
0x8d: {  	[tilespmem:v61+s15+$0x0] =	vst.idx.add.f32.msk $0xffff, v3  }
0x8e: {  	v3 =	vld.idx.msk [tilespmem:v62+s14+$0x0], $0xffff;
	_ =	sdelay $0x1  }
0x8f: {  	v63 =	vadd.s32 $0x8, v2  }
0x90: {  	v0 =	vadd.s32 $0x9, v0;
	_ =	sdelay $0x1  }
0x91: {  	v3 =	vmul.f32 v3, v1;
	_ =	sdelay $0x1  }
0x92: {  	[tilespmem:v63+s15+$0x0] =	vst.idx.add.f32.msk $0xffff, v3  }
0x93: {  	v0 =	vld.idx.msk [tilespmem:v0+s14+$0x0], $0xffff;
	_ =	sdelay $0x1  }
0x94: {  	v2 =	vadd.s32 $0x9, v2;
	_ =	sdelay $0x2  }
0x95: {  	v0 =	vmul.f32 v0, v1;
	_ =	sdelay $0x1  }
0x96: {  	[tilespmem:v2+s15+$0x0] =	vst.idx.add.f32.msk $0xffff, v0  }
0x97: {  	v0 =	vld [tilespmem:s21+$0x20]  }
0x98: {  	v7 =	vld [tilespmem:s21+$0x7F0];
	_ =	sdelay $0x3  }
0x99: {  	v8 =	vshll.u32 v0, $0x5  }
0x9a: {  	v0 =	vmul.u32 $0xA, v0;
	v1 =	vadd.s32 v7, v8;
	_ =	sdelay $0x1  }
0x9b: {  	v9 =	vld [tilespmem:s21+$0xFC0];
	_ =	sdelay $0x2  }
0x9c: {  	v1 =	vld.idx.msk [tilespmem:v1+s12+$0x0], $0xffff  }
0x9d: {  	v3 =	vld.idx.msk [tilespmem:v0+s14+$0x0], $0xffff  }
0x9e: {  	v2 =	vmul.u32 $0xA, v9;
	_ =	sdelay $0x1  }
0x9f: {  	v10 =	vor.u32 $0x1, v0;
	_ =	sdelay $0x1  }
0xa0: {  	v3 =	vmul.f32 v3, v1;
	_ =	sdelay $0x1  }
0xa1: {  	[tilespmem:v2+s15+$0x0] =	vst.idx.add.f32.msk $0xffff, v3  }
0xa2: {  	v3 =	vld.idx.msk [tilespmem:v10+s14+$0x0], $0xffff;
	_ =	sdelay $0x1  }
0xa3: {  	v11 =	vor.u32 $0x1, v2  }
0xa4: {  	v12 =	vadd.s32 $0x2, v0;
	_ =	sdelay $0x1  }
0xa5: {  	v3 =	vmul.f32 v3, v1;
	_ =	sdelay $0x1  }
0xa6: {  	[tilespmem:v11+s15+$0x0] =	vst.idx.add.f32.msk $0xffff, v3  }
0xa7: {  	v3 =	vld.idx.msk [tilespmem:v12+s14+$0x0], $0xffff;
	_ =	sdelay $0x1  }
0xa8: {  	v13 =	vadd.s32 $0x2, v2  }
0xa9: {  	v14 =	vadd.s32 $0x3, v0;
	_ =	sdelay $0x1  }
0xaa: {  	v3 =	vmul.f32 v3, v1;
	_ =	sdelay $0x1  }
0xab: {  	[tilespmem:v13+s15+$0x0] =	vst.idx.add.f32.msk $0xffff, v3  }
0xac: {  	v3 =	vld.idx.msk [tilespmem:v14+s14+$0x0], $0xffff;
	_ =	sdelay $0x1  }
0xad: {  	v15 =	vadd.s32 $0x3, v2  }
0xae: {  	v16 =	vadd.s32 $0x4, v0;
	_ =	sdelay $0x1  }
0xaf: {  	v3 =	vmul.f32 v3, v1;
	_ =	sdelay $0x1  }
0xb0: {  	[tilespmem:v15+s15+$0x0] =	vst.idx.add.f32.msk $0xffff, v3  }
0xb1: {  	v3 =	vld.idx.msk [tilespmem:v16+s14+$0x0], $0xffff;
	_ =	sdelay $0x1  }
0xb2: {  	v17 =	vadd.s32 $0x4, v2  }
0xb3: {  	v18 =	vadd.s32 $0x5, v0;
	_ =	sdelay $0x1  }
0xb4: {  	v3 =	vmul.f32 v3, v1;
	_ =	sdelay $0x1  }
0xb5: {  	[tilespmem:v17+s15+$0x0] =	vst.idx.add.f32.msk $0xffff, v3  }
0xb6: {  	v3 =	vld.idx.msk [tilespmem:v18+s14+$0x0], $0xffff;
	_ =	sdelay $0x1  }
0xb7: {  	v19 =	vadd.s32 $0x5, v2  }
0xb8: {  	v20 =	vadd.s32 $0x6, v0;
	_ =	sdelay $0x1  }
0xb9: {  	v3 =	vmul.f32 v3, v1;
	_ =	sdelay $0x1  }
0xba: {  	[tilespmem:v19+s15+$0x0] =	vst.idx.add.f32.msk $0xffff, v3  }
0xbb: {  	v3 =	vld.idx.msk [tilespmem:v20+s14+$0x0], $0xffff;
	_ =	sdelay $0x1  }
0xbc: {  	v21 =	vadd.s32 $0x6, v2  }
0xbd: {  	v22 =	vadd.s32 $0x7, v0;
	_ =	sdelay $0x1  }
0xbe: {  	v3 =	vmul.f32 v3, v1;
	_ =	sdelay $0x1  }
0xbf: {  	[tilespmem:v21+s15+$0x0] =	vst.idx.add.f32.msk $0xffff, v3  }
0xc0: {  	v3 =	vld.idx.msk [tilespmem:v22+s14+$0x0], $0xffff;
	_ =	sdelay $0x1  }
0xc1: {  	v23 =	vadd.s32 $0x7, v2  }
0xc2: {  	v24 =	vadd.s32 $0x8, v0;
	_ =	sdelay $0x1  }
0xc3: {  	v3 =	vmul.f32 v3, v1;
	_ =	sdelay $0x1  }
0xc4: {  	[tilespmem:v23+s15+$0x0] =	vst.idx.add.f32.msk $0xffff, v3  }
0xc5: {  	v3 =	vld.idx.msk [tilespmem:v24+s14+$0x0], $0xffff;
	_ =	sdelay $0x1  }
0xc6: {  	v25 =	vadd.s32 $0x8, v2  }
0xc7: {  	v0 =	vadd.s32 $0x9, v0;
	_ =	sdelay $0x1  }
0xc8: {  	v3 =	vmul.f32 v3, v1;
	_ =	sdelay $0x1  }
0xc9: {  	[tilespmem:v25+s15+$0x0] =	vst.idx.add.f32.msk $0xffff, v3  }
0xca: {  	v0 =	vld.idx.msk [tilespmem:v0+s14+$0x0], $0xffff;
	_ =	sdelay $0x1  }
0xcb: {  	v2 =	vadd.s32 $0x9, v2;
	_ =	sdelay $0x2  }
0xcc: {  	v0 =	vmul.f32 v0, v1;
	_ =	sdelay $0x1  }
0xcd: {  	[tilespmem:v2+s15+$0x0] =	vst.idx.add.f32.msk $0xffff, v0  }
0xce: {  	v0 =	vld [tilespmem:s21+$0x30]  }
0xcf: {  	v26 =	vld [tilespmem:s21+$0x800];
	_ =	sdelay $0x3  }
0xd0: {  	v27 =	vshll.u32 v0, $0x5  }
0xd1: {  	v0 =	vmul.u32 $0xA, v0;
	v1 =	vadd.s32 v26, v27;
	_ =	sdelay $0x1  }
0xd2: {  	v28 =	vld [tilespmem:s21+$0xFD0];
	_ =	sdelay $0x2  }
0xd3: {  	v1 =	vld.idx.msk [tilespmem:v1+s12+$0x0], $0xffff  }
0xd4: {  	v3 =	vld.idx.msk [tilespmem:v0+s14+$0x0], $0xffff  }
0xd5: {  	v2 =	vmul.u32 $0xA, v28;
	_ =	sdelay $0x1  }
0xd6: {  	v29 =	vor.u32 $0x1, v0;
	_ =	sdelay $0x1  }
0xd7: {  	v3 =	vmul.f32 v3, v1;
	_ =	sdelay $0x1  }
0xd8: {  	[tilespmem:v2+s15+$0x0] =	vst.idx.add.f32.msk $0xffff, v3  }
0xd9: {  	v3 =	vld.idx.msk [tilespmem:v29+s14+$0x0], $0xffff;
	_ =	sdelay $0x1  }
0xda: {  	v30 =	vor.u32 $0x1, v2  }
0xdb: {  	v31 =	vadd.s32 $0x2, v0;
	_ =	sdelay $0x1  }
0xdc: {  	v3 =	vmul.f32 v3, v1;
	_ =	sdelay $0x1  }
0xdd: {  	[tilespmem:v30+s15+$0x0] =	vst.idx.add.f32.msk $0xffff, v3  }
0xde: {  	v3 =	vld.idx.msk [tilespmem:v31+s14+$0x0], $0xffff;
	_ =	sdelay $0x1  }
0xdf: {  	v32 =	vadd.s32 $0x2, v2  }
0xe0: {  	v33 =	vadd.s32 $0x3, v0;
	_ =	sdelay $0x1  }
0xe1: {  	v3 =	vmul.f32 v3, v1;
	_ =	sdelay $0x1  }
0xe2: {  	[tilespmem:v32+s15+$0x0] =	vst.idx.add.f32.msk $0xffff, v3  }
0xe3: {  	v3 =	vld.idx.msk [tilespmem:v33+s14+$0x0], $0xffff;
	_ =	sdelay $0x1  }
0xe4: {  	v34 =	vadd.s32 $0x3, v2  }
0xe5: {  	v35 =	vadd.s32 $0x4, v0;
	_ =	sdelay $0x1  }
0xe6: {  	v3 =	vmul.f32 v3, v1;
	_ =	sdelay $0x1  }
0xe7: {  	[tilespmem:v34+s15+$0x0] =	vst.idx.add.f32.msk $0xffff, v3  }
0xe8: {  	v3 =	vld.idx.msk [tilespmem:v35+s14+$0x0], $0xffff;
	_ =	sdelay $0x1  }
0xe9: {  	v36 =	vadd.s32 $0x4, v2  }
0xea: {  	v37 =	vadd.s32 $0x5, v0;
	_ =	sdelay $0x1  }
0xeb: {  	v3 =	vmul.f32 v3, v1;
	_ =	sdelay $0x1  }
0xec: {  	[tilespmem:v36+s15+$0x0] =	vst.idx.add.f32.msk $0xffff, v3  }
0xed: {  	v3 =	vld.idx.msk [tilespmem:v37+s14+$0x0], $0xffff;
	_ =	sdelay $0x1  }
0xee: {  	v38 =	vadd.s32 $0x5, v2  }
0xef: {  	v39 =	vadd.s32 $0x6, v0;
	_ =	sdelay $0x1  }
0xf0: {  	v3 =	vmul.f32 v3, v1;
	_ =	sdelay $0x1  }
0xf1: {  	[tilespmem:v38+s15+$0x0] =	vst.idx.add.f32.msk $0xffff, v3  }
0xf2: {  	v3 =	vld.idx.msk [tilespmem:v39+s14+$0x0], $0xffff;
	_ =	sdelay $0x1  }
0xf3: {  	v40 =	vadd.s32 $0x6, v2  }
0xf4: {  	v41 =	vadd.s32 $0x7, v0;
	_ =	sdelay $0x1  }
0xf5: {  	v3 =	vmul.f32 v3, v1;
	_ =	sdelay $0x1  }
0xf6: {  	[tilespmem:v40+s15+$0x0] =	vst.idx.add.f32.msk $0xffff, v3  }
0xf7: {  	v3 =	vld.idx.msk [tilespmem:v41+s14+$0x0], $0xffff;
	_ =	sdelay $0x1  }
0xf8: {  	v42 =	vadd.s32 $0x7, v2  }
0xf9: {  	v43 =	vadd.s32 $0x8, v0;
	_ =	sdelay $0x1  }
0xfa: {  	v3 =	vmul.f32 v3, v1;
	_ =	sdelay $0x1  }
0xfb: {  	[tilespmem:v42+s15+$0x0] =	vst.idx.add.f32.msk $0xffff, v3  }
0xfc: {  	v3 =	vld.idx.msk [tilespmem:v43+s14+$0x0], $0xffff;
	_ =	sdelay $0x1  }
0xfd: {  	v44 =	vadd.s32 $0x8, v2  }
0xfe: {  	v0 =	vadd.s32 $0x9, v0;
	_ =	sdelay $0x1  }
0xff: {  	v3 =	vmul.f32 v3, v1;
	_ =	sdelay $0x1  }
0x100: {  	[tilespmem:v44+s15+$0x0] =	vst.idx.add.f32.msk $0xffff, v3  }
0x101: {  	v0 =	vld.idx.msk [tilespmem:v0+s14+$0x0], $0xffff;
	_ =	sdelay $0x1  }
0x102: {  	v2 =	vadd.s32 $0x9, v2;
	_ =	sdelay $0x2  }
0x103: {  	v0 =	vmul.f32 v0, v1;
	_ =	sdelay $0x1  }
0x104: {  	[tilespmem:v2+s15+$0x0] =	vst.idx.add.f32.msk $0xffff, v0  }
0x105: {  	v0 =	vld [tilespmem:s21+$0x40]  }
0x106: {  	v45 =	vld [tilespmem:s21+$0x810];
	_ =	sdelay $0x3  }
0x107: {  	v46 =	vshll.u32 v0, $0x5  }
0x108: {  	v0 =	vmul.u32 $0xA, v0;
	v1 =	vadd.s32 v45, v46;
	_ =	sdelay $0x1  }
0x109: {  	v47 =	vld [tilespmem:s21+$0xFE0];
	_ =	sdelay $0x2  }
0x10a: {  	v1 =	vld.idx.msk [tilespmem:v1+s12+$0x0], $0xffff  }
0x10b: {  	v3 =	vld.idx.msk [tilespmem:v0+s14+$0x0], $0xffff  }
0x10c: {  	v2 =	vmul.u32 $0xA, v47;
	_ =	sdelay $0x1  }
0x10d: {  	v48 =	vor.u32 $0x1, v0;
	_ =	sdelay $0x1  }
0x10e: {  	v3 =	vmul.f32 v3, v1;
	_ =	sdelay $0x1  }
0x10f: {  	[tilespmem:v2+s15+$0x0] =	vst.idx.add.f32.msk $0xffff, v3  }
0x110: {  	v3 =	vld.idx.msk [tilespmem:v48+s14+$0x0], $0xffff;
	_ =	sdelay $0x1  }
0x111: {  	v49 =	vor.u32 $0x1, v2  }
0x112: {  	v50 =	vadd.s32 $0x2, v0;
	_ =	sdelay $0x1  }
0x113: {  	v3 =	vmul.f32 v3, v1;
	_ =	sdelay $0x1  }
0x114: {  	[tilespmem:v49+s15+$0x0] =	vst.idx.add.f32.msk $0xffff, v3  }
0x115: {  	v3 =	vld.idx.msk [tilespmem:v50+s14+$0x0], $0xffff;
	_ =	sdelay $0x1  }
0x116: {  	v51 =	vadd.s32 $0x2, v2  }
0x117: {  	v52 =	vadd.s32 $0x3, v0;
	_ =	sdelay $0x1  }
0x118: {  	v3 =	vmul.f32 v3, v1;
	_ =	sdelay $0x1  }
0x119: {  	[tilespmem:v51+s15+$0x0] =	vst.idx.add.f32.msk $0xffff, v3  }
0x11a: {  	v3 =	vld.idx.msk [tilespmem:v52+s14+$0x0], $0xffff;
	_ =	sdelay $0x1  }
0x11b: {  	v53 =	vadd.s32 $0x3, v2  }
0x11c: {  	v54 =	vadd.s32 $0x4, v0;
	_ =	sdelay $0x1  }
0x11d: {  	v3 =	vmul.f32 v3, v1;
	_ =	sdelay $0x1  }
0x11e: {  	[tilespmem:v53+s15+$0x0] =	vst.idx.add.f32.msk $0xffff, v3  }
0x11f: {  	v3 =	vld.idx.msk [tilespmem:v54+s14+$0x0], $0xffff;
	_ =	sdelay $0x1  }
0x120: {  	v55 =	vadd.s32 $0x4, v2  }
0x121: {  	v56 =	vadd.s32 $0x5, v0;
	_ =	sdelay $0x1  }
0x122: {  	v3 =	vmul.f32 v3, v1;
	_ =	sdelay $0x1  }
0x123: {  	[tilespmem:v55+s15+$0x0] =	vst.idx.add.f32.msk $0xffff, v3  }
0x124: {  	v3 =	vld.idx.msk [tilespmem:v56+s14+$0x0], $0xffff;
	_ =	sdelay $0x1  }
0x125: {  	v57 =	vadd.s32 $0x5, v2  }
0x126: {  	v58 =	vadd.s32 $0x6, v0;
	_ =	sdelay $0x1  }
0x127: {  	v3 =	vmul.f32 v3, v1;
	_ =	sdelay $0x1  }
0x128: {  	[tilespmem:v57+s15+$0x0] =	vst.idx.add.f32.msk $0xffff, v3  }
0x129: {  	v3 =	vld.idx.msk [tilespmem:v58+s14+$0x0], $0xffff;
	_ =	sdelay $0x1  }
0x12a: {  	v59 =	vadd.s32 $0x6, v2  }
0x12b: {  	v60 =	vadd.s32 $0x7, v0;
	_ =	sdelay $0x1  }
0x12c: {  	v3 =	vmul.f32 v3, v1;
	_ =	sdelay $0x1  }
0x12d: {  	[tilespmem:v59+s15+$0x0] =	vst.idx.add.f32.msk $0xffff, v3  }
0x12e: {  	v3 =	vld.idx.msk [tilespmem:v60+s14+$0x0], $0xffff;
	_ =	sdelay $0x1  }
0x12f: {  	v61 =	vadd.s32 $0x7, v2  }
0x130: {  	v62 =	vadd.s32 $0x8, v0;
	_ =	sdelay $0x1  }
0x131: {  	v3 =	vmul.f32 v3, v1;
	_ =	sdelay $0x1  }
0x132: {  	[tilespmem:v61+s15+$0x0] =	vst.idx.add.f32.msk $0xffff, v3  }
0x133: {  	v3 =	vld.idx.msk [tilespmem:v62+s14+$0x0], $0xffff;
	_ =	sdelay $0x1  }
0x134: {  	v63 =	vadd.s32 $0x8, v2  }
0x135: {  	v0 =	vadd.s32 $0x9, v0;
	_ =	sdelay $0x1  }
0x136: {  	v3 =	vmul.f32 v3, v1;
	_ =	sdelay $0x1  }
0x137: {  	[tilespmem:v63+s15+$0x0] =	vst.idx.add.f32.msk $0xffff, v3  }
0x138: {  	v0 =	vld.idx.msk [tilespmem:v0+s14+$0x0], $0xffff;
	_ =	sdelay $0x1  }
0x139: {  	p0 =	sne.s32 s20, $0x1E00;
	v2 =	vadd.s32 $0x9, v2  }
.Ltmp0:
0x13a: {  	_ = 	snop;
	(pc) =	sbr.rel @p0 .LBB2_3-.Ltmp0, $3  }
0x13b: {  	_ = 	snop  }
0x13c: {  	v0 =	vmul.f32 v0, v1;
	_ =	sdelay $0x1  }
0x13d: {  	s20 =	sadd.s32 $0x140, s20;
	[tilespmem:v2+s15+$0x0] =	vst.idx.add.f32.msk $0xffff, v0  }
0x13e: {  	s19 =	sadd.s32 $0x1, s19  }
0x13f: {  	p0 =	sne.s32 s19, $0x5  }
.Ltmp1:
0x140: {  	_ = 	snop;
	(pc) =	sbr.rel @p0 .LBB2_2-.Ltmp1, $1  }
0x141: {  	_ =	sdelay $0x3  }
0x142: {  	s18 =	sadd.s32 $0x1, s18  }
0x143: {  	p0 =	sne.s32 s18, s11  }
.Ltmp2:
0x144: {  	_ = 	snop;
	(pc) =	sbr.rel @p0 .LBB2_1-.Ltmp2, $4  }
0x145: {  	[hbm4b:s10+s1] =	stream.linear.scatter [tilespmem:s15], [sflag:$0x1], $0x186A0, $0x38;
	[tilespmem:$0x1E008] =	vst v63  }
0x146: {  	_ =	swait.ge [sflag:s13], $0x186A0  }
0x147: {  	[sflag:s13] =	ssyncset.done $0x0  }
0x148: {  	[sflag:s13] =	ssyncadd.s32 $0xFFFE7960  }
0x149: {  	_ =	sfence.sel $0x180000  }
0x14a: {  	[bflag:$0x0] =	sbarrier.arrive $0xFFFF  }
0x14b: {  	p0 =	sne.s32 s2, $0x0;
	_ =	strace $0x9000004A  }
0x14c: {  	s0 =	sadd.s32 @!p0 $0x100000, s0;
	[bflag:$0x2] =	sbarrier.arrive $0xFFFF  }
0x14d: {  	[sflag:s0] =	ssyncadd.tile.s32 @!p0 $0x1;
	_ =	shalt  }
.Lfunc_end2:
_tile_overlayer_lowered:
.L_overlay_start_2:
0x14e: {  	(tag) =	ssettag $0x2  }
0x14f: {  	s0 =	rddreg [dreg:$0x0];
	s2 =	stileid.u32  }
0x150: {  	s1 =	rddreg [dreg:$0x1];
	p0 =	sne.s32 s2, $0x0  }
0x151: {  	s3 =	rddreg [dreg:$0x2];
	[bflag:$0x3] =	sbarrier.arrive $0xFFFF;
	s2 =	simm.s32 @!p0 $0x1C01  }
0x152: {  	[timem:s3], [sflag:s2] =	dma.local @!p0 [hbm:s0], s1  }
0x153: {  	s0 =	simm.s32 @!p0 $0x1  }
0x154: {  	_ =	swait.ge @!p0 [sflag:s0], s1  }
0x155: {  	s1 =	ssub.s32 @!p0 $0x0, s1;
	[sflag:s0] =	ssyncset.done @!p0 $0x0  }
0x156: {  	[sflag:s0] =	ssyncadd.s32 @!p0 s1  }
0x157: {  	[bflag:$0x3] =	sbarrier.arrive $0xFFFF  }
0x158: {  	_ =	shalt  }

// kernel: kernel.8.cloned.1.call-start
scs
__scs_entry_jumppad:
0x0: {  	(pc) =	sbr.rel $0x88, $3  }
0x1: {  	(tag) =	ssettag $0x0;
	lr =	simm.s32 $0x1  }
0x2: {  	[smem:$0x3F95] =	sst lr;
	_ =	strace $0xD0000000  }
0x3: {  	_ = 	snop  }
0x4: {  	_ = 	snop  }
0x5: {  	_ = 	snop  }
0x6: {  	_ = 	snop  }
0x7: {  	_ = 	snop  }
__scs_overlays_trampoline_lowered:
0x8: {  	[smem:$0x3FA4] =	sst s0  }
0x9: {  	[smem:$0x3FA5] =	sst s1  }
0xa: {  	[smem:$0x3FA6] =	sst s2  }
0xb: {  	[smem:$0x3FA7] =	sst s3  }
0xc: {  	[smem:$0x3FA8] =	sst s4  }
0xd: {  	[smem:$0x3FA9] =	sst s5  }
0xe: {  	[smem:$0x3FAA] =	sst s6  }
0xf: {  	[smem:$0x3FAB] =	sst s7  }
0x10: {  	[smem:$0x3FAC] =	sst s8  }
0x11: {  	[smem:$0x3FAD] =	sst s9;
	s0 =	simm.s32 @!p0 $0x0  }
0x12: {  	s1 =	sld [smem:$0x3F93];
	s0 =	simm.s32 @p0 $0x1  }
0x13: {  	[smem:$0x3FAE] =	sst s0;
	s0 =	simm.s32 @!p1 $0x0  }
0x14: {  	s2 =	sld [smem:$0x3F92];
	s0 =	simm.s32 @p1 $0x1  }
0x15: {  	[smem:$0x3FAF] =	sst s0;
	s0 =	simm.s32 @!p2 $0x0  }
0x16: {  	s3 =	sld [smem:$0x3FDB];
	s0 =	simm.s32 @p2 $0x1  }
0x17: {  	s4 =	simm.s32 $0x1BF5;
	[smem:$0x3FB1] =	sst s0  }
0x18: {  	s0 =	sld [smem:$0x3F94];
	_ =	swait.ge [sflag:s4], $0x0  }
0x19: {  	s7 =	sld [smem:$0x3F95]  }
0x1a: {  	s8 =	sadd.s32 $0xFFFFE003, lr  }
0x1b: {  	s9 =	sadd.s32 $0xFFFFFEF7, lr;
	s5 =	simm.s32 $0xFFFFFFFF;
	p2 =	slt.u32 s8, $0xFFFFF086  }
0x1c: {  	p1 =	slt.u32 s9, $0xF7A;
	s5 =	simm.s32 @!p2 $0x0  }
0x1d: {  	s5 =	simm.s32 @p1 $0x1;
	p0 =	seq.s32 s7, s2  }
0x1e: {  	s7 =	smul.u32 @!p0 $0xF7A, s2;
	p2 =	seq.s32 @!p0 s5, $0x0  }
0x1f: {  	s9 =	smul.u32 $0xF7A, s1;
	s8 =	simm.s32 @!p0 $0x1BF5;
	p2 =	por !p2, p0  }
0x20: {  	[sflag:s8] =	ssyncset.s32 @!p0 $0xFFFFF086;
	s6 =	sadd.s32 @!p0 s3, s7;
	s7 =	simm.s32 @!p0 $0x108  }
0x21: {  	s3 =	sadd.s32 s3, s9;
	s6 =	sadd.s32 @!p0 $0x88, s6;
	s7 =	simm.s32 @p2 $0x1082  }
0x22: {  	[simem:s7], [sflag:s8] =	dma.local @!p0 [hbm:s6], $0xF7A  }
0x23: {  	s9 =	sor.u32 $0xD0000000, s2;
	s6 =	simm.s32 $0x108;
	_ =	swait.ge @!p0 [sflag:s8], $0x0  }
0x24: {  	s3 =	sadd.s32 $0x88, s3;
	s6 =	simm.s32 @!p1 $0x1082;
	[sflag:s4] =	ssyncset.s32 $0xFFFFF086  }
0x25: {  	[simem:s6], [sflag:s4] =	dma.local [hbm:s3], $0xF7A  }
0x26: {  	[smem:$0x3F95] =	sst s1;
	(tag) =	ssettag s2;
	_ =	strace s9  }
0x27: {  	s1 =	sld [smem:$0x3FA5]  }
0x28: {  	s2 =	sld [smem:$0x3FA6]  }
0x29: {  	s4 =	sld [smem:$0x3FA8]  }
0x2a: {  	p0 =	seq.s32 s5, $0x0;
	s5 =	sld [smem:$0x3FA9]  }
0x2b: {  	s6 =	sld [smem:$0x3FAA]  }
0x2c: {  	s7 =	sld [smem:$0x3FAB]  }
0x2d: {  	s3 =	simm.s32 $0x108;
	s8 =	sld [smem:$0x3FAC]  }
0x2e: {  	s3 =	simm.s32 @!p0 $0x1082;
	s9 =	sld [smem:$0x3FAD]  }
0x2f: {  	lr =	sadd.s32 s0, s3;
	s0 =	sld [smem:$0x3FA4]  }
0x30: {  	s3 =	sld [smem:$0x3FA7]  }
0x31: {  	[smem:$0x3FB0] =	sst s10  }
0x32: {  	s10 =	sld [smem:$0x3FAE];
	_ =	sdelay $0x3  }
0x33: {  	p0 =	seq.s32 s10, $0x1;
	s10 =	sld [smem:$0x3FB0];
	_ =	sdelay $0x3  }
0x34: {  	[smem:$0x3FB0] =	sst s10  }
0x35: {  	s10 =	sld [smem:$0x3FAF];
	_ =	sdelay $0x3  }
0x36: {  	p1 =	seq.s32 s10, $0x1;
	s10 =	sld [smem:$0x3FB0];
	_ =	sdelay $0x3  }
0x37: {  	[smem:$0x3FB0] =	sst s10  }
0x38: {  	s10 =	sld [smem:$0x3FB1]  }
0x39: {  	_ = 	snop;
	(pc) =	sbr.ind lr, $3  }
0x3a: {  	_ = 	snop  }
0x3b: {  	_ = 	snop  }
0x3c: {  	p2 =	seq.s32 s10, $0x1;
	s10 =	sld [smem:$0x3FB0]  }
0x3d: {  	_ =	shalt  }
0x3e: {  	_ =	shalt  }
0x3f: {  	_ =	shalt  }
0x40: {  	_ =	shalt  }
0x41: {  	_ =	shalt  }
0x42: {  	_ =	shalt  }
0x43: {  	_ =	shalt  }
0x44: {  	_ =	shalt  }
0x45: {  	_ =	shalt  }
0x46: {  	_ =	shalt  }
0x47: {  	_ =	shalt  }
0x48: {  	_ =	shalt  }
0x49: {  	_ =	shalt  }
0x4a: {  	_ =	shalt  }
0x4b: {  	_ =	shalt  }
0x4c: {  	_ =	shalt  }
0x4d: {  	_ =	shalt  }
0x4e: {  	_ =	shalt  }
0x4f: {  	_ =	shalt  }
0x50: {  	_ =	shalt  }
0x51: {  	_ =	shalt  }
0x52: {  	_ =	shalt  }
0x53: {  	_ =	shalt  }
0x54: {  	_ =	shalt  }
0x55: {  	_ =	shalt  }
0x56: {  	_ =	shalt  }
0x57: {  	_ =	shalt  }
0x58: {  	_ =	shalt  }
0x59: {  	_ =	shalt  }
0x5a: {  	_ =	shalt  }
0x5b: {  	_ =	shalt  }
0x5c: {  	_ =	shalt  }
0x5d: {  	_ =	shalt  }
0x5e: {  	_ =	shalt  }
0x5f: {  	_ =	shalt  }
0x60: {  	_ =	shalt  }
0x61: {  	_ =	shalt  }
0x62: {  	_ =	shalt  }
0x63: {  	_ =	shalt  }
0x64: {  	_ =	shalt  }
0x65: {  	_ =	shalt  }
0x66: {  	_ =	shalt  }
0x67: {  	_ =	shalt  }
0x68: {  	_ =	shalt  }
0x69: {  	_ =	shalt  }
0x6a: {  	_ =	shalt  }
0x6b: {  	_ =	shalt  }
0x6c: {  	_ =	shalt  }
0x6d: {  	_ =	shalt  }
0x6e: {  	_ =	shalt  }
0x6f: {  	_ =	shalt  }
0x70: {  	_ =	shalt  }
0x71: {  	_ =	shalt  }
0x72: {  	_ =	shalt  }
0x73: {  	_ =	shalt  }
0x74: {  	_ =	shalt  }
0x75: {  	_ =	shalt  }
0x76: {  	_ =	shalt  }
0x77: {  	_ =	shalt  }
0x78: {  	_ =	shalt  }
0x79: {  	_ =	shalt  }
0x7a: {  	_ =	shalt  }
0x7b: {  	_ =	shalt  }
0x7c: {  	_ =	shalt  }
0x7d: {  	_ =	shalt  }
0x7e: {  	_ =	shalt  }
0x7f: {  	_ =	shalt  }
0x80: {  	_ =	shalt  }
0x81: {  	_ =	shalt  }
0x82: {  	_ =	shalt  }
0x83: {  	_ =	shalt  }
0x84: {  	_ =	shalt  }
0x85: {  	_ =	shalt  }
0x86: {  	_ =	shalt  }
0x87: {  	_ =	shalt  }
.Lfunc_end0:
.L_simem_size_0:
called_computation.2_lowered:
.L_overlay_start_0:
0x88: {  	s2 =	sld [smem:$0x3FD9]  }
0x89: {  	s3 =	sld [smem:$0x3FFE];
	_ =	sdelay $0x1  }
0x8a: {  	s1 =	srdreg.scid  }
0x8b: {  	s0 =	sand.u32 $0x1, s1  }
0x8c: {  	s16 =	sshll.u32 s0, $0xA;
	s2 =	sadd.s32 s3, s2  }
0x8d: {  	s2 =	sadd.s32 s2, s16  }
0x8e: {  	[smem:$0x3FBC] =	sst s2  }
0x8f: {  	_ = 	snop  }
0x90: {  	(tm) =	ssettm $0x1  }
0x91: {  	s17 =	sld [smem:$0x3FFB];
	_ =	sdelay $0x3  }
0x92: {  	_ =	strace s17  }
0x93: {  	s2 =	sld [smem:$0x3FFC];
	_ =	sdelay $0x3  }
0x94: {  	_ =	strace s2  }
0x95: {  	s2 =	sld [smem:$0x3FFD];
	_ =	sdelay $0x3  }
0x96: {  	_ =	strace s2  }
0x97: {  	_ =	strace $0x8FFFFFFF  }
0x98: {  	s18 =	sld [smem:$0x3FDB];
	_ =	sdelay $0x1  }
0x99: {  	s19 =	simm.s32 $_scs_section_size  }
0x9a: {  	s4 =	simm.s32 $_size__tile_overlayer_lowered;
	s5 =	simm.s32 $_tile_overlayer_lowered  }
0x9b: {  	s22 =	simm.s32 $0x1BFF;
	s21 =	sshll.u32 s5, $0x1;
	s2 =	sadd.s32 s19, s18  }
0x9c: {  	s6 =	simm.s32 $0x0;
	s20 =	sshll.u32 s4, $0x1;
	s4 =	sadd.s32 s21, s2  }
0x9d: {  	[timem:s6], [sflag:s22] =	dma.local [hbm:s4], s20  }
0x9e: {  	_ =	swait.ge [sflag:s22], s20  }
0x9f: {  	s3 =	ssub.s32 $0x0, s20;
	[sflag:s22] =	ssyncset.done $0x0  }
0xa0: {  	[sflag:s22] =	ssyncadd.s32 s3;
	_ =	sdelay $0x1  }
0xa1: {  	s23 =	simm.s32 $0x1B8B  }
0xa2: {  	_ =	swait.ge [sflag:s23], $0x1  }
0xa3: {  	[sflag:s23] =	ssyncset.done $0x0  }
0xa4: {  	s25 =	simm.s32 $0x1B8E;
	s24 =	sld [smem:$0x3FFE];
	[sflag:s23] =	ssyncadd.s32 $0xFFFFFFFF  }
0xa5: {  	s26 =	simm.s32 $execute0_lowered;
	[smem:$0x3FD2] =	sst s25  }
0xa6: {  	s4 =	sshll.u32 s26, $0x1;
	_ =	strace $0x80000046;
	[dreg:$0x1] =	wrdreg $0xFFFFFFFF  }
0xa7: {  	s28 =	simm.s32 $_size_execute0_lowered;
	s2 =	sadd.s32 s2, s4;
	[dreg:$0x0] =	wrdreg $0x0  }
0xa8: {  	s4 =	sshll.u32 s28, $0x1;
	[dreg:$0x2] =	wrdreg s2  }
0xa9: {  	[dreg:$0x3] =	wrdreg s4  }
0xaa: {  	[dreg:$0x4] =	wrdreg $0xC0  }
0xab: {  	_ =	task [dreg:s6], $0x5FFFF  }
0xac: {  	[dreg:$0x1] =	wrdreg $0xFFFFFFFF  }
0xad: {  	[dreg:$0x0] =	wrdreg $0x60  }
0xae: {  	[dreg:$0x2] =	wrdreg s24  }
0xaf: {  	[dreg:$0x3] =	wrdreg $0x9  }
0xb0: {  	_ =	task.clear_ibuf [dreg:s6], $0x4FFFF;
	_ =	strace $0x90000046  }
0xb1: {  	s29 =	simm.s32 $0x9;
	_ =	strace $0x80000048  }
0xb2: {  	_ =	swait.ge [sflag:s29], $0x1  }
0xb3: {  	[sflag:s29] =	ssyncadd.s32 $0xFFFFFFFF  }
0xb4: {  	_ =	strace $0x90000048  }
0xb5: {  	_ =	sfence  }
0xb6: {  	s30 =	sld [smem:$0x0];
	_ =	sdelay $0x2  }
0xb7: {  	s31 =	sshll.u32 s1, $0xD;
	s1 =	sshrl.u32 s1, $0x2  }
0xb8: {  	s3 =	sand.u32 $0x4000, s31;
	s1 =	sadd.s32 s1, s30  }
0xb9: {  	s0 =	sor.u32 s3, s0;
	s1 =	sshll.u32 s1, $0x11  }
0xba: {  	s0 =	sor.u32 s1, s0  }
0xbb: {  	s0 =	sadd.s32 $0x8F2B, s0  }
0xbc: {  	[sflag:s0] =	ssyncadd.remote.s32 $0x1  }
0xbd: {  	_ =	sfence.sel $0xFFFF  }
0xbe: {  	[dreg:$0x0] =	wrdreg $0xFFFFFFFF;
	(pc) =	sbr.abs _section_cstart, $3  }
0xbf: {  	[dreg:$0x1] =	wrdreg $0xFFFFFFFF  }
0xc0: {  	_ =	task.clear_ibuf [dreg:s6], $0x2FFFF;
	_ =	strace $0x9FFFFFFF  }
0xc1: {  	(tm) =	ssettm $0x7FFFFFFF  }
tec
execute0_lowered:
.L_overlay_start_1:
0x0: {  	(tag) =	ssettag $0x1  }
0x1: {  	s9 =	rddreg [dreg:$0x0]  }
0x2: {  	s0 =	rddreg [dreg:$0x1];
	s1 =	simm.s32 $0x0;
	s2 =	srdreg.scid  }
0x3: {  	s14 =	simm.s32 $0x49B0;
	s15 =	simm.s32 $0x5968;
	s16 =	simm.s32 $0x7D0  }
0x4: {  	s17 =	simm.s32 $0xFA0;
	s18 =	simm.s32 $0x0;
	[smem:$0x7FF] =	sst s1  }
0x5: {  	s7 =	sand.u32 $0x1, s2;
	s3 =	sadd.s32 $0x15600, s9;
	s2 =	stileid.u32  }
0x6: {  	s4 =	sadd.s32 $0xB800, s9;
	s5 =	sadd.s32 $0x1A00, s9;
	s6 =	sshll.u32 s7, $0x4  }
0x7: {  	s8 =	sadd.s32 $0x21A00, s9;
	s12 =	ssub.s32 $0x2, s7;
	s10 =	sor.u32 s2, s6  }
0x8: {  	_ =	strace $0x80000047;
	s13 =	sshrl.u32 s12, $0x1;
	s11 =	smul.u32 $0x30D4, s10  }
0x9: {  	s7 =	sadd.s32 $0x1F400, s9;
	s6 =	sadd.s32 $0x21200, s9;
	s12 =	ssub.s32 s12, s13  }
0xa: {  	s13 =	simm.s32 $0x1;
	s11 =	sadd.s32 s11, s9;
	s9 =	smul.u32 $0x2710, s10  }
0xb: {  	s10 =	sadd.s32 $0x24C00, s11;
	s11 =	smax.u32 s12, $0x1;
	s12 =	simm.s32 $0x1770  }
.LBB2_1:
0xc: {  	[tilespmem:s12], [sflag:$0x1] =	stream.linear.gather [hbm4b:s6+s1], $0x3240, $0x38;
	[tilespmem:$0x1E008] =	vst v63  }
0xd: {  	_ =	swait.ge [sflag:s13], $0x3240  }
0xe: {  	[sflag:s13] =	ssyncset.done $0x0  }
0xf: {  	[sflag:s13] =	ssyncadd.s32 $0xFFFFCDC0  }
0x10: {  	[tilespmem:s14], [sflag:$0x1] =	stream.linear.gather [hbm4b:s7+s1], $0xFB8, $0x38;
	[tilespmem:$0x1E008] =	vst v63  }
0x11: {  	_ =	swait.ge [sflag:s13], $0xFB8  }
0x12: {  	[sflag:s13] =	ssyncset.done $0x0  }
0x13: {  	[sflag:s13] =	ssyncadd.s32 $0xFFFFF048  }
0x14: {  	[tilespmem:s15], [sflag:$0x1] =	stream.linear.gather [hbm4b:s8+s1], $0x186A0, $0x38;
	[tilespmem:$0x1E008] =	vst v63  }
0x15: {  	_ =	swait.ge [sflag:s13], $0x186A0  }
0x16: {  	[sflag:s13] =	ssyncset.done $0x0  }
0x17: {  	s19 =	simm.s32 $0x0;
	[sflag:s13] =	ssyncadd.s32 $0xFFFE7960  }
.LBB2_2:
0x18: {  	s20 =	smul.u32 $0x7D0, s19;
	_ =	sdelay $0x1  }
0x19: {  	s20 =	sadd.s32 s9, s20  }
0x1a: {  	s21 =	sshrl.u32 s20, $0x3  }
0x1b: {  	s20 =	simm.s32 $0x0;
	s22 =	sadd.s32 s3, s21  }
0x1c: {  	[tilespmem:s20], [sflag:$0x1] =	stream.linear.gather [hbm4b:s22+s20], $0x7D0, $0x38;
	[tilespmem:$0x1E008] =	vst v63  }
0x1d: {  	_ =	swait.ge [sflag:s13], $0x7D0  }
0x1e: {  	[sflag:s13] =	ssyncset.done $0x0  }
0x1f: {  	s31 =	sadd.s32 s4, s21;
	[sflag:s13] =	ssyncadd.s32 $0xFFFFF830  }
0x20: {  	[tilespmem:s16], [sflag:$0x1] =	stream.linear.gather [hbm4b:s31+s20], $0x7D0, $0x38;
	[tilespmem:$0x1E008] =	vst v63  }
0x21: {  	_ =	swait.ge [sflag:s13], $0x7D0  }
0x22: {  	[sflag:s13] =	ssyncset.done $0x0  }
0x23: {  	s21 =	sadd.s32 s5, s21;
	[sflag:s13] =	ssyncadd.s32 $0xFFFFF830  }
0x24: {  	[tilespmem:s17], [sflag:$0x1] =	stream.linear.gather [hbm4b:s21+s20], $0x7D0, $0x38;
	[tilespmem:$0x1E008] =	vst v63  }
0x25: {  	_ =	swait.ge [sflag:s13], $0x7D0  }
0x26: {  	[sflag:s13] =	ssyncset.done $0x0  }
0x27: {  	[sflag:s13] =	ssyncadd.s32 $0xFFFFF830  }
.LBB2_3:
0x28: {  	s21 =	sshra.s32 s20, $0x2  }
0x29: {  	v0 =	vld [tilespmem:s21+$0x0]  }
0x2a: {  	v1 =	vld [tilespmem:s21+$0x7D0];
	_ =	sdelay $0x3  }
0x2b: {  	v2 =	vshll.u32 v0, $0x5  }
0x2c: {  	v0 =	vmul.u32 $0xA, v0;
	v1 =	vadd.s32 v1, v2;
	_ =	sdelay $0x1  }
0x2d: {  	v30 =	vld [tilespmem:s21+$0xFA0];
	_ =	sdelay $0x2  }
0x2e: {  	v1 =	vld.idx.msk [tilespmem:v1+s12+$0x0], $0xffff  }
0x2f: {  	v3 =	vld.idx.msk [tilespmem:v0+s14+$0x0], $0xffff  }
0x30: {  	v2 =	vmul.u32 $0xA, v30;
	_ =	sdelay $0x1  }
0x31: {  	v4 =	vor.u32 $0x1, v0;
	_ =	sdelay $0x1  }
0x32: {  	v3 =	vmul.f32 v3, v1;
	_ =	sdelay $0x1  }
0x33: {  	[tilespmem:v2+s15+$0x0] =	vst.idx.add.f32.msk $0xffff, v3  }
0x34: {  	v3 =	vld.idx.msk [tilespmem:v4+s14+$0x0], $0xffff;
	_ =	sdelay $0x1  }
0x35: {  	v31 =	vor.u32 $0x1, v2  }
0x36: {  	v5 =	vadd.s32 $0x2, v0;
	_ =	sdelay $0x1  }
0x37: {  	v3 =	vmul.f32 v3, v1;
	_ =	sdelay $0x1  }
0x38: {  	[tilespmem:v31+s15+$0x0] =	vst.idx.add.f32.msk $0xffff, v3  }
0x39: {  	v3 =	vld.idx.msk [tilespmem:v5+s14+$0x0], $0xffff;
	_ =	sdelay $0x1  }
0x3a: {  	v32 =	vadd.s32 $0x2, v2  }
0x3b: {  	v33 =	vadd.s32 $0x3, v0;
	_ =	sdelay $0x1  }
0x3c: {  	v3 =	vmul.f32 v3, v1;
	_ =	sdelay $0x1  }
0x3d: {  	[tilespmem:v32+s15+$0x0] =	vst.idx.add.f32.msk $0xffff, v3  }
0x3e: {  	v3 =	vld.idx.msk [tilespmem:v33+s14+$0x0], $0xffff;
	_ =	sdelay $0x1  }
0x3f: {  	v34 =	vadd.s32 $0x3, v2  }
0x40: {  	v35 =	vadd.s32 $0x4, v0;
	_ =	sdelay $0x1  }
0x41: {  	v3 =	vmul.f32 v3, v1;
	_ =	sdelay $0x1  }
0x42: {  	[tilespmem:v34+s15+$0x0] =	vst.idx.add.f32.msk $0xffff, v3  }
0x43: {  	v3 =	vld.idx.msk [tilespmem:v35+s14+$0x0], $0xffff;
	_ =	sdelay $0x1  }
0x44: {  	v36 =	vadd.s32 $0x4, v2  }
0x45: {  	v37 =	vadd.s32 $0x5, v0;
	_ =	sdelay $0x1  }
0x46: {  	v3 =	vmul.f32 v3, v1;
	_ =	sdelay $0x1  }
0x47: {  	[tilespmem:v36+s15+$0x0] =	vst.idx.add.f32.msk $0xffff, v3  }
0x48: {  	v3 =	vld.idx.msk [tilespmem:v37+s14+$0x0], $0xffff;
	_ =	sdelay $0x1  }
0x49: {  	v38 =	vadd.s32 $0x5, v2  }
0x4a: {  	v39 =	vadd.s32 $0x6, v0;
	_ =	sdelay $0x1  }
0x4b: {  	v3 =	vmul.f32 v3, v1;
	_ =	sdelay $0x1  }
0x4c: {  	[tilespmem:v38+s15+$0x0] =	vst.idx.add.f32.msk $0xffff, v3  }
0x4d: {  	v3 =	vld.idx.msk [tilespmem:v39+s14+$0x0], $0xffff;
	_ =	sdelay $0x1  }
0x4e: {  	v40 =	vadd.s32 $0x6, v2  }
0x4f: {  	v41 =	vadd.s32 $0x7, v0;
	_ =	sdelay $0x1  }
0x50: {  	v3 =	vmul.f32 v3, v1;
	_ =	sdelay $0x1  }
0x51: {  	[tilespmem:v40+s15+$0x0] =	vst.idx.add.f32.msk $0xffff, v3  }
0x52: {  	v3 =	vld.idx.msk [tilespmem:v41+s14+$0x0], $0xffff;
	_ =	sdelay $0x1  }
0x53: {  	v42 =	vadd.s32 $0x7, v2  }
0x54: {  	v43 =	vadd.s32 $0x8, v0;
	_ =	sdelay $0x1  }
0x55: {  	v3 =	vmul.f32 v3, v1;
	_ =	sdelay $0x1  }
0x56: {  	[tilespmem:v42+s15+$0x0] =	vst.idx.add.f32.msk $0xffff, v3  }
0x57: {  	v3 =	vld.idx.msk [tilespmem:v43+s14+$0x0], $0xffff;
	_ =	sdelay $0x1  }
0x58: {  	v44 =	vadd.s32 $0x8, v2  }
0x59: {  	v0 =	vadd.s32 $0x9, v0;
	_ =	sdelay $0x1  }
0x5a: {  	v3 =	vmul.f32 v3, v1;
	_ =	sdelay $0x1  }
0x5b: {  	[tilespmem:v44+s15+$0x0] =	vst.idx.add.f32.msk $0xffff, v3  }
0x5c: {  	v0 =	vld.idx.msk [tilespmem:v0+s14+$0x0], $0xffff;
	_ =	sdelay $0x1  }
0x5d: {  	v2 =	vadd.s32 $0x9, v2;
	_ =	sdelay $0x2  }
0x5e: {  	v0 =	vmul.f32 v0, v1;
	_ =	sdelay $0x1  }
0x5f: {  	[tilespmem:v2+s15+$0x0] =	vst.idx.add.f32.msk $0xffff, v0  }
0x60: {  	v0 =	vld [tilespmem:s21+$0x10]  }
0x61: {  	v45 =	vld [tilespmem:s21+$0x7E0];
	_ =	sdelay $0x3  }
0x62: {  	v46 =	vshll.u32 v0, $0x5  }
0x63: {  	v0 =	vmul.u32 $0xA, v0;
	v1 =	vadd.s32 v45, v46;
	_ =	sdelay $0x1  }
0x64: {  	v47 =	vld [tilespmem:s21+$0xFB0];
	_ =	sdelay $0x2  }
0x65: {  	v1 =	vld.idx.msk [tilespmem:v1+s12+$0x0], $0xffff  }
0x66: {  	v3 =	vld.idx.msk [tilespmem:v0+s14+$0x0], $0xffff  }
0x67: {  	v2 =	vmul.u32 $0xA, v47;
	_ =	sdelay $0x1  }
0x68: {  	v48 =	vor.u32 $0x1, v0;
	_ =	sdelay $0x1  }
0x69: {  	v3 =	vmul.f32 v3, v1;
	_ =	sdelay $0x1  }
0x6a: {  	[tilespmem:v2+s15+$0x0] =	vst.idx.add.f32.msk $0xffff, v3  }
0x6b: {  	v3 =	vld.idx.msk [tilespmem:v48+s14+$0x0], $0xffff;
	_ =	sdelay $0x1  }
0x6c: {  	v49 =	vor.u32 $0x1, v2  }
0x6d: {  	v50 =	vadd.s32 $0x2, v0;
	_ =	sdelay $0x1  }
0x6e: {  	v3 =	vmul.f32 v3, v1;
	_ =	sdelay $0x1  }
0x6f: {  	[tilespmem:v49+s15+$0x0] =	vst.idx.add.f32.msk $0xffff, v3  }
0x70: {  	v3 =	vld.idx.msk [tilespmem:v50+s14+$0x0], $0xffff;
	_ =	sdelay $0x1  }
0x71: {  	v51 =	vadd.s32 $0x2, v2  }
0x72: {  	v52 =	vadd.s32 $0x3, v0;
	_ =	sdelay $0x1  }
0x73: {  	v3 =	vmul.f32 v3, v1;
	_ =	sdelay $0x1  }
0x74: {  	[tilespmem:v51+s15+$0x0] =	vst.idx.add.f32.msk $0xffff, v3  }
0x75: {  	v3 =	vld.idx.msk [tilespmem:v52+s14+$0x0], $0xffff;
	_ =	sdelay $0x1  }
0x76: {  	v53 =	vadd.s32 $0x3, v2  }
0x77: {  	v54 =	vadd.s32 $0x4, v0;
	_ =	sdelay $0x1  }
0x78: {  	v3 =	vmul.f32 v3, v1;
	_ =	sdelay $0x1  }
0x79: {  	[tilespmem:v53+s15+$0x0] =	vst.idx.add.f32.msk $0xffff, v3  }
0x7a: {  	v3 =	vld.idx.msk [tilespmem:v54+s14+$0x0], $0xffff;
	_ =	sdelay $0x1  }
0x7b: {  	v55 =	vadd.s32 $0x4, v2  }
0x7c: {  	v56 =	vadd.s32 $0x5, v0;
	_ =	sdelay $0x1  }
0x7d: {  	v3 =	vmul.f32 v3, v1;
	_ =	sdelay $0x1  }
0x7e: {  	[tilespmem:v55+s15+$0x0] =	vst.idx.add.f32.msk $0xffff, v3  }
0x7f: {  	v3 =	vld.idx.msk [tilespmem:v56+s14+$0x0], $0xffff;
	_ =	sdelay $0x1  }
0x80: {  	v57 =	vadd.s32 $0x5, v2  }
0x81: {  	v58 =	vadd.s32 $0x6, v0;
	_ =	sdelay $0x1  }
0x82: {  	v3 =	vmul.f32 v3, v1;
	_ =	sdelay $0x1  }
0x83: {  	[tilespmem:v57+s15+$0x0] =	vst.idx.add.f32.msk $0xffff, v3  }
0x84: {  	v3 =	vld.idx.msk [tilespmem:v58+s14+$0x0], $0xffff;
	_ =	sdelay $0x1  }
0x85: {  	v59 =	vadd.s32 $0x6, v2  }
0x86: {  	v60 =	vadd.s32 $0x7, v0;
	_ =	sdelay $0x1  }
0x87: {  	v3 =	vmul.f32 v3, v1;
	_ =	sdelay $0x1  }
0x88: {  	[tilespmem:v59+s15+$0x0] =	vst.idx.add.f32.msk $0xffff, v3  }
0x89: {  	v3 =	vld.idx.msk [tilespmem:v60+s14+$0x0], $0xffff;
	_ =	sdelay $0x1  }
0x8a: {  	v61 =	vadd.s32 $0x7, v2  }
0x8b: {  	v62 =	vadd.s32 $0x8, v0;
	_ =	sdelay $0x1  }
0x8c: {  	v3 =	vmul.f32 v3, v1;
	_ =	sdelay $0x1  }
0x8d: {  	[tilespmem:v61+s15+$0x0] =	vst.idx.add.f32.msk $0xffff, v3  }
0x8e: {  	v3 =	vld.idx.msk [tilespmem:v62+s14+$0x0], $0xffff;
	_ =	sdelay $0x1  }
0x8f: {  	v63 =	vadd.s32 $0x8, v2  }
0x90: {  	v0 =	vadd.s32 $0x9, v0;
	_ =	sdelay $0x1  }
0x91: {  	v3 =	vmul.f32 v3, v1;
	_ =	sdelay $0x1  }
0x92: {  	[tilespmem:v63+s15+$0x0] =	vst.idx.add.f32.msk $0xffff, v3  }
0x93: {  	v0 =	vld.idx.msk [tilespmem:v0+s14+$0x0], $0xffff;
	_ =	sdelay $0x1  }
0x94: {  	v2 =	vadd.s32 $0x9, v2;
	_ =	sdelay $0x2  }
0x95: {  	v0 =	vmul.f32 v0, v1;
	_ =	sdelay $0x1  }
0x96: {  	[tilespmem:v2+s15+$0x0] =	vst.idx.add.f32.msk $0xffff, v0  }
0x97: {  	v0 =	vld [tilespmem:s21+$0x20]  }
0x98: {  	v7 =	vld [tilespmem:s21+$0x7F0];
	_ =	sdelay $0x3  }
0x99: {  	v8 =	vshll.u32 v0, $0x5  }
0x9a: {  	v0 =	vmul.u32 $0xA, v0;
	v1 =	vadd.s32 v7, v8;
	_ =	sdelay $0x1  }
0x9b: {  	v9 =	vld [tilespmem:s21+$0xFC0];
	_ =	sdelay $0x2  }
0x9c: {  	v1 =	vld.idx.msk [tilespmem:v1+s12+$0x0], $0xffff  }
0x9d: {  	v3 =	vld.idx.msk [tilespmem:v0+s14+$0x0], $0xffff  }
0x9e: {  	v2 =	vmul.u32 $0xA, v9;
	_ =	sdelay $0x1  }
0x9f: {  	v10 =	vor.u32 $0x1, v0;
	_ =	sdelay $0x1  }
0xa0: {  	v3 =	vmul.f32 v3, v1;
	_ =	sdelay $0x1  }
0xa1: {  	[tilespmem:v2+s15+$0x0] =	vst.idx.add.f32.msk $0xffff, v3  }
0xa2: {  	v3 =	vld.idx.msk [tilespmem:v10+s14+$0x0], $0xffff;
	_ =	sdelay $0x1  }
0xa3: {  	v11 =	vor.u32 $0x1, v2  }
0xa4: {  	v12 =	vadd.s32 $0x2, v0;
	_ =	sdelay $0x1  }
0xa5: {  	v3 =	vmul.f32 v3, v1;
	_ =	sdelay $0x1  }
0xa6: {  	[tilespmem:v11+s15+$0x0] =	vst.idx.add.f32.msk $0xffff, v3  }
0xa7: {  	v3 =	vld.idx.msk [tilespmem:v12+s14+$0x0], $0xffff;
	_ =	sdelay $0x1  }
0xa8: {  	v13 =	vadd.s32 $0x2, v2  }
0xa9: {  	v14 =	vadd.s32 $0x3, v0;
	_ =	sdelay $0x1  }
0xaa: {  	v3 =	vmul.f32 v3, v1;
	_ =	sdelay $0x1  }
0xab: {  	[tilespmem:v13+s15+$0x0] =	vst.idx.add.f32.msk $0xffff, v3  }
0xac: {  	v3 =	vld.idx.msk [tilespmem:v14+s14+$0x0], $0xffff;
	_ =	sdelay $0x1  }
0xad: {  	v15 =	vadd.s32 $0x3, v2  }
0xae: {  	v16 =	vadd.s32 $0x4, v0;
	_ =	sdelay $0x1  }
0xaf: {  	v3 =	vmul.f32 v3, v1;
	_ =	sdelay $0x1  }
0xb0: {  	[tilespmem:v15+s15+$0x0] =	vst.idx.add.f32.msk $0xffff, v3  }
0xb1: {  	v3 =	vld.idx.msk [tilespmem:v16+s14+$0x0], $0xffff;
	_ =	sdelay $0x1  }
0xb2: {  	v17 =	vadd.s32 $0x4, v2  }
0xb3: {  	v18 =	vadd.s32 $0x5, v0;
	_ =	sdelay $0x1  }
0xb4: {  	v3 =	vmul.f32 v3, v1;
	_ =	sdelay $0x1  }
0xb5: {  	[tilespmem:v17+s15+$0x0] =	vst.idx.add.f32.msk $0xffff, v3  }
0xb6: {  	v3 =	vld.idx.msk [tilespmem:v18+s14+$0x0], $0xffff;
	_ =	sdelay $0x1  }
0xb7: {  	v19 =	vadd.s32 $0x5, v2  }
0xb8: {  	v20 =	vadd.s32 $0x6, v0;
	_ =	sdelay $0x1  }
0xb9: {  	v3 =	vmul.f32 v3, v1;
	_ =	sdelay $0x1  }
0xba: {  	[tilespmem:v19+s15+$0x0] =	vst.idx.add.f32.msk $0xffff, v3  }
0xbb: {  	v3 =	vld.idx.msk [tilespmem:v20+s14+$0x0], $0xffff;
	_ =	sdelay $0x1  }
0xbc: {  	v21 =	vadd.s32 $0x6, v2  }
0xbd: {  	v22 =	vadd.s32 $0x7, v0;
	_ =	sdelay $0x1  }
0xbe: {  	v3 =	vmul.f32 v3, v1;
	_ =	sdelay $0x1  }
0xbf: {  	[tilespmem:v21+s15+$0x0] =	vst.idx.add.f32.msk $0xffff, v3  }
0xc0: {  	v3 =	vld.idx.msk [tilespmem:v22+s14+$0x0], $0xffff;
	_ =	sdelay $0x1  }
0xc1: {  	v23 =	vadd.s32 $0x7, v2  }
0xc2: {  	v24 =	vadd.s32 $0x8, v0;
	_ =	sdelay $0x1  }
0xc3: {  	v3 =	vmul.f32 v3, v1;
	_ =	sdelay $0x1  }
0xc4: {  	[tilespmem:v23+s15+$0x0] =	vst.idx.add.f32.msk $0xffff, v3  }
0xc5: {  	v3 =	vld.idx.msk [tilespmem:v24+s14+$0x0], $0xffff;
	_ =	sdelay $0x1  }
0xc6: {  	v25 =	vadd.s32 $0x8, v2  }
0xc7: {  	v0 =	vadd.s32 $0x9, v0;
	_ =	sdelay $0x1  }
0xc8: {  	v3 =	vmul.f32 v3, v1;
	_ =	sdelay $0x1  }
0xc9: {  	[tilespmem:v25+s15+$0x0] =	vst.idx.add.f32.msk $0xffff, v3  }
0xca: {  	v0 =	vld.idx.msk [tilespmem:v0+s14+$0x0], $0xffff;
	_ =	sdelay $0x1  }
0xcb: {  	v2 =	vadd.s32 $0x9, v2;
	_ =	sdelay $0x2  }
0xcc: {  	v0 =	vmul.f32 v0, v1;
	_ =	sdelay $0x1  }
0xcd: {  	[tilespmem:v2+s15+$0x0] =	vst.idx.add.f32.msk $0xffff, v0  }
0xce: {  	v0 =	vld [tilespmem:s21+$0x30]  }
0xcf: {  	v26 =	vld [tilespmem:s21+$0x800];
	_ =	sdelay $0x3  }
0xd0: {  	v27 =	vshll.u32 v0, $0x5  }
0xd1: {  	v0 =	vmul.u32 $0xA, v0;
	v1 =	vadd.s32 v26, v27;
	_ =	sdelay $0x1  }
0xd2: {  	v28 =	vld [tilespmem:s21+$0xFD0];
	_ =	sdelay $0x2  }
0xd3: {  	v1 =	vld.idx.msk [tilespmem:v1+s12+$0x0], $0xffff  }
0xd4: {  	v3 =	vld.idx.msk [tilespmem:v0+s14+$0x0], $0xffff  }
0xd5: {  	v2 =	vmul.u32 $0xA, v28;
	_ =	sdelay $0x1  }
0xd6: {  	v29 =	vor.u32 $0x1, v0;
	_ =	sdelay $0x1  }
0xd7: {  	v3 =	vmul.f32 v3, v1;
	_ =	sdelay $0x1  }
0xd8: {  	[tilespmem:v2+s15+$0x0] =	vst.idx.add.f32.msk $0xffff, v3  }
0xd9: {  	v3 =	vld.idx.msk [tilespmem:v29+s14+$0x0], $0xffff;
	_ =	sdelay $0x1  }
0xda: {  	v30 =	vor.u32 $0x1, v2  }
0xdb: {  	v31 =	vadd.s32 $0x2, v0;
	_ =	sdelay $0x1  }
0xdc: {  	v3 =	vmul.f32 v3, v1;
	_ =	sdelay $0x1  }
0xdd: {  	[tilespmem:v30+s15+$0x0] =	vst.idx.add.f32.msk $0xffff, v3  }
0xde: {  	v3 =	vld.idx.msk [tilespmem:v31+s14+$0x0], $0xffff;
	_ =	sdelay $0x1  }
0xdf: {  	v32 =	vadd.s32 $0x2, v2  }
0xe0: {  	v33 =	vadd.s32 $0x3, v0;
	_ =	sdelay $0x1  }
0xe1: {  	v3 =	vmul.f32 v3, v1;
	_ =	sdelay $0x1  }
0xe2: {  	[tilespmem:v32+s15+$0x0] =	vst.idx.add.f32.msk $0xffff, v3  }
0xe3: {  	v3 =	vld.idx.msk [tilespmem:v33+s14+$0x0], $0xffff;
	_ =	sdelay $0x1  }
0xe4: {  	v34 =	vadd.s32 $0x3, v2  }
0xe5: {  	v35 =	vadd.s32 $0x4, v0;
	_ =	sdelay $0x1  }
0xe6: {  	v3 =	vmul.f32 v3, v1;
	_ =	sdelay $0x1  }
0xe7: {  	[tilespmem:v34+s15+$0x0] =	vst.idx.add.f32.msk $0xffff, v3  }
0xe8: {  	v3 =	vld.idx.msk [tilespmem:v35+s14+$0x0], $0xffff;
	_ =	sdelay $0x1  }
0xe9: {  	v36 =	vadd.s32 $0x4, v2  }
0xea: {  	v37 =	vadd.s32 $0x5, v0;
	_ =	sdelay $0x1  }
0xeb: {  	v3 =	vmul.f32 v3, v1;
	_ =	sdelay $0x1  }
0xec: {  	[tilespmem:v36+s15+$0x0] =	vst.idx.add.f32.msk $0xffff, v3  }
0xed: {  	v3 =	vld.idx.msk [tilespmem:v37+s14+$0x0], $0xffff;
	_ =	sdelay $0x1  }
0xee: {  	v38 =	vadd.s32 $0x5, v2  }
0xef: {  	v39 =	vadd.s32 $0x6, v0;
	_ =	sdelay $0x1  }
0xf0: {  	v3 =	vmul.f32 v3, v1;
	_ =	sdelay $0x1  }
0xf1: {  	[tilespmem:v38+s15+$0x0] =	vst.idx.add.f32.msk $0xffff, v3  }
0xf2: {  	v3 =	vld.idx.msk [tilespmem:v39+s14+$0x0], $0xffff;
	_ =	sdelay $0x1  }
0xf3: {  	v40 =	vadd.s32 $0x6, v2  }
0xf4: {  	v41 =	vadd.s32 $0x7, v0;
	_ =	sdelay $0x1  }
0xf5: {  	v3 =	vmul.f32 v3, v1;
	_ =	sdelay $0x1  }
0xf6: {  	[tilespmem:v40+s15+$0x0] =	vst.idx.add.f32.msk $0xffff, v3  }
0xf7: {  	v3 =	vld.idx.msk [tilespmem:v41+s14+$0x0], $0xffff;
	_ =	sdelay $0x1  }
0xf8: {  	v42 =	vadd.s32 $0x7, v2  }
0xf9: {  	v43 =	vadd.s32 $0x8, v0;
	_ =	sdelay $0x1  }
0xfa: {  	v3 =	vmul.f32 v3, v1;
	_ =	sdelay $0x1  }
0xfb: {  	[tilespmem:v42+s15+$0x0] =	vst.idx.add.f32.msk $0xffff, v3  }
0xfc: {  	v3 =	vld.idx.msk [tilespmem:v43+s14+$0x0], $0xffff;
	_ =	sdelay $0x1  }
0xfd: {  	v44 =	vadd.s32 $0x8, v2  }
0xfe: {  	v0 =	vadd.s32 $0x9, v0;
	_ =	sdelay $0x1  }
0xff: {  	v3 =	vmul.f32 v3, v1;
	_ =	sdelay $0x1  }
0x100: {  	[tilespmem:v44+s15+$0x0] =	vst.idx.add.f32.msk $0xffff, v3  }
0x101: {  	v0 =	vld.idx.msk [tilespmem:v0+s14+$0x0], $0xffff;
	_ =	sdelay $0x1  }
0x102: {  	v2 =	vadd.s32 $0x9, v2;
	_ =	sdelay $0x2  }
0x103: {  	v0 =	vmul.f32 v0, v1;
	_ =	sdelay $0x1  }
0x104: {  	[tilespmem:v2+s15+$0x0] =	vst.idx.add.f32.msk $0xffff, v0  }
0x105: {  	v0 =	vld [tilespmem:s21+$0x40]  }
0x106: {  	v45 =	vld [tilespmem:s21+$0x810];
	_ =	sdelay $0x3  }
0x107: {  	v46 =	vshll.u32 v0, $0x5  }
0x108: {  	v0 =	vmul.u32 $0xA, v0;
	v1 =	vadd.s32 v45, v46;
	_ =	sdelay $0x1  }
0x109: {  	v47 =	vld [tilespmem:s21+$0xFE0];
	_ =	sdelay $0x2  }
0x10a: {  	v1 =	vld.idx.msk [tilespmem:v1+s12+$0x0], $0xffff  }
0x10b: {  	v3 =	vld.idx.msk [tilespmem:v0+s14+$0x0], $0xffff  }
0x10c: {  	v2 =	vmul.u32 $0xA, v47;
	_ =	sdelay $0x1  }
0x10d: {  	v48 =	vor.u32 $0x1, v0;
	_ =	sdelay $0x1  }
0x10e: {  	v3 =	vmul.f32 v3, v1;
	_ =	sdelay $0x1  }
0x10f: {  	[tilespmem:v2+s15+$0x0] =	vst.idx.add.f32.msk $0xffff, v3  }
0x110: {  	v3 =	vld.idx.msk [tilespmem:v48+s14+$0x0], $0xffff;
	_ =	sdelay $0x1  }
0x111: {  	v49 =	vor.u32 $0x1, v2  }
0x112: {  	v50 =	vadd.s32 $0x2, v0;
	_ =	sdelay $0x1  }
0x113: {  	v3 =	vmul.f32 v3, v1;
	_ =	sdelay $0x1  }
0x114: {  	[tilespmem:v49+s15+$0x0] =	vst.idx.add.f32.msk $0xffff, v3  }
0x115: {  	v3 =	vld.idx.msk [tilespmem:v50+s14+$0x0], $0xffff;
	_ =	sdelay $0x1  }
0x116: {  	v51 =	vadd.s32 $0x2, v2  }
0x117: {  	v52 =	vadd.s32 $0x3, v0;
	_ =	sdelay $0x1  }
0x118: {  	v3 =	vmul.f32 v3, v1;
	_ =	sdelay $0x1  }
0x119: {  	[tilespmem:v51+s15+$0x0] =	vst.idx.add.f32.msk $0xffff, v3  }
0x11a: {  	v3 =	vld.idx.msk [tilespmem:v52+s14+$0x0], $0xffff;
	_ =	sdelay $0x1  }
0x11b: {  	v53 =	vadd.s32 $0x3, v2  }
0x11c: {  	v54 =	vadd.s32 $0x4, v0;
	_ =	sdelay $0x1  }
0x11d: {  	v3 =	vmul.f32 v3, v1;
	_ =	sdelay $0x1  }
0x11e: {  	[tilespmem:v53+s15+$0x0] =	vst.idx.add.f32.msk $0xffff, v3  }
0x11f: {  	v3 =	vld.idx.msk [tilespmem:v54+s14+$0x0], $0xffff;
	_ =	sdelay $0x1  }
0x120: {  	v55 =	vadd.s32 $0x4, v2  }
0x121: {  	v56 =	vadd.s32 $0x5, v0;
	_ =	sdelay $0x1  }
0x122: {  	v3 =	vmul.f32 v3, v1;
	_ =	sdelay $0x1  }
0x123: {  	[tilespmem:v55+s15+$0x0] =	vst.idx.add.f32.msk $0xffff, v3  }
0x124: {  	v3 =	vld.idx.msk [tilespmem:v56+s14+$0x0], $0xffff;
	_ =	sdelay $0x1  }
0x125: {  	v57 =	vadd.s32 $0x5, v2  }
0x126: {  	v58 =	vadd.s32 $0x6, v0;
	_ =	sdelay $0x1  }
0x127: {  	v3 =	vmul.f32 v3, v1;
	_ =	sdelay $0x1  }
0x128: {  	[tilespmem:v57+s15+$0x0] =	vst.idx.add.f32.msk $0xffff, v3  }
0x129: {  	v3 =	vld.idx.msk [tilespmem:v58+s14+$0x0], $0xffff;
	_ =	sdelay $0x1  }
0x12a: {  	v59 =	vadd.s32 $0x6, v2  }
0x12b: {  	v60 =	vadd.s32 $0x7, v0;
	_ =	sdelay $0x1  }
0x12c: {  	v3 =	vmul.f32 v3, v1;
	_ =	sdelay $0x1  }
0x12d: {  	[tilespmem:v59+s15+$0x0] =	vst.idx.add.f32.msk $0xffff, v3  }
0x12e: {  	v3 =	vld.idx.msk [tilespmem:v60+s14+$0x0], $0xffff;
	_ =	sdelay $0x1  }
0x12f: {  	v61 =	vadd.s32 $0x7, v2  }
0x130: {  	v62 =	vadd.s32 $0x8, v0;
	_ =	sdelay $0x1  }
0x131: {  	v3 =	vmul.f32 v3, v1;
	_ =	sdelay $0x1  }
0x132: {  	[tilespmem:v61+s15+$0x0] =	vst.idx.add.f32.msk $0xffff, v3  }
0x133: {  	v3 =	vld.idx.msk [tilespmem:v62+s14+$0x0], $0xffff;
	_ =	sdelay $0x1  }
0x134: {  	v63 =	vadd.s32 $0x8, v2  }
0x135: {  	v0 =	vadd.s32 $0x9, v0;
	_ =	sdelay $0x1  }
0x136: {  	v3 =	vmul.f32 v3, v1;
	_ =	sdelay $0x1  }
0x137: {  	[tilespmem:v63+s15+$0x0] =	vst.idx.add.f32.msk $0xffff, v3  }
0x138: {  	v0 =	vld.idx.msk [tilespmem:v0+s14+$0x0], $0xffff;
	_ =	sdelay $0x1  }
0x139: {  	p0 =	sne.s32 s20, $0x1E00;
	v2 =	vadd.s32 $0x9, v2  }
.Ltmp0:
0x13a: {  	_ = 	snop;
	(pc) =	sbr.rel @p0 .LBB2_3-.Ltmp0, $3  }
0x13b: {  	_ = 	snop  }
0x13c: {  	v0 =	vmul.f32 v0, v1;
	_ =	sdelay $0x1  }
0x13d: {  	s20 =	sadd.s32 $0x140, s20;
	[tilespmem:v2+s15+$0x0] =	vst.idx.add.f32.msk $0xffff, v0  }
0x13e: {  	s19 =	sadd.s32 $0x1, s19  }
0x13f: {  	p0 =	sne.s32 s19, $0x5  }
.Ltmp1:
0x140: {  	_ = 	snop;
	(pc) =	sbr.rel @p0 .LBB2_2-.Ltmp1, $1  }
0x141: {  	_ =	sdelay $0x3  }
0x142: {  	s18 =	sadd.s32 $0x1, s18  }
0x143: {  	p0 =	sne.s32 s18, s11  }
.Ltmp2:
0x144: {  	_ = 	snop;
	(pc) =	sbr.rel @p0 .LBB2_1-.Ltmp2, $4  }
0x145: {  	[hbm4b:s10+s1] =	stream.linear.scatter [tilespmem:s15], [sflag:$0x1], $0x186A0, $0x38;
	[tilespmem:$0x1E008] =	vst v63  }
0x146: {  	_ =	swait.ge [sflag:s13], $0x186A0  }
0x147: {  	[sflag:s13] =	ssyncset.done $0x0  }
0x148: {  	[sflag:s13] =	ssyncadd.s32 $0xFFFE7960  }
0x149: {  	_ =	sfence.sel $0x180000  }
0x14a: {  	[bflag:$0x0] =	sbarrier.arrive $0xFFFF  }
0x14b: {  	p0 =	sne.s32 s2, $0x0;
	_ =	strace $0x90000047  }
0x14c: {  	s0 =	sadd.s32 @!p0 $0x100000, s0;
	[bflag:$0x2] =	sbarrier.arrive $0xFFFF  }
0x14d: {  	[sflag:s0] =	ssyncadd.tile.s32 @!p0 $0x1;
	_ =	shalt  }
.Lfunc_end2:
_tile_overlayer_lowered:
.L_overlay_start_2:
0x14e: {  	(tag) =	ssettag $0x2  }
0x14f: {  	s0 =	rddreg [dreg:$0x0];
	s2 =	stileid.u32  }
0x150: {  	s1 =	rddreg [dreg:$0x1];
	p0 =	sne.s32 s2, $0x0  }
0x151: {  	s3 =	rddreg [dreg:$0x2];
	[bflag:$0x3] =	sbarrier.arrive $0xFFFF;
	s2 =	simm.s32 @!p0 $0x1C01  }
0x152: {  	[timem:s3], [sflag:s2] =	dma.local @!p0 [hbm:s0], s1  }
0x153: {  	s0 =	simm.s32 @!p0 $0x1  }
0x154: {  	_ =	swait.ge @!p0 [sflag:s0], s1  }
0x155: {  	s1 =	ssub.s32 @!p0 $0x0, s1;
	[sflag:s0] =	ssyncset.done @!p0 $0x0  }
0x156: {  	[sflag:s0] =	ssyncadd.s32 @!p0 s1  }
0x157: {  	[bflag:$0x3] =	sbarrier.arrive $0xFFFF  }
0x158: {  	_ =	shalt  }

// kernel: scatter_offload_async_start.1
scs
__scs_entry_jumppad:
0x0: {  	(pc) =	sbr.rel $0x88, $3  }
0x1: {  	(tag) =	ssettag $0x0;
	lr =	simm.s32 $0x1  }
0x2: {  	[smem:$0x3F95] =	sst lr;
	_ =	strace $0xD0000000  }
0x3: {  	_ = 	snop  }
0x4: {  	_ = 	snop  }
0x5: {  	_ = 	snop  }
0x6: {  	_ = 	snop  }
0x7: {  	_ = 	snop  }
__scs_overlays_trampoline_lowered:
0x8: {  	[smem:$0x3FA4] =	sst s0  }
0x9: {  	[smem:$0x3FA5] =	sst s1  }
0xa: {  	[smem:$0x3FA6] =	sst s2  }
0xb: {  	[smem:$0x3FA7] =	sst s3  }
0xc: {  	[smem:$0x3FA8] =	sst s4  }
0xd: {  	[smem:$0x3FA9] =	sst s5  }
0xe: {  	[smem:$0x3FAA] =	sst s6  }
0xf: {  	[smem:$0x3FAB] =	sst s7  }
0x10: {  	[smem:$0x3FAC] =	sst s8  }
0x11: {  	[smem:$0x3FAD] =	sst s9;
	s0 =	simm.s32 @!p0 $0x0  }
0x12: {  	s1 =	sld [smem:$0x3F93];
	s0 =	simm.s32 @p0 $0x1  }
0x13: {  	[smem:$0x3FAE] =	sst s0;
	s0 =	simm.s32 @!p1 $0x0  }
0x14: {  	s2 =	sld [smem:$0x3F92];
	s0 =	simm.s32 @p1 $0x1  }
0x15: {  	[smem:$0x3FAF] =	sst s0;
	s0 =	simm.s32 @!p2 $0x0  }
0x16: {  	s3 =	sld [smem:$0x3FDB];
	s0 =	simm.s32 @p2 $0x1  }
0x17: {  	s4 =	simm.s32 $0x1BF5;
	[smem:$0x3FB1] =	sst s0  }
0x18: {  	s0 =	sld [smem:$0x3F94];
	_ =	swait.ge [sflag:s4], $0x0  }
0x19: {  	s7 =	sld [smem:$0x3F95]  }
0x1a: {  	s8 =	sadd.s32 $0xFFFFE003, lr  }
0x1b: {  	s9 =	sadd.s32 $0xFFFFFEF7, lr;
	s5 =	simm.s32 $0xFFFFFFFF;
	p2 =	slt.u32 s8, $0xFFFFF086  }
0x1c: {  	p1 =	slt.u32 s9, $0xF7A;
	s5 =	simm.s32 @!p2 $0x0  }
0x1d: {  	s5 =	simm.s32 @p1 $0x1;
	p0 =	seq.s32 s7, s2  }
0x1e: {  	s7 =	smul.u32 @!p0 $0xF7A, s2;
	p2 =	seq.s32 @!p0 s5, $0x0  }
0x1f: {  	s9 =	smul.u32 $0xF7A, s1;
	s8 =	simm.s32 @!p0 $0x1BF5;
	p2 =	por !p2, p0  }
0x20: {  	[sflag:s8] =	ssyncset.s32 @!p0 $0xFFFFF086;
	s6 =	sadd.s32 @!p0 s3, s7;
	s7 =	simm.s32 @!p0 $0x108  }
0x21: {  	s3 =	sadd.s32 s3, s9;
	s6 =	sadd.s32 @!p0 $0x88, s6;
	s7 =	simm.s32 @p2 $0x1082  }
0x22: {  	[simem:s7], [sflag:s8] =	dma.local @!p0 [hbm:s6], $0xF7A  }
0x23: {  	s9 =	sor.u32 $0xD0000000, s2;
	s6 =	simm.s32 $0x108;
	_ =	swait.ge @!p0 [sflag:s8], $0x0  }
0x24: {  	s3 =	sadd.s32 $0x88, s3;
	s6 =	simm.s32 @!p1 $0x1082;
	[sflag:s4] =	ssyncset.s32 $0xFFFFF086  }
0x25: {  	[simem:s6], [sflag:s4] =	dma.local [hbm:s3], $0xF7A  }
0x26: {  	[smem:$0x3F95] =	sst s1;
	(tag) =	ssettag s2;
	_ =	strace s9  }
0x27: {  	s1 =	sld [smem:$0x3FA5]  }
0x28: {  	s2 =	sld [smem:$0x3FA6]  }
0x29: {  	s4 =	sld [smem:$0x3FA8]  }
0x2a: {  	p0 =	seq.s32 s5, $0x0;
	s5 =	sld [smem:$0x3FA9]  }
0x2b: {  	s6 =	sld [smem:$0x3FAA]  }
0x2c: {  	s7 =	sld [smem:$0x3FAB]  }
0x2d: {  	s3 =	simm.s32 $0x108;
	s8 =	sld [smem:$0x3FAC]  }
0x2e: {  	s3 =	simm.s32 @!p0 $0x1082;
	s9 =	sld [smem:$0x3FAD]  }
0x2f: {  	lr =	sadd.s32 s0, s3;
	s0 =	sld [smem:$0x3FA4]  }
0x30: {  	s3 =	sld [smem:$0x3FA7]  }
0x31: {  	[smem:$0x3FB0] =	sst s10  }
0x32: {  	s10 =	sld [smem:$0x3FAE];
	_ =	sdelay $0x3  }
0x33: {  	p0 =	seq.s32 s10, $0x1;
	s10 =	sld [smem:$0x3FB0];
	_ =	sdelay $0x3  }
0x34: {  	[smem:$0x3FB0] =	sst s10  }
0x35: {  	s10 =	sld [smem:$0x3FAF];
	_ =	sdelay $0x3  }
0x36: {  	p1 =	seq.s32 s10, $0x1;
	s10 =	sld [smem:$0x3FB0];
	_ =	sdelay $0x3  }
0x37: {  	[smem:$0x3FB0] =	sst s10  }
0x38: {  	s10 =	sld [smem:$0x3FB1]  }
0x39: {  	_ = 	snop;
	(pc) =	sbr.ind lr, $3  }
0x3a: {  	_ = 	snop  }
0x3b: {  	_ = 	snop  }
0x3c: {  	p2 =	seq.s32 s10, $0x1;
	s10 =	sld [smem:$0x3FB0]  }
0x3d: {  	_ =	shalt  }
0x3e: {  	_ =	shalt  }
0x3f: {  	_ =	shalt  }
0x40: {  	_ =	shalt  }
0x41: {  	_ =	shalt  }
0x42: {  	_ =	shalt  }
0x43: {  	_ =	shalt  }
0x44: {  	_ =	shalt  }
0x45: {  	_ =	shalt  }
0x46: {  	_ =	shalt  }
0x47: {  	_ =	shalt  }
0x48: {  	_ =	shalt  }
0x49: {  	_ =	shalt  }
0x4a: {  	_ =	shalt  }
0x4b: {  	_ =	shalt  }
0x4c: {  	_ =	shalt  }
0x4d: {  	_ =	shalt  }
0x4e: {  	_ =	shalt  }
0x4f: {  	_ =	shalt  }
0x50: {  	_ =	shalt  }
0x51: {  	_ =	shalt  }
0x52: {  	_ =	shalt  }
0x53: {  	_ =	shalt  }
0x54: {  	_ =	shalt  }
0x55: {  	_ =	shalt  }
0x56: {  	_ =	shalt  }
0x57: {  	_ =	shalt  }
0x58: {  	_ =	shalt  }
0x59: {  	_ =	shalt  }
0x5a: {  	_ =	shalt  }
0x5b: {  	_ =	shalt  }
0x5c: {  	_ =	shalt  }
0x5d: {  	_ =	shalt  }
0x5e: {  	_ =	shalt  }
0x5f: {  	_ =	shalt  }
0x60: {  	_ =	shalt  }
0x61: {  	_ =	shalt  }
0x62: {  	_ =	shalt  }
0x63: {  	_ =	shalt  }
0x64: {  	_ =	shalt  }
0x65: {  	_ =	shalt  }
0x66: {  	_ =	shalt  }
0x67: {  	_ =	shalt  }
0x68: {  	_ =	shalt  }
0x69: {  	_ =	shalt  }
0x6a: {  	_ =	shalt  }
0x6b: {  	_ =	shalt  }
0x6c: {  	_ =	shalt  }
0x6d: {  	_ =	shalt  }
0x6e: {  	_ =	shalt  }
0x6f: {  	_ =	shalt  }
0x70: {  	_ =	shalt  }
0x71: {  	_ =	shalt  }
0x72: {  	_ =	shalt  }
0x73: {  	_ =	shalt  }
0x74: {  	_ =	shalt  }
0x75: {  	_ =	shalt  }
0x76: {  	_ =	shalt  }
0x77: {  	_ =	shalt  }
0x78: {  	_ =	shalt  }
0x79: {  	_ =	shalt  }
0x7a: {  	_ =	shalt  }
0x7b: {  	_ =	shalt  }
0x7c: {  	_ =	shalt  }
0x7d: {  	_ =	shalt  }
0x7e: {  	_ =	shalt  }
0x7f: {  	_ =	shalt  }
0x80: {  	_ =	shalt  }
0x81: {  	_ =	shalt  }
0x82: {  	_ =	shalt  }
0x83: {  	_ =	shalt  }
0x84: {  	_ =	shalt  }
0x85: {  	_ =	shalt  }
0x86: {  	_ =	shalt  }
0x87: {  	_ =	shalt  }
.Lfunc_end0:
.L_simem_size_0:
called_computation.1_lowered:
.L_overlay_start_0:
0x88: {  	s2 =	sld [smem:$0x3FD9]  }
0x89: {  	s3 =	sld [smem:$0x3FFE];
	_ =	sdelay $0x1  }
0x8a: {  	s1 =	srdreg.scid  }
0x8b: {  	s0 =	sand.u32 $0x1, s1  }
0x8c: {  	s16 =	sshll.u32 s0, $0xA;
	s2 =	sadd.s32 s3, s2  }
0x8d: {  	s2 =	sadd.s32 s2, s16  }
0x8e: {  	[smem:$0x3FBC] =	sst s2  }
0x8f: {  	_ = 	snop  }
0x90: {  	s2 =	sld [smem:$0x3FD0];
	(tm) =	ssettm $0x1  }
0x91: {  	s17 =	sld [smem:$0x3FFB];
	_ =	sdelay $0x3  }
0x92: {  	_ =	strace s17  }
0x93: {  	s3 =	sld [smem:$0x3FFC];
	_ =	sdelay $0x3  }
0x94: {  	_ =	strace s3  }
0x95: {  	s3 =	sld [smem:$0x3FFD];
	_ =	sdelay $0x3  }
0x96: {  	_ =	strace s3  }
0x97: {  	_ =	strace $0x8FFFFFFF  }
0x98: {  	s18 =	sld [smem:$0x3FDB];
	_ =	sdelay $0x1  }
0x99: {  	s4 =	simm.s32 $_scs_section_size  }
0x9a: {  	s5 =	simm.s32 $_size__tile_overlayer_lowered;
	s6 =	simm.s32 $_tile_overlayer_lowered  }
0x9b: {  	s21 =	simm.s32 $0x1BFF;
	s20 =	sshll.u32 s6, $0x1;
	s3 =	sadd.s32 s4, s18  }
0x9c: {  	s7 =	simm.s32 $0x0;
	s19 =	sshll.u32 s5, $0x1;
	s5 =	sadd.s32 s20, s3  }
0x9d: {  	[timem:s7], [sflag:s21] =	dma.local [hbm:s5], s19  }
0x9e: {  	_ =	swait.ge [sflag:s21], s19  }
0x9f: {  	s4 =	ssub.s32 $0x0, s19;
	[sflag:s21] =	ssyncset.done $0x0  }
0xa0: {  	[sflag:s21] =	ssyncadd.s32 s4;
	_ =	sdelay $0x1  }
0xa1: {  	s22 =	simm.s32 $0x1B8B  }
0xa2: {  	_ =	swait.ge [sflag:s22], $0x1  }
0xa3: {  	[sflag:s22] =	ssyncset.done $0x0  }
0xa4: {  	s23 =	sld [smem:$0x3FFE];
	[sflag:s22] =	ssyncadd.s32 $0xFFFFFFFF  }
0xa5: {  	s25 =	simm.s32 $0x1B8E;
	s24 =	sld [smem:$0x0]  }
0xa6: {  	s26 =	simm.s32 $execute0_lowered;
	[smem:$0x3FD2] =	sst s25  }
0xa7: {  	s6 =	sshll.u32 s26, $0x1;
	_ =	strace $0x80000052;
	[dreg:$0x1] =	wrdreg $0xFFFFFFFF  }
0xa8: {  	s28 =	simm.s32 $_size_execute0_lowered;
	s3 =	sadd.s32 s3, s6;
	[dreg:$0x0] =	wrdreg $0x0  }
0xa9: {  	s6 =	sshll.u32 s28, $0x1;
	[dreg:$0x2] =	wrdreg s3  }
0xaa: {  	[dreg:$0x3] =	wrdreg s6  }
0xab: {  	[dreg:$0x4] =	wrdreg $0xC0  }
0xac: {  	_ =	task [dreg:s7], $0x5FFFF  }
0xad: {  	[dreg:$0x1] =	wrdreg $0xFFFFFFFF  }
0xae: {  	[dreg:$0x0] =	wrdreg $0x60  }
0xaf: {  	[dreg:$0x2] =	wrdreg s23  }
0xb0: {  	[dreg:$0x3] =	wrdreg s2  }
0xb1: {  	[dreg:$0x4] =	wrdreg s1  }
0xb2: {  	[dreg:$0x5] =	wrdreg s24  }
0xb3: {  	[dreg:$0x6] =	wrdreg $0x9  }
0xb4: {  	_ =	task.clear_ibuf [dreg:s7], $0x7FFFF;
	_ =	strace $0x90000052  }
0xb5: {  	s29 =	simm.s32 $0x9;
	_ =	strace $0x80000054  }
0xb6: {  	_ =	swait.ge [sflag:s29], $0x1  }
0xb7: {  	[sflag:s29] =	ssyncadd.s32 $0xFFFFFFFF  }
0xb8: {  	_ =	strace $0x90000054  }
0xb9: {  	_ =	sfence  }
0xba: {  	s30 =	sld [smem:$0x0];
	_ =	sdelay $0x2  }
0xbb: {  	s31 =	sshll.u32 s1, $0xD;
	s1 =	sshrl.u32 s1, $0x2  }
0xbc: {  	s3 =	sand.u32 $0x4000, s31;
	s1 =	sadd.s32 s1, s30  }
0xbd: {  	s0 =	sor.u32 s3, s0;
	s1 =	sshll.u32 s1, $0x11  }
0xbe: {  	s0 =	sor.u32 s1, s0  }
0xbf: {  	s0 =	sadd.s32 $0x8F2B, s0  }
0xc0: {  	[sflag:s0] =	ssyncadd.remote.s32 $0x1  }
0xc1: {  	_ =	sfence.sel $0xFFFF  }
0xc2: {  	[dreg:$0x0] =	wrdreg $0xFFFFFFFF;
	(pc) =	sbr.abs _section_cstart, $3  }
0xc3: {  	[dreg:$0x1] =	wrdreg $0xFFFFFFFF  }
0xc4: {  	_ =	task.clear_ibuf [dreg:s7], $0x2FFFF;
	_ =	strace $0x9FFFFFFF  }
0xc5: {  	(tm) =	ssettm $0x7FFFFFFF  }
tec
execute0_lowered:
.L_overlay_start_1:
0x0: {  	(tag) =	ssettag $0x1  }
0x1: {  	s6 =	rddreg [dreg:$0x0]  }
0x2: {  	s7 =	rddreg [dreg:$0x1]  }
0x3: {  	s5 =	rddreg [dreg:$0x2];
	_ =	strace $0x80000053;
	s8 =	simm.s32 $0x1  }
0x4: {  	v0 =	vimm.s32 $0x0;
	[sflag:s8] =	ssyncpa.u1 $0x0  }
0x5: {  	[tilespmem:$0x48] =	vst v0  }
0x6: {  	[tilespmem:$0x58] =	vst v0  }
0x7: {  	[tilespmem:$0x68] =	vst v0  }
0x8: {  	[tilespmem:$0x78] =	vst v0  }
0x9: {  	[tilespmem:$0x88] =	vst v0  }
0xa: {  	[tilespmem:$0x98] =	vst v0  }
0xb: {  	[tilespmem:$0xA8] =	vst v0  }
0xc: {  	[tilespmem:$0xB8] =	vst v0  }
0xd: {  	[tilespmem:$0xC8] =	vst v0  }
0xe: {  	[tilespmem:$0xD8] =	vst v0  }
0xf: {  	[tilespmem:$0xE8] =	vst v0  }
0x10: {  	[tilespmem:$0xF8] =	vst v0  }
0x11: {  	[tilespmem:$0x108] =	vst v0  }
0x12: {  	[tilespmem:$0x118] =	vst v0  }
0x13: {  	[tilespmem:$0x128] =	vst v0  }
0x14: {  	[tilespmem:$0x138] =	vst v0  }
0x15: {  	[tilespmem:$0x148] =	vst v0  }
0x16: {  	[tilespmem:$0x158] =	vst v0  }
0x17: {  	[tilespmem:$0x168] =	vst v0  }
0x18: {  	[tilespmem:$0x178] =	vst v0  }
0x19: {  	[tilespmem:$0x188] =	vst v0  }
0x1a: {  	[tilespmem:$0x198] =	vst v0  }
0x1b: {  	[tilespmem:$0x1A8] =	vst v0  }
0x1c: {  	[tilespmem:$0x1B8] =	vst v0  }
0x1d: {  	[tilespmem:$0x1C8] =	vst v0  }
0x1e: {  	[tilespmem:$0x1D8] =	vst v0  }
0x1f: {  	[tilespmem:$0x1E8] =	vst v0  }
0x20: {  	[tilespmem:$0x1F8] =	vst v0  }
0x21: {  	[tilespmem:$0x208] =	vst v0  }
0x22: {  	[tilespmem:$0x218] =	vst v0  }
0x23: {  	[tilespmem:$0x228] =	vst v0  }
0x24: {  	[tilespmem:$0x238] =	vst v0  }
0x25: {  	[tilespmem:$0x248] =	vst v0  }
0x26: {  	[tilespmem:$0x258] =	vst v0  }
0x27: {  	[tilespmem:$0x268] =	vst v0  }
0x28: {  	[tilespmem:$0x278] =	vst v0  }
0x29: {  	[tilespmem:$0x288] =	vst v0  }
0x2a: {  	[tilespmem:$0x298] =	vst v0  }
0x2b: {  	[tilespmem:$0x2A8] =	vst v0  }
0x2c: {  	[tilespmem:$0x2B8] =	vst v0  }
0x2d: {  	[tilespmem:$0x2C8] =	vst v0  }
0x2e: {  	[tilespmem:$0x2D8] =	vst v0  }
0x2f: {  	[tilespmem:$0x2E8] =	vst v0  }
0x30: {  	[tilespmem:$0x2F8] =	vst v0  }
0x31: {  	[tilespmem:$0x308] =	vst v0  }
0x32: {  	[tilespmem:$0x318] =	vst v0  }
0x33: {  	[tilespmem:$0x328] =	vst v0  }
0x34: {  	[tilespmem:$0x338] =	vst v0  }
0x35: {  	[tilespmem:$0x348] =	vst v0  }
0x36: {  	[tilespmem:$0x358] =	vst v0  }
0x37: {  	[tilespmem:$0x368] =	vst v0  }
0x38: {  	[tilespmem:$0x378] =	vst v0  }
0x39: {  	[tilespmem:$0x388] =	vst v0  }
0x3a: {  	[tilespmem:$0x398] =	vst v0  }
0x3b: {  	[tilespmem:$0x3A8] =	vst v0  }
0x3c: {  	[tilespmem:$0x3B8] =	vst v0  }
0x3d: {  	[tilespmem:$0x3C8] =	vst v0  }
0x3e: {  	[tilespmem:$0x3D8] =	vst v0  }
0x3f: {  	[tilespmem:$0x3E8] =	vst v0  }
0x40: {  	[tilespmem:$0x3F8] =	vst v0  }
0x41: {  	[tilespmem:$0x408] =	vst v0  }
0x42: {  	[tilespmem:$0x418] =	vst v0  }
0x43: {  	[tilespmem:$0x428] =	vst v0  }
0x44: {  	[tilespmem:$0x438] =	vst v0  }
0x45: {  	[tilespmem:$0x448] =	vst v0  }
0x46: {  	[tilespmem:$0x458] =	vst v0  }
0x47: {  	[tilespmem:$0x468] =	vst v0  }
0x48: {  	[tilespmem:$0x478] =	vst v0  }
0x49: {  	[tilespmem:$0x488] =	vst v0  }
0x4a: {  	[tilespmem:$0x498] =	vst v0  }
0x4b: {  	[tilespmem:$0x4A8] =	vst v0  }
0x4c: {  	[tilespmem:$0x4B8] =	vst v0  }
0x4d: {  	[tilespmem:$0x4C8] =	vst v0  }
0x4e: {  	[tilespmem:$0x4D8] =	vst v0  }
0x4f: {  	[tilespmem:$0x4E8] =	vst v0  }
0x50: {  	[tilespmem:$0x4F8] =	vst v0  }
0x51: {  	[tilespmem:$0x508] =	vst v0  }
0x52: {  	[tilespmem:$0x518] =	vst v0  }
0x53: {  	[tilespmem:$0x528] =	vst v0  }
0x54: {  	[tilespmem:$0x538] =	vst v0  }
0x55: {  	[tilespmem:$0x548] =	vst v0  }
0x56: {  	[tilespmem:$0x558] =	vst v0  }
0x57: {  	[tilespmem:$0x568] =	vst v0  }
0x58: {  	[tilespmem:$0x578] =	vst v0  }
0x59: {  	[tilespmem:$0x588] =	vst v0  }
0x5a: {  	[tilespmem:$0x598] =	vst v0  }
0x5b: {  	[tilespmem:$0x5A8] =	vst v0  }
0x5c: {  	[tilespmem:$0x5B8] =	vst v0  }
0x5d: {  	[tilespmem:$0x5C8] =	vst v0  }
0x5e: {  	[tilespmem:$0x5D8] =	vst v0  }
0x5f: {  	[tilespmem:$0x5E8] =	vst v0  }
0x60: {  	[tilespmem:$0x5F8] =	vst v0  }
0x61: {  	[tilespmem:$0x608] =	vst v0  }
0x62: {  	[tilespmem:$0x618] =	vst v0  }
0x63: {  	[tilespmem:$0x628] =	vst v0  }
0x64: {  	[tilespmem:$0x638] =	vst v0  }
0x65: {  	[tilespmem:$0x648] =	vst v0  }
0x66: {  	[tilespmem:$0x658] =	vst v0  }
0x67: {  	[tilespmem:$0x668] =	vst v0  }
0x68: {  	[tilespmem:$0x678] =	vst v0  }
0x69: {  	[tilespmem:$0x688] =	vst v0  }
0x6a: {  	[tilespmem:$0x698] =	vst v0  }
0x6b: {  	[tilespmem:$0x6A8] =	vst v0  }
0x6c: {  	[tilespmem:$0x6B8] =	vst v0  }
0x6d: {  	[tilespmem:$0x6C8] =	vst v0  }
0x6e: {  	[tilespmem:$0x6D8] =	vst v0  }
0x6f: {  	[tilespmem:$0x6E8] =	vst v0  }
0x70: {  	[tilespmem:$0x6F8] =	vst v0  }
0x71: {  	[tilespmem:$0x708] =	vst v0  }
0x72: {  	[tilespmem:$0x718] =	vst v0  }
0x73: {  	[tilespmem:$0x728] =	vst v0  }
0x74: {  	[tilespmem:$0x738] =	vst v0  }
0x75: {  	[tilespmem:$0x748] =	vst v0  }
0x76: {  	[tilespmem:$0x758] =	vst v0  }
0x77: {  	[tilespmem:$0x768] =	vst v0  }
0x78: {  	[tilespmem:$0x778] =	vst v0  }
0x79: {  	[tilespmem:$0x788] =	vst v0  }
0x7a: {  	[tilespmem:$0x798] =	vst v0  }
0x7b: {  	[tilespmem:$0x7A8] =	vst v0  }
0x7c: {  	[tilespmem:$0x7B8] =	vst v0  }
0x7d: {  	[tilespmem:$0x7C8] =	vst v0  }
0x7e: {  	[tilespmem:$0x7D8] =	vst v0  }
0x7f: {  	[tilespmem:$0x7E8] =	vst v0  }
0x80: {  	[tilespmem:$0x7F8] =	vst v0  }
0x81: {  	[tilespmem:$0x808] =	vst v0  }
0x82: {  	[tilespmem:$0x818] =	vst v0  }
0x83: {  	[tilespmem:$0x828] =	vst v0  }
0x84: {  	[tilespmem:$0x838] =	vst v0  }
0x85: {  	[tilespmem:$0x848] =	vst v0  }
0x86: {  	[tilespmem:$0x858] =	vst v0  }
0x87: {  	[tilespmem:$0x868] =	vst v0  }
0x88: {  	[tilespmem:$0x878] =	vst v0  }
0x89: {  	[tilespmem:$0x888] =	vst v0  }
0x8a: {  	[tilespmem:$0x898] =	vst v0  }
0x8b: {  	[tilespmem:$0x8A8] =	vst v0  }
0x8c: {  	[tilespmem:$0x8B8] =	vst v0  }
0x8d: {  	[tilespmem:$0x8C8] =	vst v0  }
0x8e: {  	[tilespmem:$0x8D8] =	vst v0  }
0x8f: {  	[tilespmem:$0x8E8] =	vst v0  }
0x90: {  	[tilespmem:$0x8F8] =	vst v0  }
0x91: {  	[tilespmem:$0x908] =	vst v0  }
0x92: {  	[tilespmem:$0x918] =	vst v0  }
0x93: {  	[tilespmem:$0x928] =	vst v0  }
0x94: {  	[tilespmem:$0x938] =	vst v0  }
0x95: {  	[tilespmem:$0x948] =	vst v0  }
0x96: {  	[tilespmem:$0x958] =	vst v0  }
0x97: {  	[tilespmem:$0x968] =	vst v0  }
0x98: {  	[tilespmem:$0x978] =	vst v0  }
0x99: {  	[tilespmem:$0x988] =	vst v0  }
0x9a: {  	[tilespmem:$0x998] =	vst v0  }
0x9b: {  	[tilespmem:$0x9A8] =	vst v0  }
0x9c: {  	[tilespmem:$0x9B8] =	vst v0  }
0x9d: {  	[tilespmem:$0x9C8] =	vst v0  }
0x9e: {  	[tilespmem:$0x9D8] =	vst v0  }
0x9f: {  	[tilespmem:$0x9E8] =	vst v0  }
0xa0: {  	[tilespmem:$0x9F8] =	vst v0  }
0xa1: {  	[tilespmem:$0xA08] =	vst v0  }
0xa2: {  	[tilespmem:$0xA18] =	vst v0  }
0xa3: {  	[tilespmem:$0xA28] =	vst v0  }
0xa4: {  	[tilespmem:$0xA38] =	vst v0  }
0xa5: {  	[tilespmem:$0xA48] =	vst v0  }
0xa6: {  	[tilespmem:$0xA58] =	vst v0  }
0xa7: {  	[tilespmem:$0xA68] =	vst v0  }
0xa8: {  	[tilespmem:$0xA78] =	vst v0  }
0xa9: {  	[tilespmem:$0xA88] =	vst v0  }
0xaa: {  	[tilespmem:$0xA98] =	vst v0  }
0xab: {  	[tilespmem:$0xAA8] =	vst v0  }
0xac: {  	[tilespmem:$0xAB8] =	vst v0  }
0xad: {  	[tilespmem:$0xAC8] =	vst v0  }
0xae: {  	[tilespmem:$0xAD8] =	vst v0  }
0xaf: {  	[tilespmem:$0xAE8] =	vst v0  }
0xb0: {  	[tilespmem:$0xAF8] =	vst v0  }
0xb1: {  	[tilespmem:$0xB08] =	vst v0  }
0xb2: {  	[tilespmem:$0xB18] =	vst v0  }
0xb3: {  	[tilespmem:$0xB28] =	vst v0  }
0xb4: {  	[tilespmem:$0xB38] =	vst v0  }
0xb5: {  	[tilespmem:$0xB48] =	vst v0  }
0xb6: {  	[tilespmem:$0xB58] =	vst v0  }
0xb7: {  	[tilespmem:$0xB68] =	vst v0  }
0xb8: {  	[tilespmem:$0xB78] =	vst v0  }
0xb9: {  	[tilespmem:$0xB88] =	vst v0  }
0xba: {  	[tilespmem:$0xB98] =	vst v0  }
0xbb: {  	[tilespmem:$0xBA8] =	vst v0  }
0xbc: {  	[tilespmem:$0xBB8] =	vst v0  }
0xbd: {  	[tilespmem:$0xBC8] =	vst v0  }
0xbe: {  	[tilespmem:$0xBD8] =	vst v0  }
0xbf: {  	[tilespmem:$0xBE8] =	vst v0  }
0xc0: {  	[tilespmem:$0xBF8] =	vst v0  }
0xc1: {  	[tilespmem:$0xC08] =	vst v0  }
0xc2: {  	[tilespmem:$0xC18] =	vst v0  }
0xc3: {  	[tilespmem:$0xC28] =	vst v0  }
0xc4: {  	[tilespmem:$0xC38] =	vst v0  }
0xc5: {  	[tilespmem:$0xC48] =	vst v0  }
0xc6: {  	[tilespmem:$0xC58] =	vst v0  }
0xc7: {  	[tilespmem:$0xC68] =	vst v0  }
0xc8: {  	[tilespmem:$0xC78] =	vst v0  }
0xc9: {  	[tilespmem:$0xC88] =	vst v0  }
0xca: {  	[tilespmem:$0xC98] =	vst v0  }
0xcb: {  	[tilespmem:$0xCA8] =	vst v0  }
0xcc: {  	[tilespmem:$0xCB8] =	vst v0  }
0xcd: {  	[tilespmem:$0xCC8] =	vst v0  }
0xce: {  	[tilespmem:$0xCD8] =	vst v0  }
0xcf: {  	[tilespmem:$0xCE8] =	vst v0  }
0xd0: {  	[tilespmem:$0xCF8] =	vst v0  }
0xd1: {  	[tilespmem:$0xD08] =	vst v0  }
0xd2: {  	[tilespmem:$0xD18] =	vst v0  }
0xd3: {  	[tilespmem:$0xD28] =	vst v0  }
0xd4: {  	[tilespmem:$0xD38] =	vst v0  }
0xd5: {  	[tilespmem:$0xD48] =	vst v0  }
0xd6: {  	[tilespmem:$0xD58] =	vst v0  }
0xd7: {  	[tilespmem:$0xD68] =	vst v0  }
0xd8: {  	[tilespmem:$0xD78] =	vst v0  }
0xd9: {  	[tilespmem:$0xD88] =	vst v0  }
0xda: {  	[tilespmem:$0xD98] =	vst v0  }
0xdb: {  	[tilespmem:$0xDA8] =	vst v0  }
0xdc: {  	[tilespmem:$0xDB8] =	vst v0  }
0xdd: {  	[tilespmem:$0xDC8] =	vst v0  }
0xde: {  	[tilespmem:$0xDD8] =	vst v0  }
0xdf: {  	[tilespmem:$0xDE8] =	vst v0  }
0xe0: {  	[tilespmem:$0xDF8] =	vst v0  }
0xe1: {  	[tilespmem:$0xE08] =	vst v0  }
0xe2: {  	[tilespmem:$0xE18] =	vst v0  }
0xe3: {  	[tilespmem:$0xE28] =	vst v0  }
0xe4: {  	[tilespmem:$0xE38] =	vst v0  }
0xe5: {  	[tilespmem:$0xE48] =	vst v0  }
0xe6: {  	[tilespmem:$0xE58] =	vst v0  }
0xe7: {  	[tilespmem:$0xE68] =	vst v0  }
0xe8: {  	[tilespmem:$0xE78] =	vst v0  }
0xe9: {  	[tilespmem:$0xE88] =	vst v0  }
0xea: {  	[tilespmem:$0xE98] =	vst v0  }
0xeb: {  	[tilespmem:$0xEA8] =	vst v0  }
0xec: {  	[tilespmem:$0xEB8] =	vst v0  }
0xed: {  	[tilespmem:$0xEC8] =	vst v0  }
0xee: {  	[tilespmem:$0xED8] =	vst v0  }
0xef: {  	[tilespmem:$0xEE8] =	vst v0  }
0xf0: {  	[tilespmem:$0xEF8] =	vst v0  }
0xf1: {  	[tilespmem:$0xF08] =	vst v0  }
0xf2: {  	[tilespmem:$0xF18] =	vst v0  }
0xf3: {  	[tilespmem:$0xF28] =	vst v0  }
0xf4: {  	[tilespmem:$0xF38] =	vst v0  }
0xf5: {  	[tilespmem:$0xF48] =	vst v0  }
0xf6: {  	[tilespmem:$0xF58] =	vst v0  }
0xf7: {  	[tilespmem:$0xF68] =	vst v0  }
0xf8: {  	[tilespmem:$0xF78] =	vst v0  }
0xf9: {  	[tilespmem:$0xF88] =	vst v0  }
0xfa: {  	[tilespmem:$0xF98] =	vst v0  }
0xfb: {  	[tilespmem:$0xFA8] =	vst v0  }
0xfc: {  	[tilespmem:$0xFB8] =	vst v0  }
0xfd: {  	[tilespmem:$0xFC8] =	vst v0  }
0xfe: {  	[tilespmem:$0xFD8] =	vst v0  }
0xff: {  	[tilespmem:$0xFE8] =	vst v0  }
0x100: {  	[tilespmem:$0xFF8] =	vst v0  }
0x101: {  	[tilespmem:$0x1008] =	vst v0  }
0x102: {  	[tilespmem:$0x1018] =	vst v0  }
0x103: {  	[tilespmem:$0x1028] =	vst v0  }
0x104: {  	[tilespmem:$0x1188] =	vst v0  }
0x105: {  	[tilespmem:$0x1178] =	vst v0  }
0x106: {  	[tilespmem:$0x1038] =	vst v0  }
0x107: {  	[tilespmem:$0x1048] =	vst v0  }
0x108: {  	[tilespmem:$0x1058] =	vst v0  }
0x109: {  	[tilespmem:$0x1068] =	vst v0  }
0x10a: {  	[tilespmem:$0x1078] =	vst v0  }
0x10b: {  	[tilespmem:$0x1088] =	vst v0  }
0x10c: {  	[tilespmem:$0x1098] =	vst v0  }
0x10d: {  	[tilespmem:$0x10A8] =	vst v0  }
0x10e: {  	[tilespmem:$0x10B8] =	vst v0  }
0x10f: {  	[tilespmem:$0x10C8] =	vst v0  }
0x110: {  	[tilespmem:$0x10D8] =	vst v0  }
0x111: {  	[tilespmem:$0x10E8] =	vst v0  }
0x112: {  	[tilespmem:$0x10F8] =	vst v0  }
0x113: {  	[tilespmem:$0x1108] =	vst v0  }
0x114: {  	[tilespmem:$0x1118] =	vst v0  }
0x115: {  	[tilespmem:$0x1128] =	vst v0  }
0x116: {  	[tilespmem:$0x1138] =	vst v0  }
0x117: {  	[tilespmem:$0x1148] =	vst v0  }
0x118: {  	[tilespmem:$0x1158] =	vst v0  }
0x119: {  	[tilespmem:$0x1168] =	vst v0  }
0x11a: {  	[tilespmem:$0x1198] =	vst v0  }
0x11b: {  	[tilespmem:$0x11A8] =	vst v0  }
0x11c: {  	[tilespmem:$0x11B8] =	vst v0  }
0x11d: {  	[tilespmem:$0x11C8] =	vst v0  }
0x11e: {  	[tilespmem:$0x11D8] =	vst v0  }
0x11f: {  	[tilespmem:$0x11E8] =	vst v0  }
0x120: {  	[tilespmem:$0x11F8] =	vst v0  }
0x121: {  	[tilespmem:$0x1208] =	vst v0  }
0x122: {  	[tilespmem:$0x1218] =	vst v0  }
0x123: {  	[tilespmem:$0x1228] =	vst v0  }
0x124: {  	[tilespmem:$0x1238] =	vst v0  }
0x125: {  	[tilespmem:$0x1248] =	vst v0  }
0x126: {  	[tilespmem:$0x1258] =	vst v0  }
0x127: {  	[tilespmem:$0x1268] =	vst v0  }
0x128: {  	[tilespmem:$0x1278] =	vst v0  }
0x129: {  	[tilespmem:$0x1288] =	vst v0  }
0x12a: {  	[tilespmem:$0x1298] =	vst v0  }
0x12b: {  	[tilespmem:$0x12A8] =	vst v0  }
0x12c: {  	[tilespmem:$0x12B8] =	vst v0  }
0x12d: {  	[tilespmem:$0x12C8] =	vst v0  }
0x12e: {  	[tilespmem:$0x12D8] =	vst v0  }
0x12f: {  	[tilespmem:$0x12E8] =	vst v0  }
0x130: {  	[tilespmem:$0x12F8] =	vst v0  }
0x131: {  	[tilespmem:$0x1308] =	vst v0  }
0x132: {  	[tilespmem:$0x1318] =	vst v0  }
0x133: {  	[tilespmem:$0x1328] =	vst v0  }
0x134: {  	[tilespmem:$0x1338] =	vst v0  }
0x135: {  	[tilespmem:$0x1348] =	vst v0  }
0x136: {  	[tilespmem:$0x1358] =	vst v0  }
0x137: {  	[tilespmem:$0x1368] =	vst v0  }
0x138: {  	[tilespmem:$0x1378] =	vst v0  }
0x139: {  	[tilespmem:$0x1388] =	vst v0  }
0x13a: {  	[tilespmem:$0x1398] =	vst v0  }
0x13b: {  	[tilespmem:$0x13A8] =	vst v0  }
0x13c: {  	[tilespmem:$0x13B8] =	vst v0  }
0x13d: {  	[tilespmem:$0x13C8] =	vst v0  }
0x13e: {  	[tilespmem:$0x13D8] =	vst v0  }
0x13f: {  	[tilespmem:$0x13E8] =	vst v0  }
0x140: {  	[tilespmem:$0x13F8] =	vst v0  }
0x141: {  	[tilespmem:$0x1408] =	vst v0  }
0x142: {  	[tilespmem:$0x1418] =	vst v0  }
0x143: {  	[tilespmem:$0x1428] =	vst v0  }
0x144: {  	[tilespmem:$0x1438] =	vst v0  }
0x145: {  	[tilespmem:$0x1448] =	vst v0  }
0x146: {  	[tilespmem:$0x1458] =	vst v0  }
0x147: {  	[tilespmem:$0x1468] =	vst v0  }
0x148: {  	[tilespmem:$0x1478] =	vst v0  }
0x149: {  	[tilespmem:$0x1488] =	vst v0  }
0x14a: {  	[tilespmem:$0x1498] =	vst v0  }
0x14b: {  	[tilespmem:$0x14A8] =	vst v0  }
0x14c: {  	[tilespmem:$0x14B8] =	vst v0  }
0x14d: {  	[tilespmem:$0x14C8] =	vst v0  }
0x14e: {  	[tilespmem:$0x14D8] =	vst v0  }
0x14f: {  	[tilespmem:$0x14E8] =	vst v0  }
0x150: {  	[tilespmem:$0x14F8] =	vst v0  }
0x151: {  	[tilespmem:$0x1508] =	vst v0  }
0x152: {  	[tilespmem:$0x1518] =	vst v0  }
0x153: {  	[tilespmem:$0x1528] =	vst v0  }
0x154: {  	[tilespmem:$0x1538] =	vst v0  }
0x155: {  	[tilespmem:$0x1548] =	vst v0  }
0x156: {  	[tilespmem:$0x1558] =	vst v0  }
0x157: {  	[tilespmem:$0x1568] =	vst v0  }
0x158: {  	[tilespmem:$0x1578] =	vst v0  }
0x159: {  	[tilespmem:$0x1588] =	vst v0  }
0x15a: {  	[tilespmem:$0x1598] =	vst v0  }
0x15b: {  	[tilespmem:$0x15A8] =	vst v0  }
0x15c: {  	[tilespmem:$0x15B8] =	vst v0  }
0x15d: {  	[tilespmem:$0x15C8] =	vst v0  }
0x15e: {  	[tilespmem:$0x15D8] =	vst v0  }
0x15f: {  	[tilespmem:$0x15E8] =	vst v0  }
0x160: {  	[tilespmem:$0x15F8] =	vst v0  }
0x161: {  	[tilespmem:$0x1608] =	vst v0  }
0x162: {  	[tilespmem:$0x1618] =	vst v0  }
0x163: {  	[tilespmem:$0x1628] =	vst v0  }
0x164: {  	[tilespmem:$0x1638] =	vst v0  }
0x165: {  	[tilespmem:$0x1648] =	vst v0  }
0x166: {  	[tilespmem:$0x1658] =	vst v0  }
0x167: {  	[tilespmem:$0x1668] =	vst v0  }
0x168: {  	[tilespmem:$0x1678] =	vst v0  }
0x169: {  	[tilespmem:$0x1688] =	vst v0  }
0x16a: {  	[tilespmem:$0x1698] =	vst v0  }
0x16b: {  	[tilespmem:$0x16A8] =	vst v0  }
0x16c: {  	[tilespmem:$0x16B8] =	vst v0  }
0x16d: {  	[tilespmem:$0x16C8] =	vst v0  }
0x16e: {  	[tilespmem:$0x16D8] =	vst v0  }
0x16f: {  	[tilespmem:$0x16E8] =	vst v0  }
0x170: {  	[tilespmem:$0x16F8] =	vst v0  }
0x171: {  	[tilespmem:$0x1708] =	vst v0  }
0x172: {  	[tilespmem:$0x1718] =	vst v0  }
0x173: {  	[tilespmem:$0x1728] =	vst v0  }
0x174: {  	[tilespmem:$0x1738] =	vst v0  }
0x175: {  	[tilespmem:$0x1748] =	vst v0  }
0x176: {  	[tilespmem:$0x1758] =	vst v0  }
0x177: {  	[tilespmem:$0x1768] =	vst v0  }
0x178: {  	[tilespmem:$0x1778] =	vst v0  }
0x179: {  	[tilespmem:$0x1788] =	vst v0  }
0x17a: {  	[tilespmem:$0x1798] =	vst v0  }
0x17b: {  	[tilespmem:$0x17A8] =	vst v0  }
0x17c: {  	[tilespmem:$0x17B8] =	vst v0  }
0x17d: {  	[tilespmem:$0x17C8] =	vst v0  }
0x17e: {  	[tilespmem:$0x17D8] =	vst v0  }
0x17f: {  	[tilespmem:$0x17E8] =	vst v0  }
0x180: {  	[tilespmem:$0x17F8] =	vst v0  }
0x181: {  	[tilespmem:$0x1808] =	vst v0  }
0x182: {  	[tilespmem:$0x1818] =	vst v0  }
0x183: {  	[tilespmem:$0x1828] =	vst v0  }
0x184: {  	[tilespmem:$0x1838] =	vst v0  }
0x185: {  	[tilespmem:$0x1848] =	vst v0  }
0x186: {  	[tilespmem:$0x1858] =	vst v0  }
0x187: {  	[tilespmem:$0x1868] =	vst v0  }
0x188: {  	[tilespmem:$0x1878] =	vst v0  }
0x189: {  	[tilespmem:$0x1888] =	vst v0  }
0x18a: {  	[tilespmem:$0x1898] =	vst v0  }
0x18b: {  	[tilespmem:$0x18A8] =	vst v0  }
0x18c: {  	[tilespmem:$0x18B8] =	vst v0  }
0x18d: {  	[tilespmem:$0x18C8] =	vst v0  }
0x18e: {  	[tilespmem:$0x18D8] =	vst v0  }
0x18f: {  	[tilespmem:$0x18E8] =	vst v0  }
0x190: {  	[tilespmem:$0x18F8] =	vst v0  }
0x191: {  	[tilespmem:$0x1908] =	vst v0  }
0x192: {  	[tilespmem:$0x1918] =	vst v0  }
0x193: {  	[tilespmem:$0x1928] =	vst v0  }
0x194: {  	[tilespmem:$0x1938] =	vst v0  }
0x195: {  	[tilespmem:$0x1948] =	vst v0  }
0x196: {  	[tilespmem:$0x1958] =	vst v0  }
0x197: {  	[tilespmem:$0x1968] =	vst v0  }
0x198: {  	[tilespmem:$0x1978] =	vst v0  }
0x199: {  	[tilespmem:$0x1988] =	vst v0  }
0x19a: {  	[tilespmem:$0x1998] =	vst v0  }
0x19b: {  	[tilespmem:$0x19A8] =	vst v0  }
0x19c: {  	[tilespmem:$0x19B8] =	vst v0  }
0x19d: {  	[tilespmem:$0x19C8] =	vst v0  }
0x19e: {  	[tilespmem:$0x19D8] =	vst v0  }
0x19f: {  	[tilespmem:$0x19E8] =	vst v0  }
0x1a0: {  	[tilespmem:$0x19F8] =	vst v0  }
0x1a1: {  	[tilespmem:$0x1A08] =	vst v0  }
0x1a2: {  	[tilespmem:$0x1A18] =	vst v0  }
0x1a3: {  	[tilespmem:$0x1A28] =	vst v0  }
0x1a4: {  	[tilespmem:$0x1A38] =	vst v0  }
0x1a5: {  	[tilespmem:$0x1A48] =	vst v0  }
0x1a6: {  	[tilespmem:$0x1A58] =	vst v0  }
0x1a7: {  	[tilespmem:$0x1A68] =	vst v0  }
0x1a8: {  	[tilespmem:$0x1A78] =	vst v0  }
0x1a9: {  	[tilespmem:$0x1A88] =	vst v0  }
0x1aa: {  	[tilespmem:$0x1A98] =	vst v0  }
0x1ab: {  	[tilespmem:$0x1AA8] =	vst v0  }
0x1ac: {  	[tilespmem:$0x1AB8] =	vst v0  }
0x1ad: {  	[tilespmem:$0x1AC8] =	vst v0  }
0x1ae: {  	[tilespmem:$0x1AD8] =	vst v0  }
0x1af: {  	[tilespmem:$0x1AE8] =	vst v0  }
0x1b0: {  	[tilespmem:$0x1AF8] =	vst v0  }
0x1b1: {  	[tilespmem:$0x1B08] =	vst v0  }
0x1b2: {  	[tilespmem:$0x1B18] =	vst v0  }
0x1b3: {  	[tilespmem:$0x1B28] =	vst v0  }
0x1b4: {  	[tilespmem:$0x1B38] =	vst v0  }
0x1b5: {  	[tilespmem:$0x1B48] =	vst v0  }
0x1b6: {  	[tilespmem:$0x1B58] =	vst v0  }
0x1b7: {  	[tilespmem:$0x1B68] =	vst v0  }
0x1b8: {  	[tilespmem:$0x1B78] =	vst v0  }
0x1b9: {  	[tilespmem:$0x1B88] =	vst v0  }
0x1ba: {  	[tilespmem:$0x1B98] =	vst v0  }
0x1bb: {  	[tilespmem:$0x1BA8] =	vst v0  }
0x1bc: {  	[tilespmem:$0x1BB8] =	vst v0  }
0x1bd: {  	[tilespmem:$0x1BC8] =	vst v0  }
0x1be: {  	[tilespmem:$0x1BD8] =	vst v0  }
0x1bf: {  	[tilespmem:$0x1BE8] =	vst v0  }
0x1c0: {  	[tilespmem:$0x1BF8] =	vst v0  }
0x1c1: {  	[tilespmem:$0x1C08] =	vst v0  }
0x1c2: {  	[tilespmem:$0x1C18] =	vst v0  }
0x1c3: {  	[tilespmem:$0x1C28] =	vst v0  }
0x1c4: {  	[tilespmem:$0x1C38] =	vst v0  }
0x1c5: {  	[tilespmem:$0x1C48] =	vst v0  }
0x1c6: {  	[tilespmem:$0x1C58] =	vst v0  }
0x1c7: {  	[tilespmem:$0x1C68] =	vst v0  }
0x1c8: {  	[tilespmem:$0x1C78] =	vst v0  }
0x1c9: {  	[tilespmem:$0x1C88] =	vst v0  }
0x1ca: {  	[tilespmem:$0x1C98] =	vst v0  }
0x1cb: {  	[tilespmem:$0x1CA8] =	vst v0  }
0x1cc: {  	[tilespmem:$0x1CB8] =	vst v0  }
0x1cd: {  	[tilespmem:$0x1CC8] =	vst v0  }
0x1ce: {  	[tilespmem:$0x1CD8] =	vst v0  }
0x1cf: {  	[tilespmem:$0x1CE8] =	vst v0  }
0x1d0: {  	[tilespmem:$0x1CF8] =	vst v0  }
0x1d1: {  	[tilespmem:$0x1D08] =	vst v0  }
0x1d2: {  	[tilespmem:$0x1D18] =	vst v0  }
0x1d3: {  	[tilespmem:$0x1D28] =	vst v0  }
0x1d4: {  	[tilespmem:$0x1D38] =	vst v0  }
0x1d5: {  	[tilespmem:$0x1D48] =	vst v0  }
0x1d6: {  	[tilespmem:$0x1D58] =	vst v0  }
0x1d7: {  	[tilespmem:$0x1D68] =	vst v0  }
0x1d8: {  	[tilespmem:$0x1D78] =	vst v0  }
0x1d9: {  	[tilespmem:$0x1D88] =	vst v0  }
0x1da: {  	[tilespmem:$0x1D98] =	vst v0  }
0x1db: {  	[tilespmem:$0x1DA8] =	vst v0  }
0x1dc: {  	[tilespmem:$0x1DB8] =	vst v0  }
0x1dd: {  	[tilespmem:$0x1DC8] =	vst v0  }
0x1de: {  	[tilespmem:$0x1DD8] =	vst v0  }
0x1df: {  	[tilespmem:$0x1DE8] =	vst v0  }
0x1e0: {  	[tilespmem:$0x1DF8] =	vst v0  }
0x1e1: {  	[tilespmem:$0x1E08] =	vst v0  }
0x1e2: {  	[tilespmem:$0x1E18] =	vst v0  }
0x1e3: {  	[tilespmem:$0x1E28] =	vst v0  }
0x1e4: {  	[tilespmem:$0x1E38] =	vst v0  }
0x1e5: {  	[tilespmem:$0x1E48] =	vst v0  }
0x1e6: {  	[tilespmem:$0x1E58] =	vst v0  }
0x1e7: {  	[tilespmem:$0x1E68] =	vst v0  }
0x1e8: {  	[tilespmem:$0x1E78] =	vst v0  }
0x1e9: {  	[tilespmem:$0x1E88] =	vst v0  }
0x1ea: {  	[tilespmem:$0x1E98] =	vst v0  }
0x1eb: {  	[tilespmem:$0x1EA8] =	vst v0  }
0x1ec: {  	[tilespmem:$0x1EB8] =	vst v0  }
0x1ed: {  	[tilespmem:$0x1EC8] =	vst v0  }
0x1ee: {  	[tilespmem:$0x1ED8] =	vst v0  }
0x1ef: {  	[tilespmem:$0x1EE8] =	vst v0  }
0x1f0: {  	[tilespmem:$0x1EF8] =	vst v0  }
0x1f1: {  	[tilespmem:$0x1F08] =	vst v0  }
0x1f2: {  	[tilespmem:$0x1F18] =	vst v0  }
0x1f3: {  	[tilespmem:$0x1F28] =	vst v0  }
0x1f4: {  	[tilespmem:$0x1F38] =	vst v0  }
0x1f5: {  	[tilespmem:$0x1F48] =	vst v0  }
0x1f6: {  	[tilespmem:$0x1F58] =	vst v0  }
0x1f7: {  	[tilespmem:$0x1F68] =	vst v0  }
0x1f8: {  	[tilespmem:$0x1F78] =	vst v0  }
0x1f9: {  	[tilespmem:$0x1F88] =	vst v0  }
0x1fa: {  	[tilespmem:$0x1F98] =	vst v0  }
0x1fb: {  	[tilespmem:$0x1FA8] =	vst v0  }
0x1fc: {  	[tilespmem:$0x1FB8] =	vst v0  }
0x1fd: {  	[tilespmem:$0x1FC8] =	vst v0  }
0x1fe: {  	[tilespmem:$0x1FD8] =	vst v0  }
0x1ff: {  	[tilespmem:$0x1FE8] =	vst v0  }
0x200: {  	[tilespmem:$0x1FF8] =	vst v0  }
0x201: {  	[tilespmem:$0x2008] =	vst v0  }
0x202: {  	[tilespmem:$0x2018] =	vst v0  }
0x203: {  	[tilespmem:$0x2028] =	vst v0  }
0x204: {  	[tilespmem:$0x2038] =	vst v0  }
0x205: {  	[tilespmem:$0x2048] =	vst v0  }
0x206: {  	[tilespmem:$0x2058] =	vst v0  }
0x207: {  	[tilespmem:$0x2068] =	vst v0  }
0x208: {  	[tilespmem:$0x2078] =	vst v0  }
0x209: {  	[tilespmem:$0x2088] =	vst v0  }
0x20a: {  	[tilespmem:$0x2098] =	vst v0  }
0x20b: {  	[tilespmem:$0x20A8] =	vst v0  }
0x20c: {  	[tilespmem:$0x20B8] =	vst v0  }
0x20d: {  	[tilespmem:$0x20C8] =	vst v0  }
0x20e: {  	[tilespmem:$0x20D8] =	vst v0  }
0x20f: {  	[tilespmem:$0x20E8] =	vst v0  }
0x210: {  	[tilespmem:$0x20F8] =	vst v0  }
0x211: {  	[tilespmem:$0x2108] =	vst v0  }
0x212: {  	[tilespmem:$0x2118] =	vst v0  }
0x213: {  	[tilespmem:$0x2128] =	vst v0  }
0x214: {  	[tilespmem:$0x2138] =	vst v0  }
0x215: {  	[tilespmem:$0x2148] =	vst v0  }
0x216: {  	[tilespmem:$0x2158] =	vst v0  }
0x217: {  	[tilespmem:$0x2168] =	vst v0  }
0x218: {  	[tilespmem:$0x2178] =	vst v0  }
0x219: {  	[tilespmem:$0x2238] =	vst v0  }
0x21a: {  	[tilespmem:$0x3058] =	vst v0  }
0x21b: {  	[tilespmem:$0x3048] =	vst v0  }
0x21c: {  	[tilespmem:$0x3038] =	vst v0  }
0x21d: {  	[tilespmem:$0x3028] =	vst v0  }
0x21e: {  	[tilespmem:$0x3018] =	vst v0  }
0x21f: {  	[tilespmem:$0x3008] =	vst v0  }
0x220: {  	[tilespmem:$0x2FF8] =	vst v0  }
0x221: {  	[tilespmem:$0x2FE8] =	vst v0  }
0x222: {  	[tilespmem:$0x2FD8] =	vst v0  }
0x223: {  	[tilespmem:$0x2FC8] =	vst v0  }
0x224: {  	[tilespmem:$0x2FB8] =	vst v0  }
0x225: {  	[tilespmem:$0x2FA8] =	vst v0  }
0x226: {  	[tilespmem:$0x2F98] =	vst v0  }
0x227: {  	[tilespmem:$0x2F88] =	vst v0  }
0x228: {  	[tilespmem:$0x2F78] =	vst v0  }
0x229: {  	[tilespmem:$0x2F68] =	vst v0  }
0x22a: {  	[tilespmem:$0x2F58] =	vst v0  }
0x22b: {  	[tilespmem:$0x2F48] =	vst v0  }
0x22c: {  	[tilespmem:$0x2F38] =	vst v0  }
0x22d: {  	[tilespmem:$0x2F28] =	vst v0  }
0x22e: {  	[tilespmem:$0x2F18] =	vst v0  }
0x22f: {  	[tilespmem:$0x2F08] =	vst v0  }
0x230: {  	[tilespmem:$0x2EF8] =	vst v0  }
0x231: {  	[tilespmem:$0x2EE8] =	vst v0  }
0x232: {  	[tilespmem:$0x2ED8] =	vst v0  }
0x233: {  	[tilespmem:$0x2EC8] =	vst v0  }
0x234: {  	[tilespmem:$0x2EB8] =	vst v0  }
0x235: {  	[tilespmem:$0x2EA8] =	vst v0  }
0x236: {  	[tilespmem:$0x2E98] =	vst v0  }
0x237: {  	[tilespmem:$0x2E88] =	vst v0  }
0x238: {  	[tilespmem:$0x2E78] =	vst v0  }
0x239: {  	[tilespmem:$0x2E68] =	vst v0  }
0x23a: {  	[tilespmem:$0x2E58] =	vst v0  }
0x23b: {  	[tilespmem:$0x2E48] =	vst v0  }
0x23c: {  	[tilespmem:$0x2E38] =	vst v0  }
0x23d: {  	[tilespmem:$0x2E28] =	vst v0  }
0x23e: {  	[tilespmem:$0x2E18] =	vst v0  }
0x23f: {  	[tilespmem:$0x2E08] =	vst v0  }
0x240: {  	[tilespmem:$0x2DF8] =	vst v0  }
0x241: {  	[tilespmem:$0x2DE8] =	vst v0  }
0x242: {  	[tilespmem:$0x2DD8] =	vst v0  }
0x243: {  	[tilespmem:$0x2DC8] =	vst v0  }
0x244: {  	[tilespmem:$0x2DB8] =	vst v0  }
0x245: {  	[tilespmem:$0x2DA8] =	vst v0  }
0x246: {  	[tilespmem:$0x2D98] =	vst v0  }
0x247: {  	[tilespmem:$0x2D88] =	vst v0  }
0x248: {  	[tilespmem:$0x2D78] =	vst v0  }
0x249: {  	[tilespmem:$0x2D68] =	vst v0  }
0x24a: {  	[tilespmem:$0x2D58] =	vst v0  }
0x24b: {  	[tilespmem:$0x2D48] =	vst v0  }
0x24c: {  	[tilespmem:$0x2D38] =	vst v0  }
0x24d: {  	[tilespmem:$0x2D28] =	vst v0  }
0x24e: {  	[tilespmem:$0x2D18] =	vst v0  }
0x24f: {  	[tilespmem:$0x2D08] =	vst v0  }
0x250: {  	[tilespmem:$0x2CF8] =	vst v0  }
0x251: {  	[tilespmem:$0x2CE8] =	vst v0  }
0x252: {  	[tilespmem:$0x2CD8] =	vst v0  }
0x253: {  	[tilespmem:$0x2CC8] =	vst v0  }
0x254: {  	[tilespmem:$0x2CB8] =	vst v0  }
0x255: {  	[tilespmem:$0x2CA8] =	vst v0  }
0x256: {  	[tilespmem:$0x2C98] =	vst v0  }
0x257: {  	[tilespmem:$0x2C88] =	vst v0  }
0x258: {  	[tilespmem:$0x2C78] =	vst v0  }
0x259: {  	[tilespmem:$0x2C68] =	vst v0  }
0x25a: {  	[tilespmem:$0x2C58] =	vst v0  }
0x25b: {  	[tilespmem:$0x2C48] =	vst v0  }
0x25c: {  	[tilespmem:$0x2C38] =	vst v0  }
0x25d: {  	[tilespmem:$0x2C28] =	vst v0  }
0x25e: {  	[tilespmem:$0x2C18] =	vst v0  }
0x25f: {  	[tilespmem:$0x2C08] =	vst v0  }
0x260: {  	[tilespmem:$0x2BF8] =	vst v0  }
0x261: {  	[tilespmem:$0x2BE8] =	vst v0  }
0x262: {  	[tilespmem:$0x2BD8] =	vst v0  }
0x263: {  	[tilespmem:$0x2BC8] =	vst v0  }
0x264: {  	[tilespmem:$0x2BB8] =	vst v0  }
0x265: {  	[tilespmem:$0x2BA8] =	vst v0  }
0x266: {  	[tilespmem:$0x2B98] =	vst v0  }
0x267: {  	[tilespmem:$0x2B88] =	vst v0  }
0x268: {  	[tilespmem:$0x2B78] =	vst v0  }
0x269: {  	[tilespmem:$0x2B68] =	vst v0  }
0x26a: {  	[tilespmem:$0x2B58] =	vst v0  }
0x26b: {  	[tilespmem:$0x2B48] =	vst v0  }
0x26c: {  	[tilespmem:$0x2B38] =	vst v0  }
0x26d: {  	[tilespmem:$0x2B28] =	vst v0  }
0x26e: {  	[tilespmem:$0x2B18] =	vst v0  }
0x26f: {  	[tilespmem:$0x2B08] =	vst v0  }
0x270: {  	[tilespmem:$0x2AF8] =	vst v0  }
0x271: {  	[tilespmem:$0x2AE8] =	vst v0  }
0x272: {  	[tilespmem:$0x2AD8] =	vst v0  }
0x273: {  	[tilespmem:$0x2AC8] =	vst v0  }
0x274: {  	[tilespmem:$0x2AB8] =	vst v0  }
0x275: {  	[tilespmem:$0x2AA8] =	vst v0  }
0x276: {  	[tilespmem:$0x2A98] =	vst v0  }
0x277: {  	[tilespmem:$0x2A88] =	vst v0  }
0x278: {  	[tilespmem:$0x2A78] =	vst v0  }
0x279: {  	[tilespmem:$0x2A68] =	vst v0  }
0x27a: {  	[tilespmem:$0x2A58] =	vst v0  }
0x27b: {  	[tilespmem:$0x2A48] =	vst v0  }
0x27c: {  	[tilespmem:$0x2A38] =	vst v0  }
0x27d: {  	[tilespmem:$0x2A28] =	vst v0  }
0x27e: {  	[tilespmem:$0x2A18] =	vst v0  }
0x27f: {  	[tilespmem:$0x2A08] =	vst v0  }
0x280: {  	[tilespmem:$0x29F8] =	vst v0  }
0x281: {  	[tilespmem:$0x29E8] =	vst v0  }
0x282: {  	[tilespmem:$0x29D8] =	vst v0  }
0x283: {  	[tilespmem:$0x29C8] =	vst v0  }
0x284: {  	[tilespmem:$0x29B8] =	vst v0  }
0x285: {  	[tilespmem:$0x29A8] =	vst v0  }
0x286: {  	[tilespmem:$0x2998] =	vst v0  }
0x287: {  	[tilespmem:$0x2988] =	vst v0  }
0x288: {  	[tilespmem:$0x2978] =	vst v0  }
0x289: {  	[tilespmem:$0x2968] =	vst v0  }
0x28a: {  	[tilespmem:$0x2958] =	vst v0  }
0x28b: {  	[tilespmem:$0x2948] =	vst v0  }
0x28c: {  	[tilespmem:$0x2938] =	vst v0  }
0x28d: {  	[tilespmem:$0x2928] =	vst v0  }
0x28e: {  	[tilespmem:$0x2918] =	vst v0  }
0x28f: {  	[tilespmem:$0x2908] =	vst v0  }
0x290: {  	[tilespmem:$0x28F8] =	vst v0  }
0x291: {  	[tilespmem:$0x28E8] =	vst v0  }
0x292: {  	[tilespmem:$0x28D8] =	vst v0  }
0x293: {  	[tilespmem:$0x28C8] =	vst v0  }
0x294: {  	[tilespmem:$0x28B8] =	vst v0  }
0x295: {  	[tilespmem:$0x28A8] =	vst v0  }
0x296: {  	[tilespmem:$0x2898] =	vst v0  }
0x297: {  	[tilespmem:$0x2888] =	vst v0  }
0x298: {  	[tilespmem:$0x2878] =	vst v0  }
0x299: {  	[tilespmem:$0x2868] =	vst v0  }
0x29a: {  	[tilespmem:$0x2858] =	vst v0  }
0x29b: {  	[tilespmem:$0x2848] =	vst v0  }
0x29c: {  	[tilespmem:$0x2838] =	vst v0  }
0x29d: {  	[tilespmem:$0x2828] =	vst v0  }
0x29e: {  	[tilespmem:$0x2818] =	vst v0  }
0x29f: {  	[tilespmem:$0x2808] =	vst v0  }
0x2a0: {  	[tilespmem:$0x27F8] =	vst v0  }
0x2a1: {  	[tilespmem:$0x27E8] =	vst v0  }
0x2a2: {  	[tilespmem:$0x27D8] =	vst v0  }
0x2a3: {  	[tilespmem:$0x27C8] =	vst v0  }
0x2a4: {  	[tilespmem:$0x27B8] =	vst v0  }
0x2a5: {  	[tilespmem:$0x27A8] =	vst v0  }
0x2a6: {  	[tilespmem:$0x2798] =	vst v0  }
0x2a7: {  	[tilespmem:$0x2788] =	vst v0  }
0x2a8: {  	[tilespmem:$0x2778] =	vst v0  }
0x2a9: {  	[tilespmem:$0x2768] =	vst v0  }
0x2aa: {  	[tilespmem:$0x2758] =	vst v0  }
0x2ab: {  	[tilespmem:$0x2748] =	vst v0  }
0x2ac: {  	[tilespmem:$0x2738] =	vst v0  }
0x2ad: {  	[tilespmem:$0x2728] =	vst v0  }
0x2ae: {  	[tilespmem:$0x2718] =	vst v0  }
0x2af: {  	[tilespmem:$0x2708] =	vst v0  }
0x2b0: {  	[tilespmem:$0x26F8] =	vst v0  }
0x2b1: {  	[tilespmem:$0x26E8] =	vst v0  }
0x2b2: {  	[tilespmem:$0x26D8] =	vst v0  }
0x2b3: {  	[tilespmem:$0x26C8] =	vst v0  }
0x2b4: {  	[tilespmem:$0x26B8] =	vst v0  }
0x2b5: {  	[tilespmem:$0x26A8] =	vst v0  }
0x2b6: {  	[tilespmem:$0x2698] =	vst v0  }
0x2b7: {  	[tilespmem:$0x2688] =	vst v0  }
0x2b8: {  	[tilespmem:$0x2678] =	vst v0  }
0x2b9: {  	[tilespmem:$0x2668] =	vst v0  }
0x2ba: {  	[tilespmem:$0x2658] =	vst v0  }
0x2bb: {  	[tilespmem:$0x2648] =	vst v0  }
0x2bc: {  	[tilespmem:$0x2638] =	vst v0  }
0x2bd: {  	[tilespmem:$0x2628] =	vst v0  }
0x2be: {  	[tilespmem:$0x2618] =	vst v0  }
0x2bf: {  	[tilespmem:$0x2608] =	vst v0  }
0x2c0: {  	[tilespmem:$0x25F8] =	vst v0  }
0x2c1: {  	[tilespmem:$0x25E8] =	vst v0  }
0x2c2: {  	[tilespmem:$0x25D8] =	vst v0  }
0x2c3: {  	[tilespmem:$0x25C8] =	vst v0  }
0x2c4: {  	[tilespmem:$0x25B8] =	vst v0  }
0x2c5: {  	[tilespmem:$0x25A8] =	vst v0  }
0x2c6: {  	[tilespmem:$0x2598] =	vst v0  }
0x2c7: {  	[tilespmem:$0x2588] =	vst v0  }
0x2c8: {  	[tilespmem:$0x2578] =	vst v0  }
0x2c9: {  	[tilespmem:$0x2568] =	vst v0  }
0x2ca: {  	[tilespmem:$0x2558] =	vst v0  }
0x2cb: {  	[tilespmem:$0x2548] =	vst v0  }
0x2cc: {  	[tilespmem:$0x2538] =	vst v0  }
0x2cd: {  	[tilespmem:$0x2528] =	vst v0  }
0x2ce: {  	[tilespmem:$0x2518] =	vst v0  }
0x2cf: {  	[tilespmem:$0x2508] =	vst v0  }
0x2d0: {  	[tilespmem:$0x24F8] =	vst v0  }
0x2d1: {  	[tilespmem:$0x24E8] =	vst v0  }
0x2d2: {  	[tilespmem:$0x24D8] =	vst v0  }
0x2d3: {  	[tilespmem:$0x24C8] =	vst v0  }
0x2d4: {  	[tilespmem:$0x24B8] =	vst v0  }
0x2d5: {  	[tilespmem:$0x24A8] =	vst v0  }
0x2d6: {  	[tilespmem:$0x2498] =	vst v0  }
0x2d7: {  	[tilespmem:$0x2488] =	vst v0  }
0x2d8: {  	[tilespmem:$0x2478] =	vst v0  }
0x2d9: {  	[tilespmem:$0x2468] =	vst v0  }
0x2da: {  	[tilespmem:$0x2458] =	vst v0  }
0x2db: {  	[tilespmem:$0x2448] =	vst v0  }
0x2dc: {  	[tilespmem:$0x2438] =	vst v0  }
0x2dd: {  	[tilespmem:$0x2428] =	vst v0  }
0x2de: {  	[tilespmem:$0x2418] =	vst v0  }
0x2df: {  	[tilespmem:$0x2408] =	vst v0  }
0x2e0: {  	[tilespmem:$0x23F8] =	vst v0  }
0x2e1: {  	[tilespmem:$0x23E8] =	vst v0  }
0x2e2: {  	[tilespmem:$0x23D8] =	vst v0  }
0x2e3: {  	[tilespmem:$0x23C8] =	vst v0  }
0x2e4: {  	[tilespmem:$0x23B8] =	vst v0  }
0x2e5: {  	[tilespmem:$0x23A8] =	vst v0  }
0x2e6: {  	[tilespmem:$0x2398] =	vst v0  }
0x2e7: {  	[tilespmem:$0x2388] =	vst v0  }
0x2e8: {  	[tilespmem:$0x2378] =	vst v0  }
0x2e9: {  	[tilespmem:$0x2368] =	vst v0  }
0x2ea: {  	[tilespmem:$0x2358] =	vst v0  }
0x2eb: {  	[tilespmem:$0x2348] =	vst v0  }
0x2ec: {  	[tilespmem:$0x2338] =	vst v0  }
0x2ed: {  	[tilespmem:$0x2328] =	vst v0  }
0x2ee: {  	[tilespmem:$0x2318] =	vst v0  }
0x2ef: {  	[tilespmem:$0x2308] =	vst v0  }
0x2f0: {  	[tilespmem:$0x22F8] =	vst v0  }
0x2f1: {  	[tilespmem:$0x22E8] =	vst v0  }
0x2f2: {  	[tilespmem:$0x22D8] =	vst v0  }
0x2f3: {  	[tilespmem:$0x22C8] =	vst v0  }
0x2f4: {  	[tilespmem:$0x22B8] =	vst v0  }
0x2f5: {  	[tilespmem:$0x22A8] =	vst v0  }
0x2f6: {  	[tilespmem:$0x2298] =	vst v0  }
0x2f7: {  	s11 =	stileid.u32;
	[tilespmem:$0x2288] =	vst v0  }
0x2f8: {  	s0 =	simm.s32 $0x1;
	p0 =	sne.s32 s11, $0x0;
	s1 =	smul.u32 $0x1A, s11;
	[tilespmem:$0x2278] =	vst v0  }
0x2f9: {  	[tilespmem:$0x2268] =	vst v0;
	s0 =	simm.s32 @!p0 $0x0;
	s2 =	simm.s32 @!p0 $0x0  }
0x2fa: {  	[tilespmem:$0x2258] =	vst v0;
	s2 =	simm.s32 @p0 $0x1;
	s0 =	sor.u32 s0, s1  }
0x2fb: {  	[tilespmem:$0x2248] =	vst v0;
	s1 =	simm.s32 $0x2880;
	p0 =	seq.s32 s11, $0x0;
	s9 =	smul.u32 $0x180, s0  }
0x2fc: {  	s1 =	simm.s32 @!p0 $0x2700;
	[tilespmem:$0x2218] =	vst v0  }
0x2fd: {  	[tilespmem:$0x2228] =	vst v0;
	s0 =	sadd.s32 s1, s9  }
0x2fe: {  	s28 =	simm.s32 $0x2;
	[tilespmem:$0x2208] =	vst v0;
	s10 =	smin.u32 s0, $0x27100  }
0x2ff: {  	s12 =	simm.s32 $0x9;
	s4 =	simm.s32 $0xA;
	[tilespmem:$0x2198] =	vst v0;
	s0 =	ssub.s32 s10, s9  }
0x300: {  	s13 =	simm.s32 $0xB;
	s16 =	simm.s32 $0x0;
	[tilespmem:$0x21F8] =	vst v0;
	p0 =	sgt.s32 s0, $0x0  }
0x301: {  	p1 =	por $0x1, $0x1;
	p2 =	por $0x0, $0x0;
	[tilespmem:$0x21E8] =	vst v0;
	s0 =	simm.s32 @!p0 $0x0  }
0x302: {  	s17 =	simm.s32 $0xC;
	s21 =	simm.s32 $0x0;
	[tilespmem:$0x21D8] =	vst v0;
	s26 =	smulhi.u32 $0x2AAAAAAB, s0  }
0x303: {  	s18 =	simm.s32 $0x0;
	s20 =	simm.s32 $0x0;
	s5 =	sand.u32 $0x1, s5;
	[tilespmem:$0x21C8] =	vst v0  }
0x304: {  	s3 =	sadd.s32 $0x21200, s6;
	s30 =	smul.u32 $0x4E20, s5;
	[tilespmem:$0x21B8] =	vst v0;
	s1 =	sshrl.u32 s26, $0x6  }
0x305: {  	s14 =	sadd.s32 $0x551600, s6;
	s31 =	sshll.u32 s11, $0x6;
	[tilespmem:$0x21A8] =	vst v0;
	s29 =	smul.u32 $0x180, s1  }
.Ltmp0:
0x306: {  	[tilespmem:$0x2188] =	vst v0;
	[sflag:s28] =	ssyncpa.u1 $0x0;
	v0 =	vimm.s32 $0xFFFFFFFF;
	[dreg:$0x6] =	wrdreg s5;
	(pc) =	sbr.rel .LBB2_1-.Ltmp0, $4  }
0x307: {  	[dreg:$0x5] =	wrdreg s31;
	[tilespmem:$0x6088] =	vst v0;
	[sflag:s12] =	ssyncpa.u1 $0x0;
	p0 =	sne.s32 s0, s29  }
0x308: {  	[smem:$0x7FD] =	sst s2;
	[sflag:s4] =	ssyncpa.u1 $0x0;
	s8 =	simm.s32 @!p0 $0x0  }
0x309: {  	s6 =	sadd.s32 s30, s6;
	s7 =	sadd.s32 s30, s7;
	s8 =	sadd.s32 s8, s1  }
0x30a: {  	v0 =	vlaneseq.u32;
	[sflag:s13] =	ssyncpa.u1 $0x0;
	s19 =	smov.u32 s9;
	s15 =	sadd.s32 $0x1, s8  }
.LBB2_18:
0x30b: {  	s0 =	simm.s32 $0x2  }
0x30c: {  	_ =	swait.ge [sflag:s0], $0x0  }
0x30d: {  	[sflag:s0] =	ssyncset.done $0x0;
	s0 =	simm.s32 $0x0  }
.LBB2_19:
0x30e: {  	_ =	swait.ge [sflag:s17], s0  }
0x30f: {  	s31 =	ssub.s32 $0x0, s0;
	v1 =	vmov s23;
	vm0 =	veq.s32 v0, $0x0;
	[sflag:s17] =	ssyncset.done $0x0  }
0x310: {  	vm15 =	veq.s32 v0, $0x2;
	v1 =	vsel vm0, s28, v1;
	[sflag:s17] =	ssyncadd.s32 s31  }
0x311: {  	v1 =	vsel vm15, s21, v1;
	[sflag:s17] =	ssyncpa.u1 $0x1  }
0x312: {  	[tilespmem:$0x6088] =	vst v1  }
.LBB2_20:
0x313: {  	s0 =	sadd.s32 $0x180, s19  }
0x314: {  	s1 =	smov.u32 s9;
	p0 =	slt.s32 s0, s10  }
0x315: {  	s1 =	smov.u32 @p0 s0;
	p0 =	sne.s32 s20, s15  }
.Ltmp1:
0x316: {  	_ = 	snop;
	(pc) =	sbr.rel @!p0 .LBB2_21-.Ltmp1, $4  }
0x317: {  	_ = 	snop  }
0x318: {  	s21 =	smov.u32 s18  }
0x319: {  	s31 =	sadd.s32 $0x1, s20;
	s18 =	smov.u32 s19;
	p1 =	por !p1, !p1  }
0x31a: {  	p2 =	por !p2, !p2;
	s20 =	smov.u32 s31;
	s19 =	smov.u32 s1  }
.LBB2_1:
0x31b: {  	p0 =	sge.u32 s20, s8  }
0x31c: {  	s0 =	smulhi.u32 @!p0 $0xAAAAAAAB, s20  }
0x31d: {  	s1 =	smov.u32 s19;
	p3 =	sgt.s32 @!p0 s19, $0x26F80  }
0x31e: {  	s2 =	sshra.s32 @!p0 s19, $0x1F;
	p3 =	por !p3, p0;
	s0 =	sshrl.u32 @!p0 s0, $0x1  }
0x31f: {  	s2 =	sand.u32 @!p0 s2, s19;
	s1 =	simm.s32 @p3 $0x26F80;
	s0 =	smul.u32 @!p0 $0x3, s0  }
0x320: {  	s22 =	sadd.s32 $0xFFFFFFFF, s20;
	s1 =	ssub.s32 @!p0 s1, s2  }
0x321: {  	s4 =	sand.u32 @!p0 $0x7, s19;
	s1 =	sadd.s32 @!p0 $0xFFFD9080, s1;
	s0 =	ssub.s32 @!p0 s20, s0  }
0x322: {  	s2 =	sshll.u32 @!p0 s1, $0x2;
	p3 =	sgt.s32 @!p0 s1, $0x17F;
	s0 =	smul.u32 @!p0 $0x600, s0  }
0x323: {  	s1 =	ssub.s32 @!p0 $0x600, s2;
	p3 =	por !p3, p0;
	s2 =	sshrl.u32 @!p0 s19, $0x3  }
0x324: {  	s1 =	sshrl.u32 @!p0 s1, $0x2;
	s2 =	sadd.s32 @!p0 s2, s6;
	s0 =	sshrl.u32 @!p0 s0, $0x2  }
0x325: {  	s1 =	simm.s32 @!p3 $0x0;
	p3 =	sge.u32 s22, s8;
	s0 =	sadd.s32 @!p0 $0x64C8, s0  }
0x326: {  	[tilespmem:s0], [sflag:$0xA] =	stream.linear.gather @!p0 [hbm4b:s2+s4], s1, $0x38;
	[tilespmem:$0x1EC48] =	vst v63  }
0x327: {  	p0 =	sgt.s32 @!p3 s18, $0x26F80  }
0x328: {  	s0 =	smov.u32 s18;
	s1 =	sshra.s32 @!p3 s18, $0x1F;
	p0 =	por !p0, p3  }
0x329: {  	s1 =	sand.u32 @!p3 s1, s18;
	s0 =	simm.s32 @p0 $0x26F80  }
0x32a: {  	s0 =	ssub.s32 @!p3 s0, s1  }
0x32b: {  	s0 =	sadd.s32 @!p3 $0xFFFD9080, s0  }
0x32c: {  	s1 =	sshll.u32 @!p3 s0, $0x2  }
0x32d: {  	p0 =	sgt.s32 @!p3 s0, $0x17F;
	s0 =	ssub.s32 @!p3 $0x600, s1  }
0x32e: {  	p0 =	por !p0, p3;
	s0 =	sshrl.u32 @!p3 s0, $0x2  }
0x32f: {  	s2 =	simm.s32 @!p3 $0xA;
	s1 =	sand.u32 @!p3 $0x1, s22;
	s0 =	simm.s32 @!p0 $0x0  }
0x330: {  	s1 =	smul.u32 @!p3 $0x600, s1;
	_ =	swait.ge @!p3 [sflag:s2], s0  }
0x331: {  	s4 =	ssub.s32 @!p3 $0x0, s0;
	[sflag:s2] =	ssyncset.done @!p3 $0x0  }
0x332: {  	s1 =	sshrl.u32 @!p3 s1, $0x2;
	[sflag:s2] =	ssyncadd.s32 @!p3 s4;
	s2 =	sshrl.u32 @!p3 s18, $0x3  }
0x333: {  	s1 =	sadd.s32 @!p3 $0x6948, s1;
	s4 =	sand.u32 @!p3 $0x7, s18;
	s2 =	sadd.s32 @!p3 s2, s7  }
0x334: {  	[tilespmem:s1], [sflag:$0xB] =	stream.linear.gather @!p3 [hbm4b:s2+s4], s0, $0x38;
	[tilespmem:$0x1EC48] =	vst v63  }
0x335: {  	s0 =	ssub.s32 @!p3 $0x27100, s18  }
0x336: {  	p0 =	slt.s32 @!p3 s0, $0x1  }
0x337: {  	p0 =	por p3, p0  }
.Ltmp2:
0x338: {  	_ = 	snop;
	(pc) =	sbr.rel @p0 .LBB2_7-.Ltmp2, $1  }
0x339: {  	_ =	sdelay $0x3  }
0x33a: {  	s1 =	smulhi.u32 $0xAAAAAAAB, s22;
	_ =	sdelay $0x1  }
0x33b: {  	s1 =	sshrl.u32 s1, $0x1  }
0x33c: {  	s1 =	smul.u32 $0x3, s1;
	_ =	sdelay $0x1  }
0x33d: {  	s1 =	ssub.s32 s22, s1  }
0x33e: {  	s2 =	simm.s32 $0x1;
	s1 =	smul.u32 $0x600, s1  }
.Ltmp3:
0x33f: {  	s2 =	simm.s32 @!p1 $0x0;
	(pc) =	sbr.rel .LBB2_4-.Ltmp3, $4  }
0x340: {  	s2 =	smul.u32 $0x30000, s2  }
0x341: {  	p0 =	slt.s32 @!p3 s0, $0x180;
	s1 =	sshrl.u32 s1, $0x2  }
0x342: {  	p0 =	por !p0, p3;
	s2 =	sshrl.u32 s2, $0x2;
	s1 =	sadd.s32 $0x64C8, s1  }
0x343: {  	s23 =	simm.s32 $0x0;
	s0 =	simm.s32 @p0 $0x180;
	s22 =	sadd.s32 $0x6C48, s2;
	v1 =	vmov s1  }
.LBB2_3:
0x344: {  	p0 =	sge.s32 s23, s0  }
.Ltmp4:
0x345: {  	_ = 	snop;
	(pc) =	sbr.rel @p0 .LBB2_7-.Ltmp4, $2  }
0x346: {  	_ =	sdelay $0x2  }
0x347: {  	s22 =	sadd.s32 $0x800, s22  }
.LBB2_4:
0x348: {  	p0 =	sle.s32 s0, s23  }
.Ltmp5:
0x349: {  	_ = 	snop;
	(pc) =	sbr.rel @p0 .LBB2_3-.Ltmp5, $2  }
0x34a: {  	_ =	sdelay $0x2  }
0x34b: {  	s24 =	smov.u32 s23;
	s23 =	sadd.s32 $0x10, s23  }
0x34c: {  	s1 =	ssub.s32 s0, s24  }
0x34d: {  	p0 =	slt.s32 s1, $0x10  }
0x34e: {  	s1 =	simm.s32 @!p0 $0x10  }
0x34f: {  	v2 =	vmov s1  }
0x350: {  	vm0 =	vgt.s32 v2, v0;
	_ =	sdelay $0x5  }
0x351: {  	v2 =	vld.idx.msk [tilespmem:v1+s24+$0x0 ss:$0x1], vm0;
	_ =	sdelay $0x2  }
0x352: {  	p0 =	slt.s32 s23, s0;
	s1 =	smov.u32 s0  }
0x353: {  	s2 =	smov.u32 s22;
	s25 =	simm.s32 $0x0;
	s1 =	smov.u32 @p0 s23  }
.LBB2_6:
0x354: {  	(v2sf) =	vpush v2, s25;
	_ =	sdelay $0xc  }
0x355: {  	s25 =	sadd.s32 $0x1, s25  }
0x356: {  	s31 =	sadd.s32 s25, s24  }
0x357: {  	p0 =	slt.s32 s31, s1;
	s4 =	spop (v2sf)  }
.Ltmp6:
0x358: {  	s4 =	sshll.u32 s4, $0x4;
	(pc) =	sbr.rel @p0 .LBB2_6-.Ltmp6, $4  }
0x359: {  	s4 =	sand.u32 $0x1FFFFFF0, s4  }
0x35a: {  	s4 =	sadd.s32 s14, s4  }
0x35b: {  	[tilespmem:s2], [sflag:$0x9] =	stream.linear.gather [hbm4b:s4+s16], $0x14, $0x38;
	[tilespmem:$0x1EC48] =	vst v63  }
0x35c: {  	s2 =	sadd.s32 $0x80, s2  }
.Ltmp7:
0x35d: {  	_ = 	snop;
	(pc) =	sbr.rel .LBB2_3-.Ltmp7, $1  }
0x35e: {  	_ =	sdelay $0x3  }
.LBB2_7:
0x35f: {  	p0 =	slt.u32 s20, $0x2  }
.Ltmp8:
0x360: {  	_ = 	snop;
	(pc) =	sbr.rel @p0 .LBB2_20-.Ltmp8, $1  }
0x361: {  	_ =	sdelay $0x3  }
0x362: {  	s0 =	ssub.s32 $0x27100, s21;
	p0 =	sgt.s32 s21, $0x26F80  }
0x363: {  	s1 =	smov.u32 s21;
	s2 =	sshra.s32 s21, $0x1F;
	p3 =	slt.s32 s0, $0x180  }
0x364: {  	s1 =	simm.s32 @!p0 $0x26F80;
	s2 =	sand.u32 s2, s21;
	s0 =	simm.s32 @!p3 $0x180  }
0x365: {  	s1 =	ssub.s32 s1, s2;
	s0 =	smul.u32 $0x50, s0  }
0x366: {  	s1 =	sadd.s32 $0xFFFD9080, s1  }
0x367: {  	s26 =	sshll.u32 s1, $0x2;
	s0 =	sshrl.u32 s0, $0x2  }
0x368: {  	p0 =	sgt.s32 s1, $0x17F;
	s28 =	ssub.s32 $0x600, s26;
	_ =	swait.ge [sflag:s12], s0  }
0x369: {  	s0 =	ssub.s32 $0x0, s0;
	s1 =	sshrl.u32 s28, $0x2;
	[sflag:s12] =	ssyncset.done $0x0  }
0x36a: {  	s1 =	simm.s32 @p0 $0x0;
	[sflag:s12] =	ssyncadd.s32 s0  }
0x36b: {  	_ =	swait.ge [sflag:s13], s1  }
0x36c: {  	s29 =	ssub.s32 $0x0, s1;
	[sflag:s13] =	ssyncset.done $0x0  }
0x36d: {  	[sflag:s13] =	ssyncadd.s32 s29  }
0x36e: {  	v1 =	vld [tilespmem:$0x6088];
	_ =	sdelay $0x4  }
0x36f: {  	(v2sf) =	vpush v1, $0x0  }
0x370: {  	(v2sf) =	vpush v1, $0x1  }
0x371: {  	(v2sf) =	vpush v1, $0x2;
	_ =	sdelay $0x3  }
0x372: {  	s0 =	sadd.s32 $0x180, s21  }
0x373: {  	p0 =	slt.s32 s10, s0;
	s1 =	ssub.s32 $0x4E200, s21  }
0x374: {  	s0 =	smov.u32 @p0 s10;
	p0 =	sgt.s32 s1, $0x0  }
0x375: {  	s0 =	ssub.s32 s0, s21;
	s1 =	simm.s32 @!p0 $0x0  }
0x376: {  	p0 =	slt.s32 s1, s0  }
0x377: {  	s0 =	smov.u32 @p0 s1  }
0x378: {  	s24 =	simm.s32 $0x1;
	p3 =	slt.s32 s0, $0x1  }
.Ltmp9:
0x379: {  	s24 =	simm.s32 @!p2 $0x0;
	(pc) =	sbr.rel @p3 .LBB2_12-.Ltmp9, $4  }
0x37a: {  	s30 =	smul.u32 $0x600, s24  }
0x37b: {  	s25 =	spop (v2sf)  }
0x37c: {  	s31 =	sshrl.u32 s30, $0x2;
	s26 =	spop (v2sf)  }
0x37d: {  	s22 =	sadd.s32 $0x6948, s31;
	s21 =	spop (v2sf)  }
0x37e: {  	s1 =	smin.u32 s0, $0x10  }
0x37f: {  	v1 =	vmov s1  }
0x380: {  	p0 =	sgt.s32 s0, $0x10;
	vm1 =	vgt.u32 v1, v0  }
.Ltmp10:
0x381: {  	_ = 	snop;
	(pc) =	sbr.rel @!p0 .LBB2_11-.Ltmp10, $2  }
0x382: {  	_ =	sdelay $0x2  }
0x383: {  	s28 =	simm.s32 $0x10;
	s29 =	sadd.s32 $0xFFFFFFF0, s0;
	s23 =	smov.u32 s22;
	vm0 =	vmmov vm1  }
.LBB2_10:
0x384: {  	s1 =	smin.u32 s29, $0x10;
	s28 =	sadd.s32 $0x10, s28;
	v1 =	vld.msk [tilespmem:s23+$0x0 ss:$0x1], vm1  }
0x385: {  	v2 =	vmov s1;
	p0 =	slt.s32 s28, s0  }
0x386: {  	vm1 =	vgt.u32 v2, v0  }
.Ltmp11:
0x387: {  	(pc) =	sbr.rel @p0 .LBB2_10-.Ltmp11, $3  }
0x388: {  	_ =	sdelay $0x1  }
0x389: {  	v1 =	vshll.u32 v1, $0x4  }
0x38a: {  	s29 =	sadd.s32 $0xFFFFFFF0, s29;
	[tilespmem:s23+$0x0] =	vst.msk vm0, v1;
	s23 =	sadd.s32 $0x10, s23;
	vm0 =	vmmov vm1  }
.LBB2_11:
0x38b: {  	_ =	sdelay $0x4  }
0x38c: {  	v1 =	vld.msk [tilespmem:s23+$0x0 ss:$0x1], vm1;
	_ =	sdelay $0x4  }
0x38d: {  	v1 =	vshll.u32 v1, $0x4  }
0x38e: {  	[tilespmem:s23+$0x0] =	vst.msk vm0, v1  }
.LBB2_12:
0x38f: {  	s1 =	sand.u32 $0x1, s20  }
0x390: {  	s1 =	smul.u32 $0x180, s1  }
0x391: {  	p0 =	sne.s32 s26, $0xFFFFFFFF  }
0x392: {  	v1 =	vld.msk @!p0 [tilespmem:s1+$0x6948], $0x1;
	_ =	sdelay $0x4  }
0x393: {  	(v2sf) =	vpush @!p0 v1, $0x0;
	_ =	sdelay $0xc  }
.Ltmp12:
0x394: {  	_ = 	snop;
	(pc) =	sbr.rel @p3 .LBB2_18-.Ltmp12, $4  }
0x395: {  	_ = 	snop  }
0x396: {  	s28 =	spop @!p0 (v2sf)  }
0x397: {  	s21 =	simm.s32 @!p0 $0x0;
	s23 =	smov.u32 s28  }
0x398: {  	[sflag:s17] =	ssyncpa.u1 $0x0;
	s28 =	smov.u32 @p0 s25;
	s23 =	smov.u32 @p0 s26  }
0x399: {  	v1 =	vld.msk [tilespmem:s22+$0x0], $0x1;
	_ =	sdelay $0x4  }
0x39a: {  	(v2sf) =	vpush v1, $0x0;
	_ =	sdelay $0xd  }
0x39b: {  	s1 =	simm.s32 @!p2 $0x0  }
0x39c: {  	s26 =	smul.u32 $0x30000, s24;
	s29 =	ssub.s32 $0x0, s0;
	s30 =	spop (v2sf)  }
0x39d: {  	s1 =	simm.s32 @p2 $0x1;
	s0 =	sadd.s32 $0x1, s29;
	p3 =	seq.s32 s28, s30  }
0x39e: {  	[smem:$0x7FC] =	sst s1;
	s1 =	sshrl.u32 s26, $0x2;
	p0 =	sgt.s32 @!p3 s28, $0x0  }
0x39f: {  	s24 =	sadd.s32 $0x6C58, s1;
	s1 =	smov.u32 s28;
	p0 =	por !p0, p3  }
0x3a0: {  	s1 =	simm.s32 @p0 $0x0;
	p0 =	seq.s32 s0, $0x0  }
.Ltmp13:
0x3a1: {  	_ = 	snop;
	(pc) =	sbr.rel @p0 .LBB2_15-.Ltmp13, $4  }
0x3a2: {  	_ = 	snop  }
0x3a3: {  	s25 =	simm.s32 $0x0;
	s31 =	simm.s32 @!p3 $0x1;
	s2 =	smin.u32 @!p3 s1, $0x270FD  }
0x3a4: {  	s26 =	sadd.s32 $0x1, s22;
	s31 =	smov.u32 @p3 s25;
	s4 =	sand.u32 @!p3 $0x3FFF8, s2  }
0x3a5: {  	s1 =	simm.s32 @!p3 $0x3068;
	s2 =	sand.u32 @!p3 $0x7, s2;
	s4 =	sadd.s32 @!p3 s3, s4  }
.LBB2_14:
0x3a6: {  	s5 =	smov.u32 s31  }
0x3a7: {  	[tilespmem:s1], [sflag:$0x2] =	stream.linear.gather @!p3 [hbm4b:s4+s2], $0x14, $0x38;
	[tilespmem:$0x1EC48] =	vst v63  }
0x3a8: {  	s0 =	sadd.s32 $0x1, s0;
	s2 =	smov.u32 s30;
	v1 =	vld.msk [tilespmem:s26+$0x0], $0x1  }
0x3a9: {  	p4 =	seq.s32 s0, $0x0;
	_ =	sdelay $0x3  }
0x3aa: {  	(v2sf) =	vpush v1, $0x0;
	_ =	sdelay $0xe  }
0x3ab: {  	s30 =	spop (v2sf)  }
0x3ac: {  	p3 =	seq.s32 s2, s30  }
0x3ad: {  	p0 =	sgt.s32 @!p3 s2, $0x0;
	s1 =	sshll.u32 @!p3 s31, $0x7;
	s31 =	sadd.s32 @!p3 $0x1, s31  }
.Ltmp14:
0x3ae: {  	p0 =	por !p0, p3;
	s1 =	sshra.s32 @!p3 s1, $0x2;
	(pc) =	sbr.rel @!p4 .LBB2_14-.Ltmp14, $4  }
0x3af: {  	s31 =	smov.u32 @p3 s5;
	s2 =	simm.s32 @p0 $0x0;
	s1 =	sadd.s32 @!p3 $0x3068, s1  }
0x3b0: {  	s2 =	smin.u32 @!p3 s2, $0x270FD  }
0x3b1: {  	s4 =	sand.u32 @!p3 $0x3FFF8, s2;
	s2 =	sand.u32 @!p3 $0x7, s2  }
0x3b2: {  	s26 =	sadd.s32 $0x1, s26;
	s4 =	sadd.s32 @!p3 s3, s4  }
.LBB2_15:
0x3b3: {  	s0 =	smul.u32 $0x50, s31  }
0x3b4: {  	[tilespmem:s1], [sflag:$0x2] =	stream.linear.gather @!p3 [hbm4b:s4+s2], $0x14, $0x38;
	[tilespmem:$0x1EC48] =	vst v63  }
0x3b5: {  	s31 =	simm.s32 $0x2;
	s0 =	sshrl.u32 s0, $0x2  }
0x3b6: {  	_ =	swait.ge [sflag:s31], s0  }
0x3b7: {  	s0 =	ssub.s32 $0x0, s0;
	[sflag:s31] =	ssyncset.done $0x0  }
0x3b8: {  	[sflag:s31] =	ssyncadd.s32 s0  }
0x3b9: {  	v1 =	vld.msk [tilespmem:s22+$0x0], $0x1;
	_ =	sdelay $0x4  }
0x3ba: {  	(v2sf) =	vpush v1, $0x0;
	_ =	sdelay $0xe  }
0x3bb: {  	s26 =	spop (v2sf)  }
0x3bc: {  	p3 =	sne.s32 s28, s26  }
0x3bd: {  	p5 =	sne.s32 @p3 s28, s23  }
0x3be: {  	p4 =	por !p5, !p3  }
0x3bf: {  	s0 =	simm.s32 @!p4 $0x0  }
0x3c0: {  	v1 =	vld @!p4 [tilespmem:s0+$0x3068];
	_ =	sdelay $0x2  }
0x3c1: {  	s1 =	sshll.u32 @!p4 s21, $0x7  }
0x3c2: {  	s1 =	sshra.s32 @!p4 s1, $0x2  }
0x3c3: {  	[tilespmem:s1+$0x48] =	vst.add.f32.msk @!p4 $0xffff, v1  }
0x3c4: {  	v1 =	vld.msk @!p4 [tilespmem:s0+$0x3078], $0xf  }
0x3c5: {  	p6 =	sgt.u32 @!p4 s28, $0x270FD  }
0x3c6: {  	p0 =	por @p3 p6, !p5  }
0x3c7: {  	p2 =	por p0, !p3;
	p0 =	por p5, !p3  }
0x3c8: {  	s4 =	sand.u32 @!p2 $0x3FFF8, s28;
	s5 =	sshll.u32 @!p0 s21, $0x7;
	s28 =	sand.u32 @!p2 $0x7, s28  }
0x3c9: {  	s0 =	sadd.s32 @!p4 $0x48, s1;
	[tilespmem:s1+$0x58] =	vst.add.f32.msk @!p4 $0xf, v1;
	s1 =	sadd.s32 @!p2 s3, s4;
	s4 =	sshra.s32 @!p0 s5, $0x2  }
0x3ca: {  	[hbm4b:s1+s28] =	stream.linear.scatter @!p2 [tilespmem:s0], [sflag:$0xC], $0x14, $0x38;
	[tilespmem:$0x1EC48] =	vst v63  }
0x3cb: {  	s2 =	rddreg [dreg:$0x5];
	s0 =	sadd.s32 @!p0 $0x48, s4;
	s1 =	simm.s32 @!p0 $0x1  }
0x3cc: {  	[spmem:s2] =	stream.linear.scatter @!p0 [tilespmem:s0], [sflag:$0x1], $0x14, $0x38;
	[tilespmem:$0x1EC48] =	vst v63  }
0x3cd: {  	s0 =	sadd.s32 @p3 $0x1, s21;
	_ =	swait.ge @!p0 [sflag:s1], $0x14  }
0x3ce: {  	s2 =	smulhi.u32 @p3 $0xAAAAAAAB, s0;
	[sflag:s1] =	ssyncset.done @!p0 $0x0  }
0x3cf: {  	[sflag:s1] =	ssyncadd.s32 @!p0 $0xFFFFFFEC  }
0x3d0: {  	s1 =	sshrl.u32 @p3 s2, $0x8;
	v1 =	vld @p3 [tilespmem:s24+$0xFFFFFFF0]  }
0x3d1: {  	s1 =	smul.u32 @p3 $0x180, s1;
	_ =	sdelay $0x1  }
0x3d2: {  	s1 =	ssub.s32 @p3 s0, s1  }
0x3d3: {  	s0 =	sshll.u32 @p3 s1, $0x5  }
0x3d4: {  	[tilespmem:s0+$0x48] =	vst @p3 v1  }
0x3d5: {  	v1 =	vld.msk @p3 [tilespmem:s24+$0x0], $0xf;
	_ =	sdelay $0x4  }
0x3d6: {  	p0 =	por @p3 !p6, !p5;
	[tilespmem:s0+$0x58] =	vst.msk @p3 $0xf, v1  }
0x3d7: {  	s28 =	sadd.s32 $0x1, s29;
	p0 =	por !p0, !p3;
	s0 =	simm.s32 @!p4 $0x0;
	v1 =	vld @!p3 [tilespmem:s24+$0xFFFFFFF0]  }
0x3d8: {  	s0 =	simm.s32 @!p0 $0x50;
	p0 =	seq.s32 s28, $0x0  }
.Ltmp15:
0x3d9: {  	_ = 	snop;
	(pc) =	sbr.rel @p0 .LBB2_17-.Ltmp15, $4  }
0x3da: {  	s2 =	sshll.u32 @!p3 s21, $0x7  }
0x3db: {  	s5 =	sadd.s32 @!p4 $0x0, s0;
	s0 =	sshra.s32 @!p3 s2, $0x2  }
0x3dc: {  	s4 =	simm.s32 @p3 $0x1;
	s29 =	simm.s32 $0x0;
	s5 =	smov.u32 @p4 s25;
	[tilespmem:s0+$0x48] =	vst.add.f32.msk @!p3 $0xffff, v1  }
0x3dd: {  	s29 =	smov.u32 @p3 s4;
	s21 =	smov.u32 @p3 s1;
	s25 =	smov.u32 @p3 s5;
	v1 =	vld.msk @!p3 [tilespmem:s24+$0x0], $0xf  }
.LBB2_16:
0x3de: {  	_ =	sdelay $0x3  }
0x3df: {  	s22 =	sadd.s32 $0x1, s22;
	[tilespmem:s0+$0x58] =	vst.add.f32.msk @!p3 $0xf, v1  }
0x3e0: {  	v1 =	vld.msk [tilespmem:s22+$0x0], $0x1;
	_ =	sdelay $0x4  }
0x3e1: {  	(v2sf) =	vpush v1, $0x0;
	_ =	sdelay $0xe  }
0x3e2: {  	s31 =	smov.u32 s26;
	s26 =	spop (v2sf)  }
0x3e3: {  	p3 =	sne.s32 s31, s26  }
0x3e4: {  	p6 =	sne.s32 @p3 s31, s23  }
0x3e5: {  	p5 =	por !p6, !p3  }
0x3e6: {  	s1 =	sadd.s32 @p3 $0x1, s21;
	s4 =	sadd.s32 @p3 $0x1, s29;
	s5 =	sshll.u32 @!p5 s29, $0x7  }
0x3e7: {  	s2 =	smulhi.u32 @p3 $0xAAAAAAAB, s1;
	s29 =	smov.u32 @p3 s4;
	s4 =	sshra.s32 @!p5 s5, $0x2  }
0x3e8: {  	v1 =	vld @!p5 [tilespmem:s4+$0x3068]  }
0x3e9: {  	s2 =	sshrl.u32 @p3 s2, $0x8  }
0x3ea: {  	s2 =	smul.u32 @p3 $0x180, s2  }
0x3eb: {  	s11 =	sshll.u32 @!p5 s21, $0x7  }
0x3ec: {  	p2 =	sgt.u32 @!p5 s31, $0x270FD;
	s1 =	ssub.s32 @p3 s1, s2;
	s2 =	sshra.s32 @!p5 s11, $0x2  }
0x3ed: {  	p0 =	por @p3 p2, !p6;
	p2 =	por @p3 !p2, !p6;
	[tilespmem:s2+$0x48] =	vst.add.f32.msk @!p5 $0xffff, v1  }
0x3ee: {  	s5 =	simm.s32 @!p5 $0x0;
	p2 =	por !p2, !p3;
	v1 =	vld.msk @!p5 [tilespmem:s4+$0x3078], $0xf  }
0x3ef: {  	s0 =	smov.u32 s21;
	s5 =	simm.s32 @!p2 $0x50  }
0x3f0: {  	p2 =	por p0, !p3;
	p0 =	por p6, !p3;
	s5 =	sadd.s32 @!p5 s5, s25  }
0x3f1: {  	s0 =	sshll.u32 @!p0 s0, $0x7;
	s5 =	smov.u32 @p5 s25  }
0x3f2: {  	s11 =	sadd.s32 @!p5 $0x48, s2;
	s25 =	smov.u32 @p3 s5;
	s5 =	sand.u32 @!p2 $0x3FFF8, s31  }
0x3f3: {  	s0 =	sshra.s32 @!p0 s0, $0x2;
	s31 =	sand.u32 @!p2 $0x7, s31;
	[tilespmem:s2+$0x58] =	vst.add.f32.msk @!p5 $0xf, v1;
	s2 =	sadd.s32 @!p2 s3, s5  }
0x3f4: {  	[hbm4b:s2+s31] =	stream.linear.scatter @!p2 [tilespmem:s11], [sflag:$0xC], $0x14, $0x38;
	[tilespmem:$0x1EC48] =	vst v63  }
0x3f5: {  	s0 =	sadd.s32 @!p0 $0x48, s0;
	s4 =	rddreg [dreg:$0x5];
	s2 =	simm.s32 @!p0 $0x1  }
0x3f6: {  	[spmem:s4] =	stream.linear.scatter @!p0 [tilespmem:s0], [sflag:$0x1], $0x14, $0x38;
	[tilespmem:$0x1EC48] =	vst v63  }
0x3f7: {  	_ =	swait.ge @!p0 [sflag:s2], $0x14  }
0x3f8: {  	[sflag:s2] =	ssyncset.done @!p0 $0x0  }
0x3f9: {  	s24 =	sadd.s32 $0x80, s24;
	[sflag:s2] =	ssyncadd.s32 @!p0 $0xFFFFFFEC  }
0x3fa: {  	v1 =	vld @p3 [tilespmem:s24+$0xFFFFFFF0];
	_ =	sdelay $0x3  }
0x3fb: {  	s0 =	sshll.u32 @p3 s1, $0x5  }
0x3fc: {  	[tilespmem:s0+$0x48] =	vst @p3 v1  }
0x3fd: {  	v1 =	vld.msk @p3 [tilespmem:s24+$0x0], $0xf;
	_ =	sdelay $0x4  }
0x3fe: {  	[tilespmem:s0+$0x58] =	vst.msk @p3 $0xf, v1  }
0x3ff: {  	s28 =	sadd.s32 $0x1, s28;
	v1 =	vld @!p3 [tilespmem:s24+$0xFFFFFFF0]  }
0x400: {  	p4 =	seq.s32 s28, $0x0  }
.Ltmp16:
0x401: {  	_ = 	snop;
	(pc) =	sbr.rel @!p4 .LBB2_16-.Ltmp16, $4  }
0x402: {  	s30 =	sshll.u32 @!p3 s21, $0x7  }
0x403: {  	s0 =	sshra.s32 @!p3 s30, $0x2  }
0x404: {  	[tilespmem:s0+$0x48] =	vst.add.f32.msk @!p3 $0xffff, v1  }
0x405: {  	s21 =	smov.u32 @p3 s1;
	v1 =	vld.msk @!p3 [tilespmem:s24+$0x0], $0xf  }
.LBB2_17:
.Ltmp17:
0x406: {  	_ = 	snop;
	(pc) =	sbr.rel .LBB2_19-.Ltmp17, $2  }
0x407: {  	s1 =	sld [smem:$0x7FC];
	_ =	sdelay $0x2  }
0x408: {  	s28 =	smov.u32 s26;
	p2 =	seq.s32 s1, $0x1;
	[tilespmem:s0+$0x58] =	vst.add.f32.msk @!p3 $0xf, v1;
	s0 =	sshrl.u32 s25, $0x2  }
.LBB2_21:
0x409: {  	_ =	sfence.sel $0x180000  }
0x40a: {  	s0 =	simm.s32 $0x9;
	[bflag:$0x0] =	sbarrier.arrive $0xFFFF  }
0x40b: {  	s23 =	simm.s32 $0xA;
	[sflag:s0] =	ssyncpa.u1 $0x1  }
0x40c: {  	s24 =	simm.s32 $0xB;
	[sflag:s23] =	ssyncpa.u1 $0x1  }
0x40d: {  	s25 =	simm.s32 $0x2;
	[sflag:s24] =	ssyncpa.u1 $0x1  }
0x40e: {  	[sflag:s25] =	ssyncpa.u1 $0x1  }
0x40f: {  	v0 =	vld [tilespmem:$0x6088];
	_ =	sdelay $0x4  }
0x410: {  	(v2sf) =	vpush v0, $0x0  }
0x411: {  	(v2sf) =	vpush v0, $0x1;
	_ =	sdelay $0x1  }
0x412: {  	(v2sf) =	vpush v0, $0x2;
	_ =	sdelay $0xb  }
0x413: {  	s0 =	spop (v2sf)  }
0x414: {  	s1 =	spop (v2sf)  }
0x415: {  	s2 =	smov.u32 s0;
	p0 =	sne.s32 s0, s1  }
0x416: {  	s4 =	spop (v2sf);
	s2 =	simm.s32 @!p0 $0xFFFFFFFF  }
0x417: {  	v2 =	vimm.s32 $0x1;
	v3 =	vlaneseq.u32;
	p0 =	seq.s32 s4, $0xFFFFFFFF;
	v1 =	vmov s2  }
0x418: {  	s15 =	stileid.u32;
	v0 =	vperm.xlane v0, v2;
	p1 =	sne.s32 @!p0 s0, s1;
	v1 =	vperm.xlane v1, v3  }
0x419: {  	vm0 =	vcmask $0x3F04;
	s6 =	simm.s32 $0x6088;
	s0 =	simm.s32 @!p0 $0x1;
	p1 =	por !p1, p0  }
0x41a: {  	s2 =	sshll.u32 s15, $0x1;
	s1 =	sshll.u32 @!p0 s4, $0x7;
	s0 =	simm.s32 @p1 $0x0;
	v0 =	vsel vm0, v1, v0  }
0x41b: {  	s5 =	sor.u32 $0x400, s2;
	s1 =	sshra.s32 @!p0 s1, $0x2;
	s0 =	sor.u32 @!p0 s0, s2;
	[tilespmem:$0x6088] =	vst v0  }
0x41c: {  	[spmem:s5] =	stream.linear.scatter [tilespmem:s6], [sflag:$0x1], $0x2, $0x38;
	[tilespmem:$0x1EC48] =	vst v63  }
0x41d: {  	s1 =	sadd.s32 @!p0 $0x48, s1;
	s0 =	sshll.u32 @!p0 s0, $0x5  }
0x41e: {  	[spmem:s0] =	stream.linear.scatter @!p0 [tilespmem:s1], [sflag:$0x1], $0x20, $0x38;
	[tilespmem:$0x1EC48] =	vst v63  }
0x41f: {  	s0 =	simm.s32 @!p0 $0x22  }
0x420: {  	s26 =	simm.s32 $0x1;
	s0 =	simm.s32 @p0 $0x2  }
0x421: {  	_ =	swait.ge [sflag:s26], s0  }
0x422: {  	s0 =	ssub.s32 $0x0, s0;
	[sflag:s26] =	ssyncset.done $0x0  }
0x423: {  	[sflag:s26] =	ssyncadd.s32 s0  }
0x424: {  	_ =	sfence.stream.spmem  }
0x425: {  	[bflag:$0x0] =	sbarrier.arrive $0xFFFF  }
0x426: {  	s31 =	sld [smem:$0x7FD];
	_ =	sdelay $0x2  }
0x427: {  	p3 =	seq.s32 s31, $0x1  }
.Ltmp18:
0x428: {  	_ = 	snop;
	(pc) =	sbr.rel @p3 .LBB2_38-.Ltmp18, $4  }
0x429: {  	s28 =	simm.s32 $0x3  }
0x42a: {  	s29 =	simm.s32 $0x4;
	[sflag:s28] =	ssyncpa.u1 $0x1  }
0x42b: {  	s30 =	simm.s32 $0x3C;
	[sflag:s29] =	ssyncpa.u1 $0x1  }
0x42c: {  	s16 =	rddreg [dreg:$0x6];
	[sflag:s30] =	ssyncpa.u1 $0x1  }
0x42d: {  	_ =	sfence.stream.spmem;
	s0 =	simm.s32 $0x5  }
0x42e: {  	s1 =	simm.s32 $0x400;
	s2 =	simm.s32 $0x6098;
	[sflag:s0] =	ssyncpa.u1 $0x0  }
0x42f: {  	[tilespmem:s2], [sflag:$0x5] =	stream.linear.gather [spmem:s1], $0x20, $0x38;
	[tilespmem:$0x1EC48] =	vst v63  }
0x430: {  	s26 =	simm.s32 $0x0;
	s28 =	simm.s32 $0x60B8  }
0x431: {  	[tilespmem:s28], [sflag:$0x5] =	stream.linear.gather [spmem:s26], $0x400, $0x38;
	[tilespmem:$0x1EC48] =	vst v63  }
0x432: {  	_ =	swait.ge [sflag:s0], $0x420  }
0x433: {  	[sflag:s0] =	ssyncset.done $0x0  }
0x434: {  	s29 =	simm.s32 $0x0;
	[sflag:s0] =	ssyncadd.s32 $0xFFFFFBE0  }
0x435: {  	v0 =	vld.msk [tilespmem:s29+$0x6098], $0x1;
	_ =	sdelay $0x1  }
0x436: {  	s30 =	simm.s32 $0x1  }
0x437: {  	v1 =	vld.msk [tilespmem:s30+$0x6098], $0x1;
	_ =	sdelay $0x1  }
0x438: {  	(v2sf) =	vpush v0, $0x0;
	_ =	sdelay $0x2  }
0x439: {  	(v2sf) =	vpush v1, $0x0;
	_ =	sdelay $0x2  }
0x43a: {  	s31 =	simm.s32 $0x2  }
0x43b: {  	v0 =	vld.msk [tilespmem:s31+$0x6098], $0x1;
	_ =	sdelay $0x2  }
0x43c: {  	s6 =	simm.s32 $0xFFFFFFFF;
	s1 =	simm.s32 $0xFFFFFFFF;
	s0 =	simm.s32 $0xC  }
.LBB2_23:
0x43d: {  	s2 =	smov.u32 s6;
	s4 =	smov.u32 s1  }
0x43e: {  	s1 =	sshra.s32 s0, $0x2;
	p0 =	sne.s32 s0, $0x7C;
	s0 =	sadd.s32 $0x4, s0;
	(v2sf) =	vpush v0, $0x0  }
0x43f: {  	v0 =	vld.msk [tilespmem:s1+$0x6098], $0x1  }
.Ltmp19:
0x440: {  	(pc) =	sbr.rel @p0 .LBB2_23-.Ltmp19, $4  }
0x441: {  	s6 =	spop (v2sf)  }
0x442: {  	p1 =	sne.s32 s4, $0xFFFFFFFF;
	s1 =	smov.u32 s6  }
0x443: {  	p2 =	seq.s32 s6, $0xFFFFFFFF;
	s1 =	smov.u32 @p1 s4  }
0x444: {  	s6 =	smov.u32 @p2 s2;
	s1 =	smov.u32 @p2 s4  }
0x445: {  	(v2sf) =	vpush v0, $0x0;
	_ =	sdelay $0x8  }
0x446: {  	s0 =	spop (v2sf)  }
0x447: {  	p0 =	sne.s32 s1, $0xFFFFFFFF;
	s2 =	smov.u32 s0  }
0x448: {  	s9 =	simm.s32 $0x6;
	p1 =	seq.s32 s0, $0xFFFFFFFF;
	s2 =	smov.u32 @p0 s1  }
0x449: {  	s10 =	simm.s32 $0x6068;
	s2 =	smov.u32 @p1 s1;
	s1 =	spop (v2sf)  }
0x44a: {  	s0 =	smov.u32 @p1 s6;
	p0 =	sne.s32 s2, $0xFFFFFFFF;
	s4 =	smov.u32 s1  }
.Ltmp20:
0x44b: {  	p1 =	seq.s32 s1, $0xFFFFFFFF;
	s4 =	smov.u32 @p0 s2;
	(pc) =	sbr.rel .LBB2_25-.Ltmp20, $4  }
0x44c: {  	s11 =	simm.s32 $0x0;
	s4 =	smov.u32 @p1 s2;
	s7 =	spop (v2sf)  }
0x44d: {  	[sflag:s9] =	ssyncpa.u1 $0x0;
	p0 =	sne.s32 s4, $0xFFFFFFFF;
	s8 =	smov.u32 s7  }
0x44e: {  	s1 =	smov.u32 @p1 s0;
	p1 =	seq.s32 s7, $0xFFFFFFFF;
	s8 =	smov.u32 @p0 s4  }
0x44f: {  	s6 =	simm.s32 $0x0;
	s7 =	smov.u32 @p1 s1;
	s8 =	smov.u32 @p1 s4  }
.LBB2_31:
0x450: {  	p0 =	sgt.u32 s12, $0x270FD  }
0x451: {  	p1 =	seq.s32 @!p0 s12, s8  }
0x452: {  	p0 =	por p0, p1  }
0x453: {  	p1 =	sne.s32 @!p0 s12, s7  }
0x454: {  	p0 =	por p0, !p1  }
0x455: {  	s0 =	sshll.u32 @p0 s11, $0x7  }
0x456: {  	s0 =	sand.u32 @!p0 $0x3FFF8, s12  }
0x457: {  	s1 =	sand.u32 @!p0 $0x7, s12;
	s0 =	sadd.s32 @!p0 s3, s0  }
0x458: {  	[tilespmem:s10], [sflag:$0x6] =	stream.linear.gather @!p0 [hbm4b:s0+s1], $0x14, $0x38;
	[tilespmem:$0x1EC48] =	vst v63  }
0x459: {  	_ =	swait.ge @!p0 [sflag:s9], $0x14  }
0x45a: {  	[sflag:s9] =	ssyncset.done @!p0 $0x0  }
0x45b: {  	[sflag:s9] =	ssyncadd.s32 @!p0 $0xFFFFFFEC  }
0x45c: {  	v1 =	vld @!p0 [tilespmem:$0x6068];
	_ =	sdelay $0x2  }
0x45d: {  	s0 =	sshll.u32 @!p0 s11, $0x7  }
0x45e: {  	s1 =	sshrl.u32 @!p0 s0, $0x2  }
0x45f: {  	[tilespmem:s1+$0x60B8] =	vst.add.f32.msk @!p0 $0xffff, v1  }
0x460: {  	v1 =	vld @!p0 [tilespmem:$0x6078];
	_ =	sdelay $0x4  }
0x461: {  	[tilespmem:s1+$0x60C8] =	vst.add.f32.msk @!p0 $0xffff, v1  }
0x462: {  	s0 =	sshrl.u32 s0, $0x2;
	[tilespmem:s6+$0x6098] =	vst.msk $0x1, v0  }
0x463: {  	v0 =	vld [tilespmem:s0+$0x60B8];
	_ =	sdelay $0x2  }
0x464: {  	s31 =	sshll.u32 s6, $0x7  }
0x465: {  	s1 =	sshra.s32 s31, $0x2  }
0x466: {  	[tilespmem:s1+$0x60B8] =	vst v0  }
0x467: {  	v0 =	vld [tilespmem:s0+$0x60C8];
	_ =	sdelay $0x4  }
0x468: {  	s6 =	sadd.s32 $0x1, s6;
	[tilespmem:s1+$0x60C8] =	vst v0  }
.LBB2_32:
0x469: {  	s11 =	sadd.s32 $0x1, s11  }
0x46a: {  	p0 =	sne.s32 s11, $0x20  }
.Ltmp21:
0x46b: {  	_ = 	snop;
	(pc) =	sbr.rel @!p0 .LBB2_33-.Ltmp21, $1  }
0x46c: {  	_ =	sdelay $0x3  }
.LBB2_25:
0x46d: {  	v0 =	vld.msk [tilespmem:s11+$0x6098], $0x1;
	_ =	sdelay $0x4  }
0x46e: {  	(v2sf) =	vpush v0, $0x0;
	_ =	sdelay $0xe  }
0x46f: {  	s12 =	spop (v2sf)  }
0x470: {  	p0 =	seq.s32 s12, $0xFFFFFFFF  }
.Ltmp22:
0x471: {  	_ = 	snop;
	(pc) =	sbr.rel @p0 .LBB2_32-.Ltmp22, $1  }
0x472: {  	_ =	sdelay $0x3  }
0x473: {  	p0 =	slt.s32 s6, $0x1  }
.Ltmp23:
0x474: {  	_ = 	snop;
	(pc) =	sbr.rel @p0 .LBB2_31-.Ltmp23, $1  }
0x475: {  	_ =	sdelay $0x3  }
0x476: {  	s0 =	simm.s32 $0x6098;
	p0 =	por $0x0, $0x0  }
0x477: {  	v1 =	vld.msk @!p0 [tilespmem:s0+$0x0], $0x1;
	_ =	sdelay $0x4  }
0x478: {  	(v2sf) =	vpush @!p0 v1, $0x0;
	_ =	sdelay $0xd  }
0x479: {  	p2 =	sne.s32 s6, $0x1  }
.Ltmp24:
0x47a: {  	s1 =	spop @!p0 (v2sf);
	(pc) =	sbr.rel @!p2 .LBB2_29-.Ltmp24, $4  }
0x47b: {  	p1 =	seq.s32 @!p0 s12, s1  }
0x47c: {  	s13 =	simm.s32 $0x0;
	p1 =	por !p1, p0  }
0x47d: {  	s1 =	simm.s32 $0xFFFFFFFF;
	s13 =	simm.s32 @p1 $0xFFFFFFFF  }
0x47e: {  	s14 =	simm.s32 $0x1;
	s13 =	smov.u32 @p0 s1  }
.LBB2_28:
0x47f: {  	s1 =	smov.u32 s13;
	p1 =	sne.s32 s13, $0xFFFFFFFF  }
0x480: {  	s0 =	sadd.s32 $0x1, s0;
	s13 =	smov.u32 s14;
	s14 =	sadd.s32 $0x1, s14  }
0x481: {  	p2 =	sne.s32 s6, s14;
	v1 =	vld.msk @!p1 [tilespmem:s0+$0x0], $0x1;
	_ =	sdelay $0x4  }
0x482: {  	(v2sf) =	vpush @!p1 v1, $0x0;
	_ =	sdelay $0xe  }
.Ltmp25:
0x483: {  	s2 =	spop @!p1 (v2sf);
	(pc) =	sbr.rel @p2 .LBB2_28-.Ltmp25, $4  }
0x484: {  	p0 =	seq.s32 @!p1 s12, s2  }
0x485: {  	p0 =	por !p0, p1  }
0x486: {  	s13 =	simm.s32 @p0 $0xFFFFFFFF  }
0x487: {  	s13 =	smov.u32 @p1 s1  }
.LBB2_29:
0x488: {  	p0 =	seq.s32 s13, $0xFFFFFFFF  }
.Ltmp26:
0x489: {  	_ = 	snop;
	(pc) =	sbr.rel @p0 .LBB2_31-.Ltmp26, $1  }
0x48a: {  	_ =	sdelay $0x3  }
0x48b: {  	s0 =	sshll.u32 s11, $0x5  }
0x48c: {  	s0 =	sand.u32 $0x3FFFFFE0, s0  }
0x48d: {  	v0 =	vld [tilespmem:s0+$0x60B8];
	_ =	sdelay $0x2  }
0x48e: {  	s1 =	sshll.u32 s13, $0x7  }
0x48f: {  	s1 =	sshra.s32 s1, $0x2  }
0x490: {  	[tilespmem:s1+$0x60B8] =	vst.add.f32.msk $0xffff, v0  }
0x491: {  	v0 =	vld [tilespmem:s0+$0x60C8]  }
.Ltmp27:
0x492: {  	_ = 	snop;
	(pc) =	sbr.rel .LBB2_32-.Ltmp27, $2  }
0x493: {  	_ =	sdelay $0x2  }
0x494: {  	[tilespmem:s1+$0x60C8] =	vst.add.f32.msk $0xffff, v0  }
.LBB2_33:
0x495: {  	s0 =	simm.s32 $0x6;
	p1 =	seq.s32 s6, $0x0  }
0x496: {  	[sflag:s0] =	ssyncpa.u1 $0x1;
	v0 =	vimm.s32 @p1 $0xFFFFFFFF  }
0x497: {  	s0 =	sadd.s32 $0xFFFFFFFF, s6;
	[tilespmem:$0x64B8] =	vst @p1 v0  }
0x498: {  	v0 =	vld.msk @!p1 [tilespmem:s0+$0x6098], $0x1;
	_ =	sdelay $0x1  }
0x499: {  	v1 =	vld.msk @!p1 [tilespmem:$0x6098], $0x1;
	_ =	sdelay $0x2  }
0x49a: {  	p0 =	seq.s32 @!p1 s0, $0x0;
	v0 =	vbroadcast @!p1 v0, $0x0  }
0x49b: {  	vm0 =	vmmov @!p1 $0x1;
	p0 =	por !p0, p1  }
0x49c: {  	v1 =	vnsel @!p1 vm0, $0xFFFFFFFF, v1;
	vm0 =	vcmask @!p1 $0x308;
	v0 =	vpsel !p0, $0xFFFFFFFF, v0  }
0x49d: {  	p0 =	sne.s32 @!p1 s8, s7;
	v0 =	vsel @!p1 vm0, v1, v0  }
0x49e: {  	s1 =	simm.s32 @!p1 $0x60B8;
	s2 =	simm.s32 @!p1 $0x0;
	p2 =	por !p0, p1;
	[tilespmem:$0x64B8] =	vst @!p1 v0  }
0x49f: {  	[spmem:s2] =	stream.linear.scatter @!p1 [tilespmem:s1], [sflag:$0x1], $0x20, $0x38;
	[tilespmem:$0x1EC48] =	vst v63  }
0x4a0: {  	s1 =	sshll.u32 @!p2 s0, $0x7  }
0x4a1: {  	s1 =	sshra.s32 @!p2 s1, $0x2  }
0x4a2: {  	s2 =	simm.s32 @!p2 $0x20;
	s1 =	sadd.s32 @!p2 $0x60B8, s1  }
0x4a3: {  	[spmem:s2] =	stream.linear.scatter @!p2 [tilespmem:s1], [sflag:$0x1], $0x20, $0x38;
	[tilespmem:$0x1EC48] =	vst v63  }
0x4a4: {  	s1 =	simm.s32 @!p2 $0x1  }
0x4a5: {  	_ =	swait.ge @!p2 [sflag:s1], $0x40  }
0x4a6: {  	p0 =	por p0, p1;
	[sflag:s1] =	ssyncset.done @!p2 $0x0  }
0x4a7: {  	[sflag:s1] =	ssyncadd.s32 @!p2 $0xFFFFFFC0;
	s1 =	simm.s32 @!p0 $0x1  }
0x4a8: {  	_ =	swait.ge @!p0 [sflag:s1], $0x20  }
0x4a9: {  	s29 =	simm.s32 $0x64B8;
	[sflag:s1] =	ssyncset.done @!p0 $0x0  }
0x4aa: {  	s30 =	simm.s32 $0x400;
	s31 =	simm.s32 $0x1;
	[sflag:s1] =	ssyncadd.s32 @!p0 $0xFFFFFFE0  }
0x4ab: {  	[spmem:s30] =	stream.linear.scatter [tilespmem:s29], [sflag:$0x1], $0x10, $0x38;
	[tilespmem:$0x1EC48] =	vst v63  }
0x4ac: {  	_ =	swait.ge [sflag:s31], $0x10  }
0x4ad: {  	[sflag:s31] =	ssyncset.done $0x0  }
0x4ae: {  	p1 =	seq.s32 s16, $0x0;
	s9 =	rddreg [dreg:$0x2];
	[sflag:s31] =	ssyncadd.s32 $0xFFFFFFF0  }
0x4af: {  	s2 =	sshll.u32 @p1 s9, $0xE;
	s8 =	rddreg [dreg:$0x3]  }
0x4b0: {  	s1 =	sadd.s32 @p1 $0x15C3C, s2;
	s2 =	sshll.u32 @p1 s8, $0x11  }
0x4b1: {  	_ =	sfence.stream.spmem;
	s1 =	sor.u32 @p1 s2, s1  }
0x4b2: {  	[sflag:s1] =	ssyncadd.remote.s32 @p1 $0x1;
	s1 =	simm.s32 @p1 $0x4  }
0x4b3: {  	s4 =	simm.s32 @!p1 $0x3C;
	s2 =	sand.u32 $0xFFFFFFFE, s9;
	_ =	swait.ge @p1 [sflag:s1], $0xA  }
0x4b4: {  	s5 =	simm.s32 @!p1 $0x0;
	s2 =	sadd.s32 @!p1 $0x4, s2;
	[sflag:s1] =	ssyncset.done @p1 $0x0  }
0x4b5: {  	s7 =	simm.s32 @!p1 $0x40;
	[sflag:s1] =	ssyncadd.s32 @p1 $0xFFFFFFF6;
	s1 =	sshll.u32 @!p1 s2, $0x1A  }
0x4b6: {  	s2 =	sshll.u32 @!p1 s2, $0xD;
	s1 =	sor.u32 @!p1 s1, s8;
	_ =	swait.eq @!p1 [sflag:s4], $0x1  }
0x4b7: {  	s2 =	sor.u32 @!p1 $0x1C04, s2;
	s4 =	simm.s32 @!p1 $0x1C03;
	s1 =	sor.u32 @!p1 $0x80004000, s1  }
0x4b8: {  	[spmem:s7], [sflag:s2] =	dma.general @!p1 [spmem:s5], [sflag:s4], length:$0x8, [dreg:$0x0], stride_count:$0x0, ici_dest:s1, dma_misc:DstOpCode:WRITE  }
0x4b9: {  	p0 =	slt.s32 s0, $0x2;
	s5 =	simm.s32 @!p1 $0x80;
	s7 =	simm.s32 @!p1 $0x82  }
0x4ba: {  	[spmem:s7], [sflag:s2] =	dma.general @!p1 [spmem:s5], [sflag:s4], length:$0x2, [dreg:$0x0], stride_count:$0x0, ici_dest:s1, dma_misc:DstOpCode:WRITE  }
.Ltmp28:
0x4bb: {  	s1 =	simm.s32 @!p1 $0x3;
	(pc) =	sbr.rel @p0 .LBB2_37-.Ltmp28, $4  }
0x4bc: {  	s2 =	sshll.u32 @!p1 s9, $0xE;
	_ =	swait.ge @!p1 [sflag:s1], $0xA  }
0x4bd: {  	s4 =	sshll.u32 @!p1 s8, $0x11;
	s2 =	sadd.s32 @!p1 $0x11C3C, s2;
	[sflag:s1] =	ssyncset.done @!p1 $0x0  }
0x4be: {  	[sflag:s1] =	ssyncadd.s32 @!p1 $0xFFFFFFF6;
	s1 =	sor.u32 @!p1 s4, s2  }
0x4bf: {  	s0 =	simm.s32 $0x0;
	[sflag:s1] =	ssyncadd.remote.s32 @!p1 $0xFFFFFFFF  }
0x4c0: {  	s0 =	simm.s32 $0x6099  }
0x4c1: {  	v0 =	vld.msk [tilespmem:s0+$0x0], $0x1;
	_ =	sdelay $0x4  }
0x4c2: {  	(v2sf) =	vpush v0, $0x0;
	_ =	sdelay $0xc  }
0x4c3: {  	s1 =	sadd.s32 $0xFFFFFFFE, s6  }
0x4c4: {  	s1 =	sadd.s32 $0xFFFFFFFF, s1  }
0x4c5: {  	p1 =	sne.s32 s1, $0x0;
	s2 =	spop (v2sf)  }
.Ltmp29:
0x4c6: {  	p0 =	sgt.u32 s2, $0x270FD;
	(pc) =	sbr.rel @!p1 .LBB2_36-.Ltmp29, $4  }
0x4c7: {  	s7 =	simm.s32 $0x0;
	s4 =	sand.u32 @!p0 $0x3FFF8, s2  }
0x4c8: {  	s0 =	simm.s32 $0x60D8;
	s2 =	sand.u32 @!p0 $0x7, s2;
	s4 =	sadd.s32 @!p0 s3, s4  }
0x4c9: {  	[hbm4b:s4+s2] =	stream.linear.scatter @!p0 [tilespmem:s0], [sflag:$0x5], $0x14, $0x38;
	[tilespmem:$0x1EC48] =	vst v63  }
0x4ca: {  	s6 =	simm.s32 $0x609A;
	s7 =	simm.s32 @!p0 $0x50;
	s2 =	simm.s32 $0x0  }
.LBB2_35:
0x4cb: {  	v0 =	vld.msk [tilespmem:s6+$0x0], $0x1;
	s1 =	sadd.s32 $0xFFFFFFFF, s1;
	s2 =	sadd.s32 s2, s7  }
0x4cc: {  	p1 =	sne.s32 s1, $0x0;
	_ =	sdelay $0x3  }
0x4cd: {  	(v2sf) =	vpush v0, $0x0;
	_ =	sdelay $0xe  }
.Ltmp30:
0x4ce: {  	s4 =	spop (v2sf);
	(pc) =	sbr.rel @p1 .LBB2_35-.Ltmp30, $4  }
0x4cf: {  	s7 =	simm.s32 $0x0;
	p0 =	sgt.u32 s4, $0x270FD  }
0x4d0: {  	s0 =	sadd.s32 $0x20, s0;
	s7 =	simm.s32 @!p0 $0x50;
	s5 =	sand.u32 @!p0 $0x3FFF8, s4  }
0x4d1: {  	s6 =	sadd.s32 $0x1, s6;
	s4 =	sand.u32 @!p0 $0x7, s4;
	s5 =	sadd.s32 @!p0 s3, s5  }
0x4d2: {  	[hbm4b:s5+s4] =	stream.linear.scatter @!p0 [tilespmem:s0], [sflag:$0x5], $0x14, $0x38;
	[tilespmem:$0x1EC48] =	vst v63  }
.LBB2_36:
0x4d3: {  	s0 =	sadd.s32 s2, s7  }
0x4d4: {  	s0 =	sshrl.u32 s0, $0x2  }
.LBB2_37:
0x4d5: {  	s1 =	simm.s32 $0x5  }
0x4d6: {  	_ =	swait.ge [sflag:s1], s0  }
0x4d7: {  	s31 =	ssub.s32 $0x0, s0;
	[sflag:s1] =	ssyncset.done $0x0  }
0x4d8: {  	[sflag:s1] =	ssyncadd.s32 s31  }
0x4d9: {  	[sflag:s1] =	ssyncpa.u1 $0x1  }
.LBB2_38:
0x4da: {  	s0 =	sor.u32 s16, s15  }
0x4db: {  	p0 =	sne.s32 s0, $0x0  }
.Ltmp31:
0x4dc: {  	_ = 	snop;
	(pc) =	sbr.rel @p0 .LBB2_53-.Ltmp31, $3  }
0x4dd: {  	_ =	sdelay $0x1  }
0x4de: {  	[bflag:$0x0] =	sbarrier.arrive $0xFFFF  }
0x4df: {  	_ =	sfence  }
0x4e0: {  	s0 =	simm.s32 $0x7  }
0x4e1: {  	s1 =	simm.s32 $0x400;
	s2 =	simm.s32 $0x6098;
	[sflag:s0] =	ssyncpa.u1 $0x0  }
0x4e2: {  	[tilespmem:s2], [sflag:$0x7] =	stream.linear.gather [spmem:s1], $0x20, $0x38;
	[tilespmem:$0x1EC48] =	vst v63  }
0x4e3: {  	s30 =	simm.s32 $0x60B8;
	s1 =	simm.s32 $0x0  }
0x4e4: {  	[tilespmem:s30], [sflag:$0x7] =	stream.linear.gather [spmem:s1], $0x400, $0x38;
	[tilespmem:$0x1EC48] =	vst v63  }
.Ltmp32:
0x4e5: {  	_ = 	snop;
	(pc) =	sbr.rel .LBB2_40-.Ltmp32, $4  }
0x4e6: {  	_ =	swait.ge [sflag:s0], $0x420  }
0x4e7: {  	[sflag:s0] =	ssyncset.done $0x0  }
0x4e8: {  	s31 =	simm.s32 $0x8;
	[sflag:s0] =	ssyncadd.s32 $0xFFFFFBE0  }
0x4e9: {  	s2 =	simm.s32 $0x0;
	[sflag:s31] =	ssyncpa.u1 $0x0  }
.LBB2_46:
0x4ea: {  	p0 =	slt.u32 s0, $0x270FE  }
0x4eb: {  	s4 =	sand.u32 @p0 $0x3FFF8, s0  }
0x4ec: {  	s0 =	sand.u32 @p0 $0x7, s0;
	s5 =	simm.s32 @p0 $0x6068;
	s4 =	sadd.s32 @p0 s3, s4  }
0x4ed: {  	[tilespmem:s5], [sflag:$0x8] =	stream.linear.gather @p0 [hbm4b:s4+s0], $0x14, $0x38;
	[tilespmem:$0x1EC48] =	vst v63  }
0x4ee: {  	s0 =	simm.s32 @p0 $0x8  }
0x4ef: {  	_ =	swait.ge @p0 [sflag:s0], $0x14  }
0x4f0: {  	[sflag:s0] =	ssyncset.done @p0 $0x0  }
0x4f1: {  	[sflag:s0] =	ssyncadd.s32 @p0 $0xFFFFFFEC  }
0x4f2: {  	v1 =	vld @p0 [tilespmem:$0x6068];
	_ =	sdelay $0x2  }
0x4f3: {  	s0 =	sshll.u32 @p0 s2, $0x7  }
0x4f4: {  	s4 =	sshrl.u32 @p0 s0, $0x2  }
0x4f5: {  	[tilespmem:s4+$0x60B8] =	vst.add.f32.msk @p0 $0xffff, v1  }
0x4f6: {  	v1 =	vld @p0 [tilespmem:$0x6078];
	_ =	sdelay $0x3  }
0x4f7: {  	s5 =	sshll.u32 @!p0 s2, $0x7  }
0x4f8: {  	s5 =	smov.u32 @p0 s0;
	[tilespmem:s4+$0x60C8] =	vst.add.f32.msk @p0 $0xffff, v1  }
0x4f9: {  	s0 =	sshrl.u32 s5, $0x2;
	[tilespmem:s1+$0x6098] =	vst.msk $0x1, v0  }
0x4fa: {  	v0 =	vld [tilespmem:s0+$0x60B8];
	_ =	sdelay $0x2  }
0x4fb: {  	s31 =	sshll.u32 s1, $0x7  }
0x4fc: {  	s4 =	sshra.s32 s31, $0x2  }
0x4fd: {  	[tilespmem:s4+$0x60B8] =	vst v0  }
0x4fe: {  	v0 =	vld [tilespmem:s0+$0x60C8];
	_ =	sdelay $0x4  }
0x4ff: {  	s1 =	sadd.s32 $0x1, s1;
	[tilespmem:s4+$0x60C8] =	vst v0  }
.LBB2_47:
0x500: {  	s2 =	sadd.s32 $0x1, s2  }
0x501: {  	p0 =	sne.s32 s2, $0x20  }
.Ltmp33:
0x502: {  	_ = 	snop;
	(pc) =	sbr.rel @!p0 .LBB2_48-.Ltmp33, $1  }
0x503: {  	_ =	sdelay $0x3  }
.LBB2_40:
0x504: {  	v0 =	vld.msk [tilespmem:s2+$0x6098], $0x1;
	_ =	sdelay $0x4  }
0x505: {  	(v2sf) =	vpush v0, $0x0;
	_ =	sdelay $0xe  }
0x506: {  	s0 =	spop (v2sf)  }
0x507: {  	p0 =	seq.s32 s0, $0xFFFFFFFF  }
.Ltmp34:
0x508: {  	_ = 	snop;
	(pc) =	sbr.rel @p0 .LBB2_47-.Ltmp34, $1  }
0x509: {  	_ =	sdelay $0x3  }
0x50a: {  	p0 =	slt.s32 s1, $0x1  }
.Ltmp35:
0x50b: {  	_ = 	snop;
	(pc) =	sbr.rel @p0 .LBB2_46-.Ltmp35, $1  }
0x50c: {  	_ =	sdelay $0x3  }
0x50d: {  	s4 =	simm.s32 $0x6098;
	p0 =	por $0x0, $0x0  }
0x50e: {  	v1 =	vld.msk @!p0 [tilespmem:s4+$0x0], $0x1;
	_ =	sdelay $0x4  }
0x50f: {  	(v2sf) =	vpush @!p0 v1, $0x0;
	_ =	sdelay $0xd  }
0x510: {  	p2 =	sne.s32 s1, $0x1  }
.Ltmp36:
0x511: {  	s5 =	spop @!p0 (v2sf);
	(pc) =	sbr.rel @!p2 .LBB2_44-.Ltmp36, $4  }
0x512: {  	p1 =	seq.s32 @!p0 s0, s5  }
0x513: {  	s5 =	simm.s32 $0x0;
	p1 =	por !p1, p0  }
0x514: {  	s7 =	simm.s32 $0xFFFFFFFF;
	s5 =	simm.s32 @p1 $0xFFFFFFFF  }
0x515: {  	s6 =	simm.s32 $0x1;
	s5 =	smov.u32 @p0 s7  }
.LBB2_43:
0x516: {  	s7 =	smov.u32 s5;
	p1 =	sne.s32 s5, $0xFFFFFFFF  }
0x517: {  	s4 =	sadd.s32 $0x1, s4;
	s5 =	smov.u32 s6;
	s6 =	sadd.s32 $0x1, s6  }
0x518: {  	p2 =	sne.s32 s1, s6;
	v1 =	vld.msk @!p1 [tilespmem:s4+$0x0], $0x1;
	_ =	sdelay $0x4  }
0x519: {  	(v2sf) =	vpush @!p1 v1, $0x0;
	_ =	sdelay $0xe  }
.Ltmp37:
0x51a: {  	s8 =	spop @!p1 (v2sf);
	(pc) =	sbr.rel @p2 .LBB2_43-.Ltmp37, $4  }
0x51b: {  	p0 =	seq.s32 @!p1 s0, s8  }
0x51c: {  	p0 =	por !p0, p1  }
0x51d: {  	s5 =	simm.s32 @p0 $0xFFFFFFFF  }
0x51e: {  	s5 =	smov.u32 @p1 s7  }
.LBB2_44:
0x51f: {  	p0 =	seq.s32 s5, $0xFFFFFFFF  }
.Ltmp38:
0x520: {  	_ = 	snop;
	(pc) =	sbr.rel @p0 .LBB2_46-.Ltmp38, $1  }
0x521: {  	_ =	sdelay $0x3  }
0x522: {  	s0 =	sshll.u32 s2, $0x5  }
0x523: {  	s0 =	sand.u32 $0x3FFFFFE0, s0  }
0x524: {  	v0 =	vld [tilespmem:s0+$0x60B8];
	_ =	sdelay $0x2  }
0x525: {  	s4 =	sshll.u32 s5, $0x7  }
0x526: {  	s4 =	sshra.s32 s4, $0x2  }
0x527: {  	[tilespmem:s4+$0x60B8] =	vst.add.f32.msk $0xffff, v0  }
0x528: {  	v0 =	vld [tilespmem:s0+$0x60C8]  }
.Ltmp39:
0x529: {  	_ = 	snop;
	(pc) =	sbr.rel .LBB2_47-.Ltmp39, $2  }
0x52a: {  	_ =	sdelay $0x2  }
0x52b: {  	[tilespmem:s4+$0x60C8] =	vst.add.f32.msk $0xffff, v0  }
.LBB2_48:
0x52c: {  	p0 =	slt.s32 s1, $0x1  }
.Ltmp40:
0x52d: {  	_ = 	snop;
	(pc) =	sbr.rel @p0 .LBB2_52-.Ltmp40, $3  }
0x52e: {  	_ =	sdelay $0x1  }
0x52f: {  	s0 =	simm.s32 $0x8  }
0x530: {  	[sflag:s0] =	ssyncpa.u1 $0x1;
	s0 =	simm.s32 $0x0  }
0x531: {  	s2 =	simm.s32 $0x6098  }
0x532: {  	v0 =	vld.msk [tilespmem:s2+$0x0], $0x1;
	_ =	sdelay $0x4  }
0x533: {  	(v2sf) =	vpush v0, $0x0;
	_ =	sdelay $0xe  }
0x534: {  	s1 =	sadd.s32 $0xFFFFFFFF, s1;
	s4 =	spop (v2sf)  }
0x535: {  	p1 =	sne.s32 s1, $0x0;
	p0 =	sgt.u32 s4, $0x270FD  }
.Ltmp41:
0x536: {  	s5 =	sand.u32 @!p0 $0x3FFF8, s4;
	(pc) =	sbr.rel @!p1 .LBB2_51-.Ltmp41, $4  }
0x537: {  	s2 =	simm.s32 $0x60B8;
	s4 =	sand.u32 @!p0 $0x7, s4;
	s5 =	sadd.s32 @!p0 s3, s5  }
0x538: {  	[hbm4b:s5+s4] =	stream.linear.scatter @!p0 [tilespmem:s2], [sflag:$0x7], $0x14, $0x38;
	[tilespmem:$0x1EC48] =	vst v63  }
0x539: {  	s5 =	simm.s32 $0x0  }
0x53a: {  	s4 =	simm.s32 $0x6099;
	s5 =	simm.s32 @!p0 $0x50  }
.LBB2_50:
0x53b: {  	v0 =	vld.msk [tilespmem:s4+$0x0], $0x1;
	s1 =	sadd.s32 $0xFFFFFFFF, s1;
	s0 =	sadd.s32 s0, s5  }
0x53c: {  	p1 =	sne.s32 s1, $0x0;
	_ =	sdelay $0x3  }
0x53d: {  	(v2sf) =	vpush v0, $0x0;
	_ =	sdelay $0xe  }
.Ltmp42:
0x53e: {  	s6 =	spop (v2sf);
	(pc) =	sbr.rel @p1 .LBB2_50-.Ltmp42, $4  }
0x53f: {  	s5 =	simm.s32 $0x0;
	p0 =	sgt.u32 s6, $0x270FD  }
0x540: {  	s2 =	sadd.s32 $0x20, s2;
	s5 =	simm.s32 @!p0 $0x50;
	s7 =	sand.u32 @!p0 $0x3FFF8, s6  }
0x541: {  	s4 =	sadd.s32 $0x1, s4;
	s6 =	sand.u32 @!p0 $0x7, s6;
	s7 =	sadd.s32 @!p0 s3, s7  }
0x542: {  	[hbm4b:s7+s6] =	stream.linear.scatter @!p0 [tilespmem:s2], [sflag:$0x7], $0x14, $0x38;
	[tilespmem:$0x1EC48] =	vst v63  }
.LBB2_51:
0x543: {  	s0 =	sadd.s32 s0, s5  }
0x544: {  	s0 =	sshrl.u32 s0, $0x2  }
.LBB2_52:
0x545: {  	s1 =	simm.s32 $0x7  }
0x546: {  	_ =	swait.ge [sflag:s1], s0  }
0x547: {  	s31 =	ssub.s32 $0x0, s0;
	[sflag:s1] =	ssyncset.done $0x0  }
0x548: {  	[sflag:s1] =	ssyncadd.s32 s31  }
0x549: {  	[sflag:s1] =	ssyncpa.u1 $0x1  }
.LBB2_53:
0x54a: {  	_ =	sfence;
	s0 =	simm.s32 $0x1  }
0x54b: {  	[sflag:s0] =	ssyncpa.u1 $0x1  }
0x54c: {  	_ =	strace $0x90000053  }
0x54d: {  	[bflag:$0x2] =	sbarrier.arrive $0xFFFF  }
0x54e: {  	s0 =	rddreg [dreg:$0x4]  }
0x54f: {  	s0 =	sadd.s32 @!p3 $0x100000, s0  }
0x550: {  	[sflag:s0] =	ssyncadd.tile.s32 @!p3 $0x1;
	_ =	shalt  }
.Lfunc_end2:
_tile_overlayer_lowered:
.L_overlay_start_2:
0x551: {  	(tag) =	ssettag $0x2  }
0x552: {  	s0 =	rddreg [dreg:$0x0];
	s2 =	stileid.u32  }
0x553: {  	s1 =	rddreg [dreg:$0x1];
	p0 =	sne.s32 s2, $0x0  }
0x554: {  	s3 =	rddreg [dreg:$0x2];
	[bflag:$0x3] =	sbarrier.arrive $0xFFFF;
	s2 =	simm.s32 @!p0 $0x1C01  }
0x555: {  	[timem:s3], [sflag:s2] =	dma.local @!p0 [hbm:s0], s1  }
0x556: {  	s0 =	simm.s32 @!p0 $0x1  }
0x557: {  	_ =	swait.ge @!p0 [sflag:s0], s1  }
0x558: {  	s1 =	ssub.s32 @!p0 $0x0, s1;
	[sflag:s0] =	ssyncset.done @!p0 $0x0  }
0x559: {  	[sflag:s0] =	ssyncadd.s32 @!p0 s1  }
0x55a: {  	[bflag:$0x3] =	sbarrier.arrive $0xFFFF  }
0x55b: {  	_ =	shalt  }

// kernel: scatter_offload_async_start
scs
__scs_entry_jumppad:
0x0: {  	(pc) =	sbr.rel $0x88, $3  }
0x1: {  	(tag) =	ssettag $0x0;
	lr =	simm.s32 $0x1  }
0x2: {  	[smem:$0x3F95] =	sst lr;
	_ =	strace $0xD0000000  }
0x3: {  	_ = 	snop  }
0x4: {  	_ = 	snop  }
0x5: {  	_ = 	snop  }
0x6: {  	_ = 	snop  }
0x7: {  	_ = 	snop  }
__scs_overlays_trampoline_lowered:
0x8: {  	[smem:$0x3FA4] =	sst s0  }
0x9: {  	[smem:$0x3FA5] =	sst s1  }
0xa: {  	[smem:$0x3FA6] =	sst s2  }
0xb: {  	[smem:$0x3FA7] =	sst s3  }
0xc: {  	[smem:$0x3FA8] =	sst s4  }
0xd: {  	[smem:$0x3FA9] =	sst s5  }
0xe: {  	[smem:$0x3FAA] =	sst s6  }
0xf: {  	[smem:$0x3FAB] =	sst s7  }
0x10: {  	[smem:$0x3FAC] =	sst s8  }
0x11: {  	[smem:$0x3FAD] =	sst s9;
	s0 =	simm.s32 @!p0 $0x0  }
0x12: {  	s1 =	sld [smem:$0x3F93];
	s0 =	simm.s32 @p0 $0x1  }
0x13: {  	[smem:$0x3FAE] =	sst s0;
	s0 =	simm.s32 @!p1 $0x0  }
0x14: {  	s2 =	sld [smem:$0x3F92];
	s0 =	simm.s32 @p1 $0x1  }
0x15: {  	[smem:$0x3FAF] =	sst s0;
	s0 =	simm.s32 @!p2 $0x0  }
0x16: {  	s3 =	sld [smem:$0x3FDB];
	s0 =	simm.s32 @p2 $0x1  }
0x17: {  	s4 =	simm.s32 $0x1BF5;
	[smem:$0x3FB1] =	sst s0  }
0x18: {  	s0 =	sld [smem:$0x3F94];
	_ =	swait.ge [sflag:s4], $0x0  }
0x19: {  	s7 =	sld [smem:$0x3F95]  }
0x1a: {  	s8 =	sadd.s32 $0xFFFFE003, lr  }
0x1b: {  	s9 =	sadd.s32 $0xFFFFFEF7, lr;
	s5 =	simm.s32 $0xFFFFFFFF;
	p2 =	slt.u32 s8, $0xFFFFF086  }
0x1c: {  	p1 =	slt.u32 s9, $0xF7A;
	s5 =	simm.s32 @!p2 $0x0  }
0x1d: {  	s5 =	simm.s32 @p1 $0x1;
	p0 =	seq.s32 s7, s2  }
0x1e: {  	s7 =	smul.u32 @!p0 $0xF7A, s2;
	p2 =	seq.s32 @!p0 s5, $0x0  }
0x1f: {  	s9 =	smul.u32 $0xF7A, s1;
	s8 =	simm.s32 @!p0 $0x1BF5;
	p2 =	por !p2, p0  }
0x20: {  	[sflag:s8] =	ssyncset.s32 @!p0 $0xFFFFF086;
	s6 =	sadd.s32 @!p0 s3, s7;
	s7 =	simm.s32 @!p0 $0x108  }
0x21: {  	s3 =	sadd.s32 s3, s9;
	s6 =	sadd.s32 @!p0 $0x88, s6;
	s7 =	simm.s32 @p2 $0x1082  }
0x22: {  	[simem:s7], [sflag:s8] =	dma.local @!p0 [hbm:s6], $0xF7A  }
0x23: {  	s9 =	sor.u32 $0xD0000000, s2;
	s6 =	simm.s32 $0x108;
	_ =	swait.ge @!p0 [sflag:s8], $0x0  }
0x24: {  	s3 =	sadd.s32 $0x88, s3;
	s6 =	simm.s32 @!p1 $0x1082;
	[sflag:s4] =	ssyncset.s32 $0xFFFFF086  }
0x25: {  	[simem:s6], [sflag:s4] =	dma.local [hbm:s3], $0xF7A  }
0x26: {  	[smem:$0x3F95] =	sst s1;
	(tag) =	ssettag s2;
	_ =	strace s9  }
0x27: {  	s1 =	sld [smem:$0x3FA5]  }
0x28: {  	s2 =	sld [smem:$0x3FA6]  }
0x29: {  	s4 =	sld [smem:$0x3FA8]  }
0x2a: {  	p0 =	seq.s32 s5, $0x0;
	s5 =	sld [smem:$0x3FA9]  }
0x2b: {  	s6 =	sld [smem:$0x3FAA]  }
0x2c: {  	s7 =	sld [smem:$0x3FAB]  }
0x2d: {  	s3 =	simm.s32 $0x108;
	s8 =	sld [smem:$0x3FAC]  }
0x2e: {  	s3 =	simm.s32 @!p0 $0x1082;
	s9 =	sld [smem:$0x3FAD]  }
0x2f: {  	lr =	sadd.s32 s0, s3;
	s0 =	sld [smem:$0x3FA4]  }
0x30: {  	s3 =	sld [smem:$0x3FA7]  }
0x31: {  	[smem:$0x3FB0] =	sst s10  }
0x32: {  	s10 =	sld [smem:$0x3FAE];
	_ =	sdelay $0x3  }
0x33: {  	p0 =	seq.s32 s10, $0x1;
	s10 =	sld [smem:$0x3FB0];
	_ =	sdelay $0x3  }
0x34: {  	[smem:$0x3FB0] =	sst s10  }
0x35: {  	s10 =	sld [smem:$0x3FAF];
	_ =	sdelay $0x3  }
0x36: {  	p1 =	seq.s32 s10, $0x1;
	s10 =	sld [smem:$0x3FB0];
	_ =	sdelay $0x3  }
0x37: {  	[smem:$0x3FB0] =	sst s10  }
0x38: {  	s10 =	sld [smem:$0x3FB1]  }
0x39: {  	_ = 	snop;
	(pc) =	sbr.ind lr, $3  }
0x3a: {  	_ = 	snop  }
0x3b: {  	_ = 	snop  }
0x3c: {  	p2 =	seq.s32 s10, $0x1;
	s10 =	sld [smem:$0x3FB0]  }
0x3d: {  	_ =	shalt  }
0x3e: {  	_ =	shalt  }
0x3f: {  	_ =	shalt  }
0x40: {  	_ =	shalt  }
0x41: {  	_ =	shalt  }
0x42: {  	_ =	shalt  }
0x43: {  	_ =	shalt  }
0x44: {  	_ =	shalt  }
0x45: {  	_ =	shalt  }
0x46: {  	_ =	shalt  }
0x47: {  	_ =	shalt  }
0x48: {  	_ =	shalt  }
0x49: {  	_ =	shalt  }
0x4a: {  	_ =	shalt  }
0x4b: {  	_ =	shalt  }
0x4c: {  	_ =	shalt  }
0x4d: {  	_ =	shalt  }
0x4e: {  	_ =	shalt  }
0x4f: {  	_ =	shalt  }
0x50: {  	_ =	shalt  }
0x51: {  	_ =	shalt  }
0x52: {  	_ =	shalt  }
0x53: {  	_ =	shalt  }
0x54: {  	_ =	shalt  }
0x55: {  	_ =	shalt  }
0x56: {  	_ =	shalt  }
0x57: {  	_ =	shalt  }
0x58: {  	_ =	shalt  }
0x59: {  	_ =	shalt  }
0x5a: {  	_ =	shalt  }
0x5b: {  	_ =	shalt  }
0x5c: {  	_ =	shalt  }
0x5d: {  	_ =	shalt  }
0x5e: {  	_ =	shalt  }
0x5f: {  	_ =	shalt  }
0x60: {  	_ =	shalt  }
0x61: {  	_ =	shalt  }
0x62: {  	_ =	shalt  }
0x63: {  	_ =	shalt  }
0x64: {  	_ =	shalt  }
0x65: {  	_ =	shalt  }
0x66: {  	_ =	shalt  }
0x67: {  	_ =	shalt  }
0x68: {  	_ =	shalt  }
0x69: {  	_ =	shalt  }
0x6a: {  	_ =	shalt  }
0x6b: {  	_ =	shalt  }
0x6c: {  	_ =	shalt  }
0x6d: {  	_ =	shalt  }
0x6e: {  	_ =	shalt  }
0x6f: {  	_ =	shalt  }
0x70: {  	_ =	shalt  }
0x71: {  	_ =	shalt  }
0x72: {  	_ =	shalt  }
0x73: {  	_ =	shalt  }
0x74: {  	_ =	shalt  }
0x75: {  	_ =	shalt  }
0x76: {  	_ =	shalt  }
0x77: {  	_ =	shalt  }
0x78: {  	_ =	shalt  }
0x79: {  	_ =	shalt  }
0x7a: {  	_ =	shalt  }
0x7b: {  	_ =	shalt  }
0x7c: {  	_ =	shalt  }
0x7d: {  	_ =	shalt  }
0x7e: {  	_ =	shalt  }
0x7f: {  	_ =	shalt  }
0x80: {  	_ =	shalt  }
0x81: {  	_ =	shalt  }
0x82: {  	_ =	shalt  }
0x83: {  	_ =	shalt  }
0x84: {  	_ =	shalt  }
0x85: {  	_ =	shalt  }
0x86: {  	_ =	shalt  }
0x87: {  	_ =	shalt  }
.Lfunc_end0:
.L_simem_size_0:
called_computation_lowered:
.L_overlay_start_0:
0x88: {  	s2 =	sld [smem:$0x3FD9]  }
0x89: {  	s3 =	sld [smem:$0x3FFE];
	_ =	sdelay $0x1  }
0x8a: {  	s1 =	srdreg.scid  }
0x8b: {  	s0 =	sand.u32 $0x1, s1  }
0x8c: {  	s15 =	sshll.u32 s0, $0xA;
	s2 =	sadd.s32 s3, s2  }
0x8d: {  	s2 =	sadd.s32 s2, s15  }
0x8e: {  	[smem:$0x3FBC] =	sst s2  }
0x8f: {  	_ = 	snop  }
0x90: {  	(tm) =	ssettm $0x1  }
0x91: {  	s16 =	sld [smem:$0x3FFB];
	_ =	sdelay $0x3  }
0x92: {  	_ =	strace s16  }
0x93: {  	s2 =	sld [smem:$0x3FFC];
	_ =	sdelay $0x3  }
0x94: {  	_ =	strace s2  }
0x95: {  	s2 =	sld [smem:$0x3FFD];
	_ =	sdelay $0x3  }
0x96: {  	_ =	strace s2  }
0x97: {  	_ =	strace $0x8FFFFFFF  }
0x98: {  	s17 =	sld [smem:$0x3FDB];
	_ =	sdelay $0x1  }
0x99: {  	s18 =	simm.s32 $_scs_section_size  }
0x9a: {  	s4 =	simm.s32 $_size__tile_overlayer_lowered;
	s5 =	simm.s32 $_tile_overlayer_lowered  }
0x9b: {  	s6 =	simm.s32 $0x1BFF;
	s19 =	sshll.u32 s5, $0x1;
	s3 =	sadd.s32 s18, s17  }
0x9c: {  	s20 =	simm.s32 $0x0;
	s4 =	sshll.u32 s4, $0x1;
	s5 =	sadd.s32 s19, s3  }
0x9d: {  	[timem:s20], [sflag:s6] =	dma.local [hbm:s5], s4  }
0x9e: {  	_ =	swait.ge [sflag:s6], s4  }
0x9f: {  	s4 =	ssub.s32 $0x0, s4;
	[sflag:s6] =	ssyncset.done $0x0  }
0xa0: {  	[sflag:s6] =	ssyncadd.s32 s4;
	_ =	sdelay $0x1  }
0xa1: {  	s21 =	simm.s32 $0x1B8B  }
0xa2: {  	_ =	swait.ge [sflag:s21], $0x1  }
0xa3: {  	[sflag:s21] =	ssyncset.done $0x0  }
0xa4: {  	s22 =	sld [smem:$0x3FFE];
	[sflag:s21] =	ssyncadd.s32 $0xFFFFFFFF  }
0xa5: {  	s24 =	simm.s32 $0x1B8E;
	s23 =	sld [smem:$0x0]  }
0xa6: {  	s25 =	simm.s32 $execute0_lowered;
	[smem:$0x3FD2] =	sst s24  }
0xa7: {  	s6 =	sshll.u32 s25, $0x1;
	_ =	strace $0x8000004C;
	[dreg:$0x1] =	wrdreg $0xFFFFFFFF  }
0xa8: {  	s7 =	simm.s32 $_size_execute0_lowered;
	s6 =	sadd.s32 s3, s6;
	[dreg:$0x0] =	wrdreg $0x0  }
0xa9: {  	s7 =	sshll.u32 s7, $0x1;
	[dreg:$0x2] =	wrdreg s6  }
0xaa: {  	[dreg:$0x3] =	wrdreg s7  }
0xab: {  	[dreg:$0x4] =	wrdreg $0xC0  }
0xac: {  	s26 =	simm.s32 $execute1_lowered;
	_ =	task [dreg:s20], $0x5FFFF  }
0xad: {  	s6 =	sshll.u32 s26, $0x1;
	[dreg:$0x1] =	wrdreg $0xFFFFFFFF  }
0xae: {  	s3 =	sadd.s32 s3, s6;
	[dreg:$0x0] =	wrdreg $0x60  }
0xaf: {  	[dreg:$0x2] =	wrdreg s3  }
0xb0: {  	[dreg:$0x3] =	wrdreg s22  }
0xb1: {  	[dreg:$0x4] =	wrdreg $0x9  }
0xb2: {  	_ =	task.clear_ibuf [dreg:s20], $0x5FFFF;
	_ =	strace $0x9000004C  }
0xb3: {  	s28 =	simm.s32 $0x9;
	_ =	strace $0x8000004E  }
0xb4: {  	_ =	swait.ge [sflag:s28], $0x1  }
0xb5: {  	[sflag:s28] =	ssyncadd.s32 $0xFFFFFFFF  }
0xb6: {  	_ =	strace $0x9000004E  }
0xb7: {  	s3 =	sld [smem:$0x0]  }
0xb8: {  	s6 =	sand.u32 $0xFFFFFFFE, s1  }
0xb9: {  	p0 =	sne.s32 s1, s6  }
0xba: {  	s6 =	sshll.u32 @p0 s6, $0xE  }
0xbb: {  	s6 =	sadd.s32 @p0 $0x11BF3, s6;
	s7 =	sshll.u32 @p0 s3, $0x11  }
0xbc: {  	s6 =	sor.u32 @p0 s7, s6  }
0xbd: {  	[sflag:s6] =	ssyncadd.remote.s32 @p0 $0x1;
	_ =	sdelay $0x1  }
0xbe: {  	s6 =	simm.s32 @p0 $0x1BF3  }
0xbf: {  	_ =	swait.eq @p0 [sflag:s6], $0x1  }
0xc0: {  	[sflag:s6] =	ssyncadd.s32 @p0 $0xFFFFFFFF  }
0xc1: {  	s7 =	sshll.u32 @!p0 s1, $0xE  }
0xc2: {  	s7 =	sor.u32 @!p0 $0x4000, s7;
	s6 =	simm.s32 @!p0 $0x1BF3  }
0xc3: {  	s3 =	sshll.u32 @!p0 s3, $0x11;
	s7 =	sadd.s32 @!p0 $0x11BF3, s7;
	_ =	swait.eq @!p0 [sflag:s6], $0x1  }
0xc4: {  	s3 =	sor.u32 @!p0 s3, s7;
	[sflag:s6] =	ssyncadd.s32 @!p0 $0xFFFFFFFF  }
0xc5: {  	[sflag:s3] =	ssyncadd.remote.s32 @!p0 $0x1  }
0xc6: {  	_ =	strace $0x8000004F;
	[dreg:$0x1] =	wrdreg $0xFFFFFFFF  }
0xc7: {  	[dreg:$0x0] =	wrdreg $0x2030  }
0xc8: {  	[dreg:$0x2] =	wrdreg s22  }
0xc9: {  	[dreg:$0x3] =	wrdreg s1  }
0xca: {  	[dreg:$0x4] =	wrdreg s23  }
0xcb: {  	[dreg:$0x5] =	wrdreg $0xA  }
0xcc: {  	_ =	task.clear_ibuf [dreg:s20], $0x6FFFF;
	_ =	strace $0x9000004F  }
0xcd: {  	s29 =	simm.s32 $0xA;
	_ =	strace $0x80000051  }
0xce: {  	_ =	swait.ge [sflag:s29], $0x1  }
0xcf: {  	[sflag:s29] =	ssyncadd.s32 $0xFFFFFFFF  }
0xd0: {  	_ =	strace $0x90000051  }
0xd1: {  	_ =	sfence  }
0xd2: {  	s30 =	sld [smem:$0x0];
	_ =	sdelay $0x2  }
0xd3: {  	s31 =	sshll.u32 s1, $0xD;
	s1 =	sshrl.u32 s1, $0x2  }
0xd4: {  	s4 =	sand.u32 $0x4000, s31;
	s1 =	sadd.s32 s1, s30  }
0xd5: {  	s0 =	sor.u32 s4, s0;
	s1 =	sshll.u32 s1, $0x11  }
0xd6: {  	s0 =	sor.u32 s1, s0  }
0xd7: {  	s0 =	sadd.s32 $0x8F2B, s0  }
0xd8: {  	[sflag:s0] =	ssyncadd.remote.s32 $0x1  }
0xd9: {  	_ =	sfence.sel $0xFFFF  }
0xda: {  	[dreg:$0x0] =	wrdreg $0xFFFFFFFF;
	(pc) =	sbr.abs _section_cstart, $3  }
0xdb: {  	[dreg:$0x1] =	wrdreg $0xFFFFFFFF  }
0xdc: {  	_ =	task.clear_ibuf [dreg:s20], $0x2FFFF;
	_ =	strace $0x9FFFFFFF  }
0xdd: {  	(tm) =	ssettm $0x7FFFFFFF  }
tec
execute0_lowered:
.L_overlay_start_1:
0x0: {  	(tag) =	ssettag $0x1  }
0x1: {  	s2 =	rddreg [dreg:$0x0]  }
0x2: {  	s7 =	rddreg [dreg:$0x1]  }
0x3: {  	s0 =	rddreg [dreg:$0x2]  }
0x4: {  	s3 =	stileid.u32;
	[bflag:$0x3] =	sbarrier.arrive $0xFFFF;
	s1 =	simm.s32 $_size_execute1_lowered  }
0x5: {  	s29 =	srdreg.scid;
	s9 =	simm.s32 $0x2;
	p0 =	sne.s32 s3, $0x0  }
0x6: {  	s1 =	sshll.u32 s1, $0x1;
	s4 =	simm.s32 @!p0 $0x1C3F;
	s5 =	simm.s32 @!p0 $0x4060  }
0x7: {  	[timem:s5], [sflag:s4] =	dma.local @!p0 [hbm:s2], s1  }
0x8: {  	s13 =	simm.s32 $0x0;
	s10 =	simm.s32 $0x80;
	s2 =	sshll.u32 s29, $0x9  }
0x9: {  	s12 =	simm.s32 $0x0;
	s3 =	sshll.u32 s3, $0xA;
	s2 =	sand.u32 $0x200, s2  }
0xa: {  	s11 =	simm.s32 $0x0;
	_ =	strace $0x8000004D;
	s2 =	sor.u32 s3, s2  }
0xb: {  	s3 =	sshll.u32 s2, $0x4;
	p1 =	slt.u32 s2, $0x2710;
	s31 =	smax.u32 s2, $0x2510  }
0xc: {  	s5 =	ssub.s32 $0x2710, s2;
	s4 =	sadd.s32 $0xFFFD8F00, s3;
	s6 =	sshll.u32 s31, $0x7  }
0xd: {  	s4 =	smov.u32 @p1 s3;
	s3 =	simm.s32 $0x1;
	p1 =	sgt.s32 s5, $0x0  }
0xe: {  	s6 =	ssub.s32 $0x138800, s6;
	s8 =	sadd.s32 s4, s7;
	[sflag:s3] =	ssyncpa.u1 $0x0  }
.Ltmp0:
0xf: {  	s5 =	simm.s32 @!p1 $0x0;
	s4 =	simm.s32 $0x1;
	(pc) =	sbr.rel .LBB2_1-.Ltmp0, $4  }
0x10: {  	s6 =	sshrl.u32 s6, $0x2;
	s7 =	sadd.s32 $0x48400, s7;
	s30 =	sand.u32 $0x3F10, s5  }
0x11: {  	s5 =	simm.s32 $0x3;
	[sflag:s9] =	ssyncpa.u1 $0x0;
	p1 =	sne.s32 s30, $0x0  }
0x12: {  	s4 =	simm.s32 @!p1 $0x0;
	s5 =	simm.s32 @!p1 $0x2;
	p1 =	sgt.u32 s2, $0x270F  }
0x13: {  	s8 =	sadd.s32 $0x21200, s8;
	s9 =	simm.s32 $0x20;
	s6 =	simm.s32 @p1 $0x0  }
.LBB2_5:
0x14: {  	_ =	sdelay $0x3  }
0x15: {  	[tilespmem:v1+s16+$0x0 ss:$0x1] =	vst.idx.msk $0xffff, v2  }
0x16: {  	[tilespmem:v1+s17+$0x0 ss:$0x1] =	vst.idx.msk $0xffff, v3  }
.LBB2_6:
0x17: {  	s16 =	smulhi.u32 $0xD1B71759, s12;
	_ =	sdelay $0x1  }
0x18: {  	s16 =	sshrl.u32 s16, $0xD  }
0x19: {  	s16 =	smul.u32 $0x2710, s16;
	_ =	sdelay $0x1  }
0x1a: {  	s16 =	ssub.s32 s12, s16  }
0x1b: {  	s16 =	sshll.u32 s16, $0x4  }
0x1c: {  	s16 =	sadd.s32 s7, s16  }
0x1d: {  	[hbm4b:s16+s9] =	stream.strided.scatter [tilespmem:s15], [sflag:$0x2], s14, s10, s9, $0x38;
	[tilespmem:$0x10000] =	vst v63  }
.LBB2_7:
0x1e: {  	p1 =	slt.u32 s11, $0x2  }
0x1f: {  	p2 =	sgt.s32 @!p1 s13, $0x2510  }
0x20: {  	p2 =	por !p2, p1  }
0x21: {  	p3 =	sgt.s32 @!p1 s13, $0x270F;
	s13 =	simm.s32 @p2 $0x2510  }
0x22: {  	s13 =	sshll.u32 @!p1 s13, $0x7  }
0x23: {  	s13 =	ssub.s32 @!p1 $0x138800, s13  }
0x24: {  	s11 =	sadd.s32 $0x1, s11;
	p2 =	por !p3, p1;
	s13 =	sshrl.u32 @!p1 s13, $0x2  }
0x25: {  	s13 =	simm.s32 @!p2 $0x0;
	p2 =	sne.s32 s11, s5  }
.Ltmp1:
0x26: {  	_ = 	snop;
	(pc) =	sbr.rel @!p2 .LBB2_8-.Ltmp1, $4  }
0x27: {  	s14 =	simm.s32 @!p1 $0x2  }
0x28: {  	_ =	swait.ge @!p1 [sflag:s14], s13  }
0x29: {  	s15 =	ssub.s32 @!p1 $0x0, s13;
	[sflag:s14] =	ssyncset.done @!p1 $0x0  }
0x2a: {  	s13 =	smov.u32 s12;
	s12 =	smov.u32 s2;
	[sflag:s14] =	ssyncadd.s32 @!p1 s15  }
.LBB2_1:
0x2b: {  	p1 =	sge.u32 s11, s4;
	s31 =	sadd.s32 $0xFFFFFFFF, s11  }
0x2c: {  	s14 =	simm.s32 @!p1 $0x20;
	s15 =	simm.s32 @!p1 $0x80;
	s16 =	simm.s32 @!p1 $0x4000  }
0x2d: {  	[tilespmem:s16], [sflag:$0x1] =	stream.strided.gather @!p1 [hbm4b:s8+s14], s6, s15, s14, $0x38;
	[tilespmem:$0x10000] =	vst v63  }
0x2e: {  	p1 =	sge.u32 s31, s4  }
.Ltmp2:
0x2f: {  	_ = 	snop;
	(pc) =	sbr.rel @p1 .LBB2_7-.Ltmp2, $1  }
0x30: {  	_ =	sdelay $0x3  }
0x31: {  	p1 =	sgt.s32 s12, $0x2510;
	s14 =	smov.u32 s12  }
0x32: {  	s14 =	simm.s32 @!p1 $0x2510  }
0x33: {  	s14 =	sshll.u32 s14, $0x7  }
0x34: {  	s14 =	ssub.s32 $0x138800, s14  }
0x35: {  	p1 =	sgt.u32 s12, $0x270F;
	s14 =	sshrl.u32 s14, $0x2  }
0x36: {  	s15 =	smov.u32 s12;
	s14 =	simm.s32 @p1 $0x0;
	p1 =	slt.s32 s12, $0x2510  }
0x37: {  	s15 =	simm.s32 @!p1 $0x2510  }
0x38: {  	s16 =	ssub.s32 s15, s12  }
0x39: {  	p1 =	slt.s32 s16, $0xFFFFFE01  }
.Ltmp3:
0x3a: {  	_ = 	snop;
	(pc) =	sbr.rel @p1 .LBB2_6-.Ltmp3, $4  }
0x3b: {  	_ = 	snop  }
0x3c: {  	s17 =	sshll.u32 s11, $0xE;
	_ =	swait.ge [sflag:s3], s14  }
0x3d: {  	s17 =	sand.u32 $0x4000, s17;
	s18 =	ssub.s32 $0x0, s14;
	[sflag:s3] =	ssyncset.done $0x0  }
0x3e: {  	s15 =	sor.u32 $0x8000, s17;
	[sflag:s3] =	ssyncadd.s32 s18  }
0x3f: {  	v0 =	vmov s17;
	_ =	sdelay $0x1  }
0x40: {  	s18 =	sadd.s32 $0x200, s16  }
0x41: {  	s31 =	simm.s32 $0x0;
	p1 =	sne.s32 s18, $0x1  }
.Ltmp4:
0x42: {  	s16 =	sand.u32 $0x3FE0, s31;
	(pc) =	sbr.rel @!p1 .LBB2_5-.Ltmp4, $3  }
0x43: {  	v1 =	vmov s15;
	s17 =	sor.u32 $0x10, s16;
	v2 =	vld.idx.msk [tilespmem:v0+s16+$0x0 ss:$0x1], $0xffff  }
0x44: {  	v3 =	vld.idx.msk [tilespmem:v0+s17+$0x0 ss:$0x1], $0xffff;
	_ =	sdelay $0x1  }
0x45: {  	s19 =	simm.s32 $0x20;
	s18 =	sadd.s32 $0xFFFFFFFF, s18  }
.LBB2_4:
0x46: {  	s20 =	sand.u32 $0x3FE0, s19;
	p1 =	sne.s32 s18, $0x1;
	s18 =	sadd.s32 $0xFFFFFFFF, s18  }
.Ltmp5:
0x47: {  	s21 =	sor.u32 $0x10, s20;
	[tilespmem:v1+s16+$0x0 ss:$0x1] =	vst.idx.msk $0xffff, v2;
	v2 =	vld.idx.msk [tilespmem:v0+s20+$0x0 ss:$0x1], $0xffff;
	s16 =	smov.u32 s20;
	(pc) =	sbr.rel @p1 .LBB2_4-.Ltmp5, $2  }
0x48: {  	[tilespmem:v1+s17+$0x0 ss:$0x1] =	vst.idx.msk $0xffff, v3;
	v3 =	vld.idx.msk [tilespmem:v0+s21+$0x0 ss:$0x1], $0xffff;
	s17 =	smov.u32 s21;
	_ =	sdelay $0x2  }
0x49: {  	s19 =	sadd.s32 $0x20, s19  }
.Ltmp6:
0x4a: {  	_ = 	snop;
	(pc) =	sbr.rel .LBB2_5-.Ltmp6, $1  }
0x4b: {  	_ =	sdelay $0x3  }
.LBB2_8:
0x4c: {  	_ =	sfence.sel $0x180000  }
0x4d: {  	s2 =	simm.s32 $0x1;
	[bflag:$0x0] =	sbarrier.arrive $0xFFFF  }
0x4e: {  	s31 =	simm.s32 $0x2;
	[sflag:s2] =	ssyncpa.u1 $0x1  }
0x4f: {  	[sflag:s31] =	ssyncpa.u1 $0x1  }
0x50: {  	_ =	strace $0x9000004D  }
0x51: {  	s0 =	sadd.s32 @!p0 $0x100000, s0;
	[bflag:$0x2] =	sbarrier.arrive $0xFFFF  }
0x52: {  	[sflag:s0] =	ssyncadd.tile.s32 @!p0 $0x1;
	s0 =	simm.s32 @!p0 $0x3F  }
0x53: {  	_ =	swait.ge @!p0 [sflag:s0], s1  }
0x54: {  	s1 =	ssub.s32 @!p0 $0x0, s1;
	[sflag:s0] =	ssyncset.done @!p0 $0x0  }
0x55: {  	[sflag:s0] =	ssyncadd.s32 @!p0 s1  }
0x56: {  	[bflag:$0x3] =	sbarrier.arrive $0xFFFF  }
0x57: {  	_ =	shalt  }
.Lfunc_end2:
execute1_lowered:
.L_overlay_start_2:
0x58: {  	(tag) =	ssettag $0x2  }
0x59: {  	s6 =	rddreg [dreg:$0x0]  }
0x5a: {  	s2 =	rddreg [dreg:$0x1];
	_ =	strace $0x80000050;
	s7 =	simm.s32 $0x1  }
0x5b: {  	v0 =	vimm.s32 $0x0;
	[sflag:s7] =	ssyncpa.u1 $0x0  }
0x5c: {  	[tilespmem:$0x48] =	vst v0  }
0x5d: {  	[tilespmem:$0x58] =	vst v0  }
0x5e: {  	[tilespmem:$0x68] =	vst v0  }
0x5f: {  	[tilespmem:$0x78] =	vst v0  }
0x60: {  	[tilespmem:$0x88] =	vst v0  }
0x61: {  	[tilespmem:$0x98] =	vst v0  }
0x62: {  	[tilespmem:$0xA8] =	vst v0  }
0x63: {  	[tilespmem:$0xB8] =	vst v0  }
0x64: {  	[tilespmem:$0xC8] =	vst v0  }
0x65: {  	[tilespmem:$0xD8] =	vst v0  }
0x66: {  	[tilespmem:$0xE8] =	vst v0  }
0x67: {  	[tilespmem:$0xF8] =	vst v0  }
0x68: {  	[tilespmem:$0x108] =	vst v0  }
0x69: {  	[tilespmem:$0x118] =	vst v0  }
0x6a: {  	[tilespmem:$0x128] =	vst v0  }
0x6b: {  	[tilespmem:$0x138] =	vst v0  }
0x6c: {  	[tilespmem:$0x148] =	vst v0  }
0x6d: {  	[tilespmem:$0x158] =	vst v0  }
0x6e: {  	[tilespmem:$0x168] =	vst v0  }
0x6f: {  	[tilespmem:$0x178] =	vst v0  }
0x70: {  	[tilespmem:$0x188] =	vst v0  }
0x71: {  	[tilespmem:$0x198] =	vst v0  }
0x72: {  	[tilespmem:$0x1A8] =	vst v0  }
0x73: {  	[tilespmem:$0x1B8] =	vst v0  }
0x74: {  	[tilespmem:$0x1C8] =	vst v0  }
0x75: {  	[tilespmem:$0x1D8] =	vst v0  }
0x76: {  	[tilespmem:$0x1E8] =	vst v0  }
0x77: {  	[tilespmem:$0x1F8] =	vst v0  }
0x78: {  	[tilespmem:$0x208] =	vst v0  }
0x79: {  	[tilespmem:$0x218] =	vst v0  }
0x7a: {  	[tilespmem:$0x228] =	vst v0  }
0x7b: {  	[tilespmem:$0x238] =	vst v0  }
0x7c: {  	[tilespmem:$0x248] =	vst v0  }
0x7d: {  	[tilespmem:$0x258] =	vst v0  }
0x7e: {  	[tilespmem:$0x268] =	vst v0  }
0x7f: {  	[tilespmem:$0x278] =	vst v0  }
0x80: {  	[tilespmem:$0x288] =	vst v0  }
0x81: {  	[tilespmem:$0x298] =	vst v0  }
0x82: {  	[tilespmem:$0x2A8] =	vst v0  }
0x83: {  	[tilespmem:$0x2B8] =	vst v0  }
0x84: {  	[tilespmem:$0x2C8] =	vst v0  }
0x85: {  	[tilespmem:$0x2D8] =	vst v0  }
0x86: {  	[tilespmem:$0x2E8] =	vst v0  }
0x87: {  	[tilespmem:$0x2F8] =	vst v0  }
0x88: {  	[tilespmem:$0x308] =	vst v0  }
0x89: {  	[tilespmem:$0x318] =	vst v0  }
0x8a: {  	[tilespmem:$0x328] =	vst v0  }
0x8b: {  	[tilespmem:$0x338] =	vst v0  }
0x8c: {  	[tilespmem:$0x348] =	vst v0  }
0x8d: {  	[tilespmem:$0x358] =	vst v0  }
0x8e: {  	[tilespmem:$0x368] =	vst v0  }
0x8f: {  	[tilespmem:$0x378] =	vst v0  }
0x90: {  	[tilespmem:$0x388] =	vst v0  }
0x91: {  	[tilespmem:$0x398] =	vst v0  }
0x92: {  	[tilespmem:$0x3A8] =	vst v0  }
0x93: {  	[tilespmem:$0x3B8] =	vst v0  }
0x94: {  	[tilespmem:$0x3C8] =	vst v0  }
0x95: {  	[tilespmem:$0x3D8] =	vst v0  }
0x96: {  	[tilespmem:$0x3E8] =	vst v0  }
0x97: {  	[tilespmem:$0x3F8] =	vst v0  }
0x98: {  	[tilespmem:$0x408] =	vst v0  }
0x99: {  	[tilespmem:$0x418] =	vst v0  }
0x9a: {  	[tilespmem:$0x428] =	vst v0  }
0x9b: {  	[tilespmem:$0x438] =	vst v0  }
0x9c: {  	[tilespmem:$0x448] =	vst v0  }
0x9d: {  	[tilespmem:$0x458] =	vst v0  }
0x9e: {  	[tilespmem:$0x468] =	vst v0  }
0x9f: {  	[tilespmem:$0x478] =	vst v0  }
0xa0: {  	[tilespmem:$0x488] =	vst v0  }
0xa1: {  	[tilespmem:$0x498] =	vst v0  }
0xa2: {  	[tilespmem:$0x4A8] =	vst v0  }
0xa3: {  	[tilespmem:$0x4B8] =	vst v0  }
0xa4: {  	[tilespmem:$0x4C8] =	vst v0  }
0xa5: {  	[tilespmem:$0x4D8] =	vst v0  }
0xa6: {  	[tilespmem:$0x4E8] =	vst v0  }
0xa7: {  	[tilespmem:$0x4F8] =	vst v0  }
0xa8: {  	[tilespmem:$0x508] =	vst v0  }
0xa9: {  	[tilespmem:$0x518] =	vst v0  }
0xaa: {  	[tilespmem:$0x528] =	vst v0  }
0xab: {  	[tilespmem:$0x538] =	vst v0  }
0xac: {  	[tilespmem:$0x548] =	vst v0  }
0xad: {  	[tilespmem:$0x558] =	vst v0  }
0xae: {  	[tilespmem:$0x568] =	vst v0  }
0xaf: {  	[tilespmem:$0x578] =	vst v0  }
0xb0: {  	[tilespmem:$0x588] =	vst v0  }
0xb1: {  	[tilespmem:$0x598] =	vst v0  }
0xb2: {  	[tilespmem:$0x5A8] =	vst v0  }
0xb3: {  	[tilespmem:$0x5B8] =	vst v0  }
0xb4: {  	[tilespmem:$0x5C8] =	vst v0  }
0xb5: {  	[tilespmem:$0x5D8] =	vst v0  }
0xb6: {  	[tilespmem:$0x5E8] =	vst v0  }
0xb7: {  	[tilespmem:$0x5F8] =	vst v0  }
0xb8: {  	[tilespmem:$0x608] =	vst v0  }
0xb9: {  	[tilespmem:$0x618] =	vst v0  }
0xba: {  	[tilespmem:$0x628] =	vst v0  }
0xbb: {  	[tilespmem:$0x638] =	vst v0  }
0xbc: {  	[tilespmem:$0x648] =	vst v0  }
0xbd: {  	[tilespmem:$0x658] =	vst v0  }
0xbe: {  	[tilespmem:$0x668] =	vst v0  }
0xbf: {  	[tilespmem:$0x678] =	vst v0  }
0xc0: {  	[tilespmem:$0x688] =	vst v0  }
0xc1: {  	[tilespmem:$0x698] =	vst v0  }
0xc2: {  	[tilespmem:$0x6A8] =	vst v0  }
0xc3: {  	[tilespmem:$0x6B8] =	vst v0  }
0xc4: {  	[tilespmem:$0x6C8] =	vst v0  }
0xc5: {  	[tilespmem:$0x6D8] =	vst v0  }
0xc6: {  	[tilespmem:$0x6E8] =	vst v0  }
0xc7: {  	[tilespmem:$0x6F8] =	vst v0  }
0xc8: {  	[tilespmem:$0x708] =	vst v0  }
0xc9: {  	[tilespmem:$0x718] =	vst v0  }
0xca: {  	[tilespmem:$0x728] =	vst v0  }
0xcb: {  	[tilespmem:$0x738] =	vst v0  }
0xcc: {  	[tilespmem:$0x748] =	vst v0  }
0xcd: {  	[tilespmem:$0x758] =	vst v0  }
0xce: {  	[tilespmem:$0x768] =	vst v0  }
0xcf: {  	[tilespmem:$0x778] =	vst v0  }
0xd0: {  	[tilespmem:$0x788] =	vst v0  }
0xd1: {  	[tilespmem:$0x798] =	vst v0  }
0xd2: {  	[tilespmem:$0x7A8] =	vst v0  }
0xd3: {  	[tilespmem:$0x7B8] =	vst v0  }
0xd4: {  	[tilespmem:$0x7C8] =	vst v0  }
0xd5: {  	[tilespmem:$0x7D8] =	vst v0  }
0xd6: {  	[tilespmem:$0x7E8] =	vst v0  }
0xd7: {  	[tilespmem:$0x7F8] =	vst v0  }
0xd8: {  	[tilespmem:$0x808] =	vst v0  }
0xd9: {  	[tilespmem:$0x818] =	vst v0  }
0xda: {  	[tilespmem:$0x828] =	vst v0  }
0xdb: {  	[tilespmem:$0x838] =	vst v0  }
0xdc: {  	[tilespmem:$0x848] =	vst v0  }
0xdd: {  	[tilespmem:$0x858] =	vst v0  }
0xde: {  	[tilespmem:$0x868] =	vst v0  }
0xdf: {  	[tilespmem:$0x878] =	vst v0  }
0xe0: {  	[tilespmem:$0x888] =	vst v0  }
0xe1: {  	[tilespmem:$0x898] =	vst v0  }
0xe2: {  	[tilespmem:$0x8A8] =	vst v0  }
0xe3: {  	[tilespmem:$0x8B8] =	vst v0  }
0xe4: {  	[tilespmem:$0x8C8] =	vst v0  }
0xe5: {  	[tilespmem:$0x8D8] =	vst v0  }
0xe6: {  	[tilespmem:$0x8E8] =	vst v0  }
0xe7: {  	[tilespmem:$0x8F8] =	vst v0  }
0xe8: {  	[tilespmem:$0x908] =	vst v0  }
0xe9: {  	[tilespmem:$0x918] =	vst v0  }
0xea: {  	[tilespmem:$0x928] =	vst v0  }
0xeb: {  	[tilespmem:$0x938] =	vst v0  }
0xec: {  	[tilespmem:$0x948] =	vst v0  }
0xed: {  	[tilespmem:$0x958] =	vst v0  }
0xee: {  	[tilespmem:$0x968] =	vst v0  }
0xef: {  	[tilespmem:$0x978] =	vst v0  }
0xf0: {  	[tilespmem:$0x988] =	vst v0  }
0xf1: {  	[tilespmem:$0x998] =	vst v0  }
0xf2: {  	[tilespmem:$0x9A8] =	vst v0  }
0xf3: {  	[tilespmem:$0x9B8] =	vst v0  }
0xf4: {  	[tilespmem:$0x9C8] =	vst v0  }
0xf5: {  	[tilespmem:$0x9D8] =	vst v0  }
0xf6: {  	[tilespmem:$0x9E8] =	vst v0  }
0xf7: {  	[tilespmem:$0x9F8] =	vst v0  }
0xf8: {  	[tilespmem:$0xA08] =	vst v0  }
0xf9: {  	[tilespmem:$0xA18] =	vst v0  }
0xfa: {  	[tilespmem:$0xA28] =	vst v0  }
0xfb: {  	[tilespmem:$0xA38] =	vst v0  }
0xfc: {  	[tilespmem:$0xA48] =	vst v0  }
0xfd: {  	[tilespmem:$0xA58] =	vst v0  }
0xfe: {  	[tilespmem:$0xA68] =	vst v0  }
0xff: {  	[tilespmem:$0xA78] =	vst v0  }
0x100: {  	[tilespmem:$0xA88] =	vst v0  }
0x101: {  	[tilespmem:$0xA98] =	vst v0  }
0x102: {  	[tilespmem:$0xAA8] =	vst v0  }
0x103: {  	[tilespmem:$0xAB8] =	vst v0  }
0x104: {  	[tilespmem:$0xAC8] =	vst v0  }
0x105: {  	[tilespmem:$0xAD8] =	vst v0  }
0x106: {  	[tilespmem:$0xAE8] =	vst v0  }
0x107: {  	[tilespmem:$0xAF8] =	vst v0  }
0x108: {  	[tilespmem:$0xB08] =	vst v0  }
0x109: {  	[tilespmem:$0xB18] =	vst v0  }
0x10a: {  	[tilespmem:$0xB28] =	vst v0  }
0x10b: {  	[tilespmem:$0xB38] =	vst v0  }
0x10c: {  	[tilespmem:$0xB48] =	vst v0  }
0x10d: {  	[tilespmem:$0xB58] =	vst v0  }
0x10e: {  	[tilespmem:$0xB68] =	vst v0  }
0x10f: {  	[tilespmem:$0xB78] =	vst v0  }
0x110: {  	[tilespmem:$0xB88] =	vst v0  }
0x111: {  	[tilespmem:$0xB98] =	vst v0  }
0x112: {  	[tilespmem:$0xBA8] =	vst v0  }
0x113: {  	[tilespmem:$0xBB8] =	vst v0  }
0x114: {  	[tilespmem:$0xBC8] =	vst v0  }
0x115: {  	[tilespmem:$0xBD8] =	vst v0  }
0x116: {  	[tilespmem:$0xBE8] =	vst v0  }
0x117: {  	[tilespmem:$0xBF8] =	vst v0  }
0x118: {  	[tilespmem:$0xC08] =	vst v0  }
0x119: {  	[tilespmem:$0xC18] =	vst v0  }
0x11a: {  	[tilespmem:$0xC28] =	vst v0  }
0x11b: {  	[tilespmem:$0xC38] =	vst v0  }
0x11c: {  	[tilespmem:$0xC48] =	vst v0  }
0x11d: {  	[tilespmem:$0xC58] =	vst v0  }
0x11e: {  	[tilespmem:$0xC68] =	vst v0  }
0x11f: {  	[tilespmem:$0xC78] =	vst v0  }
0x120: {  	[tilespmem:$0xC88] =	vst v0  }
0x121: {  	[tilespmem:$0xC98] =	vst v0  }
0x122: {  	[tilespmem:$0xCA8] =	vst v0  }
0x123: {  	[tilespmem:$0xCB8] =	vst v0  }
0x124: {  	[tilespmem:$0xCC8] =	vst v0  }
0x125: {  	[tilespmem:$0xCD8] =	vst v0  }
0x126: {  	[tilespmem:$0xCE8] =	vst v0  }
0x127: {  	[tilespmem:$0xCF8] =	vst v0  }
0x128: {  	[tilespmem:$0xD08] =	vst v0  }
0x129: {  	[tilespmem:$0xD18] =	vst v0  }
0x12a: {  	[tilespmem:$0xD28] =	vst v0  }
0x12b: {  	[tilespmem:$0xD38] =	vst v0  }
0x12c: {  	[tilespmem:$0xD48] =	vst v0  }
0x12d: {  	[tilespmem:$0xD58] =	vst v0  }
0x12e: {  	[tilespmem:$0xD68] =	vst v0  }
0x12f: {  	[tilespmem:$0xD78] =	vst v0  }
0x130: {  	[tilespmem:$0xD88] =	vst v0  }
0x131: {  	[tilespmem:$0xD98] =	vst v0  }
0x132: {  	[tilespmem:$0xDA8] =	vst v0  }
0x133: {  	[tilespmem:$0xDB8] =	vst v0  }
0x134: {  	[tilespmem:$0xDC8] =	vst v0  }
0x135: {  	[tilespmem:$0xDD8] =	vst v0  }
0x136: {  	[tilespmem:$0xDE8] =	vst v0  }
0x137: {  	[tilespmem:$0xDF8] =	vst v0  }
0x138: {  	[tilespmem:$0xE08] =	vst v0  }
0x139: {  	[tilespmem:$0xE18] =	vst v0  }
0x13a: {  	[tilespmem:$0xE28] =	vst v0  }
0x13b: {  	[tilespmem:$0xE38] =	vst v0  }
0x13c: {  	[tilespmem:$0xE48] =	vst v0  }
0x13d: {  	[tilespmem:$0xE58] =	vst v0  }
0x13e: {  	[tilespmem:$0xE68] =	vst v0  }
0x13f: {  	[tilespmem:$0xE78] =	vst v0  }
0x140: {  	[tilespmem:$0xE88] =	vst v0  }
0x141: {  	[tilespmem:$0xE98] =	vst v0  }
0x142: {  	[tilespmem:$0xEA8] =	vst v0  }
0x143: {  	[tilespmem:$0xEB8] =	vst v0  }
0x144: {  	[tilespmem:$0xEC8] =	vst v0  }
0x145: {  	[tilespmem:$0xED8] =	vst v0  }
0x146: {  	[tilespmem:$0xEE8] =	vst v0  }
0x147: {  	[tilespmem:$0xEF8] =	vst v0  }
0x148: {  	[tilespmem:$0xF08] =	vst v0  }
0x149: {  	[tilespmem:$0xF18] =	vst v0  }
0x14a: {  	[tilespmem:$0xF28] =	vst v0  }
0x14b: {  	[tilespmem:$0xF38] =	vst v0  }
0x14c: {  	[tilespmem:$0xF48] =	vst v0  }
0x14d: {  	[tilespmem:$0xF58] =	vst v0  }
0x14e: {  	[tilespmem:$0xF68] =	vst v0  }
0x14f: {  	[tilespmem:$0xF78] =	vst v0  }
0x150: {  	[tilespmem:$0xF88] =	vst v0  }
0x151: {  	[tilespmem:$0xF98] =	vst v0  }
0x152: {  	[tilespmem:$0xFA8] =	vst v0  }
0x153: {  	[tilespmem:$0xFB8] =	vst v0  }
0x154: {  	[tilespmem:$0xFC8] =	vst v0  }
0x155: {  	[tilespmem:$0xFD8] =	vst v0  }
0x156: {  	[tilespmem:$0xFE8] =	vst v0  }
0x157: {  	[tilespmem:$0xFF8] =	vst v0  }
0x158: {  	[tilespmem:$0x1008] =	vst v0  }
0x159: {  	[tilespmem:$0x1018] =	vst v0  }
0x15a: {  	[tilespmem:$0x1028] =	vst v0  }
0x15b: {  	[tilespmem:$0x1188] =	vst v0  }
0x15c: {  	[tilespmem:$0x1178] =	vst v0  }
0x15d: {  	[tilespmem:$0x1038] =	vst v0  }
0x15e: {  	[tilespmem:$0x1048] =	vst v0  }
0x15f: {  	[tilespmem:$0x1058] =	vst v0  }
0x160: {  	[tilespmem:$0x1068] =	vst v0  }
0x161: {  	[tilespmem:$0x1078] =	vst v0  }
0x162: {  	[tilespmem:$0x1088] =	vst v0  }
0x163: {  	[tilespmem:$0x1098] =	vst v0  }
0x164: {  	[tilespmem:$0x10A8] =	vst v0  }
0x165: {  	[tilespmem:$0x10B8] =	vst v0  }
0x166: {  	[tilespmem:$0x10C8] =	vst v0  }
0x167: {  	[tilespmem:$0x10D8] =	vst v0  }
0x168: {  	[tilespmem:$0x10E8] =	vst v0  }
0x169: {  	[tilespmem:$0x10F8] =	vst v0  }
0x16a: {  	[tilespmem:$0x1108] =	vst v0  }
0x16b: {  	[tilespmem:$0x1118] =	vst v0  }
0x16c: {  	[tilespmem:$0x1128] =	vst v0  }
0x16d: {  	[tilespmem:$0x1138] =	vst v0  }
0x16e: {  	[tilespmem:$0x1148] =	vst v0  }
0x16f: {  	[tilespmem:$0x1158] =	vst v0  }
0x170: {  	[tilespmem:$0x1168] =	vst v0  }
0x171: {  	[tilespmem:$0x1198] =	vst v0  }
0x172: {  	[tilespmem:$0x11A8] =	vst v0  }
0x173: {  	[tilespmem:$0x11B8] =	vst v0  }
0x174: {  	[tilespmem:$0x11C8] =	vst v0  }
0x175: {  	[tilespmem:$0x11D8] =	vst v0  }
0x176: {  	[tilespmem:$0x11E8] =	vst v0  }
0x177: {  	[tilespmem:$0x11F8] =	vst v0  }
0x178: {  	[tilespmem:$0x1208] =	vst v0  }
0x179: {  	[tilespmem:$0x1218] =	vst v0  }
0x17a: {  	[tilespmem:$0x1228] =	vst v0  }
0x17b: {  	[tilespmem:$0x1238] =	vst v0  }
0x17c: {  	[tilespmem:$0x1248] =	vst v0  }
0x17d: {  	[tilespmem:$0x1258] =	vst v0  }
0x17e: {  	[tilespmem:$0x1268] =	vst v0  }
0x17f: {  	[tilespmem:$0x1278] =	vst v0  }
0x180: {  	[tilespmem:$0x1288] =	vst v0  }
0x181: {  	[tilespmem:$0x1298] =	vst v0  }
0x182: {  	[tilespmem:$0x12A8] =	vst v0  }
0x183: {  	[tilespmem:$0x12B8] =	vst v0  }
0x184: {  	[tilespmem:$0x12C8] =	vst v0  }
0x185: {  	[tilespmem:$0x12D8] =	vst v0  }
0x186: {  	[tilespmem:$0x12E8] =	vst v0  }
0x187: {  	[tilespmem:$0x12F8] =	vst v0  }
0x188: {  	[tilespmem:$0x1308] =	vst v0  }
0x189: {  	[tilespmem:$0x1318] =	vst v0  }
0x18a: {  	[tilespmem:$0x1328] =	vst v0  }
0x18b: {  	[tilespmem:$0x1338] =	vst v0  }
0x18c: {  	[tilespmem:$0x1348] =	vst v0  }
0x18d: {  	[tilespmem:$0x1358] =	vst v0  }
0x18e: {  	[tilespmem:$0x1368] =	vst v0  }
0x18f: {  	[tilespmem:$0x1378] =	vst v0  }
0x190: {  	[tilespmem:$0x1388] =	vst v0  }
0x191: {  	[tilespmem:$0x1398] =	vst v0  }
0x192: {  	[tilespmem:$0x13A8] =	vst v0  }
0x193: {  	[tilespmem:$0x13B8] =	vst v0  }
0x194: {  	[tilespmem:$0x13C8] =	vst v0  }
0x195: {  	[tilespmem:$0x13D8] =	vst v0  }
0x196: {  	[tilespmem:$0x13E8] =	vst v0  }
0x197: {  	[tilespmem:$0x13F8] =	vst v0  }
0x198: {  	[tilespmem:$0x1408] =	vst v0  }
0x199: {  	[tilespmem:$0x1418] =	vst v0  }
0x19a: {  	[tilespmem:$0x1428] =	vst v0  }
0x19b: {  	[tilespmem:$0x1438] =	vst v0  }
0x19c: {  	[tilespmem:$0x1448] =	vst v0  }
0x19d: {  	[tilespmem:$0x1458] =	vst v0  }
0x19e: {  	[tilespmem:$0x1468] =	vst v0  }
0x19f: {  	[tilespmem:$0x1478] =	vst v0  }
0x1a0: {  	[tilespmem:$0x1488] =	vst v0  }
0x1a1: {  	[tilespmem:$0x1498] =	vst v0  }
0x1a2: {  	[tilespmem:$0x14A8] =	vst v0  }
0x1a3: {  	[tilespmem:$0x14B8] =	vst v0  }
0x1a4: {  	[tilespmem:$0x14C8] =	vst v0  }
0x1a5: {  	[tilespmem:$0x14D8] =	vst v0  }
0x1a6: {  	[tilespmem:$0x14E8] =	vst v0  }
0x1a7: {  	[tilespmem:$0x14F8] =	vst v0  }
0x1a8: {  	[tilespmem:$0x1508] =	vst v0  }
0x1a9: {  	[tilespmem:$0x1518] =	vst v0  }
0x1aa: {  	[tilespmem:$0x1528] =	vst v0  }
0x1ab: {  	[tilespmem:$0x1538] =	vst v0  }
0x1ac: {  	[tilespmem:$0x1548] =	vst v0  }
0x1ad: {  	[tilespmem:$0x1558] =	vst v0  }
0x1ae: {  	[tilespmem:$0x1568] =	vst v0  }
0x1af: {  	[tilespmem:$0x1578] =	vst v0  }
0x1b0: {  	[tilespmem:$0x1588] =	vst v0  }
0x1b1: {  	[tilespmem:$0x1598] =	vst v0  }
0x1b2: {  	[tilespmem:$0x15A8] =	vst v0  }
0x1b3: {  	[tilespmem:$0x15B8] =	vst v0  }
0x1b4: {  	[tilespmem:$0x15C8] =	vst v0  }
0x1b5: {  	[tilespmem:$0x15D8] =	vst v0  }
0x1b6: {  	[tilespmem:$0x15E8] =	vst v0  }
0x1b7: {  	[tilespmem:$0x15F8] =	vst v0  }
0x1b8: {  	[tilespmem:$0x1608] =	vst v0  }
0x1b9: {  	[tilespmem:$0x1618] =	vst v0  }
0x1ba: {  	[tilespmem:$0x1628] =	vst v0  }
0x1bb: {  	[tilespmem:$0x1638] =	vst v0  }
0x1bc: {  	[tilespmem:$0x1648] =	vst v0  }
0x1bd: {  	[tilespmem:$0x1658] =	vst v0  }
0x1be: {  	[tilespmem:$0x1668] =	vst v0  }
0x1bf: {  	[tilespmem:$0x1678] =	vst v0  }
0x1c0: {  	[tilespmem:$0x1688] =	vst v0  }
0x1c1: {  	[tilespmem:$0x1698] =	vst v0  }
0x1c2: {  	[tilespmem:$0x16A8] =	vst v0  }
0x1c3: {  	[tilespmem:$0x16B8] =	vst v0  }
0x1c4: {  	[tilespmem:$0x16C8] =	vst v0  }
0x1c5: {  	[tilespmem:$0x16D8] =	vst v0  }
0x1c6: {  	[tilespmem:$0x16E8] =	vst v0  }
0x1c7: {  	[tilespmem:$0x16F8] =	vst v0  }
0x1c8: {  	[tilespmem:$0x1708] =	vst v0  }
0x1c9: {  	[tilespmem:$0x1718] =	vst v0  }
0x1ca: {  	[tilespmem:$0x1728] =	vst v0  }
0x1cb: {  	[tilespmem:$0x1738] =	vst v0  }
0x1cc: {  	[tilespmem:$0x1748] =	vst v0  }
0x1cd: {  	[tilespmem:$0x1758] =	vst v0  }
0x1ce: {  	[tilespmem:$0x1768] =	vst v0  }
0x1cf: {  	[tilespmem:$0x1778] =	vst v0  }
0x1d0: {  	[tilespmem:$0x1788] =	vst v0  }
0x1d1: {  	[tilespmem:$0x1798] =	vst v0  }
0x1d2: {  	[tilespmem:$0x17A8] =	vst v0  }
0x1d3: {  	[tilespmem:$0x17B8] =	vst v0  }
0x1d4: {  	[tilespmem:$0x17C8] =	vst v0  }
0x1d5: {  	[tilespmem:$0x17D8] =	vst v0  }
0x1d6: {  	[tilespmem:$0x17E8] =	vst v0  }
0x1d7: {  	[tilespmem:$0x17F8] =	vst v0  }
0x1d8: {  	[tilespmem:$0x1808] =	vst v0  }
0x1d9: {  	[tilespmem:$0x1818] =	vst v0  }
0x1da: {  	[tilespmem:$0x1828] =	vst v0  }
0x1db: {  	[tilespmem:$0x1838] =	vst v0  }
0x1dc: {  	[tilespmem:$0x1848] =	vst v0  }
0x1dd: {  	[tilespmem:$0x1858] =	vst v0  }
0x1de: {  	[tilespmem:$0x1868] =	vst v0  }
0x1df: {  	[tilespmem:$0x1878] =	vst v0  }
0x1e0: {  	[tilespmem:$0x1888] =	vst v0  }
0x1e1: {  	[tilespmem:$0x1898] =	vst v0  }
0x1e2: {  	[tilespmem:$0x18A8] =	vst v0  }
0x1e3: {  	[tilespmem:$0x18B8] =	vst v0  }
0x1e4: {  	[tilespmem:$0x18C8] =	vst v0  }
0x1e5: {  	[tilespmem:$0x18D8] =	vst v0  }
0x1e6: {  	[tilespmem:$0x18E8] =	vst v0  }
0x1e7: {  	[tilespmem:$0x18F8] =	vst v0  }
0x1e8: {  	[tilespmem:$0x1908] =	vst v0  }
0x1e9: {  	[tilespmem:$0x1918] =	vst v0  }
0x1ea: {  	[tilespmem:$0x1928] =	vst v0  }
0x1eb: {  	[tilespmem:$0x1938] =	vst v0  }
0x1ec: {  	[tilespmem:$0x1948] =	vst v0  }
0x1ed: {  	[tilespmem:$0x1958] =	vst v0  }
0x1ee: {  	[tilespmem:$0x1968] =	vst v0  }
0x1ef: {  	[tilespmem:$0x1978] =	vst v0  }
0x1f0: {  	[tilespmem:$0x1988] =	vst v0  }
0x1f1: {  	[tilespmem:$0x1998] =	vst v0  }
0x1f2: {  	[tilespmem:$0x19A8] =	vst v0  }
0x1f3: {  	[tilespmem:$0x19B8] =	vst v0  }
0x1f4: {  	[tilespmem:$0x19C8] =	vst v0  }
0x1f5: {  	[tilespmem:$0x19D8] =	vst v0  }
0x1f6: {  	[tilespmem:$0x19E8] =	vst v0  }
0x1f7: {  	[tilespmem:$0x19F8] =	vst v0  }
0x1f8: {  	[tilespmem:$0x1A08] =	vst v0  }
0x1f9: {  	[tilespmem:$0x1A18] =	vst v0  }
0x1fa: {  	[tilespmem:$0x1A28] =	vst v0  }
0x1fb: {  	[tilespmem:$0x1A38] =	vst v0  }
0x1fc: {  	[tilespmem:$0x1A48] =	vst v0  }
0x1fd: {  	[tilespmem:$0x1A58] =	vst v0  }
0x1fe: {  	[tilespmem:$0x1A68] =	vst v0  }
0x1ff: {  	[tilespmem:$0x1A78] =	vst v0  }
0x200: {  	[tilespmem:$0x1A88] =	vst v0  }
0x201: {  	[tilespmem:$0x1A98] =	vst v0  }
0x202: {  	[tilespmem:$0x1AA8] =	vst v0  }
0x203: {  	[tilespmem:$0x1AB8] =	vst v0  }
0x204: {  	[tilespmem:$0x1AC8] =	vst v0  }
0x205: {  	[tilespmem:$0x1AD8] =	vst v0  }
0x206: {  	[tilespmem:$0x1AE8] =	vst v0  }
0x207: {  	[tilespmem:$0x1AF8] =	vst v0  }
0x208: {  	[tilespmem:$0x1B08] =	vst v0  }
0x209: {  	[tilespmem:$0x1B18] =	vst v0  }
0x20a: {  	[tilespmem:$0x1B28] =	vst v0  }
0x20b: {  	[tilespmem:$0x1B38] =	vst v0  }
0x20c: {  	[tilespmem:$0x1B48] =	vst v0  }
0x20d: {  	[tilespmem:$0x1B58] =	vst v0  }
0x20e: {  	[tilespmem:$0x1B68] =	vst v0  }
0x20f: {  	[tilespmem:$0x1B78] =	vst v0  }
0x210: {  	[tilespmem:$0x1B88] =	vst v0  }
0x211: {  	[tilespmem:$0x1B98] =	vst v0  }
0x212: {  	[tilespmem:$0x1BA8] =	vst v0  }
0x213: {  	[tilespmem:$0x1BB8] =	vst v0  }
0x214: {  	[tilespmem:$0x1BC8] =	vst v0  }
0x215: {  	[tilespmem:$0x1BD8] =	vst v0  }
0x216: {  	[tilespmem:$0x1BE8] =	vst v0  }
0x217: {  	[tilespmem:$0x1BF8] =	vst v0  }
0x218: {  	[tilespmem:$0x1C08] =	vst v0  }
0x219: {  	[tilespmem:$0x1C18] =	vst v0  }
0x21a: {  	[tilespmem:$0x1C28] =	vst v0  }
0x21b: {  	[tilespmem:$0x1C38] =	vst v0  }
0x21c: {  	[tilespmem:$0x1C48] =	vst v0  }
0x21d: {  	[tilespmem:$0x1C58] =	vst v0  }
0x21e: {  	[tilespmem:$0x1C68] =	vst v0  }
0x21f: {  	[tilespmem:$0x1C78] =	vst v0  }
0x220: {  	[tilespmem:$0x1C88] =	vst v0  }
0x221: {  	[tilespmem:$0x1C98] =	vst v0  }
0x222: {  	[tilespmem:$0x1CA8] =	vst v0  }
0x223: {  	[tilespmem:$0x1CB8] =	vst v0  }
0x224: {  	[tilespmem:$0x1CC8] =	vst v0  }
0x225: {  	[tilespmem:$0x1CD8] =	vst v0  }
0x226: {  	[tilespmem:$0x1CE8] =	vst v0  }
0x227: {  	[tilespmem:$0x1CF8] =	vst v0  }
0x228: {  	[tilespmem:$0x1D08] =	vst v0  }
0x229: {  	[tilespmem:$0x1D18] =	vst v0  }
0x22a: {  	[tilespmem:$0x1D28] =	vst v0  }
0x22b: {  	[tilespmem:$0x1D38] =	vst v0  }
0x22c: {  	[tilespmem:$0x1D48] =	vst v0  }
0x22d: {  	[tilespmem:$0x1D58] =	vst v0  }
0x22e: {  	[tilespmem:$0x1D68] =	vst v0  }
0x22f: {  	[tilespmem:$0x1D78] =	vst v0  }
0x230: {  	[tilespmem:$0x1D88] =	vst v0  }
0x231: {  	[tilespmem:$0x1D98] =	vst v0  }
0x232: {  	[tilespmem:$0x1DA8] =	vst v0  }
0x233: {  	[tilespmem:$0x1DB8] =	vst v0  }
0x234: {  	[tilespmem:$0x1DC8] =	vst v0  }
0x235: {  	[tilespmem:$0x1DD8] =	vst v0  }
0x236: {  	[tilespmem:$0x1DE8] =	vst v0  }
0x237: {  	[tilespmem:$0x1DF8] =	vst v0  }
0x238: {  	[tilespmem:$0x1E08] =	vst v0  }
0x239: {  	[tilespmem:$0x1E18] =	vst v0  }
0x23a: {  	[tilespmem:$0x1E28] =	vst v0  }
0x23b: {  	[tilespmem:$0x1E38] =	vst v0  }
0x23c: {  	[tilespmem:$0x1E48] =	vst v0  }
0x23d: {  	[tilespmem:$0x1E58] =	vst v0  }
0x23e: {  	[tilespmem:$0x1E68] =	vst v0  }
0x23f: {  	[tilespmem:$0x1E78] =	vst v0  }
0x240: {  	[tilespmem:$0x1E88] =	vst v0  }
0x241: {  	[tilespmem:$0x1E98] =	vst v0  }
0x242: {  	[tilespmem:$0x1EA8] =	vst v0  }
0x243: {  	[tilespmem:$0x1EB8] =	vst v0  }
0x244: {  	[tilespmem:$0x1EC8] =	vst v0  }
0x245: {  	[tilespmem:$0x1ED8] =	vst v0  }
0x246: {  	[tilespmem:$0x1EE8] =	vst v0  }
0x247: {  	[tilespmem:$0x1EF8] =	vst v0  }
0x248: {  	[tilespmem:$0x1F08] =	vst v0  }
0x249: {  	[tilespmem:$0x1F18] =	vst v0  }
0x24a: {  	[tilespmem:$0x1F28] =	vst v0  }
0x24b: {  	[tilespmem:$0x1F38] =	vst v0  }
0x24c: {  	[tilespmem:$0x1F48] =	vst v0  }
0x24d: {  	[tilespmem:$0x1F58] =	vst v0  }
0x24e: {  	[tilespmem:$0x1F68] =	vst v0  }
0x24f: {  	[tilespmem:$0x1F78] =	vst v0  }
0x250: {  	[tilespmem:$0x1F88] =	vst v0  }
0x251: {  	[tilespmem:$0x1F98] =	vst v0  }
0x252: {  	[tilespmem:$0x1FA8] =	vst v0  }
0x253: {  	[tilespmem:$0x1FB8] =	vst v0  }
0x254: {  	[tilespmem:$0x1FC8] =	vst v0  }
0x255: {  	[tilespmem:$0x1FD8] =	vst v0  }
0x256: {  	[tilespmem:$0x1FE8] =	vst v0  }
0x257: {  	[tilespmem:$0x1FF8] =	vst v0  }
0x258: {  	[tilespmem:$0x2008] =	vst v0  }
0x259: {  	[tilespmem:$0x2018] =	vst v0  }
0x25a: {  	[tilespmem:$0x2028] =	vst v0  }
0x25b: {  	[tilespmem:$0x2038] =	vst v0  }
0x25c: {  	[tilespmem:$0x2048] =	vst v0  }
0x25d: {  	[tilespmem:$0x2058] =	vst v0  }
0x25e: {  	[tilespmem:$0x2068] =	vst v0  }
0x25f: {  	[tilespmem:$0x2078] =	vst v0  }
0x260: {  	[tilespmem:$0x2088] =	vst v0  }
0x261: {  	[tilespmem:$0x2098] =	vst v0  }
0x262: {  	[tilespmem:$0x20A8] =	vst v0  }
0x263: {  	[tilespmem:$0x20B8] =	vst v0  }
0x264: {  	[tilespmem:$0x20C8] =	vst v0  }
0x265: {  	[tilespmem:$0x20D8] =	vst v0  }
0x266: {  	[tilespmem:$0x20E8] =	vst v0  }
0x267: {  	[tilespmem:$0x20F8] =	vst v0  }
0x268: {  	[tilespmem:$0x2108] =	vst v0  }
0x269: {  	[tilespmem:$0x2118] =	vst v0  }
0x26a: {  	[tilespmem:$0x2128] =	vst v0  }
0x26b: {  	[tilespmem:$0x2138] =	vst v0  }
0x26c: {  	[tilespmem:$0x2148] =	vst v0  }
0x26d: {  	[tilespmem:$0x2158] =	vst v0  }
0x26e: {  	[tilespmem:$0x2168] =	vst v0  }
0x26f: {  	[tilespmem:$0x2198] =	vst v0  }
0x270: {  	[tilespmem:$0x2258] =	vst v0  }
0x271: {  	[tilespmem:$0x21D8] =	vst v0  }
0x272: {  	[tilespmem:$0x3058] =	vst v0  }
0x273: {  	[tilespmem:$0x3048] =	vst v0  }
0x274: {  	[tilespmem:$0x3038] =	vst v0  }
0x275: {  	[tilespmem:$0x3028] =	vst v0  }
0x276: {  	[tilespmem:$0x3018] =	vst v0  }
0x277: {  	[tilespmem:$0x3008] =	vst v0  }
0x278: {  	[tilespmem:$0x2FF8] =	vst v0  }
0x279: {  	[tilespmem:$0x2FE8] =	vst v0  }
0x27a: {  	[tilespmem:$0x2FD8] =	vst v0  }
0x27b: {  	[tilespmem:$0x2FC8] =	vst v0  }
0x27c: {  	[tilespmem:$0x2FB8] =	vst v0  }
0x27d: {  	[tilespmem:$0x2FA8] =	vst v0  }
0x27e: {  	[tilespmem:$0x2F98] =	vst v0  }
0x27f: {  	[tilespmem:$0x2F88] =	vst v0  }
0x280: {  	[tilespmem:$0x2F78] =	vst v0  }
0x281: {  	[tilespmem:$0x2F68] =	vst v0  }
0x282: {  	[tilespmem:$0x2F58] =	vst v0  }
0x283: {  	[tilespmem:$0x2F48] =	vst v0  }
0x284: {  	[tilespmem:$0x2F38] =	vst v0  }
0x285: {  	[tilespmem:$0x2F28] =	vst v0  }
0x286: {  	[tilespmem:$0x2F18] =	vst v0  }
0x287: {  	[tilespmem:$0x2F08] =	vst v0  }
0x288: {  	[tilespmem:$0x2EF8] =	vst v0  }
0x289: {  	[tilespmem:$0x2EE8] =	vst v0  }
0x28a: {  	[tilespmem:$0x2ED8] =	vst v0  }
0x28b: {  	[tilespmem:$0x2EC8] =	vst v0  }
0x28c: {  	[tilespmem:$0x2EB8] =	vst v0  }
0x28d: {  	[tilespmem:$0x2EA8] =	vst v0  }
0x28e: {  	[tilespmem:$0x2E98] =	vst v0  }
0x28f: {  	[tilespmem:$0x2E88] =	vst v0  }
0x290: {  	[tilespmem:$0x2E78] =	vst v0  }
0x291: {  	[tilespmem:$0x2E68] =	vst v0  }
0x292: {  	[tilespmem:$0x2E58] =	vst v0  }
0x293: {  	[tilespmem:$0x2E48] =	vst v0  }
0x294: {  	[tilespmem:$0x2E38] =	vst v0  }
0x295: {  	[tilespmem:$0x2E28] =	vst v0  }
0x296: {  	[tilespmem:$0x2E18] =	vst v0  }
0x297: {  	[tilespmem:$0x2E08] =	vst v0  }
0x298: {  	[tilespmem:$0x2DF8] =	vst v0  }
0x299: {  	[tilespmem:$0x2DE8] =	vst v0  }
0x29a: {  	[tilespmem:$0x2DD8] =	vst v0  }
0x29b: {  	[tilespmem:$0x2DC8] =	vst v0  }
0x29c: {  	[tilespmem:$0x2DB8] =	vst v0  }
0x29d: {  	[tilespmem:$0x2DA8] =	vst v0  }
0x29e: {  	[tilespmem:$0x2D98] =	vst v0  }
0x29f: {  	[tilespmem:$0x2D88] =	vst v0  }
0x2a0: {  	[tilespmem:$0x2D78] =	vst v0  }
0x2a1: {  	[tilespmem:$0x2D68] =	vst v0  }
0x2a2: {  	[tilespmem:$0x2D58] =	vst v0  }
0x2a3: {  	[tilespmem:$0x2D48] =	vst v0  }
0x2a4: {  	[tilespmem:$0x2D38] =	vst v0  }
0x2a5: {  	[tilespmem:$0x2D28] =	vst v0  }
0x2a6: {  	[tilespmem:$0x2D18] =	vst v0  }
0x2a7: {  	[tilespmem:$0x2D08] =	vst v0  }
0x2a8: {  	[tilespmem:$0x2CF8] =	vst v0  }
0x2a9: {  	[tilespmem:$0x2CE8] =	vst v0  }
0x2aa: {  	[tilespmem:$0x2CD8] =	vst v0  }
0x2ab: {  	[tilespmem:$0x2CC8] =	vst v0  }
0x2ac: {  	[tilespmem:$0x2CB8] =	vst v0  }
0x2ad: {  	[tilespmem:$0x2CA8] =	vst v0  }
0x2ae: {  	[tilespmem:$0x2C98] =	vst v0  }
0x2af: {  	[tilespmem:$0x2C88] =	vst v0  }
0x2b0: {  	[tilespmem:$0x2C78] =	vst v0  }
0x2b1: {  	[tilespmem:$0x2C68] =	vst v0  }
0x2b2: {  	[tilespmem:$0x2C58] =	vst v0  }
0x2b3: {  	[tilespmem:$0x2C48] =	vst v0  }
0x2b4: {  	[tilespmem:$0x2C38] =	vst v0  }
0x2b5: {  	[tilespmem:$0x2C28] =	vst v0  }
0x2b6: {  	[tilespmem:$0x2C18] =	vst v0  }
0x2b7: {  	[tilespmem:$0x2C08] =	vst v0  }
0x2b8: {  	[tilespmem:$0x2BF8] =	vst v0  }
0x2b9: {  	[tilespmem:$0x2BE8] =	vst v0  }
0x2ba: {  	[tilespmem:$0x2BD8] =	vst v0  }
0x2bb: {  	[tilespmem:$0x2BC8] =	vst v0  }
0x2bc: {  	[tilespmem:$0x2BB8] =	vst v0  }
0x2bd: {  	[tilespmem:$0x2BA8] =	vst v0  }
0x2be: {  	[tilespmem:$0x2B98] =	vst v0  }
0x2bf: {  	[tilespmem:$0x2B88] =	vst v0  }
0x2c0: {  	[tilespmem:$0x2B78] =	vst v0  }
0x2c1: {  	[tilespmem:$0x2B68] =	vst v0  }
0x2c2: {  	[tilespmem:$0x2B58] =	vst v0  }
0x2c3: {  	[tilespmem:$0x2B48] =	vst v0  }
0x2c4: {  	[tilespmem:$0x2B38] =	vst v0  }
0x2c5: {  	[tilespmem:$0x2B28] =	vst v0  }
0x2c6: {  	[tilespmem:$0x2B18] =	vst v0  }
0x2c7: {  	[tilespmem:$0x2B08] =	vst v0  }
0x2c8: {  	[tilespmem:$0x2AF8] =	vst v0  }
0x2c9: {  	[tilespmem:$0x2AE8] =	vst v0  }
0x2ca: {  	[tilespmem:$0x2AD8] =	vst v0  }
0x2cb: {  	[tilespmem:$0x2AC8] =	vst v0  }
0x2cc: {  	[tilespmem:$0x2AB8] =	vst v0  }
0x2cd: {  	[tilespmem:$0x2AA8] =	vst v0  }
0x2ce: {  	[tilespmem:$0x2A98] =	vst v0  }
0x2cf: {  	[tilespmem:$0x2A88] =	vst v0  }
0x2d0: {  	[tilespmem:$0x2A78] =	vst v0  }
0x2d1: {  	[tilespmem:$0x2A68] =	vst v0  }
0x2d2: {  	[tilespmem:$0x2A58] =	vst v0  }
0x2d3: {  	[tilespmem:$0x2A48] =	vst v0  }
0x2d4: {  	[tilespmem:$0x2A38] =	vst v0  }
0x2d5: {  	[tilespmem:$0x2A28] =	vst v0  }
0x2d6: {  	[tilespmem:$0x2A18] =	vst v0  }
0x2d7: {  	[tilespmem:$0x2A08] =	vst v0  }
0x2d8: {  	[tilespmem:$0x29F8] =	vst v0  }
0x2d9: {  	[tilespmem:$0x29E8] =	vst v0  }
0x2da: {  	[tilespmem:$0x29D8] =	vst v0  }
0x2db: {  	[tilespmem:$0x29C8] =	vst v0  }
0x2dc: {  	[tilespmem:$0x29B8] =	vst v0  }
0x2dd: {  	[tilespmem:$0x29A8] =	vst v0  }
0x2de: {  	[tilespmem:$0x2998] =	vst v0  }
0x2df: {  	[tilespmem:$0x2988] =	vst v0  }
0x2e0: {  	[tilespmem:$0x2978] =	vst v0  }
0x2e1: {  	[tilespmem:$0x2968] =	vst v0  }
0x2e2: {  	[tilespmem:$0x2958] =	vst v0  }
0x2e3: {  	[tilespmem:$0x2948] =	vst v0  }
0x2e4: {  	[tilespmem:$0x2938] =	vst v0  }
0x2e5: {  	[tilespmem:$0x2928] =	vst v0  }
0x2e6: {  	[tilespmem:$0x2918] =	vst v0  }
0x2e7: {  	[tilespmem:$0x2908] =	vst v0  }
0x2e8: {  	[tilespmem:$0x28F8] =	vst v0  }
0x2e9: {  	[tilespmem:$0x28E8] =	vst v0  }
0x2ea: {  	[tilespmem:$0x28D8] =	vst v0  }
0x2eb: {  	[tilespmem:$0x28C8] =	vst v0  }
0x2ec: {  	[tilespmem:$0x28B8] =	vst v0  }
0x2ed: {  	[tilespmem:$0x28A8] =	vst v0  }
0x2ee: {  	[tilespmem:$0x2898] =	vst v0  }
0x2ef: {  	[tilespmem:$0x2888] =	vst v0  }
0x2f0: {  	[tilespmem:$0x2878] =	vst v0  }
0x2f1: {  	[tilespmem:$0x2868] =	vst v0  }
0x2f2: {  	[tilespmem:$0x2858] =	vst v0  }
0x2f3: {  	[tilespmem:$0x2848] =	vst v0  }
0x2f4: {  	[tilespmem:$0x2838] =	vst v0  }
0x2f5: {  	[tilespmem:$0x2828] =	vst v0  }
0x2f6: {  	[tilespmem:$0x2818] =	vst v0  }
0x2f7: {  	[tilespmem:$0x2808] =	vst v0  }
0x2f8: {  	[tilespmem:$0x27F8] =	vst v0  }
0x2f9: {  	[tilespmem:$0x27E8] =	vst v0  }
0x2fa: {  	[tilespmem:$0x27D8] =	vst v0  }
0x2fb: {  	[tilespmem:$0x27C8] =	vst v0  }
0x2fc: {  	[tilespmem:$0x27B8] =	vst v0  }
0x2fd: {  	[tilespmem:$0x27A8] =	vst v0  }
0x2fe: {  	[tilespmem:$0x2798] =	vst v0  }
0x2ff: {  	[tilespmem:$0x2788] =	vst v0  }
0x300: {  	[tilespmem:$0x2778] =	vst v0  }
0x301: {  	[tilespmem:$0x2768] =	vst v0  }
0x302: {  	[tilespmem:$0x2758] =	vst v0  }
0x303: {  	[tilespmem:$0x2748] =	vst v0  }
0x304: {  	[tilespmem:$0x2738] =	vst v0  }
0x305: {  	[tilespmem:$0x2728] =	vst v0  }
0x306: {  	[tilespmem:$0x2718] =	vst v0  }
0x307: {  	[tilespmem:$0x2708] =	vst v0  }
0x308: {  	[tilespmem:$0x26F8] =	vst v0  }
0x309: {  	[tilespmem:$0x26E8] =	vst v0  }
0x30a: {  	[tilespmem:$0x26D8] =	vst v0  }
0x30b: {  	[tilespmem:$0x26C8] =	vst v0  }
0x30c: {  	[tilespmem:$0x26B8] =	vst v0  }
0x30d: {  	[tilespmem:$0x26A8] =	vst v0  }
0x30e: {  	[tilespmem:$0x2698] =	vst v0  }
0x30f: {  	[tilespmem:$0x2688] =	vst v0  }
0x310: {  	[tilespmem:$0x2678] =	vst v0  }
0x311: {  	[tilespmem:$0x2668] =	vst v0  }
0x312: {  	[tilespmem:$0x2658] =	vst v0  }
0x313: {  	[tilespmem:$0x2648] =	vst v0  }
0x314: {  	[tilespmem:$0x2638] =	vst v0  }
0x315: {  	[tilespmem:$0x2628] =	vst v0  }
0x316: {  	[tilespmem:$0x2618] =	vst v0  }
0x317: {  	[tilespmem:$0x2608] =	vst v0  }
0x318: {  	[tilespmem:$0x25F8] =	vst v0  }
0x319: {  	[tilespmem:$0x25E8] =	vst v0  }
0x31a: {  	[tilespmem:$0x25D8] =	vst v0  }
0x31b: {  	[tilespmem:$0x25C8] =	vst v0  }
0x31c: {  	[tilespmem:$0x25B8] =	vst v0  }
0x31d: {  	[tilespmem:$0x25A8] =	vst v0  }
0x31e: {  	[tilespmem:$0x2598] =	vst v0  }
0x31f: {  	[tilespmem:$0x2588] =	vst v0  }
0x320: {  	[tilespmem:$0x2578] =	vst v0  }
0x321: {  	[tilespmem:$0x2568] =	vst v0  }
0x322: {  	[tilespmem:$0x2558] =	vst v0  }
0x323: {  	[tilespmem:$0x2548] =	vst v0  }
0x324: {  	[tilespmem:$0x2538] =	vst v0  }
0x325: {  	[tilespmem:$0x2528] =	vst v0  }
0x326: {  	[tilespmem:$0x2518] =	vst v0  }
0x327: {  	[tilespmem:$0x2508] =	vst v0  }
0x328: {  	[tilespmem:$0x24F8] =	vst v0  }
0x329: {  	[tilespmem:$0x24E8] =	vst v0  }
0x32a: {  	[tilespmem:$0x24D8] =	vst v0  }
0x32b: {  	[tilespmem:$0x24C8] =	vst v0  }
0x32c: {  	[tilespmem:$0x24B8] =	vst v0  }
0x32d: {  	[tilespmem:$0x24A8] =	vst v0  }
0x32e: {  	[tilespmem:$0x2498] =	vst v0  }
0x32f: {  	[tilespmem:$0x2488] =	vst v0  }
0x330: {  	[tilespmem:$0x2478] =	vst v0  }
0x331: {  	[tilespmem:$0x2468] =	vst v0  }
0x332: {  	[tilespmem:$0x2458] =	vst v0  }
0x333: {  	[tilespmem:$0x2448] =	vst v0  }
0x334: {  	[tilespmem:$0x2438] =	vst v0  }
0x335: {  	[tilespmem:$0x2428] =	vst v0  }
0x336: {  	[tilespmem:$0x2418] =	vst v0  }
0x337: {  	[tilespmem:$0x2408] =	vst v0  }
0x338: {  	[tilespmem:$0x23F8] =	vst v0  }
0x339: {  	[tilespmem:$0x23E8] =	vst v0  }
0x33a: {  	[tilespmem:$0x23D8] =	vst v0  }
0x33b: {  	[tilespmem:$0x23C8] =	vst v0  }
0x33c: {  	[tilespmem:$0x23B8] =	vst v0  }
0x33d: {  	[tilespmem:$0x23A8] =	vst v0  }
0x33e: {  	[tilespmem:$0x2398] =	vst v0  }
0x33f: {  	[tilespmem:$0x2388] =	vst v0  }
0x340: {  	[tilespmem:$0x2378] =	vst v0  }
0x341: {  	[tilespmem:$0x2368] =	vst v0  }
0x342: {  	[tilespmem:$0x2358] =	vst v0  }
0x343: {  	[tilespmem:$0x2348] =	vst v0  }
0x344: {  	[tilespmem:$0x2338] =	vst v0  }
0x345: {  	[tilespmem:$0x2328] =	vst v0  }
0x346: {  	[tilespmem:$0x2318] =	vst v0  }
0x347: {  	[tilespmem:$0x2308] =	vst v0  }
0x348: {  	[tilespmem:$0x22F8] =	vst v0  }
0x349: {  	[tilespmem:$0x22E8] =	vst v0  }
0x34a: {  	[tilespmem:$0x22D8] =	vst v0  }
0x34b: {  	[tilespmem:$0x22C8] =	vst v0  }
0x34c: {  	[tilespmem:$0x22B8] =	vst v0  }
0x34d: {  	[tilespmem:$0x22A8] =	vst v0  }
0x34e: {  	[tilespmem:$0x2298] =	vst v0  }
0x34f: {  	[tilespmem:$0x2288] =	vst v0  }
0x350: {  	s4 =	stileid.u32;
	[tilespmem:$0x2278] =	vst v0  }
0x351: {  	s0 =	simm.s32 $0x1;
	p0 =	sne.s32 s4, $0x0;
	s1 =	smul.u32 $0x1A, s4;
	[tilespmem:$0x2268] =	vst v0  }
0x352: {  	s3 =	simm.s32 @!p0 $0x0;
	s0 =	simm.s32 @!p0 $0x0;
	[tilespmem:$0x2238] =	vst v0  }
0x353: {  	[tilespmem:$0x2248] =	vst v0;
	s3 =	simm.s32 @p0 $0x1;
	s0 =	sor.u32 s0, s1  }
0x354: {  	[tilespmem:$0x2228] =	vst v0;
	s1 =	simm.s32 $0x2880;
	p0 =	seq.s32 s4, $0x0;
	s8 =	smul.u32 $0x180, s0  }
0x355: {  	s1 =	simm.s32 @!p0 $0x2700;
	[tilespmem:$0x21A8] =	vst v0  }
0x356: {  	[tilespmem:$0x2218] =	vst v0;
	s0 =	sadd.s32 s1, s8  }
0x357: {  	s30 =	simm.s32 $0x2;
	s11 =	simm.s32 $0x9;
	[tilespmem:$0x2208] =	vst v0;
	s9 =	smin.u32 s0, $0x27100  }
0x358: {  	s12 =	simm.s32 $0xA;
	s16 =	simm.s32 $0x0;
	[tilespmem:$0x21F8] =	vst v0;
	s0 =	ssub.s32 s9, s8  }
0x359: {  	p1 =	por $0x1, $0x1;
	p2 =	por $0x0, $0x0;
	[tilespmem:$0x21E8] =	vst v0;
	p0 =	sgt.s32 s0, $0x0  }
0x35a: {  	s17 =	simm.s32 $0xC;
	s21 =	simm.s32 $0x0;
	[tilespmem:$0x21C8] =	vst v0;
	s0 =	simm.s32 @!p0 $0x0  }
0x35b: {  	s18 =	simm.s32 $0x0;
	s2 =	sand.u32 $0x1, s2;
	[tilespmem:$0x21B8] =	vst v0;
	s29 =	smulhi.u32 $0x2AAAAAAB, s0  }
0x35c: {  	s20 =	simm.s32 $0x0;
	s31 =	sshll.u32 s4, $0x6;
	[tilespmem:$0x2188] =	vst v0;
	[dreg:$0x5] =	wrdreg s2  }
0x35d: {  	s2 =	smul.u32 $0x4E20, s2;
	[tilespmem:$0x2178] =	vst v0;
	[sflag:s30] =	ssyncpa.u1 $0x0;
	v0 =	vimm.s32 $0xFFFFFFFF;
	s1 =	sshrl.u32 s29, $0x6  }
0x35e: {  	[dreg:$0x4] =	wrdreg s31;
	[tilespmem:$0x6088] =	vst v0;
	[sflag:s11] =	ssyncpa.u1 $0x0;
	s5 =	smul.u32 $0x180, s1  }
.Ltmp7:
0x35f: {  	[smem:$0x7FD] =	sst s3;
	s3 =	sadd.s32 $0x48400, s6;
	(pc) =	sbr.rel .LBB3_1-.Ltmp7, $4  }
0x360: {  	s2 =	sadd.s32 s2, s6;
	[sflag:s12] =	ssyncpa.u1 $0x0;
	p0 =	sne.s32 s0, s5  }
0x361: {  	s12 =	simm.s32 $0xB;
	s6 =	sadd.s32 $0xFBFC00, s6;
	s7 =	simm.s32 @!p0 $0x0  }
0x362: {  	[sflag:s12] =	ssyncpa.u1 $0x0;
	s13 =	sadd.s32 $0xFAC000, s2;
	s7 =	sadd.s32 s7, s1  }
0x363: {  	v0 =	vlaneseq.u32;
	s14 =	sadd.s32 $0xFA2200, s2;
	s19 =	smov.u32 s8;
	s15 =	sadd.s32 $0x1, s7  }
.LBB3_18:
0x364: {  	s0 =	simm.s32 $0x2  }
0x365: {  	_ =	swait.ge [sflag:s0], $0x0  }
0x366: {  	[sflag:s0] =	ssyncset.done $0x0;
	s0 =	simm.s32 $0x0  }
.LBB3_19:
0x367: {  	_ =	swait.ge [sflag:s17], s0  }
0x368: {  	s31 =	ssub.s32 $0x0, s0;
	v1 =	vmov s23;
	vm0 =	veq.s32 v0, $0x0;
	[sflag:s17] =	ssyncset.done $0x0  }
0x369: {  	vm15 =	veq.s32 v0, $0x2;
	v1 =	vsel vm0, s28, v1;
	[sflag:s17] =	ssyncadd.s32 s31  }
0x36a: {  	v1 =	vsel vm15, s21, v1;
	[sflag:s17] =	ssyncpa.u1 $0x1  }
0x36b: {  	[tilespmem:$0x6088] =	vst v1  }
.LBB3_20:
0x36c: {  	s0 =	sadd.s32 $0x180, s19  }
0x36d: {  	s1 =	smov.u32 s8;
	p0 =	slt.s32 s0, s9  }
0x36e: {  	s1 =	smov.u32 @p0 s0;
	p0 =	sne.s32 s20, s15  }
.Ltmp8:
0x36f: {  	_ = 	snop;
	(pc) =	sbr.rel @!p0 .LBB3_21-.Ltmp8, $4  }
0x370: {  	_ = 	snop  }
0x371: {  	s21 =	smov.u32 s18  }
0x372: {  	s31 =	sadd.s32 $0x1, s20;
	s18 =	smov.u32 s19;
	p1 =	por !p1, !p1  }
0x373: {  	p2 =	por !p2, !p2;
	s20 =	smov.u32 s31;
	s19 =	smov.u32 s1  }
.LBB3_1:
0x374: {  	p0 =	sge.u32 s20, s7  }
0x375: {  	s0 =	smulhi.u32 @!p0 $0xAAAAAAAB, s20  }
0x376: {  	s1 =	smov.u32 s19;
	p3 =	sgt.s32 @!p0 s19, $0x26F80  }
0x377: {  	s2 =	sshra.s32 @!p0 s19, $0x1F;
	p3 =	por !p3, p0;
	s0 =	sshrl.u32 @!p0 s0, $0x1  }
0x378: {  	s2 =	sand.u32 @!p0 s2, s19;
	s1 =	simm.s32 @p3 $0x26F80;
	s0 =	smul.u32 @!p0 $0x3, s0  }
0x379: {  	s22 =	sadd.s32 $0xFFFFFFFF, s20;
	s1 =	ssub.s32 @!p0 s1, s2  }
0x37a: {  	s5 =	sand.u32 @!p0 $0x7, s19;
	s1 =	sadd.s32 @!p0 $0xFFFD9080, s1;
	s0 =	ssub.s32 @!p0 s20, s0  }
0x37b: {  	s2 =	sshll.u32 @!p0 s1, $0x2;
	p3 =	sgt.s32 @!p0 s1, $0x17F;
	s0 =	smul.u32 @!p0 $0x600, s0  }
0x37c: {  	s1 =	ssub.s32 @!p0 $0x600, s2;
	p3 =	por !p3, p0;
	s2 =	sshrl.u32 @!p0 s19, $0x3  }
0x37d: {  	s1 =	sshrl.u32 @!p0 s1, $0x2;
	s2 =	sadd.s32 @!p0 s2, s13;
	s0 =	sshrl.u32 @!p0 s0, $0x2  }
0x37e: {  	s1 =	simm.s32 @!p3 $0x0;
	p3 =	sge.u32 s22, s7;
	s0 =	sadd.s32 @!p0 $0x64C8, s0  }
0x37f: {  	[tilespmem:s0], [sflag:$0xA] =	stream.linear.gather @!p0 [hbm4b:s2+s5], s1, $0x38;
	[tilespmem:$0x1EC48] =	vst v63  }
0x380: {  	p0 =	sgt.s32 @!p3 s18, $0x26F80  }
0x381: {  	s0 =	smov.u32 s18;
	s1 =	sshra.s32 @!p3 s18, $0x1F;
	p0 =	por !p0, p3  }
0x382: {  	s1 =	sand.u32 @!p3 s1, s18;
	s0 =	simm.s32 @p0 $0x26F80  }
0x383: {  	s0 =	ssub.s32 @!p3 s0, s1  }
0x384: {  	s0 =	sadd.s32 @!p3 $0xFFFD9080, s0  }
0x385: {  	s1 =	sshll.u32 @!p3 s0, $0x2  }
0x386: {  	p0 =	sgt.s32 @!p3 s0, $0x17F;
	s0 =	ssub.s32 @!p3 $0x600, s1  }
0x387: {  	p0 =	por !p0, p3;
	s0 =	sshrl.u32 @!p3 s0, $0x2  }
0x388: {  	s2 =	simm.s32 @!p3 $0xA;
	s1 =	sand.u32 @!p3 $0x1, s22;
	s0 =	simm.s32 @!p0 $0x0  }
0x389: {  	s1 =	smul.u32 @!p3 $0x600, s1;
	_ =	swait.ge @!p3 [sflag:s2], s0  }
0x38a: {  	s5 =	ssub.s32 @!p3 $0x0, s0;
	[sflag:s2] =	ssyncset.done @!p3 $0x0  }
0x38b: {  	s1 =	sshrl.u32 @!p3 s1, $0x2;
	[sflag:s2] =	ssyncadd.s32 @!p3 s5;
	s2 =	sshrl.u32 @!p3 s18, $0x3  }
0x38c: {  	s1 =	sadd.s32 @!p3 $0x6948, s1;
	s5 =	sand.u32 @!p3 $0x7, s18;
	s2 =	sadd.s32 @!p3 s2, s14  }
0x38d: {  	[tilespmem:s1], [sflag:$0xB] =	stream.linear.gather @!p3 [hbm4b:s2+s5], s0, $0x38;
	[tilespmem:$0x1EC48] =	vst v63  }
0x38e: {  	s0 =	ssub.s32 @!p3 $0x27100, s18  }
0x38f: {  	p0 =	slt.s32 @!p3 s0, $0x1  }
0x390: {  	p0 =	por p3, p0  }
.Ltmp9:
0x391: {  	_ = 	snop;
	(pc) =	sbr.rel @p0 .LBB3_7-.Ltmp9, $1  }
0x392: {  	_ =	sdelay $0x3  }
0x393: {  	s1 =	smulhi.u32 $0xAAAAAAAB, s22;
	_ =	sdelay $0x1  }
0x394: {  	s1 =	sshrl.u32 s1, $0x1  }
0x395: {  	s1 =	smul.u32 $0x3, s1;
	_ =	sdelay $0x1  }
0x396: {  	s1 =	ssub.s32 s22, s1  }
0x397: {  	s2 =	simm.s32 $0x1;
	s1 =	smul.u32 $0x600, s1  }
.Ltmp10:
0x398: {  	s2 =	simm.s32 @!p1 $0x0;
	(pc) =	sbr.rel .LBB3_4-.Ltmp10, $4  }
0x399: {  	s2 =	smul.u32 $0x30000, s2  }
0x39a: {  	p0 =	slt.s32 @!p3 s0, $0x180;
	s1 =	sshrl.u32 s1, $0x2  }
0x39b: {  	p0 =	por !p0, p3;
	s2 =	sshrl.u32 s2, $0x2;
	s1 =	sadd.s32 $0x64C8, s1  }
0x39c: {  	s23 =	simm.s32 $0x0;
	s0 =	simm.s32 @p0 $0x180;
	s22 =	sadd.s32 $0x6C48, s2;
	v1 =	vmov s1  }
.LBB3_3:
0x39d: {  	p0 =	sge.s32 s23, s0  }
.Ltmp11:
0x39e: {  	_ = 	snop;
	(pc) =	sbr.rel @p0 .LBB3_7-.Ltmp11, $2  }
0x39f: {  	_ =	sdelay $0x2  }
0x3a0: {  	s22 =	sadd.s32 $0x800, s22  }
.LBB3_4:
0x3a1: {  	p0 =	sle.s32 s0, s23  }
.Ltmp12:
0x3a2: {  	_ = 	snop;
	(pc) =	sbr.rel @p0 .LBB3_3-.Ltmp12, $2  }
0x3a3: {  	_ =	sdelay $0x2  }
0x3a4: {  	s24 =	smov.u32 s23;
	s23 =	sadd.s32 $0x10, s23  }
0x3a5: {  	s1 =	ssub.s32 s0, s24  }
0x3a6: {  	p0 =	slt.s32 s1, $0x10  }
0x3a7: {  	s1 =	simm.s32 @!p0 $0x10  }
0x3a8: {  	v2 =	vmov s1  }
0x3a9: {  	vm0 =	vgt.s32 v2, v0;
	_ =	sdelay $0x5  }
0x3aa: {  	v2 =	vld.idx.msk [tilespmem:v1+s24+$0x0 ss:$0x1], vm0;
	_ =	sdelay $0x2  }
0x3ab: {  	p0 =	slt.s32 s23, s0;
	s1 =	smov.u32 s0  }
0x3ac: {  	s2 =	smov.u32 s22;
	s25 =	simm.s32 $0x0;
	s1 =	smov.u32 @p0 s23  }
.LBB3_6:
0x3ad: {  	(v2sf) =	vpush v2, s25;
	_ =	sdelay $0xc  }
0x3ae: {  	s25 =	sadd.s32 $0x1, s25  }
0x3af: {  	s31 =	sadd.s32 s25, s24  }
0x3b0: {  	p0 =	slt.s32 s31, s1;
	s5 =	spop (v2sf)  }
.Ltmp13:
0x3b1: {  	s5 =	sshll.u32 s5, $0x4;
	(pc) =	sbr.rel @p0 .LBB3_6-.Ltmp13, $4  }
0x3b2: {  	s5 =	sand.u32 $0x1FFFFFF0, s5  }
0x3b3: {  	s5 =	sadd.s32 s6, s5  }
0x3b4: {  	[tilespmem:s2], [sflag:$0x9] =	stream.linear.gather [hbm4b:s5+s16], $0x14, $0x38;
	[tilespmem:$0x1EC48] =	vst v63  }
0x3b5: {  	s2 =	sadd.s32 $0x80, s2  }
.Ltmp14:
0x3b6: {  	_ = 	snop;
	(pc) =	sbr.rel .LBB3_3-.Ltmp14, $1  }
0x3b7: {  	_ =	sdelay $0x3  }
.LBB3_7:
0x3b8: {  	p0 =	slt.u32 s20, $0x2  }
.Ltmp15:
0x3b9: {  	_ = 	snop;
	(pc) =	sbr.rel @p0 .LBB3_20-.Ltmp15, $1  }
0x3ba: {  	_ =	sdelay $0x3  }
0x3bb: {  	s0 =	ssub.s32 $0x27100, s21;
	p0 =	sgt.s32 s21, $0x26F80  }
0x3bc: {  	s1 =	smov.u32 s21;
	s2 =	sshra.s32 s21, $0x1F;
	p3 =	slt.s32 s0, $0x180  }
0x3bd: {  	s1 =	simm.s32 @!p0 $0x26F80;
	s2 =	sand.u32 s2, s21;
	s0 =	simm.s32 @!p3 $0x180  }
0x3be: {  	s1 =	ssub.s32 s1, s2;
	s0 =	smul.u32 $0x50, s0  }
0x3bf: {  	s1 =	sadd.s32 $0xFFFD9080, s1  }
0x3c0: {  	s26 =	sshll.u32 s1, $0x2;
	s0 =	sshrl.u32 s0, $0x2  }
0x3c1: {  	p0 =	sgt.s32 s1, $0x17F;
	s28 =	ssub.s32 $0x600, s26;
	_ =	swait.ge [sflag:s11], s0  }
0x3c2: {  	s0 =	ssub.s32 $0x0, s0;
	s1 =	sshrl.u32 s28, $0x2;
	[sflag:s11] =	ssyncset.done $0x0  }
0x3c3: {  	s1 =	simm.s32 @p0 $0x0;
	[sflag:s11] =	ssyncadd.s32 s0  }
0x3c4: {  	_ =	swait.ge [sflag:s12], s1  }
0x3c5: {  	s29 =	ssub.s32 $0x0, s1;
	[sflag:s12] =	ssyncset.done $0x0  }
0x3c6: {  	[sflag:s12] =	ssyncadd.s32 s29  }
0x3c7: {  	v1 =	vld [tilespmem:$0x6088];
	_ =	sdelay $0x4  }
0x3c8: {  	(v2sf) =	vpush v1, $0x0  }
0x3c9: {  	(v2sf) =	vpush v1, $0x1  }
0x3ca: {  	(v2sf) =	vpush v1, $0x2;
	_ =	sdelay $0x3  }
0x3cb: {  	s0 =	sadd.s32 $0x180, s21  }
0x3cc: {  	p0 =	slt.s32 s9, s0;
	s1 =	ssub.s32 $0x4E200, s21  }
0x3cd: {  	s0 =	smov.u32 @p0 s9;
	p0 =	sgt.s32 s1, $0x0  }
0x3ce: {  	s0 =	ssub.s32 s0, s21;
	s1 =	simm.s32 @!p0 $0x0  }
0x3cf: {  	p0 =	slt.s32 s1, s0  }
0x3d0: {  	s0 =	smov.u32 @p0 s1  }
0x3d1: {  	s24 =	simm.s32 $0x1;
	p3 =	slt.s32 s0, $0x1  }
.Ltmp16:
0x3d2: {  	s24 =	simm.s32 @!p2 $0x0;
	(pc) =	sbr.rel @p3 .LBB3_12-.Ltmp16, $4  }
0x3d3: {  	s30 =	smul.u32 $0x600, s24  }
0x3d4: {  	s25 =	spop (v2sf)  }
0x3d5: {  	s31 =	sshrl.u32 s30, $0x2;
	s26 =	spop (v2sf)  }
0x3d6: {  	s22 =	sadd.s32 $0x6948, s31;
	s21 =	spop (v2sf)  }
0x3d7: {  	s1 =	smin.u32 s0, $0x10  }
0x3d8: {  	v1 =	vmov s1  }
0x3d9: {  	p0 =	sgt.s32 s0, $0x10;
	vm1 =	vgt.u32 v1, v0  }
.Ltmp17:
0x3da: {  	_ = 	snop;
	(pc) =	sbr.rel @!p0 .LBB3_11-.Ltmp17, $2  }
0x3db: {  	_ =	sdelay $0x2  }
0x3dc: {  	s28 =	simm.s32 $0x10;
	s29 =	sadd.s32 $0xFFFFFFF0, s0;
	s23 =	smov.u32 s22;
	vm0 =	vmmov vm1  }
.LBB3_10:
0x3dd: {  	s1 =	smin.u32 s29, $0x10;
	s28 =	sadd.s32 $0x10, s28;
	v1 =	vld.msk [tilespmem:s23+$0x0 ss:$0x1], vm1  }
0x3de: {  	v2 =	vmov s1;
	p0 =	slt.s32 s28, s0  }
0x3df: {  	vm1 =	vgt.u32 v2, v0  }
.Ltmp18:
0x3e0: {  	(pc) =	sbr.rel @p0 .LBB3_10-.Ltmp18, $3  }
0x3e1: {  	_ =	sdelay $0x1  }
0x3e2: {  	v1 =	vshll.u32 v1, $0x4  }
0x3e3: {  	s29 =	sadd.s32 $0xFFFFFFF0, s29;
	[tilespmem:s23+$0x0] =	vst.msk vm0, v1;
	s23 =	sadd.s32 $0x10, s23;
	vm0 =	vmmov vm1  }
.LBB3_11:
0x3e4: {  	_ =	sdelay $0x4  }
0x3e5: {  	v1 =	vld.msk [tilespmem:s23+$0x0 ss:$0x1], vm1;
	_ =	sdelay $0x4  }
0x3e6: {  	v1 =	vshll.u32 v1, $0x4  }
0x3e7: {  	[tilespmem:s23+$0x0] =	vst.msk vm0, v1  }
.LBB3_12:
0x3e8: {  	s1 =	sand.u32 $0x1, s20  }
0x3e9: {  	s1 =	smul.u32 $0x180, s1  }
0x3ea: {  	p0 =	sne.s32 s26, $0xFFFFFFFF  }
0x3eb: {  	v1 =	vld.msk @!p0 [tilespmem:s1+$0x6948], $0x1;
	_ =	sdelay $0x4  }
0x3ec: {  	(v2sf) =	vpush @!p0 v1, $0x0;
	_ =	sdelay $0xc  }
.Ltmp19:
0x3ed: {  	_ = 	snop;
	(pc) =	sbr.rel @p3 .LBB3_18-.Ltmp19, $4  }
0x3ee: {  	_ = 	snop  }
0x3ef: {  	s28 =	spop @!p0 (v2sf)  }
0x3f0: {  	s21 =	simm.s32 @!p0 $0x0;
	s23 =	smov.u32 s28  }
0x3f1: {  	[sflag:s17] =	ssyncpa.u1 $0x0;
	s28 =	smov.u32 @p0 s25;
	s23 =	smov.u32 @p0 s26  }
0x3f2: {  	v1 =	vld.msk [tilespmem:s22+$0x0], $0x1;
	_ =	sdelay $0x4  }
0x3f3: {  	(v2sf) =	vpush v1, $0x0;
	_ =	sdelay $0xd  }
0x3f4: {  	s1 =	simm.s32 @!p2 $0x0  }
0x3f5: {  	s26 =	smul.u32 $0x30000, s24;
	s29 =	ssub.s32 $0x0, s0;
	s30 =	spop (v2sf)  }
0x3f6: {  	s1 =	simm.s32 @p2 $0x1;
	s0 =	sadd.s32 $0x1, s29;
	p3 =	seq.s32 s28, s30  }
0x3f7: {  	[smem:$0x7FC] =	sst s1;
	s1 =	sshrl.u32 s26, $0x2;
	p0 =	sgt.s32 @!p3 s28, $0x0  }
0x3f8: {  	s24 =	sadd.s32 $0x6C58, s1;
	s1 =	smov.u32 s28;
	p0 =	por !p0, p3  }
0x3f9: {  	s1 =	simm.s32 @p0 $0x0;
	p0 =	seq.s32 s0, $0x0  }
.Ltmp20:
0x3fa: {  	_ = 	snop;
	(pc) =	sbr.rel @p0 .LBB3_15-.Ltmp20, $4  }
0x3fb: {  	_ = 	snop  }
0x3fc: {  	s25 =	simm.s32 $0x0;
	s31 =	simm.s32 @!p3 $0x1;
	s2 =	smin.u32 @!p3 s1, $0x270FD  }
0x3fd: {  	s26 =	sadd.s32 $0x1, s22;
	s31 =	smov.u32 @p3 s25;
	s5 =	sand.u32 @!p3 $0x3FFF8, s2  }
0x3fe: {  	s1 =	simm.s32 @!p3 $0x3068;
	s2 =	sand.u32 @!p3 $0x7, s2;
	s5 =	sadd.s32 @!p3 s3, s5  }
.LBB3_14:
0x3ff: {  	s4 =	smov.u32 s31  }
0x400: {  	[tilespmem:s1], [sflag:$0x2] =	stream.linear.gather @!p3 [hbm4b:s5+s2], $0x14, $0x38;
	[tilespmem:$0x1EC48] =	vst v63  }
0x401: {  	s0 =	sadd.s32 $0x1, s0;
	s2 =	smov.u32 s30;
	v1 =	vld.msk [tilespmem:s26+$0x0], $0x1  }
0x402: {  	p4 =	seq.s32 s0, $0x0;
	_ =	sdelay $0x3  }
0x403: {  	(v2sf) =	vpush v1, $0x0;
	_ =	sdelay $0xe  }
0x404: {  	s30 =	spop (v2sf)  }
0x405: {  	p3 =	seq.s32 s2, s30  }
0x406: {  	p0 =	sgt.s32 @!p3 s2, $0x0;
	s1 =	sshll.u32 @!p3 s31, $0x7;
	s31 =	sadd.s32 @!p3 $0x1, s31  }
.Ltmp21:
0x407: {  	p0 =	por !p0, p3;
	s1 =	sshra.s32 @!p3 s1, $0x2;
	(pc) =	sbr.rel @!p4 .LBB3_14-.Ltmp21, $4  }
0x408: {  	s31 =	smov.u32 @p3 s4;
	s2 =	simm.s32 @p0 $0x0;
	s1 =	sadd.s32 @!p3 $0x3068, s1  }
0x409: {  	s2 =	smin.u32 @!p3 s2, $0x270FD  }
0x40a: {  	s4 =	sand.u32 @!p3 $0x3FFF8, s2;
	s2 =	sand.u32 @!p3 $0x7, s2  }
0x40b: {  	s26 =	sadd.s32 $0x1, s26;
	s5 =	sadd.s32 @!p3 s3, s4  }
.LBB3_15:
0x40c: {  	s0 =	smul.u32 $0x50, s31  }
0x40d: {  	[tilespmem:s1], [sflag:$0x2] =	stream.linear.gather @!p3 [hbm4b:s5+s2], $0x14, $0x38;
	[tilespmem:$0x1EC48] =	vst v63  }
0x40e: {  	s31 =	simm.s32 $0x2;
	s0 =	sshrl.u32 s0, $0x2  }
0x40f: {  	_ =	swait.ge [sflag:s31], s0  }
0x410: {  	s0 =	ssub.s32 $0x0, s0;
	[sflag:s31] =	ssyncset.done $0x0  }
0x411: {  	[sflag:s31] =	ssyncadd.s32 s0  }
0x412: {  	v1 =	vld.msk [tilespmem:s22+$0x0], $0x1;
	_ =	sdelay $0x4  }
0x413: {  	(v2sf) =	vpush v1, $0x0;
	_ =	sdelay $0xe  }
0x414: {  	s26 =	spop (v2sf)  }
0x415: {  	p3 =	sne.s32 s28, s26  }
0x416: {  	p5 =	sne.s32 @p3 s28, s23  }
0x417: {  	p4 =	por !p5, !p3  }
0x418: {  	s0 =	simm.s32 @!p4 $0x0  }
0x419: {  	v1 =	vld @!p4 [tilespmem:s0+$0x3068];
	_ =	sdelay $0x2  }
0x41a: {  	s1 =	sshll.u32 @!p4 s21, $0x7  }
0x41b: {  	s1 =	sshra.s32 @!p4 s1, $0x2  }
0x41c: {  	[tilespmem:s1+$0x48] =	vst.add.f32.msk @!p4 $0xffff, v1  }
0x41d: {  	v1 =	vld.msk @!p4 [tilespmem:s0+$0x3078], $0xf  }
0x41e: {  	p6 =	sgt.u32 @!p4 s28, $0x270FD  }
0x41f: {  	p0 =	por @p3 p6, !p5  }
0x420: {  	p2 =	por p0, !p3;
	p0 =	por p5, !p3  }
0x421: {  	s4 =	sand.u32 @!p2 $0x3FFF8, s28;
	s5 =	sshll.u32 @!p0 s21, $0x7;
	s28 =	sand.u32 @!p2 $0x7, s28  }
0x422: {  	s0 =	sadd.s32 @!p4 $0x48, s1;
	[tilespmem:s1+$0x58] =	vst.add.f32.msk @!p4 $0xf, v1;
	s1 =	sadd.s32 @!p2 s3, s4;
	s4 =	sshra.s32 @!p0 s5, $0x2  }
0x423: {  	[hbm4b:s1+s28] =	stream.linear.scatter @!p2 [tilespmem:s0], [sflag:$0xC], $0x14, $0x38;
	[tilespmem:$0x1EC48] =	vst v63  }
0x424: {  	s2 =	rddreg [dreg:$0x4];
	s0 =	sadd.s32 @!p0 $0x48, s4;
	s1 =	simm.s32 @!p0 $0x1  }
0x425: {  	[spmem:s2] =	stream.linear.scatter @!p0 [tilespmem:s0], [sflag:$0x1], $0x14, $0x38;
	[tilespmem:$0x1EC48] =	vst v63  }
0x426: {  	s0 =	sadd.s32 @p3 $0x1, s21;
	_ =	swait.ge @!p0 [sflag:s1], $0x14  }
0x427: {  	s2 =	smulhi.u32 @p3 $0xAAAAAAAB, s0;
	[sflag:s1] =	ssyncset.done @!p0 $0x0  }
0x428: {  	[sflag:s1] =	ssyncadd.s32 @!p0 $0xFFFFFFEC  }
0x429: {  	s1 =	sshrl.u32 @p3 s2, $0x8;
	v1 =	vld @p3 [tilespmem:s24+$0xFFFFFFF0]  }
0x42a: {  	s1 =	smul.u32 @p3 $0x180, s1;
	_ =	sdelay $0x1  }
0x42b: {  	s1 =	ssub.s32 @p3 s0, s1  }
0x42c: {  	s0 =	sshll.u32 @p3 s1, $0x5  }
0x42d: {  	[tilespmem:s0+$0x48] =	vst @p3 v1  }
0x42e: {  	v1 =	vld.msk @p3 [tilespmem:s24+$0x0], $0xf;
	_ =	sdelay $0x4  }
0x42f: {  	p0 =	por @p3 !p6, !p5;
	[tilespmem:s0+$0x58] =	vst.msk @p3 $0xf, v1  }
0x430: {  	s28 =	sadd.s32 $0x1, s29;
	p0 =	por !p0, !p3;
	s0 =	simm.s32 @!p4 $0x0;
	v1 =	vld @!p3 [tilespmem:s24+$0xFFFFFFF0]  }
0x431: {  	s0 =	simm.s32 @!p0 $0x50;
	p0 =	seq.s32 s28, $0x0  }
.Ltmp22:
0x432: {  	_ = 	snop;
	(pc) =	sbr.rel @p0 .LBB3_17-.Ltmp22, $4  }
0x433: {  	s2 =	sshll.u32 @!p3 s21, $0x7  }
0x434: {  	s5 =	sadd.s32 @!p4 $0x0, s0;
	s0 =	sshra.s32 @!p3 s2, $0x2  }
0x435: {  	s4 =	simm.s32 @p3 $0x1;
	s29 =	simm.s32 $0x0;
	s5 =	smov.u32 @p4 s25;
	[tilespmem:s0+$0x48] =	vst.add.f32.msk @!p3 $0xffff, v1  }
0x436: {  	s29 =	smov.u32 @p3 s4;
	s21 =	smov.u32 @p3 s1;
	s25 =	smov.u32 @p3 s5;
	v1 =	vld.msk @!p3 [tilespmem:s24+$0x0], $0xf  }
.LBB3_16:
0x437: {  	_ =	sdelay $0x3  }
0x438: {  	s22 =	sadd.s32 $0x1, s22;
	[tilespmem:s0+$0x58] =	vst.add.f32.msk @!p3 $0xf, v1  }
0x439: {  	v1 =	vld.msk [tilespmem:s22+$0x0], $0x1;
	_ =	sdelay $0x4  }
0x43a: {  	(v2sf) =	vpush v1, $0x0;
	_ =	sdelay $0xe  }
0x43b: {  	s31 =	smov.u32 s26;
	s26 =	spop (v2sf)  }
0x43c: {  	p3 =	sne.s32 s31, s26  }
0x43d: {  	p6 =	sne.s32 @p3 s31, s23  }
0x43e: {  	p5 =	por !p6, !p3  }
0x43f: {  	s1 =	sadd.s32 @p3 $0x1, s21;
	s4 =	sadd.s32 @p3 $0x1, s29;
	s5 =	sshll.u32 @!p5 s29, $0x7  }
0x440: {  	s2 =	smulhi.u32 @p3 $0xAAAAAAAB, s1;
	s29 =	smov.u32 @p3 s4;
	s4 =	sshra.s32 @!p5 s5, $0x2  }
0x441: {  	v1 =	vld @!p5 [tilespmem:s4+$0x3068]  }
0x442: {  	s2 =	sshrl.u32 @p3 s2, $0x8  }
0x443: {  	s2 =	smul.u32 @p3 $0x180, s2  }
0x444: {  	s10 =	sshll.u32 @!p5 s21, $0x7  }
0x445: {  	p2 =	sgt.u32 @!p5 s31, $0x270FD;
	s1 =	ssub.s32 @p3 s1, s2;
	s2 =	sshra.s32 @!p5 s10, $0x2  }
0x446: {  	p0 =	por @p3 p2, !p6;
	p2 =	por @p3 !p2, !p6;
	[tilespmem:s2+$0x48] =	vst.add.f32.msk @!p5 $0xffff, v1  }
0x447: {  	s5 =	simm.s32 @!p5 $0x0;
	p2 =	por !p2, !p3;
	v1 =	vld.msk @!p5 [tilespmem:s4+$0x3078], $0xf  }
0x448: {  	s0 =	smov.u32 s21;
	s5 =	simm.s32 @!p2 $0x50  }
0x449: {  	p2 =	por p0, !p3;
	p0 =	por p6, !p3;
	s5 =	sadd.s32 @!p5 s5, s25  }
0x44a: {  	s0 =	sshll.u32 @!p0 s0, $0x7;
	s5 =	smov.u32 @p5 s25  }
0x44b: {  	s10 =	sadd.s32 @!p5 $0x48, s2;
	s25 =	smov.u32 @p3 s5;
	s5 =	sand.u32 @!p2 $0x3FFF8, s31  }
0x44c: {  	s0 =	sshra.s32 @!p0 s0, $0x2;
	s31 =	sand.u32 @!p2 $0x7, s31;
	[tilespmem:s2+$0x58] =	vst.add.f32.msk @!p5 $0xf, v1;
	s2 =	sadd.s32 @!p2 s3, s5  }
0x44d: {  	[hbm4b:s2+s31] =	stream.linear.scatter @!p2 [tilespmem:s10], [sflag:$0xC], $0x14, $0x38;
	[tilespmem:$0x1EC48] =	vst v63  }
0x44e: {  	s0 =	sadd.s32 @!p0 $0x48, s0;
	s4 =	rddreg [dreg:$0x4];
	s2 =	simm.s32 @!p0 $0x1  }
0x44f: {  	[spmem:s4] =	stream.linear.scatter @!p0 [tilespmem:s0], [sflag:$0x1], $0x14, $0x38;
	[tilespmem:$0x1EC48] =	vst v63  }
0x450: {  	_ =	swait.ge @!p0 [sflag:s2], $0x14  }
0x451: {  	[sflag:s2] =	ssyncset.done @!p0 $0x0  }
0x452: {  	s24 =	sadd.s32 $0x80, s24;
	[sflag:s2] =	ssyncadd.s32 @!p0 $0xFFFFFFEC  }
0x453: {  	v1 =	vld @p3 [tilespmem:s24+$0xFFFFFFF0];
	_ =	sdelay $0x3  }
0x454: {  	s0 =	sshll.u32 @p3 s1, $0x5  }
0x455: {  	[tilespmem:s0+$0x48] =	vst @p3 v1  }
0x456: {  	v1 =	vld.msk @p3 [tilespmem:s24+$0x0], $0xf;
	_ =	sdelay $0x4  }
0x457: {  	[tilespmem:s0+$0x58] =	vst.msk @p3 $0xf, v1  }
0x458: {  	s28 =	sadd.s32 $0x1, s28;
	v1 =	vld @!p3 [tilespmem:s24+$0xFFFFFFF0]  }
0x459: {  	p4 =	seq.s32 s28, $0x0  }
.Ltmp23:
0x45a: {  	_ = 	snop;
	(pc) =	sbr.rel @!p4 .LBB3_16-.Ltmp23, $4  }
0x45b: {  	s30 =	sshll.u32 @!p3 s21, $0x7  }
0x45c: {  	s0 =	sshra.s32 @!p3 s30, $0x2  }
0x45d: {  	[tilespmem:s0+$0x48] =	vst.add.f32.msk @!p3 $0xffff, v1  }
0x45e: {  	s21 =	smov.u32 @p3 s1;
	v1 =	vld.msk @!p3 [tilespmem:s24+$0x0], $0xf  }
.LBB3_17:
.Ltmp24:
0x45f: {  	_ = 	snop;
	(pc) =	sbr.rel .LBB3_19-.Ltmp24, $2  }
0x460: {  	s1 =	sld [smem:$0x7FC];
	_ =	sdelay $0x2  }
0x461: {  	s28 =	smov.u32 s26;
	p2 =	seq.s32 s1, $0x1;
	[tilespmem:s0+$0x58] =	vst.add.f32.msk @!p3 $0xf, v1;
	s0 =	sshrl.u32 s25, $0x2  }
.LBB3_21:
0x462: {  	_ =	sfence.sel $0x180000  }
0x463: {  	s0 =	simm.s32 $0x9;
	[bflag:$0x0] =	sbarrier.arrive $0xFFFF  }
0x464: {  	s23 =	simm.s32 $0xA;
	[sflag:s0] =	ssyncpa.u1 $0x1  }
0x465: {  	s24 =	simm.s32 $0xB;
	[sflag:s23] =	ssyncpa.u1 $0x1  }
0x466: {  	s25 =	simm.s32 $0x2;
	[sflag:s24] =	ssyncpa.u1 $0x1  }
0x467: {  	[sflag:s25] =	ssyncpa.u1 $0x1  }
0x468: {  	v0 =	vld [tilespmem:$0x6088];
	_ =	sdelay $0x4  }
0x469: {  	(v2sf) =	vpush v0, $0x0  }
0x46a: {  	(v2sf) =	vpush v0, $0x1;
	_ =	sdelay $0x1  }
0x46b: {  	(v2sf) =	vpush v0, $0x2;
	_ =	sdelay $0xb  }
0x46c: {  	s0 =	spop (v2sf)  }
0x46d: {  	s1 =	spop (v2sf)  }
0x46e: {  	s2 =	smov.u32 s0;
	p0 =	sne.s32 s0, s1  }
0x46f: {  	s4 =	spop (v2sf);
	s2 =	simm.s32 @!p0 $0xFFFFFFFF  }
0x470: {  	v2 =	vimm.s32 $0x1;
	v3 =	vlaneseq.u32;
	p0 =	seq.s32 s4, $0xFFFFFFFF;
	v1 =	vmov s2  }
0x471: {  	s15 =	stileid.u32;
	v0 =	vperm.xlane v0, v2;
	p1 =	sne.s32 @!p0 s0, s1;
	v1 =	vperm.xlane v1, v3  }
0x472: {  	vm0 =	vcmask $0x3F04;
	s6 =	simm.s32 $0x6088;
	s0 =	simm.s32 @!p0 $0x1;
	p1 =	por !p1, p0  }
0x473: {  	s2 =	sshll.u32 s15, $0x1;
	s1 =	sshll.u32 @!p0 s4, $0x7;
	s0 =	simm.s32 @p1 $0x0;
	v0 =	vsel vm0, v1, v0  }
0x474: {  	s5 =	sor.u32 $0x400, s2;
	s1 =	sshra.s32 @!p0 s1, $0x2;
	s0 =	sor.u32 @!p0 s0, s2;
	[tilespmem:$0x6088] =	vst v0  }
0x475: {  	[spmem:s5] =	stream.linear.scatter [tilespmem:s6], [sflag:$0x1], $0x2, $0x38;
	[tilespmem:$0x1EC48] =	vst v63  }
0x476: {  	s1 =	sadd.s32 @!p0 $0x48, s1;
	s0 =	sshll.u32 @!p0 s0, $0x5  }
0x477: {  	[spmem:s0] =	stream.linear.scatter @!p0 [tilespmem:s1], [sflag:$0x1], $0x20, $0x38;
	[tilespmem:$0x1EC48] =	vst v63  }
0x478: {  	s0 =	simm.s32 @!p0 $0x22  }
0x479: {  	s26 =	simm.s32 $0x1;
	s0 =	simm.s32 @p0 $0x2  }
0x47a: {  	_ =	swait.ge [sflag:s26], s0  }
0x47b: {  	s0 =	ssub.s32 $0x0, s0;
	[sflag:s26] =	ssyncset.done $0x0  }
0x47c: {  	[sflag:s26] =	ssyncadd.s32 s0  }
0x47d: {  	_ =	sfence.stream.spmem  }
0x47e: {  	[bflag:$0x0] =	sbarrier.arrive $0xFFFF  }
0x47f: {  	s31 =	sld [smem:$0x7FD];
	_ =	sdelay $0x2  }
0x480: {  	p3 =	seq.s32 s31, $0x1  }
.Ltmp25:
0x481: {  	_ = 	snop;
	(pc) =	sbr.rel @p3 .LBB3_38-.Ltmp25, $4  }
0x482: {  	s28 =	simm.s32 $0x3  }
0x483: {  	s29 =	simm.s32 $0x4;
	[sflag:s28] =	ssyncpa.u1 $0x1  }
0x484: {  	s30 =	simm.s32 $0x3C;
	[sflag:s29] =	ssyncpa.u1 $0x1  }
0x485: {  	s16 =	rddreg [dreg:$0x5];
	[sflag:s30] =	ssyncpa.u1 $0x1  }
0x486: {  	_ =	sfence.stream.spmem;
	s0 =	simm.s32 $0x5  }
0x487: {  	s1 =	simm.s32 $0x400;
	s2 =	simm.s32 $0x6098;
	[sflag:s0] =	ssyncpa.u1 $0x0  }
0x488: {  	[tilespmem:s2], [sflag:$0x5] =	stream.linear.gather [spmem:s1], $0x20, $0x38;
	[tilespmem:$0x1EC48] =	vst v63  }
0x489: {  	s26 =	simm.s32 $0x0;
	s28 =	simm.s32 $0x60B8  }
0x48a: {  	[tilespmem:s28], [sflag:$0x5] =	stream.linear.gather [spmem:s26], $0x400, $0x38;
	[tilespmem:$0x1EC48] =	vst v63  }
0x48b: {  	_ =	swait.ge [sflag:s0], $0x420  }
0x48c: {  	[sflag:s0] =	ssyncset.done $0x0  }
0x48d: {  	s29 =	simm.s32 $0x0;
	[sflag:s0] =	ssyncadd.s32 $0xFFFFFBE0  }
0x48e: {  	v0 =	vld.msk [tilespmem:s29+$0x6098], $0x1;
	_ =	sdelay $0x1  }
0x48f: {  	s30 =	simm.s32 $0x1  }
0x490: {  	v1 =	vld.msk [tilespmem:s30+$0x6098], $0x1;
	_ =	sdelay $0x1  }
0x491: {  	(v2sf) =	vpush v0, $0x0;
	_ =	sdelay $0x2  }
0x492: {  	(v2sf) =	vpush v1, $0x0;
	_ =	sdelay $0x2  }
0x493: {  	s31 =	simm.s32 $0x2  }
0x494: {  	v0 =	vld.msk [tilespmem:s31+$0x6098], $0x1;
	_ =	sdelay $0x2  }
0x495: {  	s6 =	simm.s32 $0xFFFFFFFF;
	s1 =	simm.s32 $0xFFFFFFFF;
	s0 =	simm.s32 $0xC  }
.LBB3_23:
0x496: {  	s2 =	smov.u32 s6;
	s4 =	smov.u32 s1  }
0x497: {  	s1 =	sshra.s32 s0, $0x2;
	p0 =	sne.s32 s0, $0x7C;
	s0 =	sadd.s32 $0x4, s0;
	(v2sf) =	vpush v0, $0x0  }
0x498: {  	v0 =	vld.msk [tilespmem:s1+$0x6098], $0x1  }
.Ltmp26:
0x499: {  	(pc) =	sbr.rel @p0 .LBB3_23-.Ltmp26, $4  }
0x49a: {  	s6 =	spop (v2sf)  }
0x49b: {  	p1 =	sne.s32 s4, $0xFFFFFFFF;
	s1 =	smov.u32 s6  }
0x49c: {  	p2 =	seq.s32 s6, $0xFFFFFFFF;
	s1 =	smov.u32 @p1 s4  }
0x49d: {  	s6 =	smov.u32 @p2 s2;
	s1 =	smov.u32 @p2 s4  }
0x49e: {  	(v2sf) =	vpush v0, $0x0;
	_ =	sdelay $0x8  }
0x49f: {  	s0 =	spop (v2sf)  }
0x4a0: {  	p0 =	sne.s32 s1, $0xFFFFFFFF;
	s2 =	smov.u32 s0  }
0x4a1: {  	s9 =	simm.s32 $0x6;
	p1 =	seq.s32 s0, $0xFFFFFFFF;
	s2 =	smov.u32 @p0 s1  }
0x4a2: {  	s10 =	simm.s32 $0x6068;
	s2 =	smov.u32 @p1 s1;
	s1 =	spop (v2sf)  }
0x4a3: {  	s0 =	smov.u32 @p1 s6;
	p0 =	sne.s32 s2, $0xFFFFFFFF;
	s4 =	smov.u32 s1  }
.Ltmp27:
0x4a4: {  	p1 =	seq.s32 s1, $0xFFFFFFFF;
	s4 =	smov.u32 @p0 s2;
	(pc) =	sbr.rel .LBB3_25-.Ltmp27, $4  }
0x4a5: {  	s11 =	simm.s32 $0x0;
	s4 =	smov.u32 @p1 s2;
	s7 =	spop (v2sf)  }
0x4a6: {  	[sflag:s9] =	ssyncpa.u1 $0x0;
	p0 =	sne.s32 s4, $0xFFFFFFFF;
	s8 =	smov.u32 s7  }
0x4a7: {  	s1 =	smov.u32 @p1 s0;
	p1 =	seq.s32 s7, $0xFFFFFFFF;
	s8 =	smov.u32 @p0 s4  }
0x4a8: {  	s6 =	simm.s32 $0x0;
	s7 =	smov.u32 @p1 s1;
	s8 =	smov.u32 @p1 s4  }
.LBB3_31:
0x4a9: {  	p0 =	sgt.u32 s12, $0x270FD  }
0x4aa: {  	p1 =	seq.s32 @!p0 s12, s8  }
0x4ab: {  	p0 =	por p0, p1  }
0x4ac: {  	p1 =	sne.s32 @!p0 s12, s7  }
0x4ad: {  	p0 =	por p0, !p1  }
0x4ae: {  	s0 =	sshll.u32 @p0 s11, $0x7  }
0x4af: {  	s0 =	sand.u32 @!p0 $0x3FFF8, s12  }
0x4b0: {  	s1 =	sand.u32 @!p0 $0x7, s12;
	s0 =	sadd.s32 @!p0 s3, s0  }
0x4b1: {  	[tilespmem:s10], [sflag:$0x6] =	stream.linear.gather @!p0 [hbm4b:s0+s1], $0x14, $0x38;
	[tilespmem:$0x1EC48] =	vst v63  }
0x4b2: {  	_ =	swait.ge @!p0 [sflag:s9], $0x14  }
0x4b3: {  	[sflag:s9] =	ssyncset.done @!p0 $0x0  }
0x4b4: {  	[sflag:s9] =	ssyncadd.s32 @!p0 $0xFFFFFFEC  }
0x4b5: {  	v1 =	vld @!p0 [tilespmem:$0x6068];
	_ =	sdelay $0x2  }
0x4b6: {  	s0 =	sshll.u32 @!p0 s11, $0x7  }
0x4b7: {  	s1 =	sshrl.u32 @!p0 s0, $0x2  }
0x4b8: {  	[tilespmem:s1+$0x60B8] =	vst.add.f32.msk @!p0 $0xffff, v1  }
0x4b9: {  	v1 =	vld @!p0 [tilespmem:$0x6078];
	_ =	sdelay $0x4  }
0x4ba: {  	[tilespmem:s1+$0x60C8] =	vst.add.f32.msk @!p0 $0xffff, v1  }
0x4bb: {  	s0 =	sshrl.u32 s0, $0x2;
	[tilespmem:s6+$0x6098] =	vst.msk $0x1, v0  }
0x4bc: {  	v0 =	vld [tilespmem:s0+$0x60B8];
	_ =	sdelay $0x2  }
0x4bd: {  	s31 =	sshll.u32 s6, $0x7  }
0x4be: {  	s1 =	sshra.s32 s31, $0x2  }
0x4bf: {  	[tilespmem:s1+$0x60B8] =	vst v0  }
0x4c0: {  	v0 =	vld [tilespmem:s0+$0x60C8];
	_ =	sdelay $0x4  }
0x4c1: {  	s6 =	sadd.s32 $0x1, s6;
	[tilespmem:s1+$0x60C8] =	vst v0  }
.LBB3_32:
0x4c2: {  	s11 =	sadd.s32 $0x1, s11  }
0x4c3: {  	p0 =	sne.s32 s11, $0x20  }
.Ltmp28:
0x4c4: {  	_ = 	snop;
	(pc) =	sbr.rel @!p0 .LBB3_33-.Ltmp28, $1  }
0x4c5: {  	_ =	sdelay $0x3  }
.LBB3_25:
0x4c6: {  	v0 =	vld.msk [tilespmem:s11+$0x6098], $0x1;
	_ =	sdelay $0x4  }
0x4c7: {  	(v2sf) =	vpush v0, $0x0;
	_ =	sdelay $0xe  }
0x4c8: {  	s12 =	spop (v2sf)  }
0x4c9: {  	p0 =	seq.s32 s12, $0xFFFFFFFF  }
.Ltmp29:
0x4ca: {  	_ = 	snop;
	(pc) =	sbr.rel @p0 .LBB3_32-.Ltmp29, $1  }
0x4cb: {  	_ =	sdelay $0x3  }
0x4cc: {  	p0 =	slt.s32 s6, $0x1  }
.Ltmp30:
0x4cd: {  	_ = 	snop;
	(pc) =	sbr.rel @p0 .LBB3_31-.Ltmp30, $1  }
0x4ce: {  	_ =	sdelay $0x3  }
0x4cf: {  	s0 =	simm.s32 $0x6098;
	p0 =	por $0x0, $0x0  }
0x4d0: {  	v1 =	vld.msk @!p0 [tilespmem:s0+$0x0], $0x1;
	_ =	sdelay $0x4  }
0x4d1: {  	(v2sf) =	vpush @!p0 v1, $0x0;
	_ =	sdelay $0xd  }
0x4d2: {  	p2 =	sne.s32 s6, $0x1  }
.Ltmp31:
0x4d3: {  	s1 =	spop @!p0 (v2sf);
	(pc) =	sbr.rel @!p2 .LBB3_29-.Ltmp31, $4  }
0x4d4: {  	p1 =	seq.s32 @!p0 s12, s1  }
0x4d5: {  	s13 =	simm.s32 $0x0;
	p1 =	por !p1, p0  }
0x4d6: {  	s1 =	simm.s32 $0xFFFFFFFF;
	s13 =	simm.s32 @p1 $0xFFFFFFFF  }
0x4d7: {  	s14 =	simm.s32 $0x1;
	s13 =	smov.u32 @p0 s1  }
.LBB3_28:
0x4d8: {  	s1 =	smov.u32 s13;
	p1 =	sne.s32 s13, $0xFFFFFFFF  }
0x4d9: {  	s0 =	sadd.s32 $0x1, s0;
	s13 =	smov.u32 s14;
	s14 =	sadd.s32 $0x1, s14  }
0x4da: {  	p2 =	sne.s32 s6, s14;
	v1 =	vld.msk @!p1 [tilespmem:s0+$0x0], $0x1;
	_ =	sdelay $0x4  }
0x4db: {  	(v2sf) =	vpush @!p1 v1, $0x0;
	_ =	sdelay $0xe  }
.Ltmp32:
0x4dc: {  	s2 =	spop @!p1 (v2sf);
	(pc) =	sbr.rel @p2 .LBB3_28-.Ltmp32, $4  }
0x4dd: {  	p0 =	seq.s32 @!p1 s12, s2  }
0x4de: {  	p0 =	por !p0, p1  }
0x4df: {  	s13 =	simm.s32 @p0 $0xFFFFFFFF  }
0x4e0: {  	s13 =	smov.u32 @p1 s1  }
.LBB3_29:
0x4e1: {  	p0 =	seq.s32 s13, $0xFFFFFFFF  }
.Ltmp33:
0x4e2: {  	_ = 	snop;
	(pc) =	sbr.rel @p0 .LBB3_31-.Ltmp33, $1  }
0x4e3: {  	_ =	sdelay $0x3  }
0x4e4: {  	s0 =	sshll.u32 s11, $0x5  }
0x4e5: {  	s0 =	sand.u32 $0x3FFFFFE0, s0  }
0x4e6: {  	v0 =	vld [tilespmem:s0+$0x60B8];
	_ =	sdelay $0x2  }
0x4e7: {  	s1 =	sshll.u32 s13, $0x7  }
0x4e8: {  	s1 =	sshra.s32 s1, $0x2  }
0x4e9: {  	[tilespmem:s1+$0x60B8] =	vst.add.f32.msk $0xffff, v0  }
0x4ea: {  	v0 =	vld [tilespmem:s0+$0x60C8]  }
.Ltmp34:
0x4eb: {  	_ = 	snop;
	(pc) =	sbr.rel .LBB3_32-.Ltmp34, $2  }
0x4ec: {  	_ =	sdelay $0x2  }
0x4ed: {  	[tilespmem:s1+$0x60C8] =	vst.add.f32.msk $0xffff, v0  }
.LBB3_33:
0x4ee: {  	s0 =	simm.s32 $0x6;
	p1 =	seq.s32 s6, $0x0  }
0x4ef: {  	[sflag:s0] =	ssyncpa.u1 $0x1;
	v0 =	vimm.s32 @p1 $0xFFFFFFFF  }
0x4f0: {  	s0 =	sadd.s32 $0xFFFFFFFF, s6;
	[tilespmem:$0x64B8] =	vst @p1 v0  }
0x4f1: {  	v0 =	vld.msk @!p1 [tilespmem:s0+$0x6098], $0x1;
	_ =	sdelay $0x1  }
0x4f2: {  	v1 =	vld.msk @!p1 [tilespmem:$0x6098], $0x1;
	_ =	sdelay $0x2  }
0x4f3: {  	p0 =	seq.s32 @!p1 s0, $0x0;
	v0 =	vbroadcast @!p1 v0, $0x0  }
0x4f4: {  	vm0 =	vmmov @!p1 $0x1;
	p0 =	por !p0, p1  }
0x4f5: {  	v1 =	vnsel @!p1 vm0, $0xFFFFFFFF, v1;
	vm0 =	vcmask @!p1 $0x308;
	v0 =	vpsel !p0, $0xFFFFFFFF, v0  }
0x4f6: {  	p0 =	sne.s32 @!p1 s8, s7;
	v0 =	vsel @!p1 vm0, v1, v0  }
0x4f7: {  	s1 =	simm.s32 @!p1 $0x60B8;
	s2 =	simm.s32 @!p1 $0x0;
	p2 =	por !p0, p1;
	[tilespmem:$0x64B8] =	vst @!p1 v0  }
0x4f8: {  	[spmem:s2] =	stream.linear.scatter @!p1 [tilespmem:s1], [sflag:$0x1], $0x20, $0x38;
	[tilespmem:$0x1EC48] =	vst v63  }
0x4f9: {  	s1 =	sshll.u32 @!p2 s0, $0x7  }
0x4fa: {  	s1 =	sshra.s32 @!p2 s1, $0x2  }
0x4fb: {  	s2 =	simm.s32 @!p2 $0x20;
	s1 =	sadd.s32 @!p2 $0x60B8, s1  }
0x4fc: {  	[spmem:s2] =	stream.linear.scatter @!p2 [tilespmem:s1], [sflag:$0x1], $0x20, $0x38;
	[tilespmem:$0x1EC48] =	vst v63  }
0x4fd: {  	s1 =	simm.s32 @!p2 $0x1  }
0x4fe: {  	_ =	swait.ge @!p2 [sflag:s1], $0x40  }
0x4ff: {  	p0 =	por p0, p1;
	[sflag:s1] =	ssyncset.done @!p2 $0x0  }
0x500: {  	[sflag:s1] =	ssyncadd.s32 @!p2 $0xFFFFFFC0;
	s1 =	simm.s32 @!p0 $0x1  }
0x501: {  	_ =	swait.ge @!p0 [sflag:s1], $0x20  }
0x502: {  	s29 =	simm.s32 $0x64B8;
	[sflag:s1] =	ssyncset.done @!p0 $0x0  }
0x503: {  	s30 =	simm.s32 $0x400;
	s31 =	simm.s32 $0x1;
	[sflag:s1] =	ssyncadd.s32 @!p0 $0xFFFFFFE0  }
0x504: {  	[spmem:s30] =	stream.linear.scatter [tilespmem:s29], [sflag:$0x1], $0x10, $0x38;
	[tilespmem:$0x1EC48] =	vst v63  }
0x505: {  	_ =	swait.ge [sflag:s31], $0x10  }
0x506: {  	[sflag:s31] =	ssyncset.done $0x0  }
0x507: {  	p1 =	seq.s32 s16, $0x0;
	s9 =	rddreg [dreg:$0x1];
	[sflag:s31] =	ssyncadd.s32 $0xFFFFFFF0  }
0x508: {  	s2 =	sshll.u32 @p1 s9, $0xE;
	s8 =	rddreg [dreg:$0x2]  }
0x509: {  	s1 =	sadd.s32 @p1 $0x15C3C, s2;
	s2 =	sshll.u32 @p1 s8, $0x11  }
0x50a: {  	_ =	sfence.stream.spmem;
	s1 =	sor.u32 @p1 s2, s1  }
0x50b: {  	[sflag:s1] =	ssyncadd.remote.s32 @p1 $0x1;
	s1 =	simm.s32 @p1 $0x4  }
0x50c: {  	s4 =	simm.s32 @!p1 $0x3C;
	s2 =	sand.u32 $0xFFFFFFFE, s9;
	_ =	swait.ge @p1 [sflag:s1], $0xA  }
0x50d: {  	s5 =	simm.s32 @!p1 $0x0;
	s2 =	sadd.s32 @!p1 $0x4, s2;
	[sflag:s1] =	ssyncset.done @p1 $0x0  }
0x50e: {  	s7 =	simm.s32 @!p1 $0x40;
	[sflag:s1] =	ssyncadd.s32 @p1 $0xFFFFFFF6;
	s1 =	sshll.u32 @!p1 s2, $0x1A  }
0x50f: {  	s2 =	sshll.u32 @!p1 s2, $0xD;
	s1 =	sor.u32 @!p1 s1, s8;
	_ =	swait.eq @!p1 [sflag:s4], $0x1  }
0x510: {  	s2 =	sor.u32 @!p1 $0x1C04, s2;
	s4 =	simm.s32 @!p1 $0x1C03;
	s1 =	sor.u32 @!p1 $0x80004000, s1  }
0x511: {  	[spmem:s7], [sflag:s2] =	dma.general @!p1 [spmem:s5], [sflag:s4], length:$0x8, [dreg:$0x0], stride_count:$0x0, ici_dest:s1, dma_misc:DstOpCode:WRITE  }
0x512: {  	p0 =	slt.s32 s0, $0x2;
	s5 =	simm.s32 @!p1 $0x80;
	s7 =	simm.s32 @!p1 $0x82  }
0x513: {  	[spmem:s7], [sflag:s2] =	dma.general @!p1 [spmem:s5], [sflag:s4], length:$0x2, [dreg:$0x0], stride_count:$0x0, ici_dest:s1, dma_misc:DstOpCode:WRITE  }
.Ltmp35:
0x514: {  	s1 =	simm.s32 @!p1 $0x3;
	(pc) =	sbr.rel @p0 .LBB3_37-.Ltmp35, $4  }
0x515: {  	s2 =	sshll.u32 @!p1 s9, $0xE;
	_ =	swait.ge @!p1 [sflag:s1], $0xA  }
0x516: {  	s4 =	sshll.u32 @!p1 s8, $0x11;
	s2 =	sadd.s32 @!p1 $0x11C3C, s2;
	[sflag:s1] =	ssyncset.done @!p1 $0x0  }
0x517: {  	[sflag:s1] =	ssyncadd.s32 @!p1 $0xFFFFFFF6;
	s1 =	sor.u32 @!p1 s4, s2  }
0x518: {  	s0 =	simm.s32 $0x0;
	[sflag:s1] =	ssyncadd.remote.s32 @!p1 $0xFFFFFFFF  }
0x519: {  	s0 =	simm.s32 $0x6099  }
0x51a: {  	v0 =	vld.msk [tilespmem:s0+$0x0], $0x1;
	_ =	sdelay $0x4  }
0x51b: {  	(v2sf) =	vpush v0, $0x0;
	_ =	sdelay $0xc  }
0x51c: {  	s1 =	sadd.s32 $0xFFFFFFFE, s6  }
0x51d: {  	s1 =	sadd.s32 $0xFFFFFFFF, s1  }
0x51e: {  	p1 =	sne.s32 s1, $0x0;
	s2 =	spop (v2sf)  }
.Ltmp36:
0x51f: {  	p0 =	sgt.u32 s2, $0x270FD;
	(pc) =	sbr.rel @!p1 .LBB3_36-.Ltmp36, $4  }
0x520: {  	s7 =	simm.s32 $0x0;
	s4 =	sand.u32 @!p0 $0x3FFF8, s2  }
0x521: {  	s0 =	simm.s32 $0x60D8;
	s2 =	sand.u32 @!p0 $0x7, s2;
	s4 =	sadd.s32 @!p0 s3, s4  }
0x522: {  	[hbm4b:s4+s2] =	stream.linear.scatter @!p0 [tilespmem:s0], [sflag:$0x5], $0x14, $0x38;
	[tilespmem:$0x1EC48] =	vst v63  }
0x523: {  	s6 =	simm.s32 $0x609A;
	s7 =	simm.s32 @!p0 $0x50;
	s2 =	simm.s32 $0x0  }
.LBB3_35:
0x524: {  	v0 =	vld.msk [tilespmem:s6+$0x0], $0x1;
	s1 =	sadd.s32 $0xFFFFFFFF, s1;
	s2 =	sadd.s32 s2, s7  }
0x525: {  	p1 =	sne.s32 s1, $0x0;
	_ =	sdelay $0x3  }
0x526: {  	(v2sf) =	vpush v0, $0x0;
	_ =	sdelay $0xe  }
.Ltmp37:
0x527: {  	s4 =	spop (v2sf);
	(pc) =	sbr.rel @p1 .LBB3_35-.Ltmp37, $4  }
0x528: {  	s7 =	simm.s32 $0x0;
	p0 =	sgt.u32 s4, $0x270FD  }
0x529: {  	s0 =	sadd.s32 $0x20, s0;
	s7 =	simm.s32 @!p0 $0x50;
	s5 =	sand.u32 @!p0 $0x3FFF8, s4  }
0x52a: {  	s6 =	sadd.s32 $0x1, s6;
	s4 =	sand.u32 @!p0 $0x7, s4;
	s5 =	sadd.s32 @!p0 s3, s5  }
0x52b: {  	[hbm4b:s5+s4] =	stream.linear.scatter @!p0 [tilespmem:s0], [sflag:$0x5], $0x14, $0x38;
	[tilespmem:$0x1EC48] =	vst v63  }
.LBB3_36:
0x52c: {  	s0 =	sadd.s32 s2, s7  }
0x52d: {  	s0 =	sshrl.u32 s0, $0x2  }
.LBB3_37:
0x52e: {  	s1 =	simm.s32 $0x5  }
0x52f: {  	_ =	swait.ge [sflag:s1], s0  }
0x530: {  	s31 =	ssub.s32 $0x0, s0;
	[sflag:s1] =	ssyncset.done $0x0  }
0x531: {  	[sflag:s1] =	ssyncadd.s32 s31  }
0x532: {  	[sflag:s1] =	ssyncpa.u1 $0x1  }
.LBB3_38:
0x533: {  	s0 =	sor.u32 s16, s15  }
0x534: {  	p0 =	sne.s32 s0, $0x0  }
.Ltmp38:
0x535: {  	_ = 	snop;
	(pc) =	sbr.rel @p0 .LBB3_53-.Ltmp38, $3  }
0x536: {  	_ =	sdelay $0x1  }
0x537: {  	[bflag:$0x0] =	sbarrier.arrive $0xFFFF  }
0x538: {  	_ =	sfence  }
0x539: {  	s0 =	simm.s32 $0x7  }
0x53a: {  	s1 =	simm.s32 $0x400;
	s2 =	simm.s32 $0x6098;
	[sflag:s0] =	ssyncpa.u1 $0x0  }
0x53b: {  	[tilespmem:s2], [sflag:$0x7] =	stream.linear.gather [spmem:s1], $0x20, $0x38;
	[tilespmem:$0x1EC48] =	vst v63  }
0x53c: {  	s30 =	simm.s32 $0x60B8;
	s1 =	simm.s32 $0x0  }
0x53d: {  	[tilespmem:s30], [sflag:$0x7] =	stream.linear.gather [spmem:s1], $0x400, $0x38;
	[tilespmem:$0x1EC48] =	vst v63  }
.Ltmp39:
0x53e: {  	_ = 	snop;
	(pc) =	sbr.rel .LBB3_40-.Ltmp39, $4  }
0x53f: {  	_ =	swait.ge [sflag:s0], $0x420  }
0x540: {  	[sflag:s0] =	ssyncset.done $0x0  }
0x541: {  	s31 =	simm.s32 $0x8;
	[sflag:s0] =	ssyncadd.s32 $0xFFFFFBE0  }
0x542: {  	s2 =	simm.s32 $0x0;
	[sflag:s31] =	ssyncpa.u1 $0x0  }
.LBB3_46:
0x543: {  	p0 =	slt.u32 s0, $0x270FE  }
0x544: {  	s4 =	sand.u32 @p0 $0x3FFF8, s0  }
0x545: {  	s0 =	sand.u32 @p0 $0x7, s0;
	s5 =	simm.s32 @p0 $0x6068;
	s4 =	sadd.s32 @p0 s3, s4  }
0x546: {  	[tilespmem:s5], [sflag:$0x8] =	stream.linear.gather @p0 [hbm4b:s4+s0], $0x14, $0x38;
	[tilespmem:$0x1EC48] =	vst v63  }
0x547: {  	s0 =	simm.s32 @p0 $0x8  }
0x548: {  	_ =	swait.ge @p0 [sflag:s0], $0x14  }
0x549: {  	[sflag:s0] =	ssyncset.done @p0 $0x0  }
0x54a: {  	[sflag:s0] =	ssyncadd.s32 @p0 $0xFFFFFFEC  }
0x54b: {  	v1 =	vld @p0 [tilespmem:$0x6068];
	_ =	sdelay $0x2  }
0x54c: {  	s0 =	sshll.u32 @p0 s2, $0x7  }
0x54d: {  	s4 =	sshrl.u32 @p0 s0, $0x2  }
0x54e: {  	[tilespmem:s4+$0x60B8] =	vst.add.f32.msk @p0 $0xffff, v1  }
0x54f: {  	v1 =	vld @p0 [tilespmem:$0x6078];
	_ =	sdelay $0x3  }
0x550: {  	s5 =	sshll.u32 @!p0 s2, $0x7  }
0x551: {  	s5 =	smov.u32 @p0 s0;
	[tilespmem:s4+$0x60C8] =	vst.add.f32.msk @p0 $0xffff, v1  }
0x552: {  	s0 =	sshrl.u32 s5, $0x2;
	[tilespmem:s1+$0x6098] =	vst.msk $0x1, v0  }
0x553: {  	v0 =	vld [tilespmem:s0+$0x60B8];
	_ =	sdelay $0x2  }
0x554: {  	s31 =	sshll.u32 s1, $0x7  }
0x555: {  	s4 =	sshra.s32 s31, $0x2  }
0x556: {  	[tilespmem:s4+$0x60B8] =	vst v0  }
0x557: {  	v0 =	vld [tilespmem:s0+$0x60C8];
	_ =	sdelay $0x4  }
0x558: {  	s1 =	sadd.s32 $0x1, s1;
	[tilespmem:s4+$0x60C8] =	vst v0  }
.LBB3_47:
0x559: {  	s2 =	sadd.s32 $0x1, s2  }
0x55a: {  	p0 =	sne.s32 s2, $0x20  }
.Ltmp40:
0x55b: {  	_ = 	snop;
	(pc) =	sbr.rel @!p0 .LBB3_48-.Ltmp40, $1  }
0x55c: {  	_ =	sdelay $0x3  }
.LBB3_40:
0x55d: {  	v0 =	vld.msk [tilespmem:s2+$0x6098], $0x1;
	_ =	sdelay $0x4  }
0x55e: {  	(v2sf) =	vpush v0, $0x0;
	_ =	sdelay $0xe  }
0x55f: {  	s0 =	spop (v2sf)  }
0x560: {  	p0 =	seq.s32 s0, $0xFFFFFFFF  }
.Ltmp41:
0x561: {  	_ = 	snop;
	(pc) =	sbr.rel @p0 .LBB3_47-.Ltmp41, $1  }
0x562: {  	_ =	sdelay $0x3  }
0x563: {  	p0 =	slt.s32 s1, $0x1  }
.Ltmp42:
0x564: {  	_ = 	snop;
	(pc) =	sbr.rel @p0 .LBB3_46-.Ltmp42, $1  }
0x565: {  	_ =	sdelay $0x3  }
0x566: {  	s4 =	simm.s32 $0x6098;
	p0 =	por $0x0, $0x0  }
0x567: {  	v1 =	vld.msk @!p0 [tilespmem:s4+$0x0], $0x1;
	_ =	sdelay $0x4  }
0x568: {  	(v2sf) =	vpush @!p0 v1, $0x0;
	_ =	sdelay $0xd  }
0x569: {  	p2 =	sne.s32 s1, $0x1  }
.Ltmp43:
0x56a: {  	s5 =	spop @!p0 (v2sf);
	(pc) =	sbr.rel @!p2 .LBB3_44-.Ltmp43, $4  }
0x56b: {  	p1 =	seq.s32 @!p0 s0, s5  }
0x56c: {  	s5 =	simm.s32 $0x0;
	p1 =	por !p1, p0  }
0x56d: {  	s7 =	simm.s32 $0xFFFFFFFF;
	s5 =	simm.s32 @p1 $0xFFFFFFFF  }
0x56e: {  	s6 =	simm.s32 $0x1;
	s5 =	smov.u32 @p0 s7  }
.LBB3_43:
0x56f: {  	s7 =	smov.u32 s5;
	p1 =	sne.s32 s5, $0xFFFFFFFF  }
0x570: {  	s4 =	sadd.s32 $0x1, s4;
	s5 =	smov.u32 s6;
	s6 =	sadd.s32 $0x1, s6  }
0x571: {  	p2 =	sne.s32 s1, s6;
	v1 =	vld.msk @!p1 [tilespmem:s4+$0x0], $0x1;
	_ =	sdelay $0x4  }
0x572: {  	(v2sf) =	vpush @!p1 v1, $0x0;
	_ =	sdelay $0xe  }
.Ltmp44:
0x573: {  	s8 =	spop @!p1 (v2sf);
	(pc) =	sbr.rel @p2 .LBB3_43-.Ltmp44, $4  }
0x574: {  	p0 =	seq.s32 @!p1 s0, s8  }
0x575: {  	p0 =	por !p0, p1  }
0x576: {  	s5 =	simm.s32 @p0 $0xFFFFFFFF  }
0x577: {  	s5 =	smov.u32 @p1 s7  }
.LBB3_44:
0x578: {  	p0 =	seq.s32 s5, $0xFFFFFFFF  }
.Ltmp45:
0x579: {  	_ = 	snop;
	(pc) =	sbr.rel @p0 .LBB3_46-.Ltmp45, $1  }
0x57a: {  	_ =	sdelay $0x3  }
0x57b: {  	s0 =	sshll.u32 s2, $0x5  }
0x57c: {  	s0 =	sand.u32 $0x3FFFFFE0, s0  }
0x57d: {  	v0 =	vld [tilespmem:s0+$0x60B8];
	_ =	sdelay $0x2  }
0x57e: {  	s4 =	sshll.u32 s5, $0x7  }
0x57f: {  	s4 =	sshra.s32 s4, $0x2  }
0x580: {  	[tilespmem:s4+$0x60B8] =	vst.add.f32.msk $0xffff, v0  }
0x581: {  	v0 =	vld [tilespmem:s0+$0x60C8]  }
.Ltmp46:
0x582: {  	_ = 	snop;
	(pc) =	sbr.rel .LBB3_47-.Ltmp46, $2  }
0x583: {  	_ =	sdelay $0x2  }
0x584: {  	[tilespmem:s4+$0x60C8] =	vst.add.f32.msk $0xffff, v0  }
.LBB3_48:
0x585: {  	p0 =	slt.s32 s1, $0x1  }
.Ltmp47:
0x586: {  	_ = 	snop;
	(pc) =	sbr.rel @p0 .LBB3_52-.Ltmp47, $3  }
0x587: {  	_ =	sdelay $0x1  }
0x588: {  	s0 =	simm.s32 $0x8  }
0x589: {  	[sflag:s0] =	ssyncpa.u1 $0x1;
	s0 =	simm.s32 $0x0  }
0x58a: {  	s2 =	simm.s32 $0x6098  }
0x58b: {  	v0 =	vld.msk [tilespmem:s2+$0x0], $0x1;
	_ =	sdelay $0x4  }
0x58c: {  	(v2sf) =	vpush v0, $0x0;
	_ =	sdelay $0xe  }
0x58d: {  	s1 =	sadd.s32 $0xFFFFFFFF, s1;
	s4 =	spop (v2sf)  }
0x58e: {  	p1 =	sne.s32 s1, $0x0;
	p0 =	sgt.u32 s4, $0x270FD  }
.Ltmp48:
0x58f: {  	s5 =	sand.u32 @!p0 $0x3FFF8, s4;
	(pc) =	sbr.rel @!p1 .LBB3_51-.Ltmp48, $4  }
0x590: {  	s2 =	simm.s32 $0x60B8;
	s4 =	sand.u32 @!p0 $0x7, s4;
	s5 =	sadd.s32 @!p0 s3, s5  }
0x591: {  	[hbm4b:s5+s4] =	stream.linear.scatter @!p0 [tilespmem:s2], [sflag:$0x7], $0x14, $0x38;
	[tilespmem:$0x1EC48] =	vst v63  }
0x592: {  	s5 =	simm.s32 $0x0  }
0x593: {  	s4 =	simm.s32 $0x6099;
	s5 =	simm.s32 @!p0 $0x50  }
.LBB3_50:
0x594: {  	v0 =	vld.msk [tilespmem:s4+$0x0], $0x1;
	s1 =	sadd.s32 $0xFFFFFFFF, s1;
	s0 =	sadd.s32 s0, s5  }
0x595: {  	p1 =	sne.s32 s1, $0x0;
	_ =	sdelay $0x3  }
0x596: {  	(v2sf) =	vpush v0, $0x0;
	_ =	sdelay $0xe  }
.Ltmp49:
0x597: {  	s6 =	spop (v2sf);
	(pc) =	sbr.rel @p1 .LBB3_50-.Ltmp49, $4  }
0x598: {  	s5 =	simm.s32 $0x0;
	p0 =	sgt.u32 s6, $0x270FD  }
0x599: {  	s2 =	sadd.s32 $0x20, s2;
	s5 =	simm.s32 @!p0 $0x50;
	s7 =	sand.u32 @!p0 $0x3FFF8, s6  }
0x59a: {  	s4 =	sadd.s32 $0x1, s4;
	s6 =	sand.u32 @!p0 $0x7, s6;
	s7 =	sadd.s32 @!p0 s3, s7  }
0x59b: {  	[hbm4b:s7+s6] =	stream.linear.scatter @!p0 [tilespmem:s2], [sflag:$0x7], $0x14, $0x38;
	[tilespmem:$0x1EC48] =	vst v63  }
.LBB3_51:
0x59c: {  	s0 =	sadd.s32 s0, s5  }
0x59d: {  	s0 =	sshrl.u32 s0, $0x2  }
.LBB3_52:
0x59e: {  	s1 =	simm.s32 $0x7  }
0x59f: {  	_ =	swait.ge [sflag:s1], s0  }
0x5a0: {  	s31 =	ssub.s32 $0x0, s0;
	[sflag:s1] =	ssyncset.done $0x0  }
0x5a1: {  	[sflag:s1] =	ssyncadd.s32 s31  }
0x5a2: {  	[sflag:s1] =	ssyncpa.u1 $0x1  }
.LBB3_53:
0x5a3: {  	_ =	sfence;
	s0 =	simm.s32 $0x1  }
0x5a4: {  	[sflag:s0] =	ssyncpa.u1 $0x1  }
0x5a5: {  	_ =	strace $0x90000050  }
0x5a6: {  	[bflag:$0x2] =	sbarrier.arrive $0xFFFF  }
0x5a7: {  	s0 =	rddreg [dreg:$0x3]  }
0x5a8: {  	s0 =	sadd.s32 @!p3 $0x100000, s0  }
0x5a9: {  	[sflag:s0] =	ssyncadd.tile.s32 @!p3 $0x1;
	_ =	shalt  }
.Lfunc_end3:
_tile_overlayer_lowered:
.L_overlay_start_3:
0x5aa: {  	(tag) =	ssettag $0x3  }
0x5ab: {  	s0 =	rddreg [dreg:$0x0];
	s2 =	stileid.u32  }
0x5ac: {  	s1 =	rddreg [dreg:$0x1];
	p0 =	sne.s32 s2, $0x0  }
0x5ad: {  	s3 =	rddreg [dreg:$0x2];
	[bflag:$0x3] =	sbarrier.arrive $0xFFFF;
	s2 =	simm.s32 @!p0 $0x1C01  }
0x5ae: {  	[timem:s3], [sflag:s2] =	dma.local @!p0 [hbm:s0], s1  }
0x5af: {  	s0 =	simm.s32 @!p0 $0x1  }
0x5b0: {  	_ =	swait.ge @!p0 [sflag:s0], s1  }
0x5b1: {  	s1 =	ssub.s32 @!p0 $0x0, s1;
	[sflag:s0] =	ssyncset.done @!p0 $0x0  }
0x5b2: {  	[sflag:s0] =	ssyncadd.s32 @!p0 s1  }
0x5b3: {  	[bflag:$0x3] =	sbarrier.arrive $0xFFFF  }
0x5b4: {  	_ =	shalt  }

</sc_bundles>
